<compile_context>
chip_gen: v7x
topology: tpu7x:2x2x1
jax: 0.10.2.dev20260603
libtpu: 0.0.44.dev20260713+nightly
codegen_flags: <defaults>
</compile_context>

<pallas_src>
import functools

import jax
import jax.numpy as jnp
import numpy as np
from jax import lax
from jax.experimental import pallas as pl
from jax.experimental.pallas import tpu as pltpu
from jax.experimental.pallas import tpu_sc as plsc

N = 10000
E = 160000
D_IN = 256
H1 = 256
H2 = 128

NP = 10240
NC = 2
NS = 16
NW = NC * NS
EPAD = 163840
EPW = EPAD // NW
EB = 64
STRIPE = NP // NS


def _sc_mesh():
    return plsc.VectorSubcoreMesh(
        core_axis_name="c", subcore_axis_name="s",
        num_cores=NC, num_subcores=NS)


def _deg_body(ei_hbm, out_hbm, idx_v, deg_v, ones16):
    c = lax.axis_index("c")
    s = lax.axis_index("s")
    wid = s * NC + c
    base = wid * EPW

    zeros16 = jnp.zeros((16,), jnp.float32)

    def zero_body(i, _):
        deg_v[pl.ds(i * 16, 16)] = zeros16
        return 0

    lax.fori_loop(0, NP // 16, zero_body, 0)

    pltpu.sync_copy(ei_hbm.at[pl.ds(base, EPW)], idx_v.at[0])
    pltpu.sync_copy(ei_hbm.at[pl.ds(EPAD + base, EPW)], idx_v.at[1])

    def acc_body(i, _):
        src16 = idx_v[0, pl.ds(i * 16, 16)]
        dst16 = idx_v[1, pl.ds(i * 16, 16)]
        plsc.addupdate_scatter(deg_v, [src16], ones16)
        plsc.addupdate_scatter(deg_v, [dst16], ones16)
        return 0

    lax.fori_loop(0, EPW // 16, acc_body, 0)

    pltpu.sync_copy(deg_v, out_hbm.at[wid])


def _deg_partials(ei_flat):
    kfn = functools.partial(
        pl.kernel,
        out_type=jax.ShapeDtypeStruct((NW, NP), jnp.float32),
        mesh=_sc_mesh(),
        compiler_params=pltpu.CompilerParams(needs_layout_passes=False),
        scratch_types=[
            pltpu.VMEM((2, EPW), jnp.int32),
            pltpu.VMEM((NP,), jnp.float32),
        ],
    )(lambda ei, out, idx_v, deg_v: _deg_body(
        ei, out, idx_v, deg_v, jnp.ones((16,), jnp.float32)))
    return kfn(ei_flat)


def _norm_body(deg_ref, out_ref):
    deg = jnp.sum(deg_ref[...], axis=0)
    out_ref[...] = lax.rsqrt(jnp.maximum(deg, 1.0))


def _norm(deg_partials):
    return pl.pallas_call(
        _norm_body,
        out_shape=jax.ShapeDtypeStruct((NP,), jnp.float32),
    )(deg_partials)


def _matmul1_body(x_ref, w_ref, n_ref, out_ref):
    hw = jnp.dot(x_ref[...], w_ref[...], preferred_element_type=jnp.float32)
    out_ref[0, :, :] = hw * n_ref[...][:, None]


def _scaled_matmul_split(h, W, norm, bm):
    K = h.shape[1]
    Dh = W.shape[1] // 2
    grid = (2, NP // bm)
    return pl.pallas_call(
        _matmul1_body,
        grid=grid,
        in_specs=[
            pl.BlockSpec((bm, K), lambda c, i: (i, 0)),
            pl.BlockSpec((K, Dh), lambda c, i: (0, c)),
            pl.BlockSpec((bm,), lambda c, i: (i,)),
        ],
        out_specs=pl.BlockSpec((1, bm, Dh), lambda c, i: (c, i, 0)),
        out_shape=jax.ShapeDtypeStruct((2, NP, Dh), jnp.float32),
    )(h, W, norm).reshape(2 * NP, Dh)


NBUF = 3


def _msg_body(table_hbm, ei_hbm, out_hbm, src_v, dst_v, rows_v,
              agg_sh, gsem, ssem, xsem, split_cols, ept):
    c = lax.axis_index("c")
    s = lax.axis_index("s")
    nsteps = ept // EB
    if split_cols:
        row_off = c * NP
        ebase = s * ept
    else:
        row_off = 0
        ebase = (c * NS + s) * ept

    src_desc = pltpu.async_copy(ei_hbm.at[pl.ds(ebase, ept)], src_v, xsem)
    dst_desc = pltpu.async_copy(
        ei_hbm.at[pl.ds(EPAD + ebase, ept)], dst_v, xsem)

    zeros16 = jnp.zeros((16,), jnp.float32)

    def zero_body(r, _):
        for j in range(128 // 16):
            rows_v[0, r, pl.ds(j * 16, 16)] = zeros16
        return 0

    lax.fori_loop(0, EB, zero_body, 0)
    for k in range(STRIPE // EB):
        pltpu.sync_copy(rows_v.at[0],
                        agg_sh.at[pl.ds(s * STRIPE + k * EB, EB)])

    src_desc.wait()
    dst_desc.wait()
    if split_cols:
        def adj_body(i, _):
            src_v[pl.ds(i * 16, 16)] = src_v[pl.ds(i * 16, 16)] + row_off
            return 0

        lax.fori_loop(0, ept // 16, adj_body, 0)
    plsc.subcore_barrier()

    def issue_gather(g, b):
        pltpu.async_copy(table_hbm.at[src_v.at[pl.ds(g * EB, EB)]],
                         rows_v.at[b], gsem.at[b])

    def wait_gather(b):
        pltpu.make_async_copy(table_hbm.at[pl.ds(0, EB)], rows_v.at[b],
                              gsem.at[b]).wait()

    def issue_scatter(g, b):
        pltpu.async_copy(rows_v.at[b],
                         agg_sh.at[dst_v.at[pl.ds(g * EB, EB)]],
                         ssem.at[b], add=True)

    def wait_scatter(b):
        pltpu.make_async_copy(rows_v.at[b], agg_sh.at[pl.ds(0, EB)],
                              ssem.at[b]).wait()

    def step(g, b, issue):
        wait_gather(b)
        issue_scatter(g, b)
        b2 = (b + 2) % NBUF
        wait_scatter(b2)
        if issue:
            issue_gather(g + 2, b2)

    issue_gather(0, 0)
    issue_gather(1, 1)
    wait_gather(0)
    issue_scatter(0, 0)
    issue_gather(2, 2)
    step(1, 1, True)

    tail0 = 2 + 3 * ((nsteps - 4) // 3)

    def steady(grp, _):
        for j in range(3):
            g = 2 + grp * 3 + j
            step(g, (2 + j) % NBUF, True)
        return 0

    lax.fori_loop(0, (tail0 - 2) // 3, steady, 0)

    for gg in range(tail0, nsteps):
        step(gg, gg % NBUF, gg + 2 < nsteps)
    wait_scatter((nsteps - 1) % NBUF)
    plsc.subcore_barrier()

    for k in range(STRIPE // EB):
        r0 = s * STRIPE + k * EB
        pltpu.sync_copy(agg_sh.at[pl.ds(r0, EB)], rows_v.at[0])
        pltpu.sync_copy(rows_v.at[0], out_hbm.at[c, pl.ds(r0, EB)])


def _message_pass(table, ei_flat, split_cols):
    ept = (EPAD // NS) if split_cols else EPW
    kfn = functools.partial(
        pl.kernel,
        out_type=jax.ShapeDtypeStruct((2, NP, 128), jnp.float32),
        mesh=_sc_mesh(),
        compiler_params=pltpu.CompilerParams(needs_layout_passes=False),
        scratch_types=[
            pltpu.VMEM((ept,), jnp.int32),
            pltpu.VMEM((ept,), jnp.int32),
            pltpu.VMEM((NBUF, EB, 128), jnp.float32),
            pltpu.VMEM_SHARED((NP, 128), jnp.float32),
            pltpu.SemaphoreType.DMA((NBUF,)),
            pltpu.SemaphoreType.DMA((NBUF,)),
            pltpu.SemaphoreType.DMA,
        ],
    )(functools.partial(_msg_body, split_cols=split_cols, ept=ept))
    return kfn(table, ei_flat)


def _layer2_body(agg_ref, n_ref, w_ref, out_ref):
    nvec = n_ref[...][:, None]
    h1a = jnp.maximum(agg_ref[0, :, :] * nvec, 0.0)
    h1b = jnp.maximum(agg_ref[1, :, :] * nvec, 0.0)
    hw = (jnp.dot(h1a, w_ref[0, :, :], preferred_element_type=jnp.float32)
          + jnp.dot(h1b, w_ref[1, :, :], preferred_element_type=jnp.float32))
    out_ref[...] = hw * nvec


def _layer2(agg1, norm, W2, bm):
    W2r = W2.reshape(2, H1 // 2, H2)
    grid = (NP // bm,)
    return pl.pallas_call(
        _layer2_body,
        grid=grid,
        in_specs=[
            pl.BlockSpec((2, bm, H1 // 2), lambda i: (0, i, 0)),
            pl.BlockSpec((bm,), lambda i: (i,)),
            pl.BlockSpec((2, H1 // 2, H2), lambda i: (0, 0, 0)),
        ],
        out_specs=pl.BlockSpec((bm, H2), lambda i: (i, 0)),
        out_shape=jax.ShapeDtypeStruct((NP, H2), jnp.float32),
    )(agg1, norm, W2r)


def _zfuse_body(agg_ref, n_ref, out_ref):
    z = (agg_ref[0, :, :] + agg_ref[1, :, :]) * n_ref[...][:, None]
    out_ref[...] = z.astype(jnp.bfloat16)


def _zfuse(agg2, norm):
    bm = 2048
    return pl.pallas_call(
        _zfuse_body,
        grid=(NP // bm,),
        in_specs=[
            pl.BlockSpec((2, bm, H2), lambda i: (0, i, 0)),
            pl.BlockSpec((bm,), lambda i: (i,)),
        ],
        out_specs=pl.BlockSpec((bm, H2), lambda i: (i, 0)),
        out_shape=jax.ShapeDtypeStruct((NP, H2), jnp.bfloat16),
    )(agg2, norm)


def _decoder_body(a_ref, b_ref, out_ref):
    res = lax.dot_general(
        a_ref[...], b_ref[...], (((1,), (1,)), ((), ())),
        preferred_element_type=jnp.float32)
    out_ref[...] = res.astype(jnp.bfloat16)


def _decoder(z, bm, bn):
    grid = (pl.cdiv(N, bm), pl.cdiv(N, bn))
    out = pl.pallas_call(
        _decoder_body,
        grid=grid,
        in_specs=[
            pl.BlockSpec((bm, H2), lambda i, j: (i, 0)),
            pl.BlockSpec((bn, H2), lambda i, j: (j, 0)),
        ],
        out_specs=pl.BlockSpec((bm, bn), lambda i, j: (i, j)),
        out_shape=jax.ShapeDtypeStruct((N, N), jnp.bfloat16),
    )(z, z)
    return jnp.reshape(out, (-1,)).astype(jnp.float32)


def kernel(x, edge_index, W1, W2):
    tail = jnp.asarray(N + (np.arange(EPAD - E) % (NP - N)), jnp.int32)
    ei_flat = jnp.concatenate([edge_index[0], tail, edge_index[1], tail])

    deg_p = _deg_partials(ei_flat)
    norm = _norm(deg_p)

    hwn1 = _scaled_matmul_split(x, W1, norm, bm=1024)
    agg1 = _message_pass(hwn1, ei_flat, split_cols=True)

    hwn2 = _layer2(agg1, norm, W2, bm=1024)
    agg2 = _message_pass(hwn2, ei_flat, split_cols=False)

    z = _zfuse(agg2, norm)
    return _decoder(z, bm=2048, bn=2048)

# --- scband reference (transcript-rebuilt; emitter-appended) ---
"""Pipeline reference for scband-gcnmodel-ae-76630806495673 (READ-ONLY COPY).

The authoritative reference and input builder live on the scoring server;
editing this copy changes nothing except your own understanding.
"""

import jax, jax.numpy as jnp
import numpy as np

N = 10000
E = 160000
D_IN = 256
H1 = 256
H2 = 128


def setup_inputs(seed: int = 0) -> dict:
    key = jax.random.key(seed)
    k1, k2, k3, k4 = jax.random.split(key, 4)
    x = jax.random.normal(k1, (N, D_IN), dtype=jnp.float32)
    edge_index = jax.random.randint(k2, (2, E), 0, N, dtype=jnp.int32)
    # Glorot-style init for GraphConvolution weights
    W1 = jax.random.uniform(k3, (D_IN, H1), dtype=jnp.float32,
                            minval=-np.sqrt(6.0 / (D_IN + H1)), maxval=np.sqrt(6.0 / (D_IN + H1)))
    W2 = jax.random.uniform(k4, (H1, H2), dtype=jnp.float32,
                            minval=-np.sqrt(6.0 / (H1 + H2)), maxval=np.sqrt(6.0 / (H1 + H2)))
    return {"x": x, "edge_index": edge_index, "W1": W1, "W2": W2}


def reference(x, edge_index, W1, W2):
    src = edge_index[0]
    dst = edge_index[1]
    # Symmetric GCN normalization coefficients (adj preprocessing in original model)
    ones = jnp.ones((E,), dtype=jnp.float32)
    deg = jax.ops.segment_sum(ones, dst, num_segments=N) + jax.ops.segment_sum(ones, src, num_segments=N)
    deg = jnp.maximum(deg, 1.0)
    norm = jax.lax.rsqrt(deg)
    coef = norm[src] * norm[dst]

    def gcn_layer(h, W, act):
        # dropout=0.0 -> identity at inference
        hw = h @ W                                  # dense transform
        msgs = jnp.take(hw, src, axis=0) * coef[:, None]  # gather by source node
        agg = jax.ops.segment_sum(msgs, dst, num_segments=N)  # scatter-add to dst
        return act(agg)

    hidden1 = gcn_layer(x, W1, jax.nn.relu)
    z_mean = gcn_layer(hidden1, W2, lambda a: a)
    # InnerProductDecoder: reshape(z @ z^T, [-1]) with identity activation
    reconstructions = jnp.reshape(z_mean @ z_mean.T, (-1,))
    return reconstructions

if __name__ == "__main__":
    import jax
    _d = setup_inputs()
    print(jax.jit(kernel)(*tuple(_d.values())))

</pallas_src>

<mosaic_0001>
#map = affine_map<(d0, d1) -> (0)>
#map1 = affine_map<(d0, d1) -> (0, 0)>
module attributes {stable_mosaic.version = 14 : i64} {
  func.func @_lambda_(%arg0: i32, %arg1: i32, %arg2: memref<327680xi32, #tpu.memory_space<hbm>>, %arg3: memref<32x10240xf32, #tpu.memory_space<hbm>>, %arg4: memref<2x5120xi32, #tpu.memory_space<vmem>>, %arg5: memref<10240xf32, #tpu.memory_space<vmem>>) attributes {dimension_semantics = [#tpu.dimension_semantics<core_parallel>, #tpu.dimension_semantics<subcore_parallel>], iteration_bounds = array<i64: 2, 16>, scalar_prefetch = 0 : i64, scratch_operands = 2 : i64, tpu.core_type = #tpu.core_type<sc_vector_subcore>, window_params = [{transform_indices = #map}, {transform_indices = #map1}]} {
    %broadcast_in_dim3A = arith.constant 1.000000e+00 : f32
    %broadcast_in_dim3A_0 = vector.broadcast %broadcast_in_dim3A : f32 to vector<16xf32>
    %mul3A = arith.constant 2 : i32
    %mul3A_1 = arith.muli %arg1, %mul3A : i32
    %add3A = arith.addi %mul3A_1, %arg0 : i32
    %mul3A_2 = arith.constant 5120 : i32
    %mul3A_3 = arith.muli %add3A, %mul3A_2 : i32
    %broadcast_in_dim3A_4 = arith.constant 0.000000e+00 : f32
    %broadcast_in_dim3A_5 = vector.broadcast %broadcast_in_dim3A_4 : f32 to vector<16xf32>
    %scan3A = arith.constant 0 : i32
    %scan3A_6 = arith.constant 0 : i32
    %scan3A_7 = arith.constant 640 : i32
    %scan3A_8 = arith.addi %scan3A_6, %scan3A_7 : i32
    %scan3A_9 = arith.constant 1 : i32
    %scan3A_10 = scf.for %scan3A_22 = %scan3A_6 to %scan3A_8 step %scan3A_9 iter_args(%scan3A_23 = %scan3A) -> (i32)  : i32 {
      %mul3A_24 = arith.constant 16 : i32
      %mul3A_25 = arith.muli %scan3A_22, %mul3A_24 : i32
      %swap3A = arith.index_cast %mul3A_25 : i32 to index
      %swap3A_26 = tpu.vector_load %arg5[%swap3A] {strides = array<i32>} : memref<10240xf32, #tpu.memory_space<vmem>>, vector<16xf32>,
      tpu.vector_store %arg5[%swap3A], %broadcast_in_dim3A_5 {strides = array<i32>} : memref<10240xf32, #tpu.memory_space<vmem>>, vector<16xf32>,
      %scan3A_27 = arith.constant 0 : i32
      scf.yield %scan3A_27 : i32
    }
    %scan3A_11 = arith.constant 640 : i32
    %run_scoped3A = arith.constant 0 : i32
    "tpu.region"() ({
      %run_scoped3A_22 = tpu.sem_alloc : memref<!tpu.dma_semaphore, #tpu.memory_space<semaphore_mem>>
      %dma_start3A = arith.constant 0 : i32
      %dma_start3A_23 = tpu.memref_slice %arg4[%run_scoped3A, %dma_start3A] : memref<2x5120xi32, #tpu.memory_space<vmem>> -> memref<1x5120xi32, #tpu.memory_space<vmem>>
      %dma_start3A_24 = tpu.memref_squeeze %dma_start3A_23 : memref<1x5120xi32, #tpu.memory_space<vmem>> -> memref<5120xi32, #tpu.memory_space<vmem>>
      %dma_start3A_25 = tpu.memref_slice %arg2[%mul3A_3] : memref<327680xi32, #tpu.memory_space<hbm>> -> memref<5120xi32, #tpu.memory_space<hbm>>
      %dma_start3A_26 = arith.constant 0 : i32
      %dma_start3A_27 = tpu.memref_slice %arg4[%run_scoped3A, %dma_start3A_26] : memref<2x5120xi32, #tpu.memory_space<vmem>> -> memref<1x5120xi32, #tpu.memory_space<vmem>>
      %dma_start3A_28 = tpu.memref_squeeze %dma_start3A_27 : memref<1x5120xi32, #tpu.memory_space<vmem>> -> memref<5120xi32, #tpu.memory_space<vmem>>
      %dma_start3A_29 = tpu.memref_slice %arg2[%mul3A_3] : memref<327680xi32, #tpu.memory_space<hbm>> -> memref<5120xi32, #tpu.memory_space<hbm>>
      tpu.enqueue_dma source(%dma_start3A_29 : memref<5120xi32, #tpu.memory_space<hbm>>) target(%dma_start3A_28 : memref<5120xi32, #tpu.memory_space<vmem>>) target_semaphore(%run_scoped3A_22 : memref<!tpu.dma_semaphore, #tpu.memory_space<semaphore_mem>>)
      %dma_wait3A = arith.constant 0 : i32
      %dma_wait3A_30 = tpu.memref_slice %arg4[%run_scoped3A, %dma_wait3A] : memref<2x5120xi32, #tpu.memory_space<vmem>> -> memref<1x5120xi32, #tpu.memory_space<vmem>>
      %dma_wait3A_31 = tpu.memref_squeeze %dma_wait3A_30 : memref<1x5120xi32, #tpu.memory_space<vmem>> -> memref<5120xi32, #tpu.memory_space<vmem>>
      %dma_wait3A_32 = tpu.memref_slice %arg2[%mul3A_3] : memref<327680xi32, #tpu.memory_space<hbm>> -> memref<5120xi32, #tpu.memory_space<hbm>>
      %dma_wait3A_33 = arith.constant 0 : i32
      %dma_wait3A_34 = tpu.memref_slice %arg4[%run_scoped3A, %dma_wait3A_33] : memref<2x5120xi32, #tpu.memory_space<vmem>> -> memref<1x5120xi32, #tpu.memory_space<vmem>>
      %dma_wait3A_35 = tpu.memref_squeeze %dma_wait3A_34 : memref<1x5120xi32, #tpu.memory_space<vmem>> -> memref<5120xi32, #tpu.memory_space<vmem>>
      %dma_wait3A_36 = tpu.memref_slice %arg2[%mul3A_3] : memref<327680xi32, #tpu.memory_space<hbm>> -> memref<5120xi32, #tpu.memory_space<hbm>>
      tpu.wait_dma2 semaphore(%run_scoped3A_22 : memref<!tpu.dma_semaphore, #tpu.memory_space<semaphore_mem>>) src(%dma_wait3A_36 : memref<5120xi32, #tpu.memory_space<hbm>>) dst(%dma_wait3A_35 : memref<5120xi32, #tpu.memory_space<vmem>>)
      tpu.yield
    }) : () -> ()
    %add3A_12 = arith.constant 163840 : i32
    %add3A_13 = arith.addi %add3A_12, %mul3A_3 : i32
    %run_scoped3A_14 = arith.constant 1 : i32
    "tpu.region"() ({
      %run_scoped3A_22 = tpu.sem_alloc : memref<!tpu.dma_semaphore, #tpu.memory_space<semaphore_mem>>
      %dma_start3A = arith.constant 0 : i32
      %dma_start3A_23 = tpu.memref_slice %arg4[%run_scoped3A_14, %dma_start3A] : memref<2x5120xi32, #tpu.memory_space<vmem>> -> memref<1x5120xi32, #tpu.memory_space<vmem>>
      %dma_start3A_24 = tpu.memref_squeeze %dma_start3A_23 : memref<1x5120xi32, #tpu.memory_space<vmem>> -> memref<5120xi32, #tpu.memory_space<vmem>>
      %dma_start3A_25 = tpu.memref_slice %arg2[%add3A_13] : memref<327680xi32, #tpu.memory_space<hbm>> -> memref<5120xi32, #tpu.memory_space<hbm>>
      %dma_start3A_26 = arith.constant 0 : i32
      %dma_start3A_27 = tpu.memref_slice %arg4[%run_scoped3A_14, %dma_start3A_26] : memref<2x5120xi32, #tpu.memory_space<vmem>> -> memref<1x5120xi32, #tpu.memory_space<vmem>>
      %dma_start3A_28 = tpu.memref_squeeze %dma_start3A_27 : memref<1x5120xi32, #tpu.memory_space<vmem>> -> memref<5120xi32, #tpu.memory_space<vmem>>
      %dma_start3A_29 = tpu.memref_slice %arg2[%add3A_13] : memref<327680xi32, #tpu.memory_space<hbm>> -> memref<5120xi32, #tpu.memory_space<hbm>>
      tpu.enqueue_dma source(%dma_start3A_29 : memref<5120xi32, #tpu.memory_space<hbm>>) target(%dma_start3A_28 : memref<5120xi32, #tpu.memory_space<vmem>>) target_semaphore(%run_scoped3A_22 : memref<!tpu.dma_semaphore, #tpu.memory_space<semaphore_mem>>)
      %dma_wait3A = arith.constant 0 : i32
      %dma_wait3A_30 = tpu.memref_slice %arg4[%run_scoped3A_14, %dma_wait3A] : memref<2x5120xi32, #tpu.memory_space<vmem>> -> memref<1x5120xi32, #tpu.memory_space<vmem>>
      %dma_wait3A_31 = tpu.memref_squeeze %dma_wait3A_30 : memref<1x5120xi32, #tpu.memory_space<vmem>> -> memref<5120xi32, #tpu.memory_space<vmem>>
      %dma_wait3A_32 = tpu.memref_slice %arg2[%add3A_13] : memref<327680xi32, #tpu.memory_space<hbm>> -> memref<5120xi32, #tpu.memory_space<hbm>>
      %dma_wait3A_33 = arith.constant 0 : i32
      %dma_wait3A_34 = tpu.memref_slice %arg4[%run_scoped3A_14, %dma_wait3A_33] : memref<2x5120xi32, #tpu.memory_space<vmem>> -> memref<1x5120xi32, #tpu.memory_space<vmem>>
      %dma_wait3A_35 = tpu.memref_squeeze %dma_wait3A_34 : memref<1x5120xi32, #tpu.memory_space<vmem>> -> memref<5120xi32, #tpu.memory_space<vmem>>
      %dma_wait3A_36 = tpu.memref_slice %arg2[%add3A_13] : memref<327680xi32, #tpu.memory_space<hbm>> -> memref<5120xi32, #tpu.memory_space<hbm>>
      tpu.wait_dma2 semaphore(%run_scoped3A_22 : memref<!tpu.dma_semaphore, #tpu.memory_space<semaphore_mem>>) src(%dma_wait3A_36 : memref<5120xi32, #tpu.memory_space<hbm>>) dst(%dma_wait3A_35 : memref<5120xi32, #tpu.memory_space<vmem>>)
      tpu.yield
    }) : () -> ()
    %scan3A_15 = arith.constant 0 : i32
    %scan3A_16 = arith.constant 0 : i32
    %scan3A_17 = arith.constant 320 : i32
    %scan3A_18 = arith.addi %scan3A_16, %scan3A_17 : i32
    %scan3A_19 = arith.constant 1 : i32
    %scan3A_20 = scf.for %scan3A_22 = %scan3A_16 to %scan3A_18 step %scan3A_19 iter_args(%scan3A_23 = %scan3A_15) -> (i32)  : i32 {
      %mul3A_24 = arith.constant 16 : i32
      %mul3A_25 = arith.muli %scan3A_22, %mul3A_24 : i32
      %get3A = arith.constant 0 : i32
      %get3A_26 = arith.index_cast %get3A : i32 to index
      %get3A_27 = arith.index_cast %mul3A_25 : i32 to index
      %get3A_28 = tpu.vector_load %arg4[%get3A_26, %get3A_27] {strides = array<i32>} : memref<2x5120xi32, #tpu.memory_space<vmem>>, vector<16xi32>,
      %mul3A_29 = arith.constant 16 : i32
      %mul3A_30 = arith.muli %scan3A_22, %mul3A_29 : i32
      %get3A_31 = arith.constant 1 : i32
      %get3A_32 = arith.index_cast %get3A_31 : i32 to index
      %get3A_33 = arith.index_cast %mul3A_30 : i32 to index
      %get3A_34 = tpu.vector_load %arg4[%get3A_32, %get3A_33] {strides = array<i32>} : memref<2x5120xi32, #tpu.memory_space<vmem>>, vector<16xi32>,
      tpu.vector_store_idx %arg5[%get3A_28], %broadcast_in_dim3A_0 {add = true} : memref<10240xf32, #tpu.memory_space<vmem>>[vector<16xi32>], vector<16xf32>,
      tpu.vector_store_idx %arg5[%get3A_34], %broadcast_in_dim3A_0 {add = true} : memref<10240xf32, #tpu.memory_space<vmem>>[vector<16xi32>], vector<16xf32>,
      %scan3A_35 = arith.constant 0 : i32
      scf.yield %scan3A_35 : i32
    }
    %scan3A_21 = arith.constant 320 : i32
    "tpu.region"() ({
      %run_scoped3A_22 = tpu.sem_alloc : memref<!tpu.dma_semaphore, #tpu.memory_space<semaphore_mem>>
      %dma_start3A = arith.constant 0 : i32
      %dma_start3A_23 = tpu.memref_slice %arg3[%add3A, %dma_start3A] : memref<32x10240xf32, #tpu.memory_space<hbm>> -> memref<1x10240xf32, #tpu.memory_space<hbm>>
      %dma_start3A_24 = tpu.memref_squeeze %dma_start3A_23 : memref<1x10240xf32, #tpu.memory_space<hbm>> -> memref<10240xf32, #tpu.memory_space<hbm>>
      %dma_start3A_25 = arith.constant 0 : i32
      %dma_start3A_26 = tpu.memref_slice %arg3[%add3A, %dma_start3A_25] : memref<32x10240xf32, #tpu.memory_space<hbm>> -> memref<1x10240xf32, #tpu.memory_space<hbm>>
      %dma_start3A_27 = tpu.memref_squeeze %dma_start3A_26 : memref<1x10240xf32, #tpu.memory_space<hbm>> -> memref<10240xf32, #tpu.memory_space<hbm>>
      tpu.enqueue_dma source(%arg5 : memref<10240xf32, #tpu.memory_space<vmem>>) target(%dma_start3A_27 : memref<10240xf32, #tpu.memory_space<hbm>>) target_semaphore(%run_scoped3A_22 : memref<!tpu.dma_semaphore, #tpu.memory_space<semaphore_mem>>)
      %dma_wait3A = arith.constant 0 : i32
      %dma_wait3A_28 = tpu.memref_slice %arg3[%add3A, %dma_wait3A] : memref<32x10240xf32, #tpu.memory_space<hbm>> -> memref<1x10240xf32, #tpu.memory_space<hbm>>
      %dma_wait3A_29 = tpu.memref_squeeze %dma_wait3A_28 : memref<1x10240xf32, #tpu.memory_space<hbm>> -> memref<10240xf32, #tpu.memory_space<hbm>>
      %dma_wait3A_30 = arith.constant 0 : i32
      %dma_wait3A_31 = tpu.memref_slice %arg3[%add3A, %dma_wait3A_30] : memref<32x10240xf32, #tpu.memory_space<hbm>> -> memref<1x10240xf32, #tpu.memory_space<hbm>>
      %dma_wait3A_32 = tpu.memref_squeeze %dma_wait3A_31 : memref<1x10240xf32, #tpu.memory_space<hbm>> -> memref<10240xf32, #tpu.memory_space<hbm>>
      tpu.wait_dma2 semaphore(%run_scoped3A_22 : memref<!tpu.dma_semaphore, #tpu.memory_space<semaphore_mem>>) src(%arg5 : memref<10240xf32, #tpu.memory_space<vmem>>) dst(%dma_wait3A_32 : memref<10240xf32, #tpu.memory_space<hbm>>)
      tpu.yield
    }) : () -> ()
    return
  }
}

#map = affine_map<(d0, d1) -> (0, 0)>
#map1 = affine_map<(d0, d1) -> (0)>
#map2 = affine_map<(d0, d1) -> (0, 0, 0)>
module attributes {stable_mosaic.version = 14 : i64} {
  func.func @_msg_body(%arg0: i32, %arg1: i32, %arg2: memref<10240x128xf32, #tpu.memory_space<hbm>>, %arg3: memref<327680xi32, #tpu.memory_space<hbm>>, %arg4: memref<2x10240x128xf32, #tpu.memory_space<hbm>>, %arg5: memref<5120xi32, #tpu.memory_space<vmem>>, %arg6: memref<5120xi32, #tpu.memory_space<vmem>>, %arg7: memref<3x64x128xf32, #tpu.memory_space<vmem>>, %arg8: memref<10240x128xf32, #tpu.memory_space<vmem_shared>>, %arg9: memref<3x!tpu.dma_semaphore, #tpu.memory_space<semaphore_mem>>, %arg10: memref<3x!tpu.dma_semaphore, #tpu.memory_space<semaphore_mem>>, %arg11: memref<!tpu.dma_semaphore, #tpu.memory_space<semaphore_mem>>) attributes {dimension_semantics = [#tpu.dimension_semantics<core_parallel>, #tpu.dimension_semantics<subcore_parallel>], iteration_bounds = array<i64: 2, 16>, scalar_prefetch = 0 : i64, scratch_operands = 7 : i64, tpu.core_type = #tpu.core_type<sc_vector_subcore>, window_params = [{transform_indices = #map}, {transform_indices = #map1}, {transform_indices = #map2}]} {
    %mul3A = arith.constant 16 : i32
    %mul3A_0 = arith.muli %arg0, %mul3A : i32
    %add3A = arith.addi %mul3A_0, %arg1 : i32
    %mul3A_1 = arith.constant 5120 : i32
    %mul3A_2 = arith.muli %add3A, %mul3A_1 : i32
    %dma_start3A = tpu.memref_slice %arg3[%mul3A_2] : memref<327680xi32, #tpu.memory_space<hbm>> -> memref<5120xi32, #tpu.memory_space<hbm>>
    %dma_start3A_3 = tpu.memref_slice %arg3[%mul3A_2] : memref<327680xi32, #tpu.memory_space<hbm>> -> memref<5120xi32, #tpu.memory_space<hbm>>
    tpu.enqueue_dma source(%dma_start3A_3 : memref<5120xi32, #tpu.memory_space<hbm>>) target(%arg5 : memref<5120xi32, #tpu.memory_space<vmem>>) target_semaphore(%arg11 : memref<!tpu.dma_semaphore, #tpu.memory_space<semaphore_mem>>)
    %add3A_4 = arith.constant 163840 : i32
    %add3A_5 = arith.addi %add3A_4, %mul3A_2 : i32
    %dma_start3A_6 = tpu.memref_slice %arg3[%add3A_5] : memref<327680xi32, #tpu.memory_space<hbm>> -> memref<5120xi32, #tpu.memory_space<hbm>>
    %dma_start3A_7 = tpu.memref_slice %arg3[%add3A_5] : memref<327680xi32, #tpu.memory_space<hbm>> -> memref<5120xi32, #tpu.memory_space<hbm>>
    tpu.enqueue_dma source(%dma_start3A_7 : memref<5120xi32, #tpu.memory_space<hbm>>) target(%arg6 : memref<5120xi32, #tpu.memory_space<vmem>>) target_semaphore(%arg11 : memref<!tpu.dma_semaphore, #tpu.memory_space<semaphore_mem>>)
    %broadcast_in_dim3A = arith.constant 0.000000e+00 : f32
    %broadcast_in_dim3A_8 = vector.broadcast %broadcast_in_dim3A : f32 to vector<16xf32>
    %scan3A = arith.constant 0 : i32
    %scan3A_9 = arith.constant 0 : i32
    %scan3A_10 = arith.constant 64 : i32
    %scan3A_11 = arith.addi %scan3A_9, %scan3A_10 : i32
    %scan3A_12 = arith.constant 1 : i32
    %scan3A_13 = scf.for %scan3A_445 = %scan3A_9 to %scan3A_11 step %scan3A_12 iter_args(%scan3A_446 = %scan3A) -> (i32)  : i32 {
      %swap3A = arith.constant 0 : i32
      %swap3A_447 = arith.index_cast %swap3A : i32 to index
      %swap3A_448 = arith.index_cast %scan3A_445 : i32 to index
      %swap3A_449 = arith.constant 0 : index
      %swap3A_450 = tpu.vector_load %arg7[%swap3A_447, %swap3A_448, %swap3A_449] {strides = array<i32>} : memref<3x64x128xf32, #tpu.memory_space<vmem>>, vector<16xf32>,
      tpu.vector_store %arg7[%swap3A_447, %swap3A_448, %swap3A_449], %broadcast_in_dim3A_8 {strides = array<i32>} : memref<3x64x128xf32, #tpu.memory_space<vmem>>, vector<16xf32>,
      %swap3A_451 = arith.constant 0 : i32
      %swap3A_452 = arith.index_cast %swap3A_451 : i32 to index
      %swap3A_453 = arith.index_cast %scan3A_445 : i32 to index
      %swap3A_454 = arith.constant 16 : index
      %swap3A_455 = tpu.vector_load %arg7[%swap3A_452, %swap3A_453, %swap3A_454] {strides = array<i32>} : memref<3x64x128xf32, #tpu.memory_space<vmem>>, vector<16xf32>,
      tpu.vector_store %arg7[%swap3A_452, %swap3A_453, %swap3A_454], %broadcast_in_dim3A_8 {strides = array<i32>} : memref<3x64x128xf32, #tpu.memory_space<vmem>>, vector<16xf32>,
      %swap3A_456 = arith.constant 0 : i32
      %swap3A_457 = arith.index_cast %swap3A_456 : i32 to index
      %swap3A_458 = arith.index_cast %scan3A_445 : i32 to index
      %swap3A_459 = arith.constant 32 : index
      %swap3A_460 = tpu.vector_load %arg7[%swap3A_457, %swap3A_458, %swap3A_459] {strides = array<i32>} : memref<3x64x128xf32, #tpu.memory_space<vmem>>, vector<16xf32>,
      tpu.vector_store %arg7[%swap3A_457, %swap3A_458, %swap3A_459], %broadcast_in_dim3A_8 {strides = array<i32>} : memref<3x64x128xf32, #tpu.memory_space<vmem>>, vector<16xf32>,
      %swap3A_461 = arith.constant 0 : i32
      %swap3A_462 = arith.index_cast %swap3A_461 : i32 to index
      %swap3A_463 = arith.index_cast %scan3A_445 : i32 to index
      %swap3A_464 = arith.constant 48 : index
      %swap3A_465 = tpu.vector_load %arg7[%swap3A_462, %swap3A_463, %swap3A_464] {strides = array<i32>} : memref<3x64x128xf32, #tpu.memory_space<vmem>>, vector<16xf32>,
      tpu.vector_store %arg7[%swap3A_462, %swap3A_463, %swap3A_464], %broadcast_in_dim3A_8 {strides = array<i32>} : memref<3x64x128xf32, #tpu.memory_space<vmem>>, vector<16xf32>,
      %swap3A_466 = arith.constant 0 : i32
      %swap3A_467 = arith.index_cast %swap3A_466 : i32 to index
      %swap3A_468 = arith.index_cast %scan3A_445 : i32 to index
      %swap3A_469 = arith.constant 64 : index
      %swap3A_470 = tpu.vector_load %arg7[%swap3A_467, %swap3A_468, %swap3A_469] {strides = array<i32>} : memref<3x64x128xf32, #tpu.memory_space<vmem>>, vector<16xf32>,
      tpu.vector_store %arg7[%swap3A_467, %swap3A_468, %swap3A_469], %broadcast_in_dim3A_8 {strides = array<i32>} : memref<3x64x128xf32, #tpu.memory_space<vmem>>, vector<16xf32>,
      %swap3A_471 = arith.constant 0 : i32
      %swap3A_472 = arith.index_cast %swap3A_471 : i32 to index
      %swap3A_473 = arith.index_cast %scan3A_445 : i32 to index
      %swap3A_474 = arith.constant 80 : index
      %swap3A_475 = tpu.vector_load %arg7[%swap3A_472, %swap3A_473, %swap3A_474] {strides = array<i32>} : memref<3x64x128xf32, #tpu.memory_space<vmem>>, vector<16xf32>,
      tpu.vector_store %arg7[%swap3A_472, %swap3A_473, %swap3A_474], %broadcast_in_dim3A_8 {strides = array<i32>} : memref<3x64x128xf32, #tpu.memory_space<vmem>>, vector<16xf32>,
      %swap3A_476 = arith.constant 0 : i32
      %swap3A_477 = arith.index_cast %swap3A_476 : i32 to index
      %swap3A_478 = arith.index_cast %scan3A_445 : i32 to index
      %swap3A_479 = arith.constant 96 : index
      %swap3A_480 = tpu.vector_load %arg7[%swap3A_477, %swap3A_478, %swap3A_479] {strides = array<i32>} : memref<3x64x128xf32, #tpu.memory_space<vmem>>, vector<16xf32>,
      tpu.vector_store %arg7[%swap3A_477, %swap3A_478, %swap3A_479], %broadcast_in_dim3A_8 {strides = array<i32>} : memref<3x64x128xf32, #tpu.memory_space<vmem>>, vector<16xf32>,
      %swap3A_481 = arith.constant 0 : i32
      %swap3A_482 = arith.index_cast %swap3A_481 : i32 to index
      %swap3A_483 = arith.index_cast %scan3A_445 : i32 to index
      %swap3A_484 = arith.constant 112 : index
      %swap3A_485 = tpu.vector_load %arg7[%swap3A_482, %swap3A_483, %swap3A_484] {strides = array<i32>} : memref<3x64x128xf32, #tpu.memory_space<vmem>>, vector<16xf32>,
      tpu.vector_store %arg7[%swap3A_482, %swap3A_483, %swap3A_484], %broadcast_in_dim3A_8 {strides = array<i32>} : memref<3x64x128xf32, #tpu.memory_space<vmem>>, vector<16xf32>,
      %scan3A_486 = arith.constant 0 : i32
      scf.yield %scan3A_486 : i32
    }
    %scan3A_14 = arith.constant 64 : i32
    %mul3A_15 = arith.constant 640 : i32
    %mul3A_16 = arith.muli %arg1, %mul3A_15 : i32
    %add3A_17 = arith.constant 0 : i32
    %add3A_18 = arith.addi %mul3A_16, %add3A_17 : i32
    %run_scoped3A = arith.constant 0 : i32
    "tpu.region"() ({
      %run_scoped3A_445 = tpu.sem_alloc : memref<!tpu.dma_semaphore, #tpu.memory_space<semaphore_mem>>
      %dma_start3A_446 = arith.constant 0 : i32
      %dma_start3A_447 = arith.constant 0 : i32
      %dma_start3A_448 = tpu.memref_slice %arg7[%run_scoped3A, %dma_start3A_446, %dma_start3A_447] : memref<3x64x128xf32, #tpu.memory_space<vmem>> -> memref<1x64x128xf32, #tpu.memory_space<vmem>>
      %dma_start3A_449 = tpu.memref_squeeze %dma_start3A_448 : memref<1x64x128xf32, #tpu.memory_space<vmem>> -> memref<64x128xf32, #tpu.memory_space<vmem>>
      %dma_start3A_450 = arith.constant 0 : i32
      %dma_start3A_451 = tpu.memref_slice %arg8[%add3A_18, %dma_start3A_450] : memref<10240x128xf32, #tpu.memory_space<vmem_shared>> -> memref<64x128xf32, #tpu.memory_space<vmem_shared>>
      %dma_start3A_452 = arith.constant 0 : i32
      %dma_start3A_453 = tpu.memref_slice %arg8[%add3A_18, %dma_start3A_452] : memref<10240x128xf32, #tpu.memory_space<vmem_shared>> -> memref<64x128xf32, #tpu.memory_space<vmem_shared>>
      %dma_start3A_454 = arith.constant 0 : i32
      %dma_start3A_455 = arith.constant 0 : i32
      %dma_start3A_456 = tpu.memref_slice %arg7[%run_scoped3A, %dma_start3A_454, %dma_start3A_455] : memref<3x64x128xf32, #tpu.memory_space<vmem>> -> memref<1x64x128xf32, #tpu.memory_space<vmem>>
      %dma_start3A_457 = tpu.memref_squeeze %dma_start3A_456 : memref<1x64x128xf32, #tpu.memory_space<vmem>> -> memref<64x128xf32, #tpu.memory_space<vmem>>
      tpu.enqueue_dma source(%dma_start3A_457 : memref<64x128xf32, #tpu.memory_space<vmem>>) target(%dma_start3A_453 : memref<64x128xf32, #tpu.memory_space<vmem_shared>>) target_semaphore(%run_scoped3A_445 : memref<!tpu.dma_semaphore, #tpu.memory_space<semaphore_mem>>)
      %dma_wait3A_458 = arith.constant 0 : i32
      %dma_wait3A_459 = arith.constant 0 : i32
      %dma_wait3A_460 = tpu.memref_slice %arg7[%run_scoped3A, %dma_wait3A_458, %dma_wait3A_459] : memref<3x64x128xf32, #tpu.memory_space<vmem>> -> memref<1x64x128xf32, #tpu.memory_space<vmem>>
      %dma_wait3A_461 = tpu.memref_squeeze %dma_wait3A_460 : memref<1x64x128xf32, #tpu.memory_space<vmem>> -> memref<64x128xf32, #tpu.memory_space<vmem>>
      %dma_wait3A_462 = arith.constant 0 : i32
      %dma_wait3A_463 = tpu.memref_slice %arg8[%add3A_18, %dma_wait3A_462] : memref<10240x128xf32, #tpu.memory_space<vmem_shared>> -> memref<64x128xf32, #tpu.memory_space<vmem_shared>>
      %dma_wait3A_464 = arith.constant 0 : i32
      %dma_wait3A_465 = tpu.memref_slice %arg8[%add3A_18, %dma_wait3A_464] : memref<10240x128xf32, #tpu.memory_space<vmem_shared>> -> memref<64x128xf32, #tpu.memory_space<vmem_shared>>
      %dma_wait3A_466 = arith.constant 0 : i32
      %dma_wait3A_467 = arith.constant 0 : i32
      %dma_wait3A_468 = tpu.memref_slice %arg7[%run_scoped3A, %dma_wait3A_466, %dma_wait3A_467] : memref<3x64x128xf32, #tpu.memory_space<vmem>> -> memref<1x64x128xf32, #tpu.memory_space<vmem>>
      %dma_wait3A_469 = tpu.memref_squeeze %dma_wait3A_468 : memref<1x64x128xf32, #tpu.memory_space<vmem>> -> memref<64x128xf32, #tpu.memory_space<vmem>>
      tpu.wait_dma2 semaphore(%run_scoped3A_445 : memref<!tpu.dma_semaphore, #tpu.memory_space<semaphore_mem>>) src(%dma_wait3A_469 : memref<64x128xf32, #tpu.memory_space<vmem>>) dst(%dma_wait3A_465 : memref<64x128xf32, #tpu.memory_space<vmem_shared>>)
      tpu.yield
    }) : () -> ()
    %mul3A_19 = arith.constant 640 : i32
    %mul3A_20 = arith.muli %arg1, %mul3A_19 : i32
    %add3A_21 = arith.constant 64 : i32
    %add3A_22 = arith.addi %mul3A_20, %add3A_21 : i32
    %run_scoped3A_23 = arith.constant 0 : i32
    "tpu.region"() ({
      %run_scoped3A_445 = tpu.sem_alloc : memref<!tpu.dma_semaphore, #tpu.memory_space<semaphore_mem>>
      %dma_start3A_446 = arith.constant 0 : i32
      %dma_start3A_447 = arith.constant 0 : i32
      %dma_start3A_448 = tpu.memref_slice %arg7[%run_scoped3A_23, %dma_start3A_446, %dma_start3A_447] : memref<3x64x128xf32, #tpu.memory_space<vmem>> -> memref<1x64x128xf32, #tpu.memory_space<vmem>>
      %dma_start3A_449 = tpu.memref_squeeze %dma_start3A_448 : memref<1x64x128xf32, #tpu.memory_space<vmem>> -> memref<64x128xf32, #tpu.memory_space<vmem>>
      %dma_start3A_450 = arith.constant 0 : i32
      %dma_start3A_451 = tpu.memref_slice %arg8[%add3A_22, %dma_start3A_450] : memref<10240x128xf32, #tpu.memory_space<vmem_shared>> -> memref<64x128xf32, #tpu.memory_space<vmem_shared>>
      %dma_start3A_452 = arith.constant 0 : i32
      %dma_start3A_453 = tpu.memref_slice %arg8[%add3A_22, %dma_start3A_452] : memref<10240x128xf32, #tpu.memory_space<vmem_shared>> -> memref<64x128xf32, #tpu.memory_space<vmem_shared>>
      %dma_start3A_454 = arith.constant 0 : i32
      %dma_start3A_455 = arith.constant 0 : i32
      %dma_start3A_456 = tpu.memref_slice %arg7[%run_scoped3A_23, %dma_start3A_454, %dma_start3A_455] : memref<3x64x128xf32, #tpu.memory_space<vmem>> -> memref<1x64x128xf32, #tpu.memory_space<vmem>>
      %dma_start3A_457 = tpu.memref_squeeze %dma_start3A_456 : memref<1x64x128xf32, #tpu.memory_space<vmem>> -> memref<64x128xf32, #tpu.memory_space<vmem>>
      tpu.enqueue_dma source(%dma_start3A_457 : memref<64x128xf32, #tpu.memory_space<vmem>>) target(%dma_start3A_453 : memref<64x128xf32, #tpu.memory_space<vmem_shared>>) target_semaphore(%run_scoped3A_445 : memref<!tpu.dma_semaphore, #tpu.memory_space<semaphore_mem>>)
      %dma_wait3A_458 = arith.constant 0 : i32
      %dma_wait3A_459 = arith.constant 0 : i32
      %dma_wait3A_460 = tpu.memref_slice %arg7[%run_scoped3A_23, %dma_wait3A_458, %dma_wait3A_459] : memref<3x64x128xf32, #tpu.memory_space<vmem>> -> memref<1x64x128xf32, #tpu.memory_space<vmem>>
      %dma_wait3A_461 = tpu.memref_squeeze %dma_wait3A_460 : memref<1x64x128xf32, #tpu.memory_space<vmem>> -> memref<64x128xf32, #tpu.memory_space<vmem>>
      %dma_wait3A_462 = arith.constant 0 : i32
      %dma_wait3A_463 = tpu.memref_slice %arg8[%add3A_22, %dma_wait3A_462] : memref<10240x128xf32, #tpu.memory_space<vmem_shared>> -> memref<64x128xf32, #tpu.memory_space<vmem_shared>>
      %dma_wait3A_464 = arith.constant 0 : i32
      %dma_wait3A_465 = tpu.memref_slice %arg8[%add3A_22, %dma_wait3A_464] : memref<10240x128xf32, #tpu.memory_space<vmem_shared>> -> memref<64x128xf32, #tpu.memory_space<vmem_shared>>
      %dma_wait3A_466 = arith.constant 0 : i32
      %dma_wait3A_467 = arith.constant 0 : i32
      %dma_wait3A_468 = tpu.memref_slice %arg7[%run_scoped3A_23, %dma_wait3A_466, %dma_wait3A_467] : memref<3x64x128xf32, #tpu.memory_space<vmem>> -> memref<1x64x128xf32, #tpu.memory_space<vmem>>
      %dma_wait3A_469 = tpu.memref_squeeze %dma_wait3A_468 : memref<1x64x128xf32, #tpu.memory_space<vmem>> -> memref<64x128xf32, #tpu.memory_space<vmem>>
      tpu.wait_dma2 semaphore(%run_scoped3A_445 : memref<!tpu.dma_semaphore, #tpu.memory_space<semaphore_mem>>) src(%dma_wait3A_469 : memref<64x128xf32, #tpu.memory_space<vmem>>) dst(%dma_wait3A_465 : memref<64x128xf32, #tpu.memory_space<vmem_shared>>)
      tpu.yield
    }) : () -> ()
    %mul3A_24 = arith.constant 640 : i32
    %mul3A_25 = arith.muli %arg1, %mul3A_24 : i32
    %add3A_26 = arith.constant 128 : i32
    %add3A_27 = arith.addi %mul3A_25, %add3A_26 : i32
    %run_scoped3A_28 = arith.constant 0 : i32
    "tpu.region"() ({
      %run_scoped3A_445 = tpu.sem_alloc : memref<!tpu.dma_semaphore, #tpu.memory_space<semaphore_mem>>
      %dma_start3A_446 = arith.constant 0 : i32
      %dma_start3A_447 = arith.constant 0 : i32
      %dma_start3A_448 = tpu.memref_slice %arg7[%run_scoped3A_28, %dma_start3A_446, %dma_start3A_447] : memref<3x64x128xf32, #tpu.memory_space<vmem>> -> memref<1x64x128xf32, #tpu.memory_space<vmem>>
      %dma_start3A_449 = tpu.memref_squeeze %dma_start3A_448 : memref<1x64x128xf32, #tpu.memory_space<vmem>> -> memref<64x128xf32, #tpu.memory_space<vmem>>
      %dma_start3A_450 = arith.constant 0 : i32
      %dma_start3A_451 = tpu.memref_slice %arg8[%add3A_27, %dma_start3A_450] : memref<10240x128xf32, #tpu.memory_space<vmem_shared>> -> memref<64x128xf32, #tpu.memory_space<vmem_shared>>
      %dma_start3A_452 = arith.constant 0 : i32
      %dma_start3A_453 = tpu.memref_slice %arg8[%add3A_27, %dma_start3A_452] : memref<10240x128xf32, #tpu.memory_space<vmem_shared>> -> memref<64x128xf32, #tpu.memory_space<vmem_shared>>
      %dma_start3A_454 = arith.constant 0 : i32
      %dma_start3A_455 = arith.constant 0 : i32
      %dma_start3A_456 = tpu.memref_slice %arg7[%run_scoped3A_28, %dma_start3A_454, %dma_start3A_455] : memref<3x64x128xf32, #tpu.memory_space<vmem>> -> memref<1x64x128xf32, #tpu.memory_space<vmem>>
      %dma_start3A_457 = tpu.memref_squeeze %dma_start3A_456 : memref<1x64x128xf32, #tpu.memory_space<vmem>> -> memref<64x128xf32, #tpu.memory_space<vmem>>
      tpu.enqueue_dma source(%dma_start3A_457 : memref<64x128xf32, #tpu.memory_space<vmem>>) target(%dma_start3A_453 : memref<64x128xf32, #tpu.memory_space<vmem_shared>>) target_semaphore(%run_scoped3A_445 : memref<!tpu.dma_semaphore, #tpu.memory_space<semaphore_mem>>)
      %dma_wait3A_458 = arith.constant 0 : i32
      %dma_wait3A_459 = arith.constant 0 : i32
      %dma_wait3A_460 = tpu.memref_slice %arg7[%run_scoped3A_28, %dma_wait3A_458, %dma_wait3A_459] : memref<3x64x128xf32, #tpu.memory_space<vmem>> -> memref<1x64x128xf32, #tpu.memory_space<vmem>>
      %dma_wait3A_461 = tpu.memref_squeeze %dma_wait3A_460 : memref<1x64x128xf32, #tpu.memory_space<vmem>> -> memref<64x128xf32, #tpu.memory_space<vmem>>
      %dma_wait3A_462 = arith.constant 0 : i32
      %dma_wait3A_463 = tpu.memref_slice %arg8[%add3A_27, %dma_wait3A_462] : memref<10240x128xf32, #tpu.memory_space<vmem_shared>> -> memref<64x128xf32, #tpu.memory_space<vmem_shared>>
      %dma_wait3A_464 = arith.constant 0 : i32
      %dma_wait3A_465 = tpu.memref_slice %arg8[%add3A_27, %dma_wait3A_464] : memref<10240x128xf32, #tpu.memory_space<vmem_shared>> -> memref<64x128xf32, #tpu.memory_space<vmem_shared>>
      %dma_wait3A_466 = arith.constant 0 : i32
      %dma_wait3A_467 = arith.constant 0 : i32
      %dma_wait3A_468 = tpu.memref_slice %arg7[%run_scoped3A_28, %dma_wait3A_466, %dma_wait3A_467] : memref<3x64x128xf32, #tpu.memory_space<vmem>> -> memref<1x64x128xf32, #tpu.memory_space<vmem>>
      %dma_wait3A_469 = tpu.memref_squeeze %dma_wait3A_468 : memref<1x64x128xf32, #tpu.memory_space<vmem>> -> memref<64x128xf32, #tpu.memory_space<vmem>>
      tpu.wait_dma2 semaphore(%run_scoped3A_445 : memref<!tpu.dma_semaphore, #tpu.memory_space<semaphore_mem>>) src(%dma_wait3A_469 : memref<64x128xf32, #tpu.memory_space<vmem>>) dst(%dma_wait3A_465 : memref<64x128xf32, #tpu.memory_space<vmem_shared>>)
      tpu.yield
    }) : () -> ()
    %mul3A_29 = arith.constant 640 : i32
    %mul3A_30 = arith.muli %arg1, %mul3A_29 : i32
    %add3A_31 = arith.constant 192 : i32
    %add3A_32 = arith.addi %mul3A_30, %add3A_31 : i32
    %run_scoped3A_33 = arith.constant 0 : i32
    "tpu.region"() ({
      %run_scoped3A_445 = tpu.sem_alloc : memref<!tpu.dma_semaphore, #tpu.memory_space<semaphore_mem>>
      %dma_start3A_446 = arith.constant 0 : i32
      %dma_start3A_447 = arith.constant 0 : i32
      %dma_start3A_448 = tpu.memref_slice %arg7[%run_scoped3A_33, %dma_start3A_446, %dma_start3A_447] : memref<3x64x128xf32, #tpu.memory_space<vmem>> -> memref<1x64x128xf32, #tpu.memory_space<vmem>>
      %dma_start3A_449 = tpu.memref_squeeze %dma_start3A_448 : memref<1x64x128xf32, #tpu.memory_space<vmem>> -> memref<64x128xf32, #tpu.memory_space<vmem>>
      %dma_start3A_450 = arith.constant 0 : i32
      %dma_start3A_451 = tpu.memref_slice %arg8[%add3A_32, %dma_start3A_450] : memref<10240x128xf32, #tpu.memory_space<vmem_shared>> -> memref<64x128xf32, #tpu.memory_space<vmem_shared>>
      %dma_start3A_452 = arith.constant 0 : i32
      %dma_start3A_453 = tpu.memref_slice %arg8[%add3A_32, %dma_start3A_452] : memref<10240x128xf32, #tpu.memory_space<vmem_shared>> -> memref<64x128xf32, #tpu.memory_space<vmem_shared>>
      %dma_start3A_454 = arith.constant 0 : i32
      %dma_start3A_455 = arith.constant 0 : i32
      %dma_start3A_456 = tpu.memref_slice %arg7[%run_scoped3A_33, %dma_start3A_454, %dma_start3A_455] : memref<3x64x128xf32, #tpu.memory_space<vmem>> -> memref<1x64x128xf32, #tpu.memory_space<vmem>>
      %dma_start3A_457 = tpu.memref_squeeze %dma_start3A_456 : memref<1x64x128xf32, #tpu.memory_space<vmem>> -> memref<64x128xf32, #tpu.memory_space<vmem>>
      tpu.enqueue_dma source(%dma_start3A_457 : memref<64x128xf32, #tpu.memory_space<vmem>>) target(%dma_start3A_453 : memref<64x128xf32, #tpu.memory_space<vmem_shared>>) target_semaphore(%run_scoped3A_445 : memref<!tpu.dma_semaphore, #tpu.memory_space<semaphore_mem>>)
      %dma_wait3A_458 = arith.constant 0 : i32
      %dma_wait3A_459 = arith.constant 0 : i32
      %dma_wait3A_460 = tpu.memref_slice %arg7[%run_scoped3A_33, %dma_wait3A_458, %dma_wait3A_459] : memref<3x64x128xf32, #tpu.memory_space<vmem>> -> memref<1x64x128xf32, #tpu.memory_space<vmem>>
      %dma_wait3A_461 = tpu.memref_squeeze %dma_wait3A_460 : memref<1x64x128xf32, #tpu.memory_space<vmem>> -> memref<64x128xf32, #tpu.memory_space<vmem>>
      %dma_wait3A_462 = arith.constant 0 : i32
      %dma_wait3A_463 = tpu.memref_slice %arg8[%add3A_32, %dma_wait3A_462] : memref<10240x128xf32, #tpu.memory_space<vmem_shared>> -> memref<64x128xf32, #tpu.memory_space<vmem_shared>>
      %dma_wait3A_464 = arith.constant 0 : i32
      %dma_wait3A_465 = tpu.memref_slice %arg8[%add3A_32, %dma_wait3A_464] : memref<10240x128xf32, #tpu.memory_space<vmem_shared>> -> memref<64x128xf32, #tpu.memory_space<vmem_shared>>
      %dma_wait3A_466 = arith.constant 0 : i32
      %dma_wait3A_467 = arith.constant 0 : i32
      %dma_wait3A_468 = tpu.memref_slice %arg7[%run_scoped3A_33, %dma_wait3A_466, %dma_wait3A_467] : memref<3x64x128xf32, #tpu.memory_space<vmem>> -> memref<1x64x128xf32, #tpu.memory_space<vmem>>
      %dma_wait3A_469 = tpu.memref_squeeze %dma_wait3A_468 : memref<1x64x128xf32, #tpu.memory_space<vmem>> -> memref<64x128xf32, #tpu.memory_space<vmem>>
      tpu.wait_dma2 semaphore(%run_scoped3A_445 : memref<!tpu.dma_semaphore, #tpu.memory_space<semaphore_mem>>) src(%dma_wait3A_469 : memref<64x128xf32, #tpu.memory_space<vmem>>) dst(%dma_wait3A_465 : memref<64x128xf32, #tpu.memory_space<vmem_shared>>)
      tpu.yield
    }) : () -> ()
    %mul3A_34 = arith.constant 640 : i32
    %mul3A_35 = arith.muli %arg1, %mul3A_34 : i32
    %add3A_36 = arith.constant 256 : i32
    %add3A_37 = arith.addi %mul3A_35, %add3A_36 : i32
    %run_scoped3A_38 = arith.constant 0 : i32
    "tpu.region"() ({
      %run_scoped3A_445 = tpu.sem_alloc : memref<!tpu.dma_semaphore, #tpu.memory_space<semaphore_mem>>
      %dma_start3A_446 = arith.constant 0 : i32
      %dma_start3A_447 = arith.constant 0 : i32
      %dma_start3A_448 = tpu.memref_slice %arg7[%run_scoped3A_38, %dma_start3A_446, %dma_start3A_447] : memref<3x64x128xf32, #tpu.memory_space<vmem>> -> memref<1x64x128xf32, #tpu.memory_space<vmem>>
      %dma_start3A_449 = tpu.memref_squeeze %dma_start3A_448 : memref<1x64x128xf32, #tpu.memory_space<vmem>> -> memref<64x128xf32, #tpu.memory_space<vmem>>
      %dma_start3A_450 = arith.constant 0 : i32
      %dma_start3A_451 = tpu.memref_slice %arg8[%add3A_37, %dma_start3A_450] : memref<10240x128xf32, #tpu.memory_space<vmem_shared>> -> memref<64x128xf32, #tpu.memory_space<vmem_shared>>
      %dma_start3A_452 = arith.constant 0 : i32
      %dma_start3A_453 = tpu.memref_slice %arg8[%add3A_37, %dma_start3A_452] : memref<10240x128xf32, #tpu.memory_space<vmem_shared>> -> memref<64x128xf32, #tpu.memory_space<vmem_shared>>
      %dma_start3A_454 = arith.constant 0 : i32
      %dma_start3A_455 = arith.constant 0 : i32
      %dma_start3A_456 = tpu.memref_slice %arg7[%run_scoped3A_38, %dma_start3A_454, %dma_start3A_455] : memref<3x64x128xf32, #tpu.memory_space<vmem>> -> memref<1x64x128xf32, #tpu.memory_space<vmem>>
      %dma_start3A_457 = tpu.memref_squeeze %dma_start3A_456 : memref<1x64x128xf32, #tpu.memory_space<vmem>> -> memref<64x128xf32, #tpu.memory_space<vmem>>
      tpu.enqueue_dma source(%dma_start3A_457 : memref<64x128xf32, #tpu.memory_space<vmem>>) target(%dma_start3A_453 : memref<64x128xf32, #tpu.memory_space<vmem_shared>>) target_semaphore(%run_scoped3A_445 : memref<!tpu.dma_semaphore, #tpu.memory_space<semaphore_mem>>)
      %dma_wait3A_458 = arith.constant 0 : i32
      %dma_wait3A_459 = arith.constant 0 : i32
      %dma_wait3A_460 = tpu.memref_slice %arg7[%run_scoped3A_38, %dma_wait3A_458, %dma_wait3A_459] : memref<3x64x128xf32, #tpu.memory_space<vmem>> -> memref<1x64x128xf32, #tpu.memory_space<vmem>>
      %dma_wait3A_461 = tpu.memref_squeeze %dma_wait3A_460 : memref<1x64x128xf32, #tpu.memory_space<vmem>> -> memref<64x128xf32, #tpu.memory_space<vmem>>
      %dma_wait3A_462 = arith.constant 0 : i32
      %dma_wait3A_463 = tpu.memref_slice %arg8[%add3A_37, %dma_wait3A_462] : memref<10240x128xf32, #tpu.memory_space<vmem_shared>> -> memref<64x128xf32, #tpu.memory_space<vmem_shared>>
      %dma_wait3A_464 = arith.constant 0 : i32
      %dma_wait3A_465 = tpu.memref_slice %arg8[%add3A_37, %dma_wait3A_464] : memref<10240x128xf32, #tpu.memory_space<vmem_shared>> -> memref<64x128xf32, #tpu.memory_space<vmem_shared>>
      %dma_wait3A_466 = arith.constant 0 : i32
      %dma_wait3A_467 = arith.constant 0 : i32
      %dma_wait3A_468 = tpu.memref_slice %arg7[%run_scoped3A_38, %dma_wait3A_466, %dma_wait3A_467] : memref<3x64x128xf32, #tpu.memory_space<vmem>> -> memref<1x64x128xf32, #tpu.memory_space<vmem>>
      %dma_wait3A_469 = tpu.memref_squeeze %dma_wait3A_468 : memref<1x64x128xf32, #tpu.memory_space<vmem>> -> memref<64x128xf32, #tpu.memory_space<vmem>>
      tpu.wait_dma2 semaphore(%run_scoped3A_445 : memref<!tpu.dma_semaphore, #tpu.memory_space<semaphore_mem>>) src(%dma_wait3A_469 : memref<64x128xf32, #tpu.memory_space<vmem>>) dst(%dma_wait3A_465 : memref<64x128xf32, #tpu.memory_space<vmem_shared>>)
      tpu.yield
    }) : () -> ()
    %mul3A_39 = arith.constant 640 : i32
    %mul3A_40 = arith.muli %arg1, %mul3A_39 : i32
    %add3A_41 = arith.constant 320 : i32
    %add3A_42 = arith.addi %mul3A_40, %add3A_41 : i32
    %run_scoped3A_43 = arith.constant 0 : i32
    "tpu.region"() ({
      %run_scoped3A_445 = tpu.sem_alloc : memref<!tpu.dma_semaphore, #tpu.memory_space<semaphore_mem>>
      %dma_start3A_446 = arith.constant 0 : i32
      %dma_start3A_447 = arith.constant 0 : i32
      %dma_start3A_448 = tpu.memref_slice %arg7[%run_scoped3A_43, %dma_start3A_446, %dma_start3A_447] : memref<3x64x128xf32, #tpu.memory_space<vmem>> -> memref<1x64x128xf32, #tpu.memory_space<vmem>>
      %dma_start3A_449 = tpu.memref_squeeze %dma_start3A_448 : memref<1x64x128xf32, #tpu.memory_space<vmem>> -> memref<64x128xf32, #tpu.memory_space<vmem>>
      %dma_start3A_450 = arith.constant 0 : i32
      %dma_start3A_451 = tpu.memref_slice %arg8[%add3A_42, %dma_start3A_450] : memref<10240x128xf32, #tpu.memory_space<vmem_shared>> -> memref<64x128xf32, #tpu.memory_space<vmem_shared>>
      %dma_start3A_452 = arith.constant 0 : i32
      %dma_start3A_453 = tpu.memref_slice %arg8[%add3A_42, %dma_start3A_452] : memref<10240x128xf32, #tpu.memory_space<vmem_shared>> -> memref<64x128xf32, #tpu.memory_space<vmem_shared>>
      %dma_start3A_454 = arith.constant 0 : i32
      %dma_start3A_455 = arith.constant 0 : i32
      %dma_start3A_456 = tpu.memref_slice %arg7[%run_scoped3A_43, %dma_start3A_454, %dma_start3A_455] : memref<3x64x128xf32, #tpu.memory_space<vmem>> -> memref<1x64x128xf32, #tpu.memory_space<vmem>>
      %dma_start3A_457 = tpu.memref_squeeze %dma_start3A_456 : memref<1x64x128xf32, #tpu.memory_space<vmem>> -> memref<64x128xf32, #tpu.memory_space<vmem>>
      tpu.enqueue_dma source(%dma_start3A_457 : memref<64x128xf32, #tpu.memory_space<vmem>>) target(%dma_start3A_453 : memref<64x128xf32, #tpu.memory_space<vmem_shared>>) target_semaphore(%run_scoped3A_445 : memref<!tpu.dma_semaphore, #tpu.memory_space<semaphore_mem>>)
      %dma_wait3A_458 = arith.constant 0 : i32
      %dma_wait3A_459 = arith.constant 0 : i32
      %dma_wait3A_460 = tpu.memref_slice %arg7[%run_scoped3A_43, %dma_wait3A_458, %dma_wait3A_459] : memref<3x64x128xf32, #tpu.memory_space<vmem>> -> memref<1x64x128xf32, #tpu.memory_space<vmem>>
      %dma_wait3A_461 = tpu.memref_squeeze %dma_wait3A_460 : memref<1x64x128xf32, #tpu.memory_space<vmem>> -> memref<64x128xf32, #tpu.memory_space<vmem>>
      %dma_wait3A_462 = arith.constant 0 : i32
      %dma_wait3A_463 = tpu.memref_slice %arg8[%add3A_42, %dma_wait3A_462] : memref<10240x128xf32, #tpu.memory_space<vmem_shared>> -> memref<64x128xf32, #tpu.memory_space<vmem_shared>>
      %dma_wait3A_464 = arith.constant 0 : i32
      %dma_wait3A_465 = tpu.memref_slice %arg8[%add3A_42, %dma_wait3A_464] : memref<10240x128xf32, #tpu.memory_space<vmem_shared>> -> memref<64x128xf32, #tpu.memory_space<vmem_shared>>
      %dma_wait3A_466 = arith.constant 0 : i32
      %dma_wait3A_467 = arith.constant 0 : i32
      %dma_wait3A_468 = tpu.memref_slice %arg7[%run_scoped3A_43, %dma_wait3A_466, %dma_wait3A_467] : memref<3x64x128xf32, #tpu.memory_space<vmem>> -> memref<1x64x128xf32, #tpu.memory_space<vmem>>
      %dma_wait3A_469 = tpu.memref_squeeze %dma_wait3A_468 : memref<1x64x128xf32, #tpu.memory_space<vmem>> -> memref<64x128xf32, #tpu.memory_space<vmem>>
      tpu.wait_dma2 semaphore(%run_scoped3A_445 : memref<!tpu.dma_semaphore, #tpu.memory_space<semaphore_mem>>) src(%dma_wait3A_469 : memref<64x128xf32, #tpu.memory_space<vmem>>) dst(%dma_wait3A_465 : memref<64x128xf32, #tpu.memory_space<vmem_shared>>)
      tpu.yield
    }) : () -> ()
    %mul3A_44 = arith.constant 640 : i32
    %mul3A_45 = arith.muli %arg1, %mul3A_44 : i32
    %add3A_46 = arith.constant 384 : i32
    %add3A_47 = arith.addi %mul3A_45, %add3A_46 : i32
    %run_scoped3A_48 = arith.constant 0 : i32
    "tpu.region"() ({
      %run_scoped3A_445 = tpu.sem_alloc : memref<!tpu.dma_semaphore, #tpu.memory_space<semaphore_mem>>
      %dma_start3A_446 = arith.constant 0 : i32
      %dma_start3A_447 = arith.constant 0 : i32
      %dma_start3A_448 = tpu.memref_slice %arg7[%run_scoped3A_48, %dma_start3A_446, %dma_start3A_447] : memref<3x64x128xf32, #tpu.memory_space<vmem>> -> memref<1x64x128xf32, #tpu.memory_space<vmem>>
      %dma_start3A_449 = tpu.memref_squeeze %dma_start3A_448 : memref<1x64x128xf32, #tpu.memory_space<vmem>> -> memref<64x128xf32, #tpu.memory_space<vmem>>
      %dma_start3A_450 = arith.constant 0 : i32
      %dma_start3A_451 = tpu.memref_slice %arg8[%add3A_47, %dma_start3A_450] : memref<10240x128xf32, #tpu.memory_space<vmem_shared>> -> memref<64x128xf32, #tpu.memory_space<vmem_shared>>
      %dma_start3A_452 = arith.constant 0 : i32
      %dma_start3A_453 = tpu.memref_slice %arg8[%add3A_47, %dma_start3A_452] : memref<10240x128xf32, #tpu.memory_space<vmem_shared>> -> memref<64x128xf32, #tpu.memory_space<vmem_shared>>
      %dma_start3A_454 = arith.constant 0 : i32
      %dma_start3A_455 = arith.constant 0 : i32
      %dma_start3A_456 = tpu.memref_slice %arg7[%run_scoped3A_48, %dma_start3A_454, %dma_start3A_455] : memref<3x64x128xf32, #tpu.memory_space<vmem>> -> memref<1x64x128xf32, #tpu.memory_space<vmem>>
      %dma_start3A_457 = tpu.memref_squeeze %dma_start3A_456 : memref<1x64x128xf32, #tpu.memory_space<vmem>> -> memref<64x128xf32, #tpu.memory_space<vmem>>
      tpu.enqueue_dma source(%dma_start3A_457 : memref<64x128xf32, #tpu.memory_space<vmem>>) target(%dma_start3A_453 : memref<64x128xf32, #tpu.memory_space<vmem_shared>>) target_semaphore(%run_scoped3A_445 : memref<!tpu.dma_semaphore, #tpu.memory_space<semaphore_mem>>)
      %dma_wait3A_458 = arith.constant 0 : i32
      %dma_wait3A_459 = arith.constant 0 : i32
      %dma_wait3A_460 = tpu.memref_slice %arg7[%run_scoped3A_48, %dma_wait3A_458, %dma_wait3A_459] : memref<3x64x128xf32, #tpu.memory_space<vmem>> -> memref<1x64x128xf32, #tpu.memory_space<vmem>>
      %dma_wait3A_461 = tpu.memref_squeeze %dma_wait3A_460 : memref<1x64x128xf32, #tpu.memory_space<vmem>> -> memref<64x128xf32, #tpu.memory_space<vmem>>
      %dma_wait3A_462 = arith.constant 0 : i32
      %dma_wait3A_463 = tpu.memref_slice %arg8[%add3A_47, %dma_wait3A_462] : memref<10240x128xf32, #tpu.memory_space<vmem_shared>> -> memref<64x128xf32, #tpu.memory_space<vmem_shared>>
      %dma_wait3A_464 = arith.constant 0 : i32
      %dma_wait3A_465 = tpu.memref_slice %arg8[%add3A_47, %dma_wait3A_464] : memref<10240x128xf32, #tpu.memory_space<vmem_shared>> -> memref<64x128xf32, #tpu.memory_space<vmem_shared>>
      %dma_wait3A_466 = arith.constant 0 : i32
      %dma_wait3A_467 = arith.constant 0 : i32
      %dma_wait3A_468 = tpu.memref_slice %arg7[%run_scoped3A_48, %dma_wait3A_466, %dma_wait3A_467] : memref<3x64x128xf32, #tpu.memory_space<vmem>> -> memref<1x64x128xf32, #tpu.memory_space<vmem>>
      %dma_wait3A_469 = tpu.memref_squeeze %dma_wait3A_468 : memref<1x64x128xf32, #tpu.memory_space<vmem>> -> memref<64x128xf32, #tpu.memory_space<vmem>>
      tpu.wait_dma2 semaphore(%run_scoped3A_445 : memref<!tpu.dma_semaphore, #tpu.memory_space<semaphore_mem>>) src(%dma_wait3A_469 : memref<64x128xf32, #tpu.memory_space<vmem>>) dst(%dma_wait3A_465 : memref<64x128xf32, #tpu.memory_space<vmem_shared>>)
      tpu.yield
    }) : () -> ()
    %mul3A_49 = arith.constant 640 : i32
    %mul3A_50 = arith.muli %arg1, %mul3A_49 : i32
    %add3A_51 = arith.constant 448 : i32
    %add3A_52 = arith.addi %mul3A_50, %add3A_51 : i32
    %run_scoped3A_53 = arith.constant 0 : i32
    "tpu.region"() ({
      %run_scoped3A_445 = tpu.sem_alloc : memref<!tpu.dma_semaphore, #tpu.memory_space<semaphore_mem>>
      %dma_start3A_446 = arith.constant 0 : i32
      %dma_start3A_447 = arith.constant 0 : i32
      %dma_start3A_448 = tpu.memref_slice %arg7[%run_scoped3A_53, %dma_start3A_446, %dma_start3A_447] : memref<3x64x128xf32, #tpu.memory_space<vmem>> -> memref<1x64x128xf32, #tpu.memory_space<vmem>>
      %dma_start3A_449 = tpu.memref_squeeze %dma_start3A_448 : memref<1x64x128xf32, #tpu.memory_space<vmem>> -> memref<64x128xf32, #tpu.memory_space<vmem>>
      %dma_start3A_450 = arith.constant 0 : i32
      %dma_start3A_451 = tpu.memref_slice %arg8[%add3A_52, %dma_start3A_450] : memref<10240x128xf32, #tpu.memory_space<vmem_shared>> -> memref<64x128xf32, #tpu.memory_space<vmem_shared>>
      %dma_start3A_452 = arith.constant 0 : i32
      %dma_start3A_453 = tpu.memref_slice %arg8[%add3A_52, %dma_start3A_452] : memref<10240x128xf32, #tpu.memory_space<vmem_shared>> -> memref<64x128xf32, #tpu.memory_space<vmem_shared>>
      %dma_start3A_454 = arith.constant 0 : i32
      %dma_start3A_455 = arith.constant 0 : i32
      %dma_start3A_456 = tpu.memref_slice %arg7[%run_scoped3A_53, %dma_start3A_454, %dma_start3A_455] : memref<3x64x128xf32, #tpu.memory_space<vmem>> -> memref<1x64x128xf32, #tpu.memory_space<vmem>>
      %dma_start3A_457 = tpu.memref_squeeze %dma_start3A_456 : memref<1x64x128xf32, #tpu.memory_space<vmem>> -> memref<64x128xf32, #tpu.memory_space<vmem>>
      tpu.enqueue_dma source(%dma_start3A_457 : memref<64x128xf32, #tpu.memory_space<vmem>>) target(%dma_start3A_453 : memref<64x128xf32, #tpu.memory_space<vmem_shared>>) target_semaphore(%run_scoped3A_445 : memref<!tpu.dma_semaphore, #tpu.memory_space<semaphore_mem>>)
      %dma_wait3A_458 = arith.constant 0 : i32
      %dma_wait3A_459 = arith.constant 0 : i32
      %dma_wait3A_460 = tpu.memref_slice %arg7[%run_scoped3A_53, %dma_wait3A_458, %dma_wait3A_459] : memref<3x64x128xf32, #tpu.memory_space<vmem>> -> memref<1x64x128xf32, #tpu.memory_space<vmem>>
      %dma_wait3A_461 = tpu.memref_squeeze %dma_wait3A_460 : memref<1x64x128xf32, #tpu.memory_space<vmem>> -> memref<64x128xf32, #tpu.memory_space<vmem>>
      %dma_wait3A_462 = arith.constant 0 : i32
      %dma_wait3A_463 = tpu.memref_slice %arg8[%add3A_52, %dma_wait3A_462] : memref<10240x128xf32, #tpu.memory_space<vmem_shared>> -> memref<64x128xf32, #tpu.memory_space<vmem_shared>>
      %dma_wait3A_464 = arith.constant 0 : i32
      %dma_wait3A_465 = tpu.memref_slice %arg8[%add3A_52, %dma_wait3A_464] : memref<10240x128xf32, #tpu.memory_space<vmem_shared>> -> memref<64x128xf32, #tpu.memory_space<vmem_shared>>
      %dma_wait3A_466 = arith.constant 0 : i32
      %dma_wait3A_467 = arith.constant 0 : i32
      %dma_wait3A_468 = tpu.memref_slice %arg7[%run_scoped3A_53, %dma_wait3A_466, %dma_wait3A_467] : memref<3x64x128xf32, #tpu.memory_space<vmem>> -> memref<1x64x128xf32, #tpu.memory_space<vmem>>
      %dma_wait3A_469 = tpu.memref_squeeze %dma_wait3A_468 : memref<1x64x128xf32, #tpu.memory_space<vmem>> -> memref<64x128xf32, #tpu.memory_space<vmem>>
      tpu.wait_dma2 semaphore(%run_scoped3A_445 : memref<!tpu.dma_semaphore, #tpu.memory_space<semaphore_mem>>) src(%dma_wait3A_469 : memref<64x128xf32, #tpu.memory_space<vmem>>) dst(%dma_wait3A_465 : memref<64x128xf32, #tpu.memory_space<vmem_shared>>)
      tpu.yield
    }) : () -> ()
    %mul3A_54 = arith.constant 640 : i32
    %mul3A_55 = arith.muli %arg1, %mul3A_54 : i32
    %add3A_56 = arith.constant 512 : i32
    %add3A_57 = arith.addi %mul3A_55, %add3A_56 : i32
    %run_scoped3A_58 = arith.constant 0 : i32
    "tpu.region"() ({
      %run_scoped3A_445 = tpu.sem_alloc : memref<!tpu.dma_semaphore, #tpu.memory_space<semaphore_mem>>
      %dma_start3A_446 = arith.constant 0 : i32
      %dma_start3A_447 = arith.constant 0 : i32
      %dma_start3A_448 = tpu.memref_slice %arg7[%run_scoped3A_58, %dma_start3A_446, %dma_start3A_447] : memref<3x64x128xf32, #tpu.memory_space<vmem>> -> memref<1x64x128xf32, #tpu.memory_space<vmem>>
      %dma_start3A_449 = tpu.memref_squeeze %dma_start3A_448 : memref<1x64x128xf32, #tpu.memory_space<vmem>> -> memref<64x128xf32, #tpu.memory_space<vmem>>
      %dma_start3A_450 = arith.constant 0 : i32
      %dma_start3A_451 = tpu.memref_slice %arg8[%add3A_57, %dma_start3A_450] : memref<10240x128xf32, #tpu.memory_space<vmem_shared>> -> memref<64x128xf32, #tpu.memory_space<vmem_shared>>
      %dma_start3A_452 = arith.constant 0 : i32
      %dma_start3A_453 = tpu.memref_slice %arg8[%add3A_57, %dma_start3A_452] : memref<10240x128xf32, #tpu.memory_space<vmem_shared>> -> memref<64x128xf32, #tpu.memory_space<vmem_shared>>
      %dma_start3A_454 = arith.constant 0 : i32
      %dma_start3A_455 = arith.constant 0 : i32
      %dma_start3A_456 = tpu.memref_slice %arg7[%run_scoped3A_58, %dma_start3A_454, %dma_start3A_455] : memref<3x64x128xf32, #tpu.memory_space<vmem>> -> memref<1x64x128xf32, #tpu.memory_space<vmem>>
      %dma_start3A_457 = tpu.memref_squeeze %dma_start3A_456 : memref<1x64x128xf32, #tpu.memory_space<vmem>> -> memref<64x128xf32, #tpu.memory_space<vmem>>
      tpu.enqueue_dma source(%dma_start3A_457 : memref<64x128xf32, #tpu.memory_space<vmem>>) target(%dma_start3A_453 : memref<64x128xf32, #tpu.memory_space<vmem_shared>>) target_semaphore(%run_scoped3A_445 : memref<!tpu.dma_semaphore, #tpu.memory_space<semaphore_mem>>)
      %dma_wait3A_458 = arith.constant 0 : i32
      %dma_wait3A_459 = arith.constant 0 : i32
      %dma_wait3A_460 = tpu.memref_slice %arg7[%run_scoped3A_58, %dma_wait3A_458, %dma_wait3A_459] : memref<3x64x128xf32, #tpu.memory_space<vmem>> -> memref<1x64x128xf32, #tpu.memory_space<vmem>>
      %dma_wait3A_461 = tpu.memref_squeeze %dma_wait3A_460 : memref<1x64x128xf32, #tpu.memory_space<vmem>> -> memref<64x128xf32, #tpu.memory_space<vmem>>
      %dma_wait3A_462 = arith.constant 0 : i32
      %dma_wait3A_463 = tpu.memref_slice %arg8[%add3A_57, %dma_wait3A_462] : memref<10240x128xf32, #tpu.memory_space<vmem_shared>> -> memref<64x128xf32, #tpu.memory_space<vmem_shared>>
      %dma_wait3A_464 = arith.constant 0 : i32
      %dma_wait3A_465 = tpu.memref_slice %arg8[%add3A_57, %dma_wait3A_464] : memref<10240x128xf32, #tpu.memory_space<vmem_shared>> -> memref<64x128xf32, #tpu.memory_space<vmem_shared>>
      %dma_wait3A_466 = arith.constant 0 : i32
      %dma_wait3A_467 = arith.constant 0 : i32
      %dma_wait3A_468 = tpu.memref_slice %arg7[%run_scoped3A_58, %dma_wait3A_466, %dma_wait3A_467] : memref<3x64x128xf32, #tpu.memory_space<vmem>> -> memref<1x64x128xf32, #tpu.memory_space<vmem>>
      %dma_wait3A_469 = tpu.memref_squeeze %dma_wait3A_468 : memref<1x64x128xf32, #tpu.memory_space<vmem>> -> memref<64x128xf32, #tpu.memory_space<vmem>>
      tpu.wait_dma2 semaphore(%run_scoped3A_445 : memref<!tpu.dma_semaphore, #tpu.memory_space<semaphore_mem>>) src(%dma_wait3A_469 : memref<64x128xf32, #tpu.memory_space<vmem>>) dst(%dma_wait3A_465 : memref<64x128xf32, #tpu.memory_space<vmem_shared>>)
      tpu.yield
    }) : () -> ()
    %mul3A_59 = arith.constant 640 : i32
    %mul3A_60 = arith.muli %arg1, %mul3A_59 : i32
    %add3A_61 = arith.constant 576 : i32
    %add3A_62 = arith.addi %mul3A_60, %add3A_61 : i32
    %run_scoped3A_63 = arith.constant 0 : i32
    "tpu.region"() ({
      %run_scoped3A_445 = tpu.sem_alloc : memref<!tpu.dma_semaphore, #tpu.memory_space<semaphore_mem>>
      %dma_start3A_446 = arith.constant 0 : i32
      %dma_start3A_447 = arith.constant 0 : i32
      %dma_start3A_448 = tpu.memref_slice %arg7[%run_scoped3A_63, %dma_start3A_446, %dma_start3A_447] : memref<3x64x128xf32, #tpu.memory_space<vmem>> -> memref<1x64x128xf32, #tpu.memory_space<vmem>>
      %dma_start3A_449 = tpu.memref_squeeze %dma_start3A_448 : memref<1x64x128xf32, #tpu.memory_space<vmem>> -> memref<64x128xf32, #tpu.memory_space<vmem>>
      %dma_start3A_450 = arith.constant 0 : i32
      %dma_start3A_451 = tpu.memref_slice %arg8[%add3A_62, %dma_start3A_450] : memref<10240x128xf32, #tpu.memory_space<vmem_shared>> -> memref<64x128xf32, #tpu.memory_space<vmem_shared>>
      %dma_start3A_452 = arith.constant 0 : i32
      %dma_start3A_453 = tpu.memref_slice %arg8[%add3A_62, %dma_start3A_452] : memref<10240x128xf32, #tpu.memory_space<vmem_shared>> -> memref<64x128xf32, #tpu.memory_space<vmem_shared>>
      %dma_start3A_454 = arith.constant 0 : i32
      %dma_start3A_455 = arith.constant 0 : i32
      %dma_start3A_456 = tpu.memref_slice %arg7[%run_scoped3A_63, %dma_start3A_454, %dma_start3A_455] : memref<3x64x128xf32, #tpu.memory_space<vmem>> -> memref<1x64x128xf32, #tpu.memory_space<vmem>>
      %dma_start3A_457 = tpu.memref_squeeze %dma_start3A_456 : memref<1x64x128xf32, #tpu.memory_space<vmem>> -> memref<64x128xf32, #tpu.memory_space<vmem>>
      tpu.enqueue_dma source(%dma_start3A_457 : memref<64x128xf32, #tpu.memory_space<vmem>>) target(%dma_start3A_453 : memref<64x128xf32, #tpu.memory_space<vmem_shared>>) target_semaphore(%run_scoped3A_445 : memref<!tpu.dma_semaphore, #tpu.memory_space<semaphore_mem>>)
      %dma_wait3A_458 = arith.constant 0 : i32
      %dma_wait3A_459 = arith.constant 0 : i32
      %dma_wait3A_460 = tpu.memref_slice %arg7[%run_scoped3A_63, %dma_wait3A_458, %dma_wait3A_459] : memref<3x64x128xf32, #tpu.memory_space<vmem>> -> memref<1x64x128xf32, #tpu.memory_space<vmem>>
      %dma_wait3A_461 = tpu.memref_squeeze %dma_wait3A_460 : memref<1x64x128xf32, #tpu.memory_space<vmem>> -> memref<64x128xf32, #tpu.memory_space<vmem>>
      %dma_wait3A_462 = arith.constant 0 : i32
      %dma_wait3A_463 = tpu.memref_slice %arg8[%add3A_62, %dma_wait3A_462] : memref<10240x128xf32, #tpu.memory_space<vmem_shared>> -> memref<64x128xf32, #tpu.memory_space<vmem_shared>>
      %dma_wait3A_464 = arith.constant 0 : i32
      %dma_wait3A_465 = tpu.memref_slice %arg8[%add3A_62, %dma_wait3A_464] : memref<10240x128xf32, #tpu.memory_space<vmem_shared>> -> memref<64x128xf32, #tpu.memory_space<vmem_shared>>
      %dma_wait3A_466 = arith.constant 0 : i32
      %dma_wait3A_467 = arith.constant 0 : i32
      %dma_wait3A_468 = tpu.memref_slice %arg7[%run_scoped3A_63, %dma_wait3A_466, %dma_wait3A_467] : memref<3x64x128xf32, #tpu.memory_space<vmem>> -> memref<1x64x128xf32, #tpu.memory_space<vmem>>
      %dma_wait3A_469 = tpu.memref_squeeze %dma_wait3A_468 : memref<1x64x128xf32, #tpu.memory_space<vmem>> -> memref<64x128xf32, #tpu.memory_space<vmem>>
      tpu.wait_dma2 semaphore(%run_scoped3A_445 : memref<!tpu.dma_semaphore, #tpu.memory_space<semaphore_mem>>) src(%dma_wait3A_469 : memref<64x128xf32, #tpu.memory_space<vmem>>) dst(%dma_wait3A_465 : memref<64x128xf32, #tpu.memory_space<vmem_shared>>)
      tpu.yield
    }) : () -> ()
    %dma_wait3A = tpu.memref_slice %arg3[%mul3A_2] : memref<327680xi32, #tpu.memory_space<hbm>> -> memref<5120xi32, #tpu.memory_space<hbm>>
    %dma_wait3A_64 = tpu.memref_slice %arg3[%mul3A_2] : memref<327680xi32, #tpu.memory_space<hbm>> -> memref<5120xi32, #tpu.memory_space<hbm>>
    tpu.wait_dma2 semaphore(%arg11 : memref<!tpu.dma_semaphore, #tpu.memory_space<semaphore_mem>>) src(%dma_wait3A_64 : memref<5120xi32, #tpu.memory_space<hbm>>) dst(%arg5 : memref<5120xi32, #tpu.memory_space<vmem>>)
    %dma_wait3A_65 = tpu.memref_slice %arg3[%add3A_5] : memref<327680xi32, #tpu.memory_space<hbm>> -> memref<5120xi32, #tpu.memory_space<hbm>>
    %dma_wait3A_66 = tpu.memref_slice %arg3[%add3A_5] : memref<327680xi32, #tpu.memory_space<hbm>> -> memref<5120xi32, #tpu.memory_space<hbm>>
    tpu.wait_dma2 semaphore(%arg11 : memref<!tpu.dma_semaphore, #tpu.memory_space<semaphore_mem>>) src(%dma_wait3A_66 : memref<5120xi32, #tpu.memory_space<hbm>>) dst(%arg6 : memref<5120xi32, #tpu.memory_space<vmem>>)
    %barrier3A = arith.constant 0 : index
    tpu.barrier barrier_id(%barrier3A)
    %dma_start3A_67 = arith.constant 0 : i32
    %dma_start3A_68 = arith.constant 0 : i32
    %dma_start3A_69 = arith.constant 0 : i32
    %dma_start3A_70 = arith.constant 0 : i32
    %dma_start3A_71 = tpu.memref_slice %arg7[%dma_start3A_67, %dma_start3A_69, %dma_start3A_70] : memref<3x64x128xf32, #tpu.memory_space<vmem>> -> memref<1x64x128xf32, #tpu.memory_space<vmem>>
    %dma_start3A_72 = tpu.memref_squeeze %dma_start3A_71 : memref<1x64x128xf32, #tpu.memory_space<vmem>> -> memref<64x128xf32, #tpu.memory_space<vmem>>
    %dma_start3A_73 = arith.constant 0 : i32
    %dma_start3A_74 = tpu.memref_slice %arg5[%dma_start3A_73] : memref<5120xi32, #tpu.memory_space<vmem>> -> memref<64xi32, #tpu.memory_space<vmem>>
    %dma_start3A_75 = arith.constant 0 : i32
    %dma_start3A_76 = arith.constant 0 : i32
    %dma_start3A_77 = tpu.memref_slice %arg2[%dma_start3A_75, %dma_start3A_76] : memref<10240x128xf32, #tpu.memory_space<hbm>> -> memref<10240x128xf32, #tpu.memory_space<hbm>>
    %dma_start3A_78 = tpu.memref_slice %arg9[%dma_start3A_68] : memref<3x!tpu.dma_semaphore, #tpu.memory_space<semaphore_mem>> -> memref<1x!tpu.dma_semaphore, #tpu.memory_space<semaphore_mem>>
    %dma_start3A_79 = tpu.memref_squeeze %dma_start3A_78 : memref<1x!tpu.dma_semaphore, #tpu.memory_space<semaphore_mem>> -> memref<!tpu.dma_semaphore, #tpu.memory_space<semaphore_mem>>
    tpu.enqueue_indirect_dma source(%dma_start3A_77 : memref<10240x128xf32, #tpu.memory_space<hbm>>) target(%dma_start3A_72 : memref<64x128xf32, #tpu.memory_space<vmem>>) offsets(%dma_start3A_74 : memref<64xi32, #tpu.memory_space<vmem>>) semaphore(%dma_start3A_79 : memref<!tpu.dma_semaphore, #tpu.memory_space<semaphore_mem>>)
    %dma_start3A_80 = arith.constant 1 : i32
    %dma_start3A_81 = arith.constant 1 : i32
    %dma_start3A_82 = arith.constant 0 : i32
    %dma_start3A_83 = arith.constant 0 : i32
    %dma_start3A_84 = tpu.memref_slice %arg7[%dma_start3A_80, %dma_start3A_82, %dma_start3A_83] : memref<3x64x128xf32, #tpu.memory_space<vmem>> -> memref<1x64x128xf32, #tpu.memory_space<vmem>>
    %dma_start3A_85 = tpu.memref_squeeze %dma_start3A_84 : memref<1x64x128xf32, #tpu.memory_space<vmem>> -> memref<64x128xf32, #tpu.memory_space<vmem>>
    %dma_start3A_86 = arith.constant 64 : i32
    %dma_start3A_87 = tpu.memref_slice %arg5[%dma_start3A_86] : memref<5120xi32, #tpu.memory_space<vmem>> -> memref<64xi32, #tpu.memory_space<vmem>>
    %dma_start3A_88 = arith.constant 0 : i32
    %dma_start3A_89 = arith.constant 0 : i32
    %dma_start3A_90 = tpu.memref_slice %arg2[%dma_start3A_88, %dma_start3A_89] : memref<10240x128xf32, #tpu.memory_space<hbm>> -> memref<10240x128xf32, #tpu.memory_space<hbm>>
    %dma_start3A_91 = tpu.memref_slice %arg9[%dma_start3A_81] : memref<3x!tpu.dma_semaphore, #tpu.memory_space<semaphore_mem>> -> memref<1x!tpu.dma_semaphore, #tpu.memory_space<semaphore_mem>>
    %dma_start3A_92 = tpu.memref_squeeze %dma_start3A_91 : memref<1x!tpu.dma_semaphore, #tpu.memory_space<semaphore_mem>> -> memref<!tpu.dma_semaphore, #tpu.memory_space<semaphore_mem>>
    tpu.enqueue_indirect_dma source(%dma_start3A_90 : memref<10240x128xf32, #tpu.memory_space<hbm>>) target(%dma_start3A_85 : memref<64x128xf32, #tpu.memory_space<vmem>>) offsets(%dma_start3A_87 : memref<64xi32, #tpu.memory_space<vmem>>) semaphore(%dma_start3A_92 : memref<!tpu.dma_semaphore, #tpu.memory_space<semaphore_mem>>)
    %dma_wait3A_93 = arith.constant 0 : i32
    %dma_wait3A_94 = arith.constant 0 : i32
    %dma_wait3A_95 = arith.constant 0 : i32
    %dma_wait3A_96 = arith.constant 0 : i32
    %dma_wait3A_97 = tpu.memref_slice %arg7[%dma_wait3A_93, %dma_wait3A_95, %dma_wait3A_96] : memref<3x64x128xf32, #tpu.memory_space<vmem>> -> memref<1x64x128xf32, #tpu.memory_space<vmem>>
    %dma_wait3A_98 = tpu.memref_squeeze %dma_wait3A_97 : memref<1x64x128xf32, #tpu.memory_space<vmem>> -> memref<64x128xf32, #tpu.memory_space<vmem>>
    %dma_wait3A_99 = arith.constant 0 : i32
    %dma_wait3A_100 = arith.constant 0 : i32
    %dma_wait3A_101 = tpu.memref_slice %arg2[%dma_wait3A_99, %dma_wait3A_100] : memref<10240x128xf32, #tpu.memory_space<hbm>> -> memref<64x128xf32, #tpu.memory_space<hbm>>
    %dma_wait3A_102 = tpu.memref_slice %arg9[%dma_wait3A_94] : memref<3x!tpu.dma_semaphore, #tpu.memory_space<semaphore_mem>> -> memref<1x!tpu.dma_semaphore, #tpu.memory_space<semaphore_mem>>
    %dma_wait3A_103 = tpu.memref_squeeze %dma_wait3A_102 : memref<1x!tpu.dma_semaphore, #tpu.memory_space<semaphore_mem>> -> memref<!tpu.dma_semaphore, #tpu.memory_space<semaphore_mem>>
    %dma_wait3A_104 = arith.constant 0 : i32
    %dma_wait3A_105 = arith.constant 0 : i32
    %dma_wait3A_106 = tpu.memref_slice %arg7[%dma_wait3A_93, %dma_wait3A_104, %dma_wait3A_105] : memref<3x64x128xf32, #tpu.memory_space<vmem>> -> memref<1x64x128xf32, #tpu.memory_space<vmem>>
    %dma_wait3A_107 = tpu.memref_squeeze %dma_wait3A_106 : memref<1x64x128xf32, #tpu.memory_space<vmem>> -> memref<64x128xf32, #tpu.memory_space<vmem>>
    %dma_wait3A_108 = arith.constant 0 : i32
    %dma_wait3A_109 = arith.constant 0 : i32
    %dma_wait3A_110 = tpu.memref_slice %arg2[%dma_wait3A_108, %dma_wait3A_109] : memref<10240x128xf32, #tpu.memory_space<hbm>> -> memref<64x128xf32, #tpu.memory_space<hbm>>
    tpu.wait_dma2 semaphore(%dma_wait3A_103 : memref<!tpu.dma_semaphore, #tpu.memory_space<semaphore_mem>>) src(%dma_wait3A_110 : memref<64x128xf32, #tpu.memory_space<hbm>>) dst(%dma_wait3A_107 : memref<64x128xf32, #tpu.memory_space<vmem>>)
    %dma_start3A_111 = arith.constant 0 : i32
    %dma_start3A_112 = arith.constant 0 : i32
    %dma_start3A_113 = arith.constant 0 : i32
    %dma_start3A_114 = arith.constant 0 : i32
    %dma_start3A_115 = tpu.memref_slice %arg7[%dma_start3A_111, %dma_start3A_113, %dma_start3A_114] : memref<3x64x128xf32, #tpu.memory_space<vmem>> -> memref<1x64x128xf32, #tpu.memory_space<vmem>>
    %dma_start3A_116 = tpu.memref_squeeze %dma_start3A_115 : memref<1x64x128xf32, #tpu.memory_space<vmem>> -> memref<64x128xf32, #tpu.memory_space<vmem>>
    %dma_start3A_117 = arith.constant 0 : i32
    %dma_start3A_118 = tpu.memref_slice %arg6[%dma_start3A_117] : memref<5120xi32, #tpu.memory_space<vmem>> -> memref<64xi32, #tpu.memory_space<vmem>>
    %dma_start3A_119 = arith.constant 0 : i32
    %dma_start3A_120 = arith.constant 0 : i32
    %dma_start3A_121 = tpu.memref_slice %arg8[%dma_start3A_119, %dma_start3A_120] : memref<10240x128xf32, #tpu.memory_space<vmem_shared>> -> memref<10240x128xf32, #tpu.memory_space<vmem_shared>>
    %dma_start3A_122 = tpu.memref_slice %arg10[%dma_start3A_112] : memref<3x!tpu.dma_semaphore, #tpu.memory_space<semaphore_mem>> -> memref<1x!tpu.dma_semaphore, #tpu.memory_space<semaphore_mem>>
    %dma_start3A_123 = tpu.memref_squeeze %dma_start3A_122 : memref<1x!tpu.dma_semaphore, #tpu.memory_space<semaphore_mem>> -> memref<!tpu.dma_semaphore, #tpu.memory_space<semaphore_mem>>
    tpu.enqueue_indirect_dma source(%dma_start3A_116 : memref<64x128xf32, #tpu.memory_space<vmem>>) target(%dma_start3A_121 : memref<10240x128xf32, #tpu.memory_space<vmem_shared>>) offsets(%dma_start3A_118 : memref<64xi32, #tpu.memory_space<vmem>>) semaphore(%dma_start3A_123 : memref<!tpu.dma_semaphore, #tpu.memory_space<semaphore_mem>>) {add = true}
    %dma_start3A_124 = arith.constant 2 : i32
    %dma_start3A_125 = arith.constant 2 : i32
    %dma_start3A_126 = arith.constant 0 : i32
    %dma_start3A_127 = arith.constant 0 : i32
    %dma_start3A_128 = tpu.memref_slice %arg7[%dma_start3A_124, %dma_start3A_126, %dma_start3A_127] : memref<3x64x128xf32, #tpu.memory_space<vmem>> -> memref<1x64x128xf32, #tpu.memory_space<vmem>>
    %dma_start3A_129 = tpu.memref_squeeze %dma_start3A_128 : memref<1x64x128xf32, #tpu.memory_space<vmem>> -> memref<64x128xf32, #tpu.memory_space<vmem>>
    %dma_start3A_130 = arith.constant 128 : i32
    %dma_start3A_131 = tpu.memref_slice %arg5[%dma_start3A_130] : memref<5120xi32, #tpu.memory_space<vmem>> -> memref<64xi32, #tpu.memory_space<vmem>>
    %dma_start3A_132 = arith.constant 0 : i32
    %dma_start3A_133 = arith.constant 0 : i32
    %dma_start3A_134 = tpu.memref_slice %arg2[%dma_start3A_132, %dma_start3A_133] : memref<10240x128xf32, #tpu.memory_space<hbm>> -> memref<10240x128xf32, #tpu.memory_space<hbm>>
    %dma_start3A_135 = tpu.memref_slice %arg9[%dma_start3A_125] : memref<3x!tpu.dma_semaphore, #tpu.memory_space<semaphore_mem>> -> memref<1x!tpu.dma_semaphore, #tpu.memory_space<semaphore_mem>>
    %dma_start3A_136 = tpu.memref_squeeze %dma_start3A_135 : memref<1x!tpu.dma_semaphore, #tpu.memory_space<semaphore_mem>> -> memref<!tpu.dma_semaphore, #tpu.memory_space<semaphore_mem>>
    tpu.enqueue_indirect_dma source(%dma_start3A_134 : memref<10240x128xf32, #tpu.memory_space<hbm>>) target(%dma_start3A_129 : memref<64x128xf32, #tpu.memory_space<vmem>>) offsets(%dma_start3A_131 : memref<64xi32, #tpu.memory_space<vmem>>) semaphore(%dma_start3A_136 : memref<!tpu.dma_semaphore, #tpu.memory_space<semaphore_mem>>)
    %dma_wait3A_137 = arith.constant 1 : i32
    %dma_wait3A_138 = arith.constant 1 : i32
    %dma_wait3A_139 = arith.constant 0 : i32
    %dma_wait3A_140 = arith.constant 0 : i32
    %dma_wait3A_141 = tpu.memref_slice %arg7[%dma_wait3A_137, %dma_wait3A_139, %dma_wait3A_140] : memref<3x64x128xf32, #tpu.memory_space<vmem>> -> memref<1x64x128xf32, #tpu.memory_space<vmem>>
    %dma_wait3A_142 = tpu.memref_squeeze %dma_wait3A_141 : memref<1x64x128xf32, #tpu.memory_space<vmem>> -> memref<64x128xf32, #tpu.memory_space<vmem>>
    %dma_wait3A_143 = arith.constant 0 : i32
    %dma_wait3A_144 = arith.constant 0 : i32
    %dma_wait3A_145 = tpu.memref_slice %arg2[%dma_wait3A_143, %dma_wait3A_144] : memref<10240x128xf32, #tpu.memory_space<hbm>> -> memref<64x128xf32, #tpu.memory_space<hbm>>
    %dma_wait3A_146 = tpu.memref_slice %arg9[%dma_wait3A_138] : memref<3x!tpu.dma_semaphore, #tpu.memory_space<semaphore_mem>> -> memref<1x!tpu.dma_semaphore, #tpu.memory_space<semaphore_mem>>
    %dma_wait3A_147 = tpu.memref_squeeze %dma_wait3A_146 : memref<1x!tpu.dma_semaphore, #tpu.memory_space<semaphore_mem>> -> memref<!tpu.dma_semaphore, #tpu.memory_space<semaphore_mem>>
    %dma_wait3A_148 = arith.constant 0 : i32
    %dma_wait3A_149 = arith.constant 0 : i32
    %dma_wait3A_150 = tpu.memref_slice %arg7[%dma_wait3A_137, %dma_wait3A_148, %dma_wait3A_149] : memref<3x64x128xf32, #tpu.memory_space<vmem>> -> memref<1x64x128xf32, #tpu.memory_space<vmem>>
    %dma_wait3A_151 = tpu.memref_squeeze %dma_wait3A_150 : memref<1x64x128xf32, #tpu.memory_space<vmem>> -> memref<64x128xf32, #tpu.memory_space<vmem>>
    %dma_wait3A_152 = arith.constant 0 : i32
    %dma_wait3A_153 = arith.constant 0 : i32
    %dma_wait3A_154 = tpu.memref_slice %arg2[%dma_wait3A_152, %dma_wait3A_153] : memref<10240x128xf32, #tpu.memory_space<hbm>> -> memref<64x128xf32, #tpu.memory_space<hbm>>
    tpu.wait_dma2 semaphore(%dma_wait3A_147 : memref<!tpu.dma_semaphore, #tpu.memory_space<semaphore_mem>>) src(%dma_wait3A_154 : memref<64x128xf32, #tpu.memory_space<hbm>>) dst(%dma_wait3A_151 : memref<64x128xf32, #tpu.memory_space<vmem>>)
    %dma_start3A_155 = arith.constant 1 : i32
    %dma_start3A_156 = arith.constant 1 : i32
    %dma_start3A_157 = arith.constant 0 : i32
    %dma_start3A_158 = arith.constant 0 : i32
    %dma_start3A_159 = tpu.memref_slice %arg7[%dma_start3A_155, %dma_start3A_157, %dma_start3A_158] : memref<3x64x128xf32, #tpu.memory_space<vmem>> -> memref<1x64x128xf32, #tpu.memory_space<vmem>>
    %dma_start3A_160 = tpu.memref_squeeze %dma_start3A_159 : memref<1x64x128xf32, #tpu.memory_space<vmem>> -> memref<64x128xf32, #tpu.memory_space<vmem>>
    %dma_start3A_161 = arith.constant 64 : i32
    %dma_start3A_162 = tpu.memref_slice %arg6[%dma_start3A_161] : memref<5120xi32, #tpu.memory_space<vmem>> -> memref<64xi32, #tpu.memory_space<vmem>>
    %dma_start3A_163 = arith.constant 0 : i32
    %dma_start3A_164 = arith.constant 0 : i32
    %dma_start3A_165 = tpu.memref_slice %arg8[%dma_start3A_163, %dma_start3A_164] : memref<10240x128xf32, #tpu.memory_space<vmem_shared>> -> memref<10240x128xf32, #tpu.memory_space<vmem_shared>>
    %dma_start3A_166 = tpu.memref_slice %arg10[%dma_start3A_156] : memref<3x!tpu.dma_semaphore, #tpu.memory_space<semaphore_mem>> -> memref<1x!tpu.dma_semaphore, #tpu.memory_space<semaphore_mem>>
    %dma_start3A_167 = tpu.memref_squeeze %dma_start3A_166 : memref<1x!tpu.dma_semaphore, #tpu.memory_space<semaphore_mem>> -> memref<!tpu.dma_semaphore, #tpu.memory_space<semaphore_mem>>
    tpu.enqueue_indirect_dma source(%dma_start3A_160 : memref<64x128xf32, #tpu.memory_space<vmem>>) target(%dma_start3A_165 : memref<10240x128xf32, #tpu.memory_space<vmem_shared>>) offsets(%dma_start3A_162 : memref<64xi32, #tpu.memory_space<vmem>>) semaphore(%dma_start3A_167 : memref<!tpu.dma_semaphore, #tpu.memory_space<semaphore_mem>>) {add = true}
    %dma_wait3A_168 = arith.constant 0 : i32
    %dma_wait3A_169 = arith.constant 0 : i32
    %dma_wait3A_170 = arith.constant 0 : i32
    %dma_wait3A_171 = arith.constant 0 : i32
    %dma_wait3A_172 = tpu.memref_slice %arg7[%dma_wait3A_168, %dma_wait3A_170, %dma_wait3A_171] : memref<3x64x128xf32, #tpu.memory_space<vmem>> -> memref<1x64x128xf32, #tpu.memory_space<vmem>>
    %dma_wait3A_173 = tpu.memref_squeeze %dma_wait3A_172 : memref<1x64x128xf32, #tpu.memory_space<vmem>> -> memref<64x128xf32, #tpu.memory_space<vmem>>
    %dma_wait3A_174 = arith.constant 0 : i32
    %dma_wait3A_175 = arith.constant 0 : i32
    %dma_wait3A_176 = tpu.memref_slice %arg8[%dma_wait3A_174, %dma_wait3A_175] : memref<10240x128xf32, #tpu.memory_space<vmem_shared>> -> memref<64x128xf32, #tpu.memory_space<vmem_shared>>
    %dma_wait3A_177 = tpu.memref_slice %arg10[%dma_wait3A_169] : memref<3x!tpu.dma_semaphore, #tpu.memory_space<semaphore_mem>> -> memref<1x!tpu.dma_semaphore, #tpu.memory_space<semaphore_mem>>
    %dma_wait3A_178 = tpu.memref_squeeze %dma_wait3A_177 : memref<1x!tpu.dma_semaphore, #tpu.memory_space<semaphore_mem>> -> memref<!tpu.dma_semaphore, #tpu.memory_space<semaphore_mem>>
    %dma_wait3A_179 = arith.constant 0 : i32
    %dma_wait3A_180 = arith.constant 0 : i32
    %dma_wait3A_181 = tpu.memref_slice %arg8[%dma_wait3A_179, %dma_wait3A_180] : memref<10240x128xf32, #tpu.memory_space<vmem_shared>> -> memref<64x128xf32, #tpu.memory_space<vmem_shared>>
    %dma_wait3A_182 = arith.constant 0 : i32
    %dma_wait3A_183 = arith.constant 0 : i32
    %dma_wait3A_184 = tpu.memref_slice %arg7[%dma_wait3A_168, %dma_wait3A_182, %dma_wait3A_183] : memref<3x64x128xf32, #tpu.memory_space<vmem>> -> memref<1x64x128xf32, #tpu.memory_space<vmem>>
    %dma_wait3A_185 = tpu.memref_squeeze %dma_wait3A_184 : memref<1x64x128xf32, #tpu.memory_space<vmem>> -> memref<64x128xf32, #tpu.memory_space<vmem>>
    tpu.wait_dma2 semaphore(%dma_wait3A_178 : memref<!tpu.dma_semaphore, #tpu.memory_space<semaphore_mem>>) src(%dma_wait3A_185 : memref<64x128xf32, #tpu.memory_space<vmem>>) dst(%dma_wait3A_181 : memref<64x128xf32, #tpu.memory_space<vmem_shared>>)
    %dma_start3A_186 = arith.constant 0 : i32
    %dma_start3A_187 = arith.constant 0 : i32
    %dma_start3A_188 = arith.constant 0 : i32
    %dma_start3A_189 = arith.constant 0 : i32
    %dma_start3A_190 = tpu.memref_slice %arg7[%dma_start3A_186, %dma_start3A_188, %dma_start3A_189] : memref<3x64x128xf32, #tpu.memory_space<vmem>> -> memref<1x64x128xf32, #tpu.memory_space<vmem>>
    %dma_start3A_191 = tpu.memref_squeeze %dma_start3A_190 : memref<1x64x128xf32, #tpu.memory_space<vmem>> -> memref<64x128xf32, #tpu.memory_space<vmem>>
    %dma_start3A_192 = arith.constant 192 : i32
    %dma_start3A_193 = tpu.memref_slice %arg5[%dma_start3A_192] : memref<5120xi32, #tpu.memory_space<vmem>> -> memref<64xi32, #tpu.memory_space<vmem>>
    %dma_start3A_194 = arith.constant 0 : i32
    %dma_start3A_195 = arith.constant 0 : i32
    %dma_start3A_196 = tpu.memref_slice %arg2[%dma_start3A_194, %dma_start3A_195] : memref<10240x128xf32, #tpu.memory_space<hbm>> -> memref<10240x128xf32, #tpu.memory_space<hbm>>
    %dma_start3A_197 = tpu.memref_slice %arg9[%dma_start3A_187] : memref<3x!tpu.dma_semaphore, #tpu.memory_space<semaphore_mem>> -> memref<1x!tpu.dma_semaphore, #tpu.memory_space<semaphore_mem>>
    %dma_start3A_198 = tpu.memref_squeeze %dma_start3A_197 : memref<1x!tpu.dma_semaphore, #tpu.memory_space<semaphore_mem>> -> memref<!tpu.dma_semaphore, #tpu.memory_space<semaphore_mem>>
    tpu.enqueue_indirect_dma source(%dma_start3A_196 : memref<10240x128xf32, #tpu.memory_space<hbm>>) target(%dma_start3A_191 : memref<64x128xf32, #tpu.memory_space<vmem>>) offsets(%dma_start3A_193 : memref<64xi32, #tpu.memory_space<vmem>>) semaphore(%dma_start3A_198 : memref<!tpu.dma_semaphore, #tpu.memory_space<semaphore_mem>>)
    %scan3A_199 = arith.constant 0 : i32
    %scan3A_200 = arith.constant 0 : i32
    %scan3A_201 = arith.constant 25 : i32
    %scan3A_202 = arith.addi %scan3A_200, %scan3A_201 : i32
    %scan3A_203 = arith.constant 1 : i32
    %scan3A_204 = scf.for %scan3A_445 = %scan3A_200 to %scan3A_202 step %scan3A_203 iter_args(%scan3A_446 = %scan3A_199) -> (i32)  : i32 {
      %mul3A_447 = arith.constant 3 : i32
      %mul3A_448 = arith.muli %scan3A_445, %mul3A_447 : i32
      %add3A_449 = arith.constant 2 : i32
      %add3A_450 = arith.addi %add3A_449, %mul3A_448 : i32
      %add3A_451 = arith.constant 0 : i32
      %add3A_452 = arith.addi %add3A_450, %add3A_451 : i32
      %dma_wait3A_453 = arith.constant 2 : i32
      %dma_wait3A_454 = arith.constant 2 : i32
      %dma_wait3A_455 = arith.constant 0 : i32
      %dma_wait3A_456 = arith.constant 0 : i32
      %dma_wait3A_457 = tpu.memref_slice %arg7[%dma_wait3A_453, %dma_wait3A_455, %dma_wait3A_456] : memref<3x64x128xf32, #tpu.memory_space<vmem>> -> memref<1x64x128xf32, #tpu.memory_space<vmem>>
      %dma_wait3A_458 = tpu.memref_squeeze %dma_wait3A_457 : memref<1x64x128xf32, #tpu.memory_space<vmem>> -> memref<64x128xf32, #tpu.memory_space<vmem>>
      %dma_wait3A_459 = arith.constant 0 : i32
      %dma_wait3A_460 = arith.constant 0 : i32
      %dma_wait3A_461 = tpu.memref_slice %arg2[%dma_wait3A_459, %dma_wait3A_460] : memref<10240x128xf32, #tpu.memory_space<hbm>> -> memref<64x128xf32, #tpu.memory_space<hbm>>
      %dma_wait3A_462 = tpu.memref_slice %arg9[%dma_wait3A_454] : memref<3x!tpu.dma_semaphore, #tpu.memory_space<semaphore_mem>> -> memref<1x!tpu.dma_semaphore, #tpu.memory_space<semaphore_mem>>
      %dma_wait3A_463 = tpu.memref_squeeze %dma_wait3A_462 : memref<1x!tpu.dma_semaphore, #tpu.memory_space<semaphore_mem>> -> memref<!tpu.dma_semaphore, #tpu.memory_space<semaphore_mem>>
      %dma_wait3A_464 = arith.constant 0 : i32
      %dma_wait3A_465 = arith.constant 0 : i32
      %dma_wait3A_466 = tpu.memref_slice %arg7[%dma_wait3A_453, %dma_wait3A_464, %dma_wait3A_465] : memref<3x64x128xf32, #tpu.memory_space<vmem>> -> memref<1x64x128xf32, #tpu.memory_space<vmem>>
      %dma_wait3A_467 = tpu.memref_squeeze %dma_wait3A_466 : memref<1x64x128xf32, #tpu.memory_space<vmem>> -> memref<64x128xf32, #tpu.memory_space<vmem>>
      %dma_wait3A_468 = arith.constant 0 : i32
      %dma_wait3A_469 = arith.constant 0 : i32
      %dma_wait3A_470 = tpu.memref_slice %arg2[%dma_wait3A_468, %dma_wait3A_469] : memref<10240x128xf32, #tpu.memory_space<hbm>> -> memref<64x128xf32, #tpu.memory_space<hbm>>
      tpu.wait_dma2 semaphore(%dma_wait3A_463 : memref<!tpu.dma_semaphore, #tpu.memory_space<semaphore_mem>>) src(%dma_wait3A_470 : memref<64x128xf32, #tpu.memory_space<hbm>>) dst(%dma_wait3A_467 : memref<64x128xf32, #tpu.memory_space<vmem>>)
      %mul3A_471 = arith.constant 64 : i32
      %mul3A_472 = arith.muli %add3A_452, %mul3A_471 : i32
      %dma_start3A_473 = arith.constant 2 : i32
      %dma_start3A_474 = arith.constant 2 : i32
      %dma_start3A_475 = arith.constant 0 : i32
      %dma_start3A_476 = arith.constant 0 : i32
      %dma_start3A_477 = tpu.memref_slice %arg7[%dma_start3A_473, %dma_start3A_475, %dma_start3A_476] : memref<3x64x128xf32, #tpu.memory_space<vmem>> -> memref<1x64x128xf32, #tpu.memory_space<vmem>>
      %dma_start3A_478 = tpu.memref_squeeze %dma_start3A_477 : memref<1x64x128xf32, #tpu.memory_space<vmem>> -> memref<64x128xf32, #tpu.memory_space<vmem>>
      %dma_start3A_479 = tpu.memref_slice %arg6[%mul3A_472] : memref<5120xi32, #tpu.memory_space<vmem>> -> memref<64xi32, #tpu.memory_space<vmem>>
      %dma_start3A_480 = arith.constant 0 : i32
      %dma_start3A_481 = arith.constant 0 : i32
      %dma_start3A_482 = tpu.memref_slice %arg8[%dma_start3A_480, %dma_start3A_481] : memref<10240x128xf32, #tpu.memory_space<vmem_shared>> -> memref<10240x128xf32, #tpu.memory_space<vmem_shared>>
      %dma_start3A_483 = tpu.memref_slice %arg10[%dma_start3A_474] : memref<3x!tpu.dma_semaphore, #tpu.memory_space<semaphore_mem>> -> memref<1x!tpu.dma_semaphore, #tpu.memory_space<semaphore_mem>>
      %dma_start3A_484 = tpu.memref_squeeze %dma_start3A_483 : memref<1x!tpu.dma_semaphore, #tpu.memory_space<semaphore_mem>> -> memref<!tpu.dma_semaphore, #tpu.memory_space<semaphore_mem>>
      tpu.enqueue_indirect_dma source(%dma_start3A_478 : memref<64x128xf32, #tpu.memory_space<vmem>>) target(%dma_start3A_482 : memref<10240x128xf32, #tpu.memory_space<vmem_shared>>) offsets(%dma_start3A_479 : memref<64xi32, #tpu.memory_space<vmem>>) semaphore(%dma_start3A_484 : memref<!tpu.dma_semaphore, #tpu.memory_space<semaphore_mem>>) {add = true}
      %dma_wait3A_485 = arith.constant 1 : i32
      %dma_wait3A_486 = arith.constant 1 : i32
      %dma_wait3A_487 = arith.constant 0 : i32
      %dma_wait3A_488 = arith.constant 0 : i32
      %dma_wait3A_489 = tpu.memref_slice %arg7[%dma_wait3A_485, %dma_wait3A_487, %dma_wait3A_488] : memref<3x64x128xf32, #tpu.memory_space<vmem>> -> memref<1x64x128xf32, #tpu.memory_space<vmem>>
      %dma_wait3A_490 = tpu.memref_squeeze %dma_wait3A_489 : memref<1x64x128xf32, #tpu.memory_space<vmem>> -> memref<64x128xf32, #tpu.memory_space<vmem>>
      %dma_wait3A_491 = arith.constant 0 : i32
      %dma_wait3A_492 = arith.constant 0 : i32
      %dma_wait3A_493 = tpu.memref_slice %arg8[%dma_wait3A_491, %dma_wait3A_492] : memref<10240x128xf32, #tpu.memory_space<vmem_shared>> -> memref<64x128xf32, #tpu.memory_space<vmem_shared>>
      %dma_wait3A_494 = tpu.memref_slice %arg10[%dma_wait3A_486] : memref<3x!tpu.dma_semaphore, #tpu.memory_space<semaphore_mem>> -> memref<1x!tpu.dma_semaphore, #tpu.memory_space<semaphore_mem>>
      %dma_wait3A_495 = tpu.memref_squeeze %dma_wait3A_494 : memref<1x!tpu.dma_semaphore, #tpu.memory_space<semaphore_mem>> -> memref<!tpu.dma_semaphore, #tpu.memory_space<semaphore_mem>>
      %dma_wait3A_496 = arith.constant 0 : i32
      %dma_wait3A_497 = arith.constant 0 : i32
      %dma_wait3A_498 = tpu.memref_slice %arg8[%dma_wait3A_496, %dma_wait3A_497] : memref<10240x128xf32, #tpu.memory_space<vmem_shared>> -> memref<64x128xf32, #tpu.memory_space<vmem_shared>>
      %dma_wait3A_499 = arith.constant 0 : i32
      %dma_wait3A_500 = arith.constant 0 : i32
      %dma_wait3A_501 = tpu.memref_slice %arg7[%dma_wait3A_485, %dma_wait3A_499, %dma_wait3A_500] : memref<3x64x128xf32, #tpu.memory_space<vmem>> -> memref<1x64x128xf32, #tpu.memory_space<vmem>>
      %dma_wait3A_502 = tpu.memref_squeeze %dma_wait3A_501 : memref<1x64x128xf32, #tpu.memory_space<vmem>> -> memref<64x128xf32, #tpu.memory_space<vmem>>
      tpu.wait_dma2 semaphore(%dma_wait3A_495 : memref<!tpu.dma_semaphore, #tpu.memory_space<semaphore_mem>>) src(%dma_wait3A_502 : memref<64x128xf32, #tpu.memory_space<vmem>>) dst(%dma_wait3A_498 : memref<64x128xf32, #tpu.memory_space<vmem_shared>>)
      %add3A_503 = arith.constant 2 : i32
      %add3A_504 = arith.addi %add3A_452, %add3A_503 : i32
      %mul3A_505 = arith.constant 64 : i32
      %mul3A_506 = arith.muli %add3A_504, %mul3A_505 : i32
      %dma_start3A_507 = arith.constant 1 : i32
      %dma_start3A_508 = arith.constant 1 : i32
      %dma_start3A_509 = arith.constant 0 : i32
      %dma_start3A_510 = arith.constant 0 : i32
      %dma_start3A_511 = tpu.memref_slice %arg7[%dma_start3A_507, %dma_start3A_509, %dma_start3A_510] : memref<3x64x128xf32, #tpu.memory_space<vmem>> -> memref<1x64x128xf32, #tpu.memory_space<vmem>>
      %dma_start3A_512 = tpu.memref_squeeze %dma_start3A_511 : memref<1x64x128xf32, #tpu.memory_space<vmem>> -> memref<64x128xf32, #tpu.memory_space<vmem>>
      %dma_start3A_513 = tpu.memref_slice %arg5[%mul3A_506] : memref<5120xi32, #tpu.memory_space<vmem>> -> memref<64xi32, #tpu.memory_space<vmem>>
      %dma_start3A_514 = arith.constant 0 : i32
      %dma_start3A_515 = arith.constant 0 : i32
      %dma_start3A_516 = tpu.memref_slice %arg2[%dma_start3A_514, %dma_start3A_515] : memref<10240x128xf32, #tpu.memory_space<hbm>> -> memref<10240x128xf32, #tpu.memory_space<hbm>>
      %dma_start3A_517 = tpu.memref_slice %arg9[%dma_start3A_508] : memref<3x!tpu.dma_semaphore, #tpu.memory_space<semaphore_mem>> -> memref<1x!tpu.dma_semaphore, #tpu.memory_space<semaphore_mem>>
      %dma_start3A_518 = tpu.memref_squeeze %dma_start3A_517 : memref<1x!tpu.dma_semaphore, #tpu.memory_space<semaphore_mem>> -> memref<!tpu.dma_semaphore, #tpu.memory_space<semaphore_mem>>
      tpu.enqueue_indirect_dma source(%dma_start3A_516 : memref<10240x128xf32, #tpu.memory_space<hbm>>) target(%dma_start3A_512 : memref<64x128xf32, #tpu.memory_space<vmem>>) offsets(%dma_start3A_513 : memref<64xi32, #tpu.memory_space<vmem>>) semaphore(%dma_start3A_518 : memref<!tpu.dma_semaphore, #tpu.memory_space<semaphore_mem>>)
      %mul3A_519 = arith.constant 3 : i32
      %mul3A_520 = arith.muli %scan3A_445, %mul3A_519 : i32
      %add3A_521 = arith.constant 2 : i32
      %add3A_522 = arith.addi %add3A_521, %mul3A_520 : i32
      %add3A_523 = arith.constant 1 : i32
      %add3A_524 = arith.addi %add3A_522, %add3A_523 : i32
      %dma_wait3A_525 = arith.constant 0 : i32
      %dma_wait3A_526 = arith.constant 0 : i32
      %dma_wait3A_527 = arith.constant 0 : i32
      %dma_wait3A_528 = arith.constant 0 : i32
      %dma_wait3A_529 = tpu.memref_slice %arg7[%dma_wait3A_525, %dma_wait3A_527, %dma_wait3A_528] : memref<3x64x128xf32, #tpu.memory_space<vmem>> -> memref<1x64x128xf32, #tpu.memory_space<vmem>>
      %dma_wait3A_530 = tpu.memref_squeeze %dma_wait3A_529 : memref<1x64x128xf32, #tpu.memory_space<vmem>> -> memref<64x128xf32, #tpu.memory_space<vmem>>
      %dma_wait3A_531 = arith.constant 0 : i32
      %dma_wait3A_532 = arith.constant 0 : i32
      %dma_wait3A_533 = tpu.memref_slice %arg2[%dma_wait3A_531, %dma_wait3A_532] : memref<10240x128xf32, #tpu.memory_space<hbm>> -> memref<64x128xf32, #tpu.memory_space<hbm>>
      %dma_wait3A_534 = tpu.memref_slice %arg9[%dma_wait3A_526] : memref<3x!tpu.dma_semaphore, #tpu.memory_space<semaphore_mem>> -> memref<1x!tpu.dma_semaphore, #tpu.memory_space<semaphore_mem>>
      %dma_wait3A_535 = tpu.memref_squeeze %dma_wait3A_534 : memref<1x!tpu.dma_semaphore, #tpu.memory_space<semaphore_mem>> -> memref<!tpu.dma_semaphore, #tpu.memory_space<semaphore_mem>>
      %dma_wait3A_536 = arith.constant 0 : i32
      %dma_wait3A_537 = arith.constant 0 : i32
      %dma_wait3A_538 = tpu.memref_slice %arg7[%dma_wait3A_525, %dma_wait3A_536, %dma_wait3A_537] : memref<3x64x128xf32, #tpu.memory_space<vmem>> -> memref<1x64x128xf32, #tpu.memory_space<vmem>>
      %dma_wait3A_539 = tpu.memref_squeeze %dma_wait3A_538 : memref<1x64x128xf32, #tpu.memory_space<vmem>> -> memref<64x128xf32, #tpu.memory_space<vmem>>
      %dma_wait3A_540 = arith.constant 0 : i32
      %dma_wait3A_541 = arith.constant 0 : i32
      %dma_wait3A_542 = tpu.memref_slice %arg2[%dma_wait3A_540, %dma_wait3A_541] : memref<10240x128xf32, #tpu.memory_space<hbm>> -> memref<64x128xf32, #tpu.memory_space<hbm>>
      tpu.wait_dma2 semaphore(%dma_wait3A_535 : memref<!tpu.dma_semaphore, #tpu.memory_space<semaphore_mem>>) src(%dma_wait3A_542 : memref<64x128xf32, #tpu.memory_space<hbm>>) dst(%dma_wait3A_539 : memref<64x128xf32, #tpu.memory_space<vmem>>)
      %mul3A_543 = arith.constant 64 : i32
      %mul3A_544 = arith.muli %add3A_524, %mul3A_543 : i32
      %dma_start3A_545 = arith.constant 0 : i32
      %dma_start3A_546 = arith.constant 0 : i32
      %dma_start3A_547 = arith.constant 0 : i32
      %dma_start3A_548 = arith.constant 0 : i32
      %dma_start3A_549 = tpu.memref_slice %arg7[%dma_start3A_545, %dma_start3A_547, %dma_start3A_548] : memref<3x64x128xf32, #tpu.memory_space<vmem>> -> memref<1x64x128xf32, #tpu.memory_space<vmem>>
      %dma_start3A_550 = tpu.memref_squeeze %dma_start3A_549 : memref<1x64x128xf32, #tpu.memory_space<vmem>> -> memref<64x128xf32, #tpu.memory_space<vmem>>
      %dma_start3A_551 = tpu.memref_slice %arg6[%mul3A_544] : memref<5120xi32, #tpu.memory_space<vmem>> -> memref<64xi32, #tpu.memory_space<vmem>>
      %dma_start3A_552 = arith.constant 0 : i32
      %dma_start3A_553 = arith.constant 0 : i32
      %dma_start3A_554 = tpu.memref_slice %arg8[%dma_start3A_552, %dma_start3A_553] : memref<10240x128xf32, #tpu.memory_space<vmem_shared>> -> memref<10240x128xf32, #tpu.memory_space<vmem_shared>>
      %dma_start3A_555 = tpu.memref_slice %arg10[%dma_start3A_546] : memref<3x!tpu.dma_semaphore, #tpu.memory_space<semaphore_mem>> -> memref<1x!tpu.dma_semaphore, #tpu.memory_space<semaphore_mem>>
      %dma_start3A_556 = tpu.memref_squeeze %dma_start3A_555 : memref<1x!tpu.dma_semaphore, #tpu.memory_space<semaphore_mem>> -> memref<!tpu.dma_semaphore, #tpu.memory_space<semaphore_mem>>
      tpu.enqueue_indirect_dma source(%dma_start3A_550 : memref<64x128xf32, #tpu.memory_space<vmem>>) target(%dma_start3A_554 : memref<10240x128xf32, #tpu.memory_space<vmem_shared>>) offsets(%dma_start3A_551 : memref<64xi32, #tpu.memory_space<vmem>>) semaphore(%dma_start3A_556 : memref<!tpu.dma_semaphore, #tpu.memory_space<semaphore_mem>>) {add = true}
      %dma_wait3A_557 = arith.constant 2 : i32
      %dma_wait3A_558 = arith.constant 2 : i32
      %dma_wait3A_559 = arith.constant 0 : i32
      %dma_wait3A_560 = arith.constant 0 : i32
      %dma_wait3A_561 = tpu.memref_slice %arg7[%dma_wait3A_557, %dma_wait3A_559, %dma_wait3A_560] : memref<3x64x128xf32, #tpu.memory_space<vmem>> -> memref<1x64x128xf32, #tpu.memory_space<vmem>>
      %dma_wait3A_562 = tpu.memref_squeeze %dma_wait3A_561 : memref<1x64x128xf32, #tpu.memory_space<vmem>> -> memref<64x128xf32, #tpu.memory_space<vmem>>
      %dma_wait3A_563 = arith.constant 0 : i32
      %dma_wait3A_564 = arith.constant 0 : i32
      %dma_wait3A_565 = tpu.memref_slice %arg8[%dma_wait3A_563, %dma_wait3A_564] : memref<10240x128xf32, #tpu.memory_space<vmem_shared>> -> memref<64x128xf32, #tpu.memory_space<vmem_shared>>
      %dma_wait3A_566 = tpu.memref_slice %arg10[%dma_wait3A_558] : memref<3x!tpu.dma_semaphore, #tpu.memory_space<semaphore_mem>> -> memref<1x!tpu.dma_semaphore, #tpu.memory_space<semaphore_mem>>
      %dma_wait3A_567 = tpu.memref_squeeze %dma_wait3A_566 : memref<1x!tpu.dma_semaphore, #tpu.memory_space<semaphore_mem>> -> memref<!tpu.dma_semaphore, #tpu.memory_space<semaphore_mem>>
      %dma_wait3A_568 = arith.constant 0 : i32
      %dma_wait3A_569 = arith.constant 0 : i32
      %dma_wait3A_570 = tpu.memref_slice %arg8[%dma_wait3A_568, %dma_wait3A_569] : memref<10240x128xf32, #tpu.memory_space<vmem_shared>> -> memref<64x128xf32, #tpu.memory_space<vmem_shared>>
      %dma_wait3A_571 = arith.constant 0 : i32
      %dma_wait3A_572 = arith.constant 0 : i32
      %dma_wait3A_573 = tpu.memref_slice %arg7[%dma_wait3A_557, %dma_wait3A_571, %dma_wait3A_572] : memref<3x64x128xf32, #tpu.memory_space<vmem>> -> memref<1x64x128xf32, #tpu.memory_space<vmem>>
      %dma_wait3A_574 = tpu.memref_squeeze %dma_wait3A_573 : memref<1x64x128xf32, #tpu.memory_space<vmem>> -> memref<64x128xf32, #tpu.memory_space<vmem>>
      tpu.wait_dma2 semaphore(%dma_wait3A_567 : memref<!tpu.dma_semaphore, #tpu.memory_space<semaphore_mem>>) src(%dma_wait3A_574 : memref<64x128xf32, #tpu.memory_space<vmem>>) dst(%dma_wait3A_570 : memref<64x128xf32, #tpu.memory_space<vmem_shared>>)
      %add3A_575 = arith.constant 2 : i32
      %add3A_576 = arith.addi %add3A_524, %add3A_575 : i32
      %mul3A_577 = arith.constant 64 : i32
      %mul3A_578 = arith.muli %add3A_576, %mul3A_577 : i32
      %dma_start3A_579 = arith.constant 2 : i32
      %dma_start3A_580 = arith.constant 2 : i32
      %dma_start3A_581 = arith.constant 0 : i32
      %dma_start3A_582 = arith.constant 0 : i32
      %dma_start3A_583 = tpu.memref_slice %arg7[%dma_start3A_579, %dma_start3A_581, %dma_start3A_582] : memref<3x64x128xf32, #tpu.memory_space<vmem>> -> memref<1x64x128xf32, #tpu.memory_space<vmem>>
      %dma_start3A_584 = tpu.memref_squeeze %dma_start3A_583 : memref<1x64x128xf32, #tpu.memory_space<vmem>> -> memref<64x128xf32, #tpu.memory_space<vmem>>
      %dma_start3A_585 = tpu.memref_slice %arg5[%mul3A_578] : memref<5120xi32, #tpu.memory_space<vmem>> -> memref<64xi32, #tpu.memory_space<vmem>>
      %dma_start3A_586 = arith.constant 0 : i32
      %dma_start3A_587 = arith.constant 0 : i32
      %dma_start3A_588 = tpu.memref_slice %arg2[%dma_start3A_586, %dma_start3A_587] : memref<10240x128xf32, #tpu.memory_space<hbm>> -> memref<10240x128xf32, #tpu.memory_space<hbm>>
      %dma_start3A_589 = tpu.memref_slice %arg9[%dma_start3A_580] : memref<3x!tpu.dma_semaphore, #tpu.memory_space<semaphore_mem>> -> memref<1x!tpu.dma_semaphore, #tpu.memory_space<semaphore_mem>>
      %dma_start3A_590 = tpu.memref_squeeze %dma_start3A_589 : memref<1x!tpu.dma_semaphore, #tpu.memory_space<semaphore_mem>> -> memref<!tpu.dma_semaphore, #tpu.memory_space<semaphore_mem>>
      tpu.enqueue_indirect_dma source(%dma_start3A_588 : memref<10240x128xf32, #tpu.memory_space<hbm>>) target(%dma_start3A_584 : memref<64x128xf32, #tpu.memory_space<vmem>>) offsets(%dma_start3A_585 : memref<64xi32, #tpu.memory_space<vmem>>) semaphore(%dma_start3A_590 : memref<!tpu.dma_semaphore, #tpu.memory_space<semaphore_mem>>)
      %mul3A_591 = arith.constant 3 : i32
      %mul3A_592 = arith.muli %scan3A_445, %mul3A_591 : i32
      %add3A_593 = arith.constant 2 : i32
      %add3A_594 = arith.addi %add3A_593, %mul3A_592 : i32
      %add3A_595 = arith.constant 2 : i32
      %add3A_596 = arith.addi %add3A_594, %add3A_595 : i32
      %dma_wait3A_597 = arith.constant 1 : i32
      %dma_wait3A_598 = arith.constant 1 : i32
      %dma_wait3A_599 = arith.constant 0 : i32
      %dma_wait3A_600 = arith.constant 0 : i32
      %dma_wait3A_601 = tpu.memref_slice %arg7[%dma_wait3A_597, %dma_wait3A_599, %dma_wait3A_600] : memref<3x64x128xf32, #tpu.memory_space<vmem>> -> memref<1x64x128xf32, #tpu.memory_space<vmem>>
      %dma_wait3A_602 = tpu.memref_squeeze %dma_wait3A_601 : memref<1x64x128xf32, #tpu.memory_space<vmem>> -> memref<64x128xf32, #tpu.memory_space<vmem>>
      %dma_wait3A_603 = arith.constant 0 : i32
      %dma_wait3A_604 = arith.constant 0 : i32
      %dma_wait3A_605 = tpu.memref_slice %arg2[%dma_wait3A_603, %dma_wait3A_604] : memref<10240x128xf32, #tpu.memory_space<hbm>> -> memref<64x128xf32, #tpu.memory_space<hbm>>
      %dma_wait3A_606 = tpu.memref_slice %arg9[%dma_wait3A_598] : memref<3x!tpu.dma_semaphore, #tpu.memory_space<semaphore_mem>> -> memref<1x!tpu.dma_semaphore, #tpu.memory_space<semaphore_mem>>
      %dma_wait3A_607 = tpu.memref_squeeze %dma_wait3A_606 : memref<1x!tpu.dma_semaphore, #tpu.memory_space<semaphore_mem>> -> memref<!tpu.dma_semaphore, #tpu.memory_space<semaphore_mem>>
      %dma_wait3A_608 = arith.constant 0 : i32
      %dma_wait3A_609 = arith.constant 0 : i32
      %dma_wait3A_610 = tpu.memref_slice %arg7[%dma_wait3A_597, %dma_wait3A_608, %dma_wait3A_609] : memref<3x64x128xf32, #tpu.memory_space<vmem>> -> memref<1x64x128xf32, #tpu.memory_space<vmem>>
      %dma_wait3A_611 = tpu.memref_squeeze %dma_wait3A_610 : memref<1x64x128xf32, #tpu.memory_space<vmem>> -> memref<64x128xf32, #tpu.memory_space<vmem>>
      %dma_wait3A_612 = arith.constant 0 : i32
      %dma_wait3A_613 = arith.constant 0 : i32
      %dma_wait3A_614 = tpu.memref_slice %arg2[%dma_wait3A_612, %dma_wait3A_613] : memref<10240x128xf32, #tpu.memory_space<hbm>> -> memref<64x128xf32, #tpu.memory_space<hbm>>
      tpu.wait_dma2 semaphore(%dma_wait3A_607 : memref<!tpu.dma_semaphore, #tpu.memory_space<semaphore_mem>>) src(%dma_wait3A_614 : memref<64x128xf32, #tpu.memory_space<hbm>>) dst(%dma_wait3A_611 : memref<64x128xf32, #tpu.memory_space<vmem>>)
      %mul3A_615 = arith.constant 64 : i32
      %mul3A_616 = arith.muli %add3A_596, %mul3A_615 : i32
      %dma_start3A_617 = arith.constant 1 : i32
      %dma_start3A_618 = arith.constant 1 : i32
      %dma_start3A_619 = arith.constant 0 : i32
      %dma_start3A_620 = arith.constant 0 : i32
      %dma_start3A_621 = tpu.memref_slice %arg7[%dma_start3A_617, %dma_start3A_619, %dma_start3A_620] : memref<3x64x128xf32, #tpu.memory_space<vmem>> -> memref<1x64x128xf32, #tpu.memory_space<vmem>>
      %dma_start3A_622 = tpu.memref_squeeze %dma_start3A_621 : memref<1x64x128xf32, #tpu.memory_space<vmem>> -> memref<64x128xf32, #tpu.memory_space<vmem>>
      %dma_start3A_623 = tpu.memref_slice %arg6[%mul3A_616] : memref<5120xi32, #tpu.memory_space<vmem>> -> memref<64xi32, #tpu.memory_space<vmem>>
      %dma_start3A_624 = arith.constant 0 : i32
      %dma_start3A_625 = arith.constant 0 : i32
      %dma_start3A_626 = tpu.memref_slice %arg8[%dma_start3A_624, %dma_start3A_625] : memref<10240x128xf32, #tpu.memory_space<vmem_shared>> -> memref<10240x128xf32, #tpu.memory_space<vmem_shared>>
      %dma_start3A_627 = tpu.memref_slice %arg10[%dma_start3A_618] : memref<3x!tpu.dma_semaphore, #tpu.memory_space<semaphore_mem>> -> memref<1x!tpu.dma_semaphore, #tpu.memory_space<semaphore_mem>>
      %dma_start3A_628 = tpu.memref_squeeze %dma_start3A_627 : memref<1x!tpu.dma_semaphore, #tpu.memory_space<semaphore_mem>> -> memref<!tpu.dma_semaphore, #tpu.memory_space<semaphore_mem>>
      tpu.enqueue_indirect_dma source(%dma_start3A_622 : memref<64x128xf32, #tpu.memory_space<vmem>>) target(%dma_start3A_626 : memref<10240x128xf32, #tpu.memory_space<vmem_shared>>) offsets(%dma_start3A_623 : memref<64xi32, #tpu.memory_space<vmem>>) semaphore(%dma_start3A_628 : memref<!tpu.dma_semaphore, #tpu.memory_space<semaphore_mem>>) {add = true}
      %dma_wait3A_629 = arith.constant 0 : i32
      %dma_wait3A_630 = arith.constant 0 : i32
      %dma_wait3A_631 = arith.constant 0 : i32
      %dma_wait3A_632 = arith.constant 0 : i32
      %dma_wait3A_633 = tpu.memref_slice %arg7[%dma_wait3A_629, %dma_wait3A_631, %dma_wait3A_632] : memref<3x64x128xf32, #tpu.memory_space<vmem>> -> memref<1x64x128xf32, #tpu.memory_space<vmem>>
      %dma_wait3A_634 = tpu.memref_squeeze %dma_wait3A_633 : memref<1x64x128xf32, #tpu.memory_space<vmem>> -> memref<64x128xf32, #tpu.memory_space<vmem>>
      %dma_wait3A_635 = arith.constant 0 : i32
      %dma_wait3A_636 = arith.constant 0 : i32
      %dma_wait3A_637 = tpu.memref_slice %arg8[%dma_wait3A_635, %dma_wait3A_636] : memref<10240x128xf32, #tpu.memory_space<vmem_shared>> -> memref<64x128xf32, #tpu.memory_space<vmem_shared>>
      %dma_wait3A_638 = tpu.memref_slice %arg10[%dma_wait3A_630] : memref<3x!tpu.dma_semaphore, #tpu.memory_space<semaphore_mem>> -> memref<1x!tpu.dma_semaphore, #tpu.memory_space<semaphore_mem>>
      %dma_wait3A_639 = tpu.memref_squeeze %dma_wait3A_638 : memref<1x!tpu.dma_semaphore, #tpu.memory_space<semaphore_mem>> -> memref<!tpu.dma_semaphore, #tpu.memory_space<semaphore_mem>>
      %dma_wait3A_640 = arith.constant 0 : i32
      %dma_wait3A_641 = arith.constant 0 : i32
      %dma_wait3A_642 = tpu.memref_slice %arg8[%dma_wait3A_640, %dma_wait3A_641] : memref<10240x128xf32, #tpu.memory_space<vmem_shared>> -> memref<64x128xf32, #tpu.memory_space<vmem_shared>>
      %dma_wait3A_643 = arith.constant 0 : i32
      %dma_wait3A_644 = arith.constant 0 : i32
      %dma_wait3A_645 = tpu.memref_slice %arg7[%dma_wait3A_629, %dma_wait3A_643, %dma_wait3A_644] : memref<3x64x128xf32, #tpu.memory_space<vmem>> -> memref<1x64x128xf32, #tpu.memory_space<vmem>>
      %dma_wait3A_646 = tpu.memref_squeeze %dma_wait3A_645 : memref<1x64x128xf32, #tpu.memory_space<vmem>> -> memref<64x128xf32, #tpu.memory_space<vmem>>
      tpu.wait_dma2 semaphore(%dma_wait3A_639 : memref<!tpu.dma_semaphore, #tpu.memory_space<semaphore_mem>>) src(%dma_wait3A_646 : memref<64x128xf32, #tpu.memory_space<vmem>>) dst(%dma_wait3A_642 : memref<64x128xf32, #tpu.memory_space<vmem_shared>>)
      %add3A_647 = arith.constant 2 : i32
      %add3A_648 = arith.addi %add3A_596, %add3A_647 : i32
      %mul3A_649 = arith.constant 64 : i32
      %mul3A_650 = arith.muli %add3A_648, %mul3A_649 : i32
      %dma_start3A_651 = arith.constant 0 : i32
      %dma_start3A_652 = arith.constant 0 : i32
      %dma_start3A_653 = arith.constant 0 : i32
      %dma_start3A_654 = arith.constant 0 : i32
      %dma_start3A_655 = tpu.memref_slice %arg7[%dma_start3A_651, %dma_start3A_653, %dma_start3A_654] : memref<3x64x128xf32, #tpu.memory_space<vmem>> -> memref<1x64x128xf32, #tpu.memory_space<vmem>>
      %dma_start3A_656 = tpu.memref_squeeze %dma_start3A_655 : memref<1x64x128xf32, #tpu.memory_space<vmem>> -> memref<64x128xf32, #tpu.memory_space<vmem>>
      %dma_start3A_657 = tpu.memref_slice %arg5[%mul3A_650] : memref<5120xi32, #tpu.memory_space<vmem>> -> memref<64xi32, #tpu.memory_space<vmem>>
      %dma_start3A_658 = arith.constant 0 : i32
      %dma_start3A_659 = arith.constant 0 : i32
      %dma_start3A_660 = tpu.memref_slice %arg2[%dma_start3A_658, %dma_start3A_659] : memref<10240x128xf32, #tpu.memory_space<hbm>> -> memref<10240x128xf32, #tpu.memory_space<hbm>>
      %dma_start3A_661 = tpu.memref_slice %arg9[%dma_start3A_652] : memref<3x!tpu.dma_semaphore, #tpu.memory_space<semaphore_mem>> -> memref<1x!tpu.dma_semaphore, #tpu.memory_space<semaphore_mem>>
      %dma_start3A_662 = tpu.memref_squeeze %dma_start3A_661 : memref<1x!tpu.dma_semaphore, #tpu.memory_space<semaphore_mem>> -> memref<!tpu.dma_semaphore, #tpu.memory_space<semaphore_mem>>
      tpu.enqueue_indirect_dma source(%dma_start3A_660 : memref<10240x128xf32, #tpu.memory_space<hbm>>) target(%dma_start3A_656 : memref<64x128xf32, #tpu.memory_space<vmem>>) offsets(%dma_start3A_657 : memref<64xi32, #tpu.memory_space<vmem>>) semaphore(%dma_start3A_662 : memref<!tpu.dma_semaphore, #tpu.memory_space<semaphore_mem>>)
      %scan3A_663 = arith.constant 0 : i32
      scf.yield %scan3A_663 : i32
    }
    %scan3A_205 = arith.constant 25 : i32
    %dma_wait3A_206 = arith.constant 2 : i32
    %dma_wait3A_207 = arith.constant 2 : i32
    %dma_wait3A_208 = arith.constant 0 : i32
    %dma_wait3A_209 = arith.constant 0 : i32
    %dma_wait3A_210 = tpu.memref_slice %arg7[%dma_wait3A_206, %dma_wait3A_208, %dma_wait3A_209] : memref<3x64x128xf32, #tpu.memory_space<vmem>> -> memref<1x64x128xf32, #tpu.memory_space<vmem>>
    %dma_wait3A_211 = tpu.memref_squeeze %dma_wait3A_210 : memref<1x64x128xf32, #tpu.memory_space<vmem>> -> memref<64x128xf32, #tpu.memory_space<vmem>>
    %dma_wait3A_212 = arith.constant 0 : i32
    %dma_wait3A_213 = arith.constant 0 : i32
    %dma_wait3A_214 = tpu.memref_slice %arg2[%dma_wait3A_212, %dma_wait3A_213] : memref<10240x128xf32, #tpu.memory_space<hbm>> -> memref<64x128xf32, #tpu.memory_space<hbm>>
    %dma_wait3A_215 = tpu.memref_slice %arg9[%dma_wait3A_207] : memref<3x!tpu.dma_semaphore, #tpu.memory_space<semaphore_mem>> -> memref<1x!tpu.dma_semaphore, #tpu.memory_space<semaphore_mem>>
    %dma_wait3A_216 = tpu.memref_squeeze %dma_wait3A_215 : memref<1x!tpu.dma_semaphore, #tpu.memory_space<semaphore_mem>> -> memref<!tpu.dma_semaphore, #tpu.memory_space<semaphore_mem>>
    %dma_wait3A_217 = arith.constant 0 : i32
    %dma_wait3A_218 = arith.constant 0 : i32
    %dma_wait3A_219 = tpu.memref_slice %arg7[%dma_wait3A_206, %dma_wait3A_217, %dma_wait3A_218] : memref<3x64x128xf32, #tpu.memory_space<vmem>> -> memref<1x64x128xf32, #tpu.memory_space<vmem>>
    %dma_wait3A_220 = tpu.memref_squeeze %dma_wait3A_219 : memref<1x64x128xf32, #tpu.memory_space<vmem>> -> memref<64x128xf32, #tpu.memory_space<vmem>>
    %dma_wait3A_221 = arith.constant 0 : i32
    %dma_wait3A_222 = arith.constant 0 : i32
    %dma_wait3A_223 = tpu.memref_slice %arg2[%dma_wait3A_221, %dma_wait3A_222] : memref<10240x128xf32, #tpu.memory_space<hbm>> -> memref<64x128xf32, #tpu.memory_space<hbm>>
    tpu.wait_dma2 semaphore(%dma_wait3A_216 : memref<!tpu.dma_semaphore, #tpu.memory_space<semaphore_mem>>) src(%dma_wait3A_223 : memref<64x128xf32, #tpu.memory_space<hbm>>) dst(%dma_wait3A_220 : memref<64x128xf32, #tpu.memory_space<vmem>>)
    %dma_start3A_224 = arith.constant 2 : i32
    %dma_start3A_225 = arith.constant 2 : i32
    %dma_start3A_226 = arith.constant 0 : i32
    %dma_start3A_227 = arith.constant 0 : i32
    %dma_start3A_228 = tpu.memref_slice %arg7[%dma_start3A_224, %dma_start3A_226, %dma_start3A_227] : memref<3x64x128xf32, #tpu.memory_space<vmem>> -> memref<1x64x128xf32, #tpu.memory_space<vmem>>
    %dma_start3A_229 = tpu.memref_squeeze %dma_start3A_228 : memref<1x64x128xf32, #tpu.memory_space<vmem>> -> memref<64x128xf32, #tpu.memory_space<vmem>>
    %dma_start3A_230 = arith.constant 4928 : i32
    %dma_start3A_231 = tpu.memref_slice %arg6[%dma_start3A_230] : memref<5120xi32, #tpu.memory_space<vmem>> -> memref<64xi32, #tpu.memory_space<vmem>>
    %dma_start3A_232 = arith.constant 0 : i32
    %dma_start3A_233 = arith.constant 0 : i32
    %dma_start3A_234 = tpu.memref_slice %arg8[%dma_start3A_232, %dma_start3A_233] : memref<10240x128xf32, #tpu.memory_space<vmem_shared>> -> memref<10240x128xf32, #tpu.memory_space<vmem_shared>>
    %dma_start3A_235 = tpu.memref_slice %arg10[%dma_start3A_225] : memref<3x!tpu.dma_semaphore, #tpu.memory_space<semaphore_mem>> -> memref<1x!tpu.dma_semaphore, #tpu.memory_space<semaphore_mem>>
    %dma_start3A_236 = tpu.memref_squeeze %dma_start3A_235 : memref<1x!tpu.dma_semaphore, #tpu.memory_space<semaphore_mem>> -> memref<!tpu.dma_semaphore, #tpu.memory_space<semaphore_mem>>
    tpu.enqueue_indirect_dma source(%dma_start3A_229 : memref<64x128xf32, #tpu.memory_space<vmem>>) target(%dma_start3A_234 : memref<10240x128xf32, #tpu.memory_space<vmem_shared>>) offsets(%dma_start3A_231 : memref<64xi32, #tpu.memory_space<vmem>>) semaphore(%dma_start3A_236 : memref<!tpu.dma_semaphore, #tpu.memory_space<semaphore_mem>>) {add = true}
    %dma_wait3A_237 = arith.constant 1 : i32
    %dma_wait3A_238 = arith.constant 1 : i32
    %dma_wait3A_239 = arith.constant 0 : i32
    %dma_wait3A_240 = arith.constant 0 : i32
    %dma_wait3A_241 = tpu.memref_slice %arg7[%dma_wait3A_237, %dma_wait3A_239, %dma_wait3A_240] : memref<3x64x128xf32, #tpu.memory_space<vmem>> -> memref<1x64x128xf32, #tpu.memory_space<vmem>>
    %dma_wait3A_242 = tpu.memref_squeeze %dma_wait3A_241 : memref<1x64x128xf32, #tpu.memory_space<vmem>> -> memref<64x128xf32, #tpu.memory_space<vmem>>
    %dma_wait3A_243 = arith.constant 0 : i32
    %dma_wait3A_244 = arith.constant 0 : i32
    %dma_wait3A_245 = tpu.memref_slice %arg8[%dma_wait3A_243, %dma_wait3A_244] : memref<10240x128xf32, #tpu.memory_space<vmem_shared>> -> memref<64x128xf32, #tpu.memory_space<vmem_shared>>
    %dma_wait3A_246 = tpu.memref_slice %arg10[%dma_wait3A_238] : memref<3x!tpu.dma_semaphore, #tpu.memory_space<semaphore_mem>> -> memref<1x!tpu.dma_semaphore, #tpu.memory_space<semaphore_mem>>
    %dma_wait3A_247 = tpu.memref_squeeze %dma_wait3A_246 : memref<1x!tpu.dma_semaphore, #tpu.memory_space<semaphore_mem>> -> memref<!tpu.dma_semaphore, #tpu.memory_space<semaphore_mem>>
    %dma_wait3A_248 = arith.constant 0 : i32
    %dma_wait3A_249 = arith.constant 0 : i32
    %dma_wait3A_250 = tpu.memref_slice %arg8[%dma_wait3A_248, %dma_wait3A_249] : memref<10240x128xf32, #tpu.memory_space<vmem_shared>> -> memref<64x128xf32, #tpu.memory_space<vmem_shared>>
    %dma_wait3A_251 = arith.constant 0 : i32
    %dma_wait3A_252 = arith.constant 0 : i32
    %dma_wait3A_253 = tpu.memref_slice %arg7[%dma_wait3A_237, %dma_wait3A_251, %dma_wait3A_252] : memref<3x64x128xf32, #tpu.memory_space<vmem>> -> memref<1x64x128xf32, #tpu.memory_space<vmem>>
    %dma_wait3A_254 = tpu.memref_squeeze %dma_wait3A_253 : memref<1x64x128xf32, #tpu.memory_space<vmem>> -> memref<64x128xf32, #tpu.memory_space<vmem>>
    tpu.wait_dma2 semaphore(%dma_wait3A_247 : memref<!tpu.dma_semaphore, #tpu.memory_space<semaphore_mem>>) src(%dma_wait3A_254 : memref<64x128xf32, #tpu.memory_space<vmem>>) dst(%dma_wait3A_250 : memref<64x128xf32, #tpu.memory_space<vmem_shared>>)
    %dma_start3A_255 = arith.constant 1 : i32
    %dma_start3A_256 = arith.constant 1 : i32
    %dma_start3A_257 = arith.constant 0 : i32
    %dma_start3A_258 = arith.constant 0 : i32
    %dma_start3A_259 = tpu.memref_slice %arg7[%dma_start3A_255, %dma_start3A_257, %dma_start3A_258] : memref<3x64x128xf32, #tpu.memory_space<vmem>> -> memref<1x64x128xf32, #tpu.memory_space<vmem>>
    %dma_start3A_260 = tpu.memref_squeeze %dma_start3A_259 : memref<1x64x128xf32, #tpu.memory_space<vmem>> -> memref<64x128xf32, #tpu.memory_space<vmem>>
    %dma_start3A_261 = arith.constant 5056 : i32
    %dma_start3A_262 = tpu.memref_slice %arg5[%dma_start3A_261] : memref<5120xi32, #tpu.memory_space<vmem>> -> memref<64xi32, #tpu.memory_space<vmem>>
    %dma_start3A_263 = arith.constant 0 : i32
    %dma_start3A_264 = arith.constant 0 : i32
    %dma_start3A_265 = tpu.memref_slice %arg2[%dma_start3A_263, %dma_start3A_264] : memref<10240x128xf32, #tpu.memory_space<hbm>> -> memref<10240x128xf32, #tpu.memory_space<hbm>>
    %dma_start3A_266 = tpu.memref_slice %arg9[%dma_start3A_256] : memref<3x!tpu.dma_semaphore, #tpu.memory_space<semaphore_mem>> -> memref<1x!tpu.dma_semaphore, #tpu.memory_space<semaphore_mem>>
    %dma_start3A_267 = tpu.memref_squeeze %dma_start3A_266 : memref<1x!tpu.dma_semaphore, #tpu.memory_space<semaphore_mem>> -> memref<!tpu.dma_semaphore, #tpu.memory_space<semaphore_mem>>
    tpu.enqueue_indirect_dma source(%dma_start3A_265 : memref<10240x128xf32, #tpu.memory_space<hbm>>) target(%dma_start3A_260 : memref<64x128xf32, #tpu.memory_space<vmem>>) offsets(%dma_start3A_262 : memref<64xi32, #tpu.memory_space<vmem>>) semaphore(%dma_start3A_267 : memref<!tpu.dma_semaphore, #tpu.memory_space<semaphore_mem>>)
    %dma_wait3A_268 = arith.constant 0 : i32
    %dma_wait3A_269 = arith.constant 0 : i32
    %dma_wait3A_270 = arith.constant 0 : i32
    %dma_wait3A_271 = arith.constant 0 : i32
    %dma_wait3A_272 = tpu.memref_slice %arg7[%dma_wait3A_268, %dma_wait3A_270, %dma_wait3A_271] : memref<3x64x128xf32, #tpu.memory_space<vmem>> -> memref<1x64x128xf32, #tpu.memory_space<vmem>>
    %dma_wait3A_273 = tpu.memref_squeeze %dma_wait3A_272 : memref<1x64x128xf32, #tpu.memory_space<vmem>> -> memref<64x128xf32, #tpu.memory_space<vmem>>
    %dma_wait3A_274 = arith.constant 0 : i32
    %dma_wait3A_275 = arith.constant 0 : i32
    %dma_wait3A_276 = tpu.memref_slice %arg2[%dma_wait3A_274, %dma_wait3A_275] : memref<10240x128xf32, #tpu.memory_space<hbm>> -> memref<64x128xf32, #tpu.memory_space<hbm>>
    %dma_wait3A_277 = tpu.memref_slice %arg9[%dma_wait3A_269] : memref<3x!tpu.dma_semaphore, #tpu.memory_space<semaphore_mem>> -> memref<1x!tpu.dma_semaphore, #tpu.memory_space<semaphore_mem>>
    %dma_wait3A_278 = tpu.memref_squeeze %dma_wait3A_277 : memref<1x!tpu.dma_semaphore, #tpu.memory_space<semaphore_mem>> -> memref<!tpu.dma_semaphore, #tpu.memory_space<semaphore_mem>>
    %dma_wait3A_279 = arith.constant 0 : i32
    %dma_wait3A_280 = arith.constant 0 : i32
    %dma_wait3A_281 = tpu.memref_slice %arg7[%dma_wait3A_268, %dma_wait3A_279, %dma_wait3A_280] : memref<3x64x128xf32, #tpu.memory_space<vmem>> -> memref<1x64x128xf32, #tpu.memory_space<vmem>>
    %dma_wait3A_282 = tpu.memref_squeeze %dma_wait3A_281 : memref<1x64x128xf32, #tpu.memory_space<vmem>> -> memref<64x128xf32, #tpu.memory_space<vmem>>
    %dma_wait3A_283 = arith.constant 0 : i32
    %dma_wait3A_284 = arith.constant 0 : i32
    %dma_wait3A_285 = tpu.memref_slice %arg2[%dma_wait3A_283, %dma_wait3A_284] : memref<10240x128xf32, #tpu.memory_space<hbm>> -> memref<64x128xf32, #tpu.memory_space<hbm>>
    tpu.wait_dma2 semaphore(%dma_wait3A_278 : memref<!tpu.dma_semaphore, #tpu.memory_space<semaphore_mem>>) src(%dma_wait3A_285 : memref<64x128xf32, #tpu.memory_space<hbm>>) dst(%dma_wait3A_282 : memref<64x128xf32, #tpu.memory_space<vmem>>)
    %dma_start3A_286 = arith.constant 0 : i32
    %dma_start3A_287 = arith.constant 0 : i32
    %dma_start3A_288 = arith.constant 0 : i32
    %dma_start3A_289 = arith.constant 0 : i32
    %dma_start3A_290 = tpu.memref_slice %arg7[%dma_start3A_286, %dma_start3A_288, %dma_start3A_289] : memref<3x64x128xf32, #tpu.memory_space<vmem>> -> memref<1x64x128xf32, #tpu.memory_space<vmem>>
    %dma_start3A_291 = tpu.memref_squeeze %dma_start3A_290 : memref<1x64x128xf32, #tpu.memory_space<vmem>> -> memref<64x128xf32, #tpu.memory_space<vmem>>
    %dma_start3A_292 = arith.constant 4992 : i32
    %dma_start3A_293 = tpu.memref_slice %arg6[%dma_start3A_292] : memref<5120xi32, #tpu.memory_space<vmem>> -> memref<64xi32, #tpu.memory_space<vmem>>
    %dma_start3A_294 = arith.constant 0 : i32
    %dma_start3A_295 = arith.constant 0 : i32
    %dma_start3A_296 = tpu.memref_slice %arg8[%dma_start3A_294, %dma_start3A_295] : memref<10240x128xf32, #tpu.memory_space<vmem_shared>> -> memref<10240x128xf32, #tpu.memory_space<vmem_shared>>
    %dma_start3A_297 = tpu.memref_slice %arg10[%dma_start3A_287] : memref<3x!tpu.dma_semaphore, #tpu.memory_space<semaphore_mem>> -> memref<1x!tpu.dma_semaphore, #tpu.memory_space<semaphore_mem>>
    %dma_start3A_298 = tpu.memref_squeeze %dma_start3A_297 : memref<1x!tpu.dma_semaphore, #tpu.memory_space<semaphore_mem>> -> memref<!tpu.dma_semaphore, #tpu.memory_space<semaphore_mem>>
    tpu.enqueue_indirect_dma source(%dma_start3A_291 : memref<64x128xf32, #tpu.memory_space<vmem>>) target(%dma_start3A_296 : memref<10240x128xf32, #tpu.memory_space<vmem_shared>>) offsets(%dma_start3A_293 : memref<64xi32, #tpu.memory_space<vmem>>) semaphore(%dma_start3A_298 : memref<!tpu.dma_semaphore, #tpu.memory_space<semaphore_mem>>) {add = true}
    %dma_wait3A_299 = arith.constant 2 : i32
    %dma_wait3A_300 = arith.constant 2 : i32
    %dma_wait3A_301 = arith.constant 0 : i32
    %dma_wait3A_302 = arith.constant 0 : i32
    %dma_wait3A_303 = tpu.memref_slice %arg7[%dma_wait3A_299, %dma_wait3A_301, %dma_wait3A_302] : memref<3x64x128xf32, #tpu.memory_space<vmem>> -> memref<1x64x128xf32, #tpu.memory_space<vmem>>
    %dma_wait3A_304 = tpu.memref_squeeze %dma_wait3A_303 : memref<1x64x128xf32, #tpu.memory_space<vmem>> -> memref<64x128xf32, #tpu.memory_space<vmem>>
    %dma_wait3A_305 = arith.constant 0 : i32
    %dma_wait3A_306 = arith.constant 0 : i32
    %dma_wait3A_307 = tpu.memref_slice %arg8[%dma_wait3A_305, %dma_wait3A_306] : memref<10240x128xf32, #tpu.memory_space<vmem_shared>> -> memref<64x128xf32, #tpu.memory_space<vmem_shared>>
    %dma_wait3A_308 = tpu.memref_slice %arg10[%dma_wait3A_300] : memref<3x!tpu.dma_semaphore, #tpu.memory_space<semaphore_mem>> -> memref<1x!tpu.dma_semaphore, #tpu.memory_space<semaphore_mem>>
    %dma_wait3A_309 = tpu.memref_squeeze %dma_wait3A_308 : memref<1x!tpu.dma_semaphore, #tpu.memory_space<semaphore_mem>> -> memref<!tpu.dma_semaphore, #tpu.memory_space<semaphore_mem>>
    %dma_wait3A_310 = arith.constant 0 : i32
    %dma_wait3A_311 = arith.constant 0 : i32
    %dma_wait3A_312 = tpu.memref_slice %arg8[%dma_wait3A_310, %dma_wait3A_311] : memref<10240x128xf32, #tpu.memory_space<vmem_shared>> -> memref<64x128xf32, #tpu.memory_space<vmem_shared>>
    %dma_wait3A_313 = arith.constant 0 : i32
    %dma_wait3A_314 = arith.constant 0 : i32
    %dma_wait3A_315 = tpu.memref_slice %arg7[%dma_wait3A_299, %dma_wait3A_313, %dma_wait3A_314] : memref<3x64x128xf32, #tpu.memory_space<vmem>> -> memref<1x64x128xf32, #tpu.memory_space<vmem>>
    %dma_wait3A_316 = tpu.memref_squeeze %dma_wait3A_315 : memref<1x64x128xf32, #tpu.memory_space<vmem>> -> memref<64x128xf32, #tpu.memory_space<vmem>>
    tpu.wait_dma2 semaphore(%dma_wait3A_309 : memref<!tpu.dma_semaphore, #tpu.memory_space<semaphore_mem>>) src(%dma_wait3A_316 : memref<64x128xf32, #tpu.memory_space<vmem>>) dst(%dma_wait3A_312 : memref<64x128xf32, #tpu.memory_space<vmem_shared>>)
    %dma_wait3A_317 = arith.constant 1 : i32
    %dma_wait3A_318 = arith.constant 1 : i32
    %dma_wait3A_319 = arith.constant 0 : i32
    %dma_wait3A_320 = arith.constant 0 : i32
    %dma_wait3A_321 = tpu.memref_slice %arg7[%dma_wait3A_317, %dma_wait3A_319, %dma_wait3A_320] : memref<3x64x128xf32, #tpu.memory_space<vmem>> -> memref<1x64x128xf32, #tpu.memory_space<vmem>>
    %dma_wait3A_322 = tpu.memref_squeeze %dma_wait3A_321 : memref<1x64x128xf32, #tpu.memory_space<vmem>> -> memref<64x128xf32, #tpu.memory_space<vmem>>
    %dma_wait3A_323 = arith.constant 0 : i32
    %dma_wait3A_324 = arith.constant 0 : i32
    %dma_wait3A_325 = tpu.memref_slice %arg2[%dma_wait3A_323, %dma_wait3A_324] : memref<10240x128xf32, #tpu.memory_space<hbm>> -> memref<64x128xf32, #tpu.memory_space<hbm>>
    %dma_wait3A_326 = tpu.memref_slice %arg9[%dma_wait3A_318] : memref<3x!tpu.dma_semaphore, #tpu.memory_space<semaphore_mem>> -> memref<1x!tpu.dma_semaphore, #tpu.memory_space<semaphore_mem>>
    %dma_wait3A_327 = tpu.memref_squeeze %dma_wait3A_326 : memref<1x!tpu.dma_semaphore, #tpu.memory_space<semaphore_mem>> -> memref<!tpu.dma_semaphore, #tpu.memory_space<semaphore_mem>>
    %dma_wait3A_328 = arith.constant 0 : i32
    %dma_wait3A_329 = arith.constant 0 : i32
    %dma_wait3A_330 = tpu.memref_slice %arg7[%dma_wait3A_317, %dma_wait3A_328, %dma_wait3A_329] : memref<3x64x128xf32, #tpu.memory_space<vmem>> -> memref<1x64x128xf32, #tpu.memory_space<vmem>>
    %dma_wait3A_331 = tpu.memref_squeeze %dma_wait3A_330 : memref<1x64x128xf32, #tpu.memory_space<vmem>> -> memref<64x128xf32, #tpu.memory_space<vmem>>
    %dma_wait3A_332 = arith.constant 0 : i32
    %dma_wait3A_333 = arith.constant 0 : i32
    %dma_wait3A_334 = tpu.memref_slice %arg2[%dma_wait3A_332, %dma_wait3A_333] : memref<10240x128xf32, #tpu.memory_space<hbm>> -> memref<64x128xf32, #tpu.memory_space<hbm>>
    tpu.wait_dma2 semaphore(%dma_wait3A_327 : memref<!tpu.dma_semaphore, #tpu.memory_space<semaphore_mem>>) src(%dma_wait3A_334 : memref<64x128xf32, #tpu.memory_space<hbm>>) dst(%dma_wait3A_331 : memref<64x128xf32, #tpu.memory_space<vmem>>)
    %dma_start3A_335 = arith.constant 1 : i32
    %dma_start3A_336 = arith.constant 1 : i32
    %dma_start3A_337 = arith.constant 0 : i32
    %dma_start3A_338 = arith.constant 0 : i32
    %dma_start3A_339 = tpu.memref_slice %arg7[%dma_start3A_335, %dma_start3A_337, %dma_start3A_338] : memref<3x64x128xf32, #tpu.memory_space<vmem>> -> memref<1x64x128xf32, #tpu.memory_space<vmem>>
    %dma_start3A_340 = tpu.memref_squeeze %dma_start3A_339 : memref<1x64x128xf32, #tpu.memory_space<vmem>> -> memref<64x128xf32, #tpu.memory_space<vmem>>
    %dma_start3A_341 = arith.constant 5056 : i32
    %dma_start3A_342 = tpu.memref_slice %arg6[%dma_start3A_341] : memref<5120xi32, #tpu.memory_space<vmem>> -> memref<64xi32, #tpu.memory_space<vmem>>
    %dma_start3A_343 = arith.constant 0 : i32
    %dma_start3A_344 = arith.constant 0 : i32
    %dma_start3A_345 = tpu.memref_slice %arg8[%dma_start3A_343, %dma_start3A_344] : memref<10240x128xf32, #tpu.memory_space<vmem_shared>> -> memref<10240x128xf32, #tpu.memory_space<vmem_shared>>
    %dma_start3A_346 = tpu.memref_slice %arg10[%dma_start3A_336] : memref<3x!tpu.dma_semaphore, #tpu.memory_space<semaphore_mem>> -> memref<1x!tpu.dma_semaphore, #tpu.memory_space<semaphore_mem>>
    %dma_start3A_347 = tpu.memref_squeeze %dma_start3A_346 : memref<1x!tpu.dma_semaphore, #tpu.memory_space<semaphore_mem>> -> memref<!tpu.dma_semaphore, #tpu.memory_space<semaphore_mem>>
    tpu.enqueue_indirect_dma source(%dma_start3A_340 : memref<64x128xf32, #tpu.memory_space<vmem>>) target(%dma_start3A_345 : memref<10240x128xf32, #tpu.memory_space<vmem_shared>>) offsets(%dma_start3A_342 : memref<64xi32, #tpu.memory_space<vmem>>) semaphore(%dma_start3A_347 : memref<!tpu.dma_semaphore, #tpu.memory_space<semaphore_mem>>) {add = true}
    %dma_wait3A_348 = arith.constant 0 : i32
    %dma_wait3A_349 = arith.constant 0 : i32
    %dma_wait3A_350 = arith.constant 0 : i32
    %dma_wait3A_351 = arith.constant 0 : i32
    %dma_wait3A_352 = tpu.memref_slice %arg7[%dma_wait3A_348, %dma_wait3A_350, %dma_wait3A_351] : memref<3x64x128xf32, #tpu.memory_space<vmem>> -> memref<1x64x128xf32, #tpu.memory_space<vmem>>
    %dma_wait3A_353 = tpu.memref_squeeze %dma_wait3A_352 : memref<1x64x128xf32, #tpu.memory_space<vmem>> -> memref<64x128xf32, #tpu.memory_space<vmem>>
    %dma_wait3A_354 = arith.constant 0 : i32
    %dma_wait3A_355 = arith.constant 0 : i32
    %dma_wait3A_356 = tpu.memref_slice %arg8[%dma_wait3A_354, %dma_wait3A_355] : memref<10240x128xf32, #tpu.memory_space<vmem_shared>> -> memref<64x128xf32, #tpu.memory_space<vmem_shared>>
    %dma_wait3A_357 = tpu.memref_slice %arg10[%dma_wait3A_349] : memref<3x!tpu.dma_semaphore, #tpu.memory_space<semaphore_mem>> -> memref<1x!tpu.dma_semaphore, #tpu.memory_space<semaphore_mem>>
    %dma_wait3A_358 = tpu.memref_squeeze %dma_wait3A_357 : memref<1x!tpu.dma_semaphore, #tpu.memory_space<semaphore_mem>> -> memref<!tpu.dma_semaphore, #tpu.memory_space<semaphore_mem>>
    %dma_wait3A_359 = arith.constant 0 : i32
    %dma_wait3A_360 = arith.constant 0 : i32
    %dma_wait3A_361 = tpu.memref_slice %arg8[%dma_wait3A_359, %dma_wait3A_360] : memref<10240x128xf32, #tpu.memory_space<vmem_shared>> -> memref<64x128xf32, #tpu.memory_space<vmem_shared>>
    %dma_wait3A_362 = arith.constant 0 : i32
    %dma_wait3A_363 = arith.constant 0 : i32
    %dma_wait3A_364 = tpu.memref_slice %arg7[%dma_wait3A_348, %dma_wait3A_362, %dma_wait3A_363] : memref<3x64x128xf32, #tpu.memory_space<vmem>> -> memref<1x64x128xf32, #tpu.memory_space<vmem>>
    %dma_wait3A_365 = tpu.memref_squeeze %dma_wait3A_364 : memref<1x64x128xf32, #tpu.memory_space<vmem>> -> memref<64x128xf32, #tpu.memory_space<vmem>>
    tpu.wait_dma2 semaphore(%dma_wait3A_358 : memref<!tpu.dma_semaphore, #tpu.memory_space<semaphore_mem>>) src(%dma_wait3A_365 : memref<64x128xf32, #tpu.memory_space<vmem>>) dst(%dma_wait3A_361 : memref<64x128xf32, #tpu.memory_space<vmem_shared>>)
    %dma_wait3A_366 = arith.constant 1 : i32
    %dma_wait3A_367 = arith.constant 1 : i32
    %dma_wait3A_368 = arith.constant 0 : i32
    %dma_wait3A_369 = arith.constant 0 : i32
    %dma_wait3A_370 = tpu.memref_slice %arg7[%dma_wait3A_366, %dma_wait3A_368, %dma_wait3A_369] : memref<3x64x128xf32, #tpu.memory_space<vmem>> -> memref<1x64x128xf32, #tpu.memory_space<vmem>>
    %dma_wait3A_371 = tpu.memref_squeeze %dma_wait3A_370 : memref<1x64x128xf32, #tpu.memory_space<vmem>> -> memref<64x128xf32, #tpu.memory_space<vmem>>
    %dma_wait3A_372 = arith.constant 0 : i32
    %dma_wait3A_373 = arith.constant 0 : i32
    %dma_wait3A_374 = tpu.memref_slice %arg8[%dma_wait3A_372, %dma_wait3A_373] : memref<10240x128xf32, #tpu.memory_space<vmem_shared>> -> memref<64x128xf32, #tpu.memory_space<vmem_shared>>
    %dma_wait3A_375 = tpu.memref_slice %arg10[%dma_wait3A_367] : memref<3x!tpu.dma_semaphore, #tpu.memory_space<semaphore_mem>> -> memref<1x!tpu.dma_semaphore, #tpu.memory_space<semaphore_mem>>
    %dma_wait3A_376 = tpu.memref_squeeze %dma_wait3A_375 : memref<1x!tpu.dma_semaphore, #tpu.memory_space<semaphore_mem>> -> memref<!tpu.dma_semaphore, #tpu.memory_space<semaphore_mem>>
    %dma_wait3A_377 = arith.constant 0 : i32
    %dma_wait3A_378 = arith.constant 0 : i32
    %dma_wait3A_379 = tpu.memref_slice %arg8[%dma_wait3A_377, %dma_wait3A_378] : memref<10240x128xf32, #tpu.memory_space<vmem_shared>> -> memref<64x128xf32, #tpu.memory_space<vmem_shared>>
    %dma_wait3A_380 = arith.constant 0 : i32
    %dma_wait3A_381 = arith.constant 0 : i32
    %dma_wait3A_382 = tpu.memref_slice %arg7[%dma_wait3A_366, %dma_wait3A_380, %dma_wait3A_381] : memref<3x64x128xf32, #tpu.memory_space<vmem>> -> memref<1x64x128xf32, #tpu.memory_space<vmem>>
    %dma_wait3A_383 = tpu.memref_squeeze %dma_wait3A_382 : memref<1x64x128xf32, #tpu.memory_space<vmem>> -> memref<64x128xf32, #tpu.memory_space<vmem>>
    tpu.wait_dma2 semaphore(%dma_wait3A_376 : memref<!tpu.dma_semaphore, #tpu.memory_space<semaphore_mem>>) src(%dma_wait3A_383 : memref<64x128xf32, #tpu.memory_space<vmem>>) dst(%dma_wait3A_379 : memref<64x128xf32, #tpu.memory_space<vmem_shared>>)
    %barrier3A_384 = arith.constant 0 : index
    tpu.barrier barrier_id(%barrier3A_384)
    %mul3A_385 = arith.constant 640 : i32
    %mul3A_386 = arith.muli %arg1, %mul3A_385 : i32
    %add3A_387 = arith.constant 0 : i32
    %add3A_388 = arith.addi %mul3A_386, %add3A_387 : i32
    %run_scoped3A_389 = arith.constant 0 : i32
    "tpu.region"() ({
      %run_scoped3A_445 = tpu.sem_alloc : memref<!tpu.dma_semaphore, #tpu.memory_space<semaphore_mem>>
      %dma_start3A_446 = arith.constant 0 : i32
      %dma_start3A_447 = arith.constant 0 : i32
      %dma_start3A_448 = tpu.memref_slice %arg7[%run_scoped3A_389, %dma_start3A_446, %dma_start3A_447] : memref<3x64x128xf32, #tpu.memory_space<vmem>> -> memref<1x64x128xf32, #tpu.memory_space<vmem>>
      %dma_start3A_449 = tpu.memref_squeeze %dma_start3A_448 : memref<1x64x128xf32, #tpu.memory_space<vmem>> -> memref<64x128xf32, #tpu.memory_space<vmem>>
      %dma_start3A_450 = arith.constant 0 : i32
      %dma_start3A_451 = tpu.memref_slice %arg8[%add3A_388, %dma_start3A_450] : memref<10240x128xf32, #tpu.memory_space<vmem_shared>> -> memref<64x128xf32, #tpu.memory_space<vmem_shared>>
      %dma_start3A_452 = arith.constant 0 : i32
      %dma_start3A_453 = arith.constant 0 : i32
      %dma_start3A_454 = tpu.memref_slice %arg7[%run_scoped3A_389, %dma_start3A_452, %dma_start3A_453] : memref<3x64x128xf32, #tpu.memory_space<vmem>> -> memref<1x64x128xf32, #tpu.memory_space<vmem>>
      %dma_start3A_455 = tpu.memref_squeeze %dma_start3A_454 : memref<1x64x128xf32, #tpu.memory_space<vmem>> -> memref<64x128xf32, #tpu.memory_space<vmem>>
      %dma_start3A_456 = arith.constant 0 : i32
      %dma_start3A_457 = tpu.memref_slice %arg8[%add3A_388, %dma_start3A_456] : memref<10240x128xf32, #tpu.memory_space<vmem_shared>> -> memref<64x128xf32, #tpu.memory_space<vmem_shared>>
      tpu.enqueue_dma source(%dma_start3A_457 : memref<64x128xf32, #tpu.memory_space<vmem_shared>>) target(%dma_start3A_455 : memref<64x128xf32, #tpu.memory_space<vmem>>) target_semaphore(%run_scoped3A_445 : memref<!tpu.dma_semaphore, #tpu.memory_space<semaphore_mem>>)
      %dma_wait3A_458 = arith.constant 0 : i32
      %dma_wait3A_459 = arith.constant 0 : i32
      %dma_wait3A_460 = tpu.memref_slice %arg7[%run_scoped3A_389, %dma_wait3A_458, %dma_wait3A_459] : memref<3x64x128xf32, #tpu.memory_space<vmem>> -> memref<1x64x128xf32, #tpu.memory_space<vmem>>
      %dma_wait3A_461 = tpu.memref_squeeze %dma_wait3A_460 : memref<1x64x128xf32, #tpu.memory_space<vmem>> -> memref<64x128xf32, #tpu.memory_space<vmem>>
      %dma_wait3A_462 = arith.constant 0 : i32
      %dma_wait3A_463 = tpu.memref_slice %arg8[%add3A_388, %dma_wait3A_462] : memref<10240x128xf32, #tpu.memory_space<vmem_shared>> -> memref<64x128xf32, #tpu.memory_space<vmem_shared>>
      %dma_wait3A_464 = arith.constant 0 : i32
      %dma_wait3A_465 = arith.constant 0 : i32
      %dma_wait3A_466 = tpu.memref_slice %arg7[%run_scoped3A_389, %dma_wait3A_464, %dma_wait3A_465] : memref<3x64x128xf32, #tpu.memory_space<vmem>> -> memref<1x64x128xf32, #tpu.memory_space<vmem>>
      %dma_wait3A_467 = tpu.memref_squeeze %dma_wait3A_466 : memref<1x64x128xf32, #tpu.memory_space<vmem>> -> memref<64x128xf32, #tpu.memory_space<vmem>>
      %dma_wait3A_468 = arith.constant 0 : i32
      %dma_wait3A_469 = tpu.memref_slice %arg8[%add3A_388, %dma_wait3A_468] : memref<10240x128xf32, #tpu.memory_space<vmem_shared>> -> memref<64x128xf32, #tpu.memory_space<vmem_shared>>
      tpu.wait_dma2 semaphore(%run_scoped3A_445 : memref<!tpu.dma_semaphore, #tpu.memory_space<semaphore_mem>>) src(%dma_wait3A_469 : memref<64x128xf32, #tpu.memory_space<vmem_shared>>) dst(%dma_wait3A_467 : memref<64x128xf32, #tpu.memory_space<vmem>>)
      tpu.yield
    }) : () -> ()
    %run_scoped3A_390 = arith.constant 0 : i32
    "tpu.region"() ({
      %run_scoped3A_445 = tpu.sem_alloc : memref<!tpu.dma_semaphore, #tpu.memory_space<semaphore_mem>>
      %dma_start3A_446 = arith.constant 0 : i32
      %dma_start3A_447 = arith.constant 0 : i32
      %dma_start3A_448 = tpu.memref_slice %arg7[%run_scoped3A_390, %dma_start3A_446, %dma_start3A_447] : memref<3x64x128xf32, #tpu.memory_space<vmem>> -> memref<1x64x128xf32, #tpu.memory_space<vmem>>
      %dma_start3A_449 = tpu.memref_squeeze %dma_start3A_448 : memref<1x64x128xf32, #tpu.memory_space<vmem>> -> memref<64x128xf32, #tpu.memory_space<vmem>>
      %dma_start3A_450 = arith.constant 0 : i32
      %dma_start3A_451 = tpu.memref_slice %arg4[%arg0, %add3A_388, %dma_start3A_450] : memref<2x10240x128xf32, #tpu.memory_space<hbm>> -> memref<1x64x128xf32, #tpu.memory_space<hbm>>
      %dma_start3A_452 = tpu.memref_squeeze %dma_start3A_451 : memref<1x64x128xf32, #tpu.memory_space<hbm>> -> memref<64x128xf32, #tpu.memory_space<hbm>>
      %dma_start3A_453 = arith.constant 0 : i32
      %dma_start3A_454 = tpu.memref_slice %arg4[%arg0, %add3A_388, %dma_start3A_453] : memref<2x10240x128xf32, #tpu.memory_space<hbm>> -> memref<1x64x128xf32, #tpu.memory_space<hbm>>
      %dma_start3A_455 = tpu.memref_squeeze %dma_start3A_454 : memref<1x64x128xf32, #tpu.memory_space<hbm>> -> memref<64x128xf32, #tpu.memory_space<hbm>>
      %dma_start3A_456 = arith.constant 0 : i32
      %dma_start3A_457 = arith.constant 0 : i32
      %dma_start3A_458 = tpu.memref_slice %arg7[%run_scoped3A_390, %dma_start3A_456, %dma_start3A_457] : memref<3x64x128xf32, #tpu.memory_space<vmem>> -> memref<1x64x128xf32, #tpu.memory_space<vmem>>
      %dma_start3A_459 = tpu.memref_squeeze %dma_start3A_458 : memref<1x64x128xf32, #tpu.memory_space<vmem>> -> memref<64x128xf32, #tpu.memory_space<vmem>>
      tpu.enqueue_dma source(%dma_start3A_459 : memref<64x128xf32, #tpu.memory_space<vmem>>) target(%dma_start3A_455 : memref<64x128xf32, #tpu.memory_space<hbm>>) target_semaphore(%run_scoped3A_445 : memref<!tpu.dma_semaphore, #tpu.memory_space<semaphore_mem>>)
      %dma_wait3A_460 = arith.constant 0 : i32
      %dma_wait3A_461 = arith.constant 0 : i32
      %dma_wait3A_462 = tpu.memref_slice %arg7[%run_scoped3A_390, %dma_wait3A_460, %dma_wait3A_461] : memref<3x64x128xf32, #tpu.memory_space<vmem>> -> memref<1x64x128xf32, #tpu.memory_space<vmem>>
      %dma_wait3A_463 = tpu.memref_squeeze %dma_wait3A_462 : memref<1x64x128xf32, #tpu.memory_space<vmem>> -> memref<64x128xf32, #tpu.memory_space<vmem>>
      %dma_wait3A_464 = arith.constant 0 : i32
      %dma_wait3A_465 = tpu.memref_slice %arg4[%arg0, %add3A_388, %dma_wait3A_464] : memref<2x10240x128xf32, #tpu.memory_space<hbm>> -> memref<1x64x128xf32, #tpu.memory_space<hbm>>
      %dma_wait3A_466 = tpu.memref_squeeze %dma_wait3A_465 : memref<1x64x128xf32, #tpu.memory_space<hbm>> -> memref<64x128xf32, #tpu.memory_space<hbm>>
      %dma_wait3A_467 = arith.constant 0 : i32
      %dma_wait3A_468 = tpu.memref_slice %arg4[%arg0, %add3A_388, %dma_wait3A_467] : memref<2x10240x128xf32, #tpu.memory_space<hbm>> -> memref<1x64x128xf32, #tpu.memory_space<hbm>>
      %dma_wait3A_469 = tpu.memref_squeeze %dma_wait3A_468 : memref<1x64x128xf32, #tpu.memory_space<hbm>> -> memref<64x128xf32, #tpu.memory_space<hbm>>
      %dma_wait3A_470 = arith.constant 0 : i32
      %dma_wait3A_471 = arith.constant 0 : i32
      %dma_wait3A_472 = tpu.memref_slice %arg7[%run_scoped3A_390, %dma_wait3A_470, %dma_wait3A_471] : memref<3x64x128xf32, #tpu.memory_space<vmem>> -> memref<1x64x128xf32, #tpu.memory_space<vmem>>
      %dma_wait3A_473 = tpu.memref_squeeze %dma_wait3A_472 : memref<1x64x128xf32, #tpu.memory_space<vmem>> -> memref<64x128xf32, #tpu.memory_space<vmem>>
      tpu.wait_dma2 semaphore(%run_scoped3A_445 : memref<!tpu.dma_semaphore, #tpu.memory_space<semaphore_mem>>) src(%dma_wait3A_473 : memref<64x128xf32, #tpu.memory_space<vmem>>) dst(%dma_wait3A_469 : memref<64x128xf32, #tpu.memory_space<hbm>>)
      tpu.yield
    }) : () -> ()
    %mul3A_391 = arith.constant 640 : i32
    %mul3A_392 = arith.muli %arg1, %mul3A_391 : i32
    %add3A_393 = arith.constant 64 : i32
    %add3A_394 = arith.addi %mul3A_392, %add3A_393 : i32
    %run_scoped3A_395 = arith.constant 0 : i32
    "tpu.region"() ({
      %run_scoped3A_445 = tpu.sem_alloc : memref<!tpu.dma_semaphore, #tpu.memory_space<semaphore_mem>>
      %dma_start3A_446 = arith.constant 0 : i32
      %dma_start3A_447 = arith.constant 0 : i32
      %dma_start3A_448 = tpu.memref_slice %arg7[%run_scoped3A_395, %dma_start3A_446, %dma_start3A_447] : memref<3x64x128xf32, #tpu.memory_space<vmem>> -> memref<1x64x128xf32, #tpu.memory_space<vmem>>
      %dma_start3A_449 = tpu.memref_squeeze %dma_start3A_448 : memref<1x64x128xf32, #tpu.memory_space<vmem>> -> memref<64x128xf32, #tpu.memory_space<vmem>>
      %dma_start3A_450 = arith.constant 0 : i32
      %dma_start3A_451 = tpu.memref_slice %arg8[%add3A_394, %dma_start3A_450] : memref<10240x128xf32, #tpu.memory_space<vmem_shared>> -> memref<64x128xf32, #tpu.memory_space<vmem_shared>>
      %dma_start3A_452 = arith.constant 0 : i32
      %dma_start3A_453 = arith.constant 0 : i32
      %dma_start3A_454 = tpu.memref_slice %arg7[%run_scoped3A_395, %dma_start3A_452, %dma_start3A_453] : memref<3x64x128xf32, #tpu.memory_space<vmem>> -> memref<1x64x128xf32, #tpu.memory_space<vmem>>
      %dma_start3A_455 = tpu.memref_squeeze %dma_start3A_454 : memref<1x64x128xf32, #tpu.memory_space<vmem>> -> memref<64x128xf32, #tpu.memory_space<vmem>>
      %dma_start3A_456 = arith.constant 0 : i32
      %dma_start3A_457 = tpu.memref_slice %arg8[%add3A_394, %dma_start3A_456] : memref<10240x128xf32, #tpu.memory_space<vmem_shared>> -> memref<64x128xf32, #tpu.memory_space<vmem_shared>>
      tpu.enqueue_dma source(%dma_start3A_457 : memref<64x128xf32, #tpu.memory_space<vmem_shared>>) target(%dma_start3A_455 : memref<64x128xf32, #tpu.memory_space<vmem>>) target_semaphore(%run_scoped3A_445 : memref<!tpu.dma_semaphore, #tpu.memory_space<semaphore_mem>>)
      %dma_wait3A_458 = arith.constant 0 : i32
      %dma_wait3A_459 = arith.constant 0 : i32
      %dma_wait3A_460 = tpu.memref_slice %arg7[%run_scoped3A_395, %dma_wait3A_458, %dma_wait3A_459] : memref<3x64x128xf32, #tpu.memory_space<vmem>> -> memref<1x64x128xf32, #tpu.memory_space<vmem>>
      %dma_wait3A_461 = tpu.memref_squeeze %dma_wait3A_460 : memref<1x64x128xf32, #tpu.memory_space<vmem>> -> memref<64x128xf32, #tpu.memory_space<vmem>>
      %dma_wait3A_462 = arith.constant 0 : i32
      %dma_wait3A_463 = tpu.memref_slice %arg8[%add3A_394, %dma_wait3A_462] : memref<10240x128xf32, #tpu.memory_space<vmem_shared>> -> memref<64x128xf32, #tpu.memory_space<vmem_shared>>
      %dma_wait3A_464 = arith.constant 0 : i32
      %dma_wait3A_465 = arith.constant 0 : i32
      %dma_wait3A_466 = tpu.memref_slice %arg7[%run_scoped3A_395, %dma_wait3A_464, %dma_wait3A_465] : memref<3x64x128xf32, #tpu.memory_space<vmem>> -> memref<1x64x128xf32, #tpu.memory_space<vmem>>
      %dma_wait3A_467 = tpu.memref_squeeze %dma_wait3A_466 : memref<1x64x128xf32, #tpu.memory_space<vmem>> -> memref<64x128xf32, #tpu.memory_space<vmem>>
      %dma_wait3A_468 = arith.constant 0 : i32
      %dma_wait3A_469 = tpu.memref_slice %arg8[%add3A_394, %dma_wait3A_468] : memref<10240x128xf32, #tpu.memory_space<vmem_shared>> -> memref<64x128xf32, #tpu.memory_space<vmem_shared>>
      tpu.wait_dma2 semaphore(%run_scoped3A_445 : memref<!tpu.dma_semaphore, #tpu.memory_space<semaphore_mem>>) src(%dma_wait3A_469 : memref<64x128xf32, #tpu.memory_space<vmem_shared>>) dst(%dma_wait3A_467 : memref<64x128xf32, #tpu.memory_space<vmem>>)
      tpu.yield
    }) : () -> ()
    %run_scoped3A_396 = arith.constant 0 : i32
    "tpu.region"() ({
      %run_scoped3A_445 = tpu.sem_alloc : memref<!tpu.dma_semaphore, #tpu.memory_space<semaphore_mem>>
      %dma_start3A_446 = arith.constant 0 : i32
      %dma_start3A_447 = arith.constant 0 : i32
      %dma_start3A_448 = tpu.memref_slice %arg7[%run_scoped3A_396, %dma_start3A_446, %dma_start3A_447] : memref<3x64x128xf32, #tpu.memory_space<vmem>> -> memref<1x64x128xf32, #tpu.memory_space<vmem>>
      %dma_start3A_449 = tpu.memref_squeeze %dma_start3A_448 : memref<1x64x128xf32, #tpu.memory_space<vmem>> -> memref<64x128xf32, #tpu.memory_space<vmem>>
      %dma_start3A_450 = arith.constant 0 : i32
      %dma_start3A_451 = tpu.memref_slice %arg4[%arg0, %add3A_394, %dma_start3A_450] : memref<2x10240x128xf32, #tpu.memory_space<hbm>> -> memref<1x64x128xf32, #tpu.memory_space<hbm>>
      %dma_start3A_452 = tpu.memref_squeeze %dma_start3A_451 : memref<1x64x128xf32, #tpu.memory_space<hbm>> -> memref<64x128xf32, #tpu.memory_space<hbm>>
      %dma_start3A_453 = arith.constant 0 : i32
      %dma_start3A_454 = tpu.memref_slice %arg4[%arg0, %add3A_394, %dma_start3A_453] : memref<2x10240x128xf32, #tpu.memory_space<hbm>> -> memref<1x64x128xf32, #tpu.memory_space<hbm>>
      %dma_start3A_455 = tpu.memref_squeeze %dma_start3A_454 : memref<1x64x128xf32, #tpu.memory_space<hbm>> -> memref<64x128xf32, #tpu.memory_space<hbm>>
      %dma_start3A_456 = arith.constant 0 : i32
      %dma_start3A_457 = arith.constant 0 : i32
      %dma_start3A_458 = tpu.memref_slice %arg7[%run_scoped3A_396, %dma_start3A_456, %dma_start3A_457] : memref<3x64x128xf32, #tpu.memory_space<vmem>> -> memref<1x64x128xf32, #tpu.memory_space<vmem>>
      %dma_start3A_459 = tpu.memref_squeeze %dma_start3A_458 : memref<1x64x128xf32, #tpu.memory_space<vmem>> -> memref<64x128xf32, #tpu.memory_space<vmem>>
      tpu.enqueue_dma source(%dma_start3A_459 : memref<64x128xf32, #tpu.memory_space<vmem>>) target(%dma_start3A_455 : memref<64x128xf32, #tpu.memory_space<hbm>>) target_semaphore(%run_scoped3A_445 : memref<!tpu.dma_semaphore, #tpu.memory_space<semaphore_mem>>)
      %dma_wait3A_460 = arith.constant 0 : i32
      %dma_wait3A_461 = arith.constant 0 : i32
      %dma_wait3A_462 = tpu.memref_slice %arg7[%run_scoped3A_396, %dma_wait3A_460, %dma_wait3A_461] : memref<3x64x128xf32, #tpu.memory_space<vmem>> -> memref<1x64x128xf32, #tpu.memory_space<vmem>>
      %dma_wait3A_463 = tpu.memref_squeeze %dma_wait3A_462 : memref<1x64x128xf32, #tpu.memory_space<vmem>> -> memref<64x128xf32, #tpu.memory_space<vmem>>
      %dma_wait3A_464 = arith.constant 0 : i32
      %dma_wait3A_465 = tpu.memref_slice %arg4[%arg0, %add3A_394, %dma_wait3A_464] : memref<2x10240x128xf32, #tpu.memory_space<hbm>> -> memref<1x64x128xf32, #tpu.memory_space<hbm>>
      %dma_wait3A_466 = tpu.memref_squeeze %dma_wait3A_465 : memref<1x64x128xf32, #tpu.memory_space<hbm>> -> memref<64x128xf32, #tpu.memory_space<hbm>>
      %dma_wait3A_467 = arith.constant 0 : i32
      %dma_wait3A_468 = tpu.memref_slice %arg4[%arg0, %add3A_394, %dma_wait3A_467] : memref<2x10240x128xf32, #tpu.memory_space<hbm>> -> memref<1x64x128xf32, #tpu.memory_space<hbm>>
      %dma_wait3A_469 = tpu.memref_squeeze %dma_wait3A_468 : memref<1x64x128xf32, #tpu.memory_space<hbm>> -> memref<64x128xf32, #tpu.memory_space<hbm>>
      %dma_wait3A_470 = arith.constant 0 : i32
      %dma_wait3A_471 = arith.constant 0 : i32
      %dma_wait3A_472 = tpu.memref_slice %arg7[%run_scoped3A_396, %dma_wait3A_470, %dma_wait3A_471] : memref<3x64x128xf32, #tpu.memory_space<vmem>> -> memref<1x64x128xf32, #tpu.memory_space<vmem>>
      %dma_wait3A_473 = tpu.memref_squeeze %dma_wait3A_472 : memref<1x64x128xf32, #tpu.memory_space<vmem>> -> memref<64x128xf32, #tpu.memory_space<vmem>>
      tpu.wait_dma2 semaphore(%run_scoped3A_445 : memref<!tpu.dma_semaphore, #tpu.memory_space<semaphore_mem>>) src(%dma_wait3A_473 : memref<64x128xf32, #tpu.memory_space<vmem>>) dst(%dma_wait3A_469 : memref<64x128xf32, #tpu.memory_space<hbm>>)
      tpu.yield
    }) : () -> ()
    %mul3A_397 = arith.constant 640 : i32
    %mul3A_398 = arith.muli %arg1, %mul3A_397 : i32
    %add3A_399 = arith.constant 128 : i32
    %add3A_400 = arith.addi %mul3A_398, %add3A_399 : i32
    %run_scoped3A_401 = arith.constant 0 : i32
    "tpu.region"() ({
      %run_scoped3A_445 = tpu.sem_alloc : memref<!tpu.dma_semaphore, #tpu.memory_space<semaphore_mem>>
      %dma_start3A_446 = arith.constant 0 : i32
      %dma_start3A_447 = arith.constant 0 : i32
      %dma_start3A_448 = tpu.memref_slice %arg7[%run_scoped3A_401, %dma_start3A_446, %dma_start3A_447] : memref<3x64x128xf32, #tpu.memory_space<vmem>> -> memref<1x64x128xf32, #tpu.memory_space<vmem>>
      %dma_start3A_449 = tpu.memref_squeeze %dma_start3A_448 : memref<1x64x128xf32, #tpu.memory_space<vmem>> -> memref<64x128xf32, #tpu.memory_space<vmem>>
      %dma_start3A_450 = arith.constant 0 : i32
      %dma_start3A_451 = tpu.memref_slice %arg8[%add3A_400, %dma_start3A_450] : memref<10240x128xf32, #tpu.memory_space<vmem_shared>> -> memref<64x128xf32, #tpu.memory_space<vmem_shared>>
      %dma_start3A_452 = arith.constant 0 : i32
      %dma_start3A_453 = arith.constant 0 : i32
      %dma_start3A_454 = tpu.memref_slice %arg7[%run_scoped3A_401, %dma_start3A_452, %dma_start3A_453] : memref<3x64x128xf32, #tpu.memory_space<vmem>> -> memref<1x64x128xf32, #tpu.memory_space<vmem>>
      %dma_start3A_455 = tpu.memref_squeeze %dma_start3A_454 : memref<1x64x128xf32, #tpu.memory_space<vmem>> -> memref<64x128xf32, #tpu.memory_space<vmem>>
      %dma_start3A_456 = arith.constant 0 : i32
      %dma_start3A_457 = tpu.memref_slice %arg8[%add3A_400, %dma_start3A_456] : memref<10240x128xf32, #tpu.memory_space<vmem_shared>> -> memref<64x128xf32, #tpu.memory_space<vmem_shared>>
      tpu.enqueue_dma source(%dma_start3A_457 : memref<64x128xf32, #tpu.memory_space<vmem_shared>>) target(%dma_start3A_455 : memref<64x128xf32, #tpu.memory_space<vmem>>) target_semaphore(%run_scoped3A_445 : memref<!tpu.dma_semaphore, #tpu.memory_space<semaphore_mem>>)
      %dma_wait3A_458 = arith.constant 0 : i32
      %dma_wait3A_459 = arith.constant 0 : i32
      %dma_wait3A_460 = tpu.memref_slice %arg7[%run_scoped3A_401, %dma_wait3A_458, %dma_wait3A_459] : memref<3x64x128xf32, #tpu.memory_space<vmem>> -> memref<1x64x128xf32, #tpu.memory_space<vmem>>
      %dma_wait3A_461 = tpu.memref_squeeze %dma_wait3A_460 : memref<1x64x128xf32, #tpu.memory_space<vmem>> -> memref<64x128xf32, #tpu.memory_space<vmem>>
      %dma_wait3A_462 = arith.constant 0 : i32
      %dma_wait3A_463 = tpu.memref_slice %arg8[%add3A_400, %dma_wait3A_462] : memref<10240x128xf32, #tpu.memory_space<vmem_shared>> -> memref<64x128xf32, #tpu.memory_space<vmem_shared>>
      %dma_wait3A_464 = arith.constant 0 : i32
      %dma_wait3A_465 = arith.constant 0 : i32
      %dma_wait3A_466 = tpu.memref_slice %arg7[%run_scoped3A_401, %dma_wait3A_464, %dma_wait3A_465] : memref<3x64x128xf32, #tpu.memory_space<vmem>> -> memref<1x64x128xf32, #tpu.memory_space<vmem>>
      %dma_wait3A_467 = tpu.memref_squeeze %dma_wait3A_466 : memref<1x64x128xf32, #tpu.memory_space<vmem>> -> memref<64x128xf32, #tpu.memory_space<vmem>>
      %dma_wait3A_468 = arith.constant 0 : i32
      %dma_wait3A_469 = tpu.memref_slice %arg8[%add3A_400, %dma_wait3A_468] : memref<10240x128xf32, #tpu.memory_space<vmem_shared>> -> memref<64x128xf32, #tpu.memory_space<vmem_shared>>
      tpu.wait_dma2 semaphore(%run_scoped3A_445 : memref<!tpu.dma_semaphore, #tpu.memory_space<semaphore_mem>>) src(%dma_wait3A_469 : memref<64x128xf32, #tpu.memory_space<vmem_shared>>) dst(%dma_wait3A_467 : memref<64x128xf32, #tpu.memory_space<vmem>>)
      tpu.yield
    }) : () -> ()
    %run_scoped3A_402 = arith.constant 0 : i32
    "tpu.region"() ({
      %run_scoped3A_445 = tpu.sem_alloc : memref<!tpu.dma_semaphore, #tpu.memory_space<semaphore_mem>>
      %dma_start3A_446 = arith.constant 0 : i32
      %dma_start3A_447 = arith.constant 0 : i32
      %dma_start3A_448 = tpu.memref_slice %arg7[%run_scoped3A_402, %dma_start3A_446, %dma_start3A_447] : memref<3x64x128xf32, #tpu.memory_space<vmem>> -> memref<1x64x128xf32, #tpu.memory_space<vmem>>
      %dma_start3A_449 = tpu.memref_squeeze %dma_start3A_448 : memref<1x64x128xf32, #tpu.memory_space<vmem>> -> memref<64x128xf32, #tpu.memory_space<vmem>>
      %dma_start3A_450 = arith.constant 0 : i32
      %dma_start3A_451 = tpu.memref_slice %arg4[%arg0, %add3A_400, %dma_start3A_450] : memref<2x10240x128xf32, #tpu.memory_space<hbm>> -> memref<1x64x128xf32, #tpu.memory_space<hbm>>
      %dma_start3A_452 = tpu.memref_squeeze %dma_start3A_451 : memref<1x64x128xf32, #tpu.memory_space<hbm>> -> memref<64x128xf32, #tpu.memory_space<hbm>>
      %dma_start3A_453 = arith.constant 0 : i32
      %dma_start3A_454 = tpu.memref_slice %arg4[%arg0, %add3A_400, %dma_start3A_453] : memref<2x10240x128xf32, #tpu.memory_space<hbm>> -> memref<1x64x128xf32, #tpu.memory_space<hbm>>
      %dma_start3A_455 = tpu.memref_squeeze %dma_start3A_454 : memref<1x64x128xf32, #tpu.memory_space<hbm>> -> memref<64x128xf32, #tpu.memory_space<hbm>>
      %dma_start3A_456 = arith.constant 0 : i32
      %dma_start3A_457 = arith.constant 0 : i32
      %dma_start3A_458 = tpu.memref_slice %arg7[%run_scoped3A_402, %dma_start3A_456, %dma_start3A_457] : memref<3x64x128xf32, #tpu.memory_space<vmem>> -> memref<1x64x128xf32, #tpu.memory_space<vmem>>
      %dma_start3A_459 = tpu.memref_squeeze %dma_start3A_458 : memref<1x64x128xf32, #tpu.memory_space<vmem>> -> memref<64x128xf32, #tpu.memory_space<vmem>>
      tpu.enqueue_dma source(%dma_start3A_459 : memref<64x128xf32, #tpu.memory_space<vmem>>) target(%dma_start3A_455 : memref<64x128xf32, #tpu.memory_space<hbm>>) target_semaphore(%run_scoped3A_445 : memref<!tpu.dma_semaphore, #tpu.memory_space<semaphore_mem>>)
      %dma_wait3A_460 = arith.constant 0 : i32
      %dma_wait3A_461 = arith.constant 0 : i32
      %dma_wait3A_462 = tpu.memref_slice %arg7[%run_scoped3A_402, %dma_wait3A_460, %dma_wait3A_461] : memref<3x64x128xf32, #tpu.memory_space<vmem>> -> memref<1x64x128xf32, #tpu.memory_space<vmem>>
      %dma_wait3A_463 = tpu.memref_squeeze %dma_wait3A_462 : memref<1x64x128xf32, #tpu.memory_space<vmem>> -> memref<64x128xf32, #tpu.memory_space<vmem>>
      %dma_wait3A_464 = arith.constant 0 : i32
      %dma_wait3A_465 = tpu.memref_slice %arg4[%arg0, %add3A_400, %dma_wait3A_464] : memref<2x10240x128xf32, #tpu.memory_space<hbm>> -> memref<1x64x128xf32, #tpu.memory_space<hbm>>
      %dma_wait3A_466 = tpu.memref_squeeze %dma_wait3A_465 : memref<1x64x128xf32, #tpu.memory_space<hbm>> -> memref<64x128xf32, #tpu.memory_space<hbm>>
      %dma_wait3A_467 = arith.constant 0 : i32
      %dma_wait3A_468 = tpu.memref_slice %arg4[%arg0, %add3A_400, %dma_wait3A_467] : memref<2x10240x128xf32, #tpu.memory_space<hbm>> -> memref<1x64x128xf32, #tpu.memory_space<hbm>>
      %dma_wait3A_469 = tpu.memref_squeeze %dma_wait3A_468 : memref<1x64x128xf32, #tpu.memory_space<hbm>> -> memref<64x128xf32, #tpu.memory_space<hbm>>
      %dma_wait3A_470 = arith.constant 0 : i32
      %dma_wait3A_471 = arith.constant 0 : i32
      %dma_wait3A_472 = tpu.memref_slice %arg7[%run_scoped3A_402, %dma_wait3A_470, %dma_wait3A_471] : memref<3x64x128xf32, #tpu.memory_space<vmem>> -> memref<1x64x128xf32, #tpu.memory_space<vmem>>
      %dma_wait3A_473 = tpu.memref_squeeze %dma_wait3A_472 : memref<1x64x128xf32, #tpu.memory_space<vmem>> -> memref<64x128xf32, #tpu.memory_space<vmem>>
      tpu.wait_dma2 semaphore(%run_scoped3A_445 : memref<!tpu.dma_semaphore, #tpu.memory_space<semaphore_mem>>) src(%dma_wait3A_473 : memref<64x128xf32, #tpu.memory_space<vmem>>) dst(%dma_wait3A_469 : memref<64x128xf32, #tpu.memory_space<hbm>>)
      tpu.yield
    }) : () -> ()
    %mul3A_403 = arith.constant 640 : i32
    %mul3A_404 = arith.muli %arg1, %mul3A_403 : i32
    %add3A_405 = arith.constant 192 : i32
    %add3A_406 = arith.addi %mul3A_404, %add3A_405 : i32
    %run_scoped3A_407 = arith.constant 0 : i32
    "tpu.region"() ({
      %run_scoped3A_445 = tpu.sem_alloc : memref<!tpu.dma_semaphore, #tpu.memory_space<semaphore_mem>>
      %dma_start3A_446 = arith.constant 0 : i32
      %dma_start3A_447 = arith.constant 0 : i32
      %dma_start3A_448 = tpu.memref_slice %arg7[%run_scoped3A_407, %dma_start3A_446, %dma_start3A_447] : memref<3x64x128xf32, #tpu.memory_space<vmem>> -> memref<1x64x128xf32, #tpu.memory_space<vmem>>
      %dma_start3A_449 = tpu.memref_squeeze %dma_start3A_448 : memref<1x64x128xf32, #tpu.memory_space<vmem>> -> memref<64x128xf32, #tpu.memory_space<vmem>>
      %dma_start3A_450 = arith.constant 0 : i32
      %dma_start3A_451 = tpu.memref_slice %arg8[%add3A_406, %dma_start3A_450] : memref<10240x128xf32, #tpu.memory_space<vmem_shared>> -> memref<64x128xf32, #tpu.memory_space<vmem_shared>>
      %dma_start3A_452 = arith.constant 0 : i32
      %dma_start3A_453 = arith.constant 0 : i32
      %dma_start3A_454 = tpu.memref_slice %arg7[%run_scoped3A_407, %dma_start3A_452, %dma_start3A_453] : memref<3x64x128xf32, #tpu.memory_space<vmem>> -> memref<1x64x128xf32, #tpu.memory_space<vmem>>
      %dma_start3A_455 = tpu.memref_squeeze %dma_start3A_454 : memref<1x64x128xf32, #tpu.memory_space<vmem>> -> memref<64x128xf32, #tpu.memory_space<vmem>>
      %dma_start3A_456 = arith.constant 0 : i32
      %dma_start3A_457 = tpu.memref_slice %arg8[%add3A_406, %dma_start3A_456] : memref<10240x128xf32, #tpu.memory_space<vmem_shared>> -> memref<64x128xf32, #tpu.memory_space<vmem_shared>>
      tpu.enqueue_dma source(%dma_start3A_457 : memref<64x128xf32, #tpu.memory_space<vmem_shared>>) target(%dma_start3A_455 : memref<64x128xf32, #tpu.memory_space<vmem>>) target_semaphore(%run_scoped3A_445 : memref<!tpu.dma_semaphore, #tpu.memory_space<semaphore_mem>>)
      %dma_wait3A_458 = arith.constant 0 : i32
      %dma_wait3A_459 = arith.constant 0 : i32
      %dma_wait3A_460 = tpu.memref_slice %arg7[%run_scoped3A_407, %dma_wait3A_458, %dma_wait3A_459] : memref<3x64x128xf32, #tpu.memory_space<vmem>> -> memref<1x64x128xf32, #tpu.memory_space<vmem>>
      %dma_wait3A_461 = tpu.memref_squeeze %dma_wait3A_460 : memref<1x64x128xf32, #tpu.memory_space<vmem>> -> memref<64x128xf32, #tpu.memory_space<vmem>>
      %dma_wait3A_462 = arith.constant 0 : i32
      %dma_wait3A_463 = tpu.memref_slice %arg8[%add3A_406, %dma_wait3A_462] : memref<10240x128xf32, #tpu.memory_space<vmem_shared>> -> memref<64x128xf32, #tpu.memory_space<vmem_shared>>
      %dma_wait3A_464 = arith.constant 0 : i32
      %dma_wait3A_465 = arith.constant 0 : i32
      %dma_wait3A_466 = tpu.memref_slice %arg7[%run_scoped3A_407, %dma_wait3A_464, %dma_wait3A_465] : memref<3x64x128xf32, #tpu.memory_space<vmem>> -> memref<1x64x128xf32, #tpu.memory_space<vmem>>
      %dma_wait3A_467 = tpu.memref_squeeze %dma_wait3A_466 : memref<1x64x128xf32, #tpu.memory_space<vmem>> -> memref<64x128xf32, #tpu.memory_space<vmem>>
      %dma_wait3A_468 = arith.constant 0 : i32
      %dma_wait3A_469 = tpu.memref_slice %arg8[%add3A_406, %dma_wait3A_468] : memref<10240x128xf32, #tpu.memory_space<vmem_shared>> -> memref<64x128xf32, #tpu.memory_space<vmem_shared>>
      tpu.wait_dma2 semaphore(%run_scoped3A_445 : memref<!tpu.dma_semaphore, #tpu.memory_space<semaphore_mem>>) src(%dma_wait3A_469 : memref<64x128xf32, #tpu.memory_space<vmem_shared>>) dst(%dma_wait3A_467 : memref<64x128xf32, #tpu.memory_space<vmem>>)
      tpu.yield
    }) : () -> ()
    %run_scoped3A_408 = arith.constant 0 : i32
    "tpu.region"() ({
      %run_scoped3A_445 = tpu.sem_alloc : memref<!tpu.dma_semaphore, #tpu.memory_space<semaphore_mem>>
      %dma_start3A_446 = arith.constant 0 : i32
      %dma_start3A_447 = arith.constant 0 : i32
      %dma_start3A_448 = tpu.memref_slice %arg7[%run_scoped3A_408, %dma_start3A_446, %dma_start3A_447] : memref<3x64x128xf32, #tpu.memory_space<vmem>> -> memref<1x64x128xf32, #tpu.memory_space<vmem>>
      %dma_start3A_449 = tpu.memref_squeeze %dma_start3A_448 : memref<1x64x128xf32, #tpu.memory_space<vmem>> -> memref<64x128xf32, #tpu.memory_space<vmem>>
      %dma_start3A_450 = arith.constant 0 : i32
      %dma_start3A_451 = tpu.memref_slice %arg4[%arg0, %add3A_406, %dma_start3A_450] : memref<2x10240x128xf32, #tpu.memory_space<hbm>> -> memref<1x64x128xf32, #tpu.memory_space<hbm>>
      %dma_start3A_452 = tpu.memref_squeeze %dma_start3A_451 : memref<1x64x128xf32, #tpu.memory_space<hbm>> -> memref<64x128xf32, #tpu.memory_space<hbm>>
      %dma_start3A_453 = arith.constant 0 : i32
      %dma_start3A_454 = tpu.memref_slice %arg4[%arg0, %add3A_406, %dma_start3A_453] : memref<2x10240x128xf32, #tpu.memory_space<hbm>> -> memref<1x64x128xf32, #tpu.memory_space<hbm>>
      %dma_start3A_455 = tpu.memref_squeeze %dma_start3A_454 : memref<1x64x128xf32, #tpu.memory_space<hbm>> -> memref<64x128xf32, #tpu.memory_space<hbm>>
      %dma_start3A_456 = arith.constant 0 : i32
      %dma_start3A_457 = arith.constant 0 : i32
      %dma_start3A_458 = tpu.memref_slice %arg7[%run_scoped3A_408, %dma_start3A_456, %dma_start3A_457] : memref<3x64x128xf32, #tpu.memory_space<vmem>> -> memref<1x64x128xf32, #tpu.memory_space<vmem>>
      %dma_start3A_459 = tpu.memref_squeeze %dma_start3A_458 : memref<1x64x128xf32, #tpu.memory_space<vmem>> -> memref<64x128xf32, #tpu.memory_space<vmem>>
      tpu.enqueue_dma source(%dma_start3A_459 : memref<64x128xf32, #tpu.memory_space<vmem>>) target(%dma_start3A_455 : memref<64x128xf32, #tpu.memory_space<hbm>>) target_semaphore(%run_scoped3A_445 : memref<!tpu.dma_semaphore, #tpu.memory_space<semaphore_mem>>)
      %dma_wait3A_460 = arith.constant 0 : i32
      %dma_wait3A_461 = arith.constant 0 : i32
      %dma_wait3A_462 = tpu.memref_slice %arg7[%run_scoped3A_408, %dma_wait3A_460, %dma_wait3A_461] : memref<3x64x128xf32, #tpu.memory_space<vmem>> -> memref<1x64x128xf32, #tpu.memory_space<vmem>>
      %dma_wait3A_463 = tpu.memref_squeeze %dma_wait3A_462 : memref<1x64x128xf32, #tpu.memory_space<vmem>> -> memref<64x128xf32, #tpu.memory_space<vmem>>
      %dma_wait3A_464 = arith.constant 0 : i32
      %dma_wait3A_465 = tpu.memref_slice %arg4[%arg0, %add3A_406, %dma_wait3A_464] : memref<2x10240x128xf32, #tpu.memory_space<hbm>> -> memref<1x64x128xf32, #tpu.memory_space<hbm>>
      %dma_wait3A_466 = tpu.memref_squeeze %dma_wait3A_465 : memref<1x64x128xf32, #tpu.memory_space<hbm>> -> memref<64x128xf32, #tpu.memory_space<hbm>>
      %dma_wait3A_467 = arith.constant 0 : i32
      %dma_wait3A_468 = tpu.memref_slice %arg4[%arg0, %add3A_406, %dma_wait3A_467] : memref<2x10240x128xf32, #tpu.memory_space<hbm>> -> memref<1x64x128xf32, #tpu.memory_space<hbm>>
      %dma_wait3A_469 = tpu.memref_squeeze %dma_wait3A_468 : memref<1x64x128xf32, #tpu.memory_space<hbm>> -> memref<64x128xf32, #tpu.memory_space<hbm>>
      %dma_wait3A_470 = arith.constant 0 : i32
      %dma_wait3A_471 = arith.constant 0 : i32
      %dma_wait3A_472 = tpu.memref_slice %arg7[%run_scoped3A_408, %dma_wait3A_470, %dma_wait3A_471] : memref<3x64x128xf32, #tpu.memory_space<vmem>> -> memref<1x64x128xf32, #tpu.memory_space<vmem>>
      %dma_wait3A_473 = tpu.memref_squeeze %dma_wait3A_472 : memref<1x64x128xf32, #tpu.memory_space<vmem>> -> memref<64x128xf32, #tpu.memory_space<vmem>>
      tpu.wait_dma2 semaphore(%run_scoped3A_445 : memref<!tpu.dma_semaphore, #tpu.memory_space<semaphore_mem>>) src(%dma_wait3A_473 : memref<64x128xf32, #tpu.memory_space<vmem>>) dst(%dma_wait3A_469 : memref<64x128xf32, #tpu.memory_space<hbm>>)
      tpu.yield
    }) : () -> ()
    %mul3A_409 = arith.constant 640 : i32
    %mul3A_410 = arith.muli %arg1, %mul3A_409 : i32
    %add3A_411 = arith.constant 256 : i32
    %add3A_412 = arith.addi %mul3A_410, %add3A_411 : i32
    %run_scoped3A_413 = arith.constant 0 : i32
    "tpu.region"() ({
      %run_scoped3A_445 = tpu.sem_alloc : memref<!tpu.dma_semaphore, #tpu.memory_space<semaphore_mem>>
      %dma_start3A_446 = arith.constant 0 : i32
      %dma_start3A_447 = arith.constant 0 : i32
      %dma_start3A_448 = tpu.memref_slice %arg7[%run_scoped3A_413, %dma_start3A_446, %dma_start3A_447] : memref<3x64x128xf32, #tpu.memory_space<vmem>> -> memref<1x64x128xf32, #tpu.memory_space<vmem>>
      %dma_start3A_449 = tpu.memref_squeeze %dma_start3A_448 : memref<1x64x128xf32, #tpu.memory_space<vmem>> -> memref<64x128xf32, #tpu.memory_space<vmem>>
      %dma_start3A_450 = arith.constant 0 : i32
      %dma_start3A_451 = tpu.memref_slice %arg8[%add3A_412, %dma_start3A_450] : memref<10240x128xf32, #tpu.memory_space<vmem_shared>> -> memref<64x128xf32, #tpu.memory_space<vmem_shared>>
      %dma_start3A_452 = arith.constant 0 : i32
      %dma_start3A_453 = arith.constant 0 : i32
      %dma_start3A_454 = tpu.memref_slice %arg7[%run_scoped3A_413, %dma_start3A_452, %dma_start3A_453] : memref<3x64x128xf32, #tpu.memory_space<vmem>> -> memref<1x64x128xf32, #tpu.memory_space<vmem>>
      %dma_start3A_455 = tpu.memref_squeeze %dma_start3A_454 : memref<1x64x128xf32, #tpu.memory_space<vmem>> -> memref<64x128xf32, #tpu.memory_space<vmem>>
      %dma_start3A_456 = arith.constant 0 : i32
      %dma_start3A_457 = tpu.memref_slice %arg8[%add3A_412, %dma_start3A_456] : memref<10240x128xf32, #tpu.memory_space<vmem_shared>> -> memref<64x128xf32, #tpu.memory_space<vmem_shared>>
      tpu.enqueue_dma source(%dma_start3A_457 : memref<64x128xf32, #tpu.memory_space<vmem_shared>>) target(%dma_start3A_455 : memref<64x128xf32, #tpu.memory_space<vmem>>) target_semaphore(%run_scoped3A_445 : memref<!tpu.dma_semaphore, #tpu.memory_space<semaphore_mem>>)
      %dma_wait3A_458 = arith.constant 0 : i32
      %dma_wait3A_459 = arith.constant 0 : i32
      %dma_wait3A_460 = tpu.memref_slice %arg7[%run_scoped3A_413, %dma_wait3A_458, %dma_wait3A_459] : memref<3x64x128xf32, #tpu.memory_space<vmem>> -> memref<1x64x128xf32, #tpu.memory_space<vmem>>
      %dma_wait3A_461 = tpu.memref_squeeze %dma_wait3A_460 : memref<1x64x128xf32, #tpu.memory_space<vmem>> -> memref<64x128xf32, #tpu.memory_space<vmem>>
      %dma_wait3A_462 = arith.constant 0 : i32
      %dma_wait3A_463 = tpu.memref_slice %arg8[%add3A_412, %dma_wait3A_462] : memref<10240x128xf32, #tpu.memory_space<vmem_shared>> -> memref<64x128xf32, #tpu.memory_space<vmem_shared>>
      %dma_wait3A_464 = arith.constant 0 : i32
      %dma_wait3A_465 = arith.constant 0 : i32
      %dma_wait3A_466 = tpu.memref_slice %arg7[%run_scoped3A_413, %dma_wait3A_464, %dma_wait3A_465] : memref<3x64x128xf32, #tpu.memory_space<vmem>> -> memref<1x64x128xf32, #tpu.memory_space<vmem>>
      %dma_wait3A_467 = tpu.memref_squeeze %dma_wait3A_466 : memref<1x64x128xf32, #tpu.memory_space<vmem>> -> memref<64x128xf32, #tpu.memory_space<vmem>>
      %dma_wait3A_468 = arith.constant 0 : i32
      %dma_wait3A_469 = tpu.memref_slice %arg8[%add3A_412, %dma_wait3A_468] : memref<10240x128xf32, #tpu.memory_space<vmem_shared>> -> memref<64x128xf32, #tpu.memory_space<vmem_shared>>
      tpu.wait_dma2 semaphore(%run_scoped3A_445 : memref<!tpu.dma_semaphore, #tpu.memory_space<semaphore_mem>>) src(%dma_wait3A_469 : memref<64x128xf32, #tpu.memory_space<vmem_shared>>) dst(%dma_wait3A_467 : memref<64x128xf32, #tpu.memory_space<vmem>>)
      tpu.yield
    }) : () -> ()
    %run_scoped3A_414 = arith.constant 0 : i32
    "tpu.region"() ({
      %run_scoped3A_445 = tpu.sem_alloc : memref<!tpu.dma_semaphore, #tpu.memory_space<semaphore_mem>>
      %dma_start3A_446 = arith.constant 0 : i32
      %dma_start3A_447 = arith.constant 0 : i32
      %dma_start3A_448 = tpu.memref_slice %arg7[%run_scoped3A_414, %dma_start3A_446, %dma_start3A_447] : memref<3x64x128xf32, #tpu.memory_space<vmem>> -> memref<1x64x128xf32, #tpu.memory_space<vmem>>
      %dma_start3A_449 = tpu.memref_squeeze %dma_start3A_448 : memref<1x64x128xf32, #tpu.memory_space<vmem>> -> memref<64x128xf32, #tpu.memory_space<vmem>>
      %dma_start3A_450 = arith.constant 0 : i32
      %dma_start3A_451 = tpu.memref_slice %arg4[%arg0, %add3A_412, %dma_start3A_450] : memref<2x10240x128xf32, #tpu.memory_space<hbm>> -> memref<1x64x128xf32, #tpu.memory_space<hbm>>
      %dma_start3A_452 = tpu.memref_squeeze %dma_start3A_451 : memref<1x64x128xf32, #tpu.memory_space<hbm>> -> memref<64x128xf32, #tpu.memory_space<hbm>>
      %dma_start3A_453 = arith.constant 0 : i32
      %dma_start3A_454 = tpu.memref_slice %arg4[%arg0, %add3A_412, %dma_start3A_453] : memref<2x10240x128xf32, #tpu.memory_space<hbm>> -> memref<1x64x128xf32, #tpu.memory_space<hbm>>
      %dma_start3A_455 = tpu.memref_squeeze %dma_start3A_454 : memref<1x64x128xf32, #tpu.memory_space<hbm>> -> memref<64x128xf32, #tpu.memory_space<hbm>>
      %dma_start3A_456 = arith.constant 0 : i32
      %dma_start3A_457 = arith.constant 0 : i32
      %dma_start3A_458 = tpu.memref_slice %arg7[%run_scoped3A_414, %dma_start3A_456, %dma_start3A_457] : memref<3x64x128xf32, #tpu.memory_space<vmem>> -> memref<1x64x128xf32, #tpu.memory_space<vmem>>
      %dma_start3A_459 = tpu.memref_squeeze %dma_start3A_458 : memref<1x64x128xf32, #tpu.memory_space<vmem>> -> memref<64x128xf32, #tpu.memory_space<vmem>>
      tpu.enqueue_dma source(%dma_start3A_459 : memref<64x128xf32, #tpu.memory_space<vmem>>) target(%dma_start3A_455 : memref<64x128xf32, #tpu.memory_space<hbm>>) target_semaphore(%run_scoped3A_445 : memref<!tpu.dma_semaphore, #tpu.memory_space<semaphore_mem>>)
      %dma_wait3A_460 = arith.constant 0 : i32
      %dma_wait3A_461 = arith.constant 0 : i32
      %dma_wait3A_462 = tpu.memref_slice %arg7[%run_scoped3A_414, %dma_wait3A_460, %dma_wait3A_461] : memref<3x64x128xf32, #tpu.memory_space<vmem>> -> memref<1x64x128xf32, #tpu.memory_space<vmem>>
      %dma_wait3A_463 = tpu.memref_squeeze %dma_wait3A_462 : memref<1x64x128xf32, #tpu.memory_space<vmem>> -> memref<64x128xf32, #tpu.memory_space<vmem>>
      %dma_wait3A_464 = arith.constant 0 : i32
      %dma_wait3A_465 = tpu.memref_slice %arg4[%arg0, %add3A_412, %dma_wait3A_464] : memref<2x10240x128xf32, #tpu.memory_space<hbm>> -> memref<1x64x128xf32, #tpu.memory_space<hbm>>
      %dma_wait3A_466 = tpu.memref_squeeze %dma_wait3A_465 : memref<1x64x128xf32, #tpu.memory_space<hbm>> -> memref<64x128xf32, #tpu.memory_space<hbm>>
      %dma_wait3A_467 = arith.constant 0 : i32
      %dma_wait3A_468 = tpu.memref_slice %arg4[%arg0, %add3A_412, %dma_wait3A_467] : memref<2x10240x128xf32, #tpu.memory_space<hbm>> -> memref<1x64x128xf32, #tpu.memory_space<hbm>>
      %dma_wait3A_469 = tpu.memref_squeeze %dma_wait3A_468 : memref<1x64x128xf32, #tpu.memory_space<hbm>> -> memref<64x128xf32, #tpu.memory_space<hbm>>
      %dma_wait3A_470 = arith.constant 0 : i32
      %dma_wait3A_471 = arith.constant 0 : i32
      %dma_wait3A_472 = tpu.memref_slice %arg7[%run_scoped3A_414, %dma_wait3A_470, %dma_wait3A_471] : memref<3x64x128xf32, #tpu.memory_space<vmem>> -> memref<1x64x128xf32, #tpu.memory_space<vmem>>
      %dma_wait3A_473 = tpu.memref_squeeze %dma_wait3A_472 : memref<1x64x128xf32, #tpu.memory_space<vmem>> -> memref<64x128xf32, #tpu.memory_space<vmem>>
      tpu.wait_dma2 semaphore(%run_scoped3A_445 : memref<!tpu.dma_semaphore, #tpu.memory_space<semaphore_mem>>) src(%dma_wait3A_473 : memref<64x128xf32, #tpu.memory_space<vmem>>) dst(%dma_wait3A_469 : memref<64x128xf32, #tpu.memory_space<hbm>>)
      tpu.yield
    }) : () -> ()
    %mul3A_415 = arith.constant 640 : i32
    %mul3A_416 = arith.muli %arg1, %mul3A_415 : i32
    %add3A_417 = arith.constant 320 : i32
    %add3A_418 = arith.addi %mul3A_416, %add3A_417 : i32
    %run_scoped3A_419 = arith.constant 0 : i32
    "tpu.region"() ({
      %run_scoped3A_445 = tpu.sem_alloc : memref<!tpu.dma_semaphore, #tpu.memory_space<semaphore_mem>>
      %dma_start3A_446 = arith.constant 0 : i32
      %dma_start3A_447 = arith.constant 0 : i32
      %dma_start3A_448 = tpu.memref_slice %arg7[%run_scoped3A_419, %dma_start3A_446, %dma_start3A_447] : memref<3x64x128xf32, #tpu.memory_space<vmem>> -> memref<1x64x128xf32, #tpu.memory_space<vmem>>
      %dma_start3A_449 = tpu.memref_squeeze %dma_start3A_448 : memref<1x64x128xf32, #tpu.memory_space<vmem>> -> memref<64x128xf32, #tpu.memory_space<vmem>>
      %dma_start3A_450 = arith.constant 0 : i32
      %dma_start3A_451 = tpu.memref_slice %arg8[%add3A_418, %dma_start3A_450] : memref<10240x128xf32, #tpu.memory_space<vmem_shared>> -> memref<64x128xf32, #tpu.memory_space<vmem_shared>>
      %dma_start3A_452 = arith.constant 0 : i32
      %dma_start3A_453 = arith.constant 0 : i32
      %dma_start3A_454 = tpu.memref_slice %arg7[%run_scoped3A_419, %dma_start3A_452, %dma_start3A_453] : memref<3x64x128xf32, #tpu.memory_space<vmem>> -> memref<1x64x128xf32, #tpu.memory_space<vmem>>
      %dma_start3A_455 = tpu.memref_squeeze %dma_start3A_454 : memref<1x64x128xf32, #tpu.memory_space<vmem>> -> memref<64x128xf32, #tpu.memory_space<vmem>>
      %dma_start3A_456 = arith.constant 0 : i32
      %dma_start3A_457 = tpu.memref_slice %arg8[%add3A_418, %dma_start3A_456] : memref<10240x128xf32, #tpu.memory_space<vmem_shared>> -> memref<64x128xf32, #tpu.memory_space<vmem_shared>>
      tpu.enqueue_dma source(%dma_start3A_457 : memref<64x128xf32, #tpu.memory_space<vmem_shared>>) target(%dma_start3A_455 : memref<64x128xf32, #tpu.memory_space<vmem>>) target_semaphore(%run_scoped3A_445 : memref<!tpu.dma_semaphore, #tpu.memory_space<semaphore_mem>>)
      %dma_wait3A_458 = arith.constant 0 : i32
      %dma_wait3A_459 = arith.constant 0 : i32
      %dma_wait3A_460 = tpu.memref_slice %arg7[%run_scoped3A_419, %dma_wait3A_458, %dma_wait3A_459] : memref<3x64x128xf32, #tpu.memory_space<vmem>> -> memref<1x64x128xf32, #tpu.memory_space<vmem>>
      %dma_wait3A_461 = tpu.memref_squeeze %dma_wait3A_460 : memref<1x64x128xf32, #tpu.memory_space<vmem>> -> memref<64x128xf32, #tpu.memory_space<vmem>>
      %dma_wait3A_462 = arith.constant 0 : i32
      %dma_wait3A_463 = tpu.memref_slice %arg8[%add3A_418, %dma_wait3A_462] : memref<10240x128xf32, #tpu.memory_space<vmem_shared>> -> memref<64x128xf32, #tpu.memory_space<vmem_shared>>
      %dma_wait3A_464 = arith.constant 0 : i32
      %dma_wait3A_465 = arith.constant 0 : i32
      %dma_wait3A_466 = tpu.memref_slice %arg7[%run_scoped3A_419, %dma_wait3A_464, %dma_wait3A_465] : memref<3x64x128xf32, #tpu.memory_space<vmem>> -> memref<1x64x128xf32, #tpu.memory_space<vmem>>
      %dma_wait3A_467 = tpu.memref_squeeze %dma_wait3A_466 : memref<1x64x128xf32, #tpu.memory_space<vmem>> -> memref<64x128xf32, #tpu.memory_space<vmem>>
      %dma_wait3A_468 = arith.constant 0 : i32
      %dma_wait3A_469 = tpu.memref_slice %arg8[%add3A_418, %dma_wait3A_468] : memref<10240x128xf32, #tpu.memory_space<vmem_shared>> -> memref<64x128xf32, #tpu.memory_space<vmem_shared>>
      tpu.wait_dma2 semaphore(%run_scoped3A_445 : memref<!tpu.dma_semaphore, #tpu.memory_space<semaphore_mem>>) src(%dma_wait3A_469 : memref<64x128xf32, #tpu.memory_space<vmem_shared>>) dst(%dma_wait3A_467 : memref<64x128xf32, #tpu.memory_space<vmem>>)
      tpu.yield
    }) : () -> ()
    %run_scoped3A_420 = arith.constant 0 : i32
    "tpu.region"() ({
      %run_scoped3A_445 = tpu.sem_alloc : memref<!tpu.dma_semaphore, #tpu.memory_space<semaphore_mem>>
      %dma_start3A_446 = arith.constant 0 : i32
      %dma_start3A_447 = arith.constant 0 : i32
      %dma_start3A_448 = tpu.memref_slice %arg7[%run_scoped3A_420, %dma_start3A_446, %dma_start3A_447] : memref<3x64x128xf32, #tpu.memory_space<vmem>> -> memref<1x64x128xf32, #tpu.memory_space<vmem>>
      %dma_start3A_449 = tpu.memref_squeeze %dma_start3A_448 : memref<1x64x128xf32, #tpu.memory_space<vmem>> -> memref<64x128xf32, #tpu.memory_space<vmem>>
      %dma_start3A_450 = arith.constant 0 : i32
      %dma_start3A_451 = tpu.memref_slice %arg4[%arg0, %add3A_418, %dma_start3A_450] : memref<2x10240x128xf32, #tpu.memory_space<hbm>> -> memref<1x64x128xf32, #tpu.memory_space<hbm>>
      %dma_start3A_452 = tpu.memref_squeeze %dma_start3A_451 : memref<1x64x128xf32, #tpu.memory_space<hbm>> -> memref<64x128xf32, #tpu.memory_space<hbm>>
      %dma_start3A_453 = arith.constant 0 : i32
      %dma_start3A_454 = tpu.memref_slice %arg4[%arg0, %add3A_418, %dma_start3A_453] : memref<2x10240x128xf32, #tpu.memory_space<hbm>> -> memref<1x64x128xf32, #tpu.memory_space<hbm>>
      %dma_start3A_455 = tpu.memref_squeeze %dma_start3A_454 : memref<1x64x128xf32, #tpu.memory_space<hbm>> -> memref<64x128xf32, #tpu.memory_space<hbm>>
      %dma_start3A_456 = arith.constant 0 : i32
      %dma_start3A_457 = arith.constant 0 : i32
      %dma_start3A_458 = tpu.memref_slice %arg7[%run_scoped3A_420, %dma_start3A_456, %dma_start3A_457] : memref<3x64x128xf32, #tpu.memory_space<vmem>> -> memref<1x64x128xf32, #tpu.memory_space<vmem>>
      %dma_start3A_459 = tpu.memref_squeeze %dma_start3A_458 : memref<1x64x128xf32, #tpu.memory_space<vmem>> -> memref<64x128xf32, #tpu.memory_space<vmem>>
      tpu.enqueue_dma source(%dma_start3A_459 : memref<64x128xf32, #tpu.memory_space<vmem>>) target(%dma_start3A_455 : memref<64x128xf32, #tpu.memory_space<hbm>>) target_semaphore(%run_scoped3A_445 : memref<!tpu.dma_semaphore, #tpu.memory_space<semaphore_mem>>)
      %dma_wait3A_460 = arith.constant 0 : i32
      %dma_wait3A_461 = arith.constant 0 : i32
      %dma_wait3A_462 = tpu.memref_slice %arg7[%run_scoped3A_420, %dma_wait3A_460, %dma_wait3A_461] : memref<3x64x128xf32, #tpu.memory_space<vmem>> -> memref<1x64x128xf32, #tpu.memory_space<vmem>>
      %dma_wait3A_463 = tpu.memref_squeeze %dma_wait3A_462 : memref<1x64x128xf32, #tpu.memory_space<vmem>> -> memref<64x128xf32, #tpu.memory_space<vmem>>
      %dma_wait3A_464 = arith.constant 0 : i32
      %dma_wait3A_465 = tpu.memref_slice %arg4[%arg0, %add3A_418, %dma_wait3A_464] : memref<2x10240x128xf32, #tpu.memory_space<hbm>> -> memref<1x64x128xf32, #tpu.memory_space<hbm>>
      %dma_wait3A_466 = tpu.memref_squeeze %dma_wait3A_465 : memref<1x64x128xf32, #tpu.memory_space<hbm>> -> memref<64x128xf32, #tpu.memory_space<hbm>>
      %dma_wait3A_467 = arith.constant 0 : i32
      %dma_wait3A_468 = tpu.memref_slice %arg4[%arg0, %add3A_418, %dma_wait3A_467] : memref<2x10240x128xf32, #tpu.memory_space<hbm>> -> memref<1x64x128xf32, #tpu.memory_space<hbm>>
      %dma_wait3A_469 = tpu.memref_squeeze %dma_wait3A_468 : memref<1x64x128xf32, #tpu.memory_space<hbm>> -> memref<64x128xf32, #tpu.memory_space<hbm>>
      %dma_wait3A_470 = arith.constant 0 : i32
      %dma_wait3A_471 = arith.constant 0 : i32
      %dma_wait3A_472 = tpu.memref_slice %arg7[%run_scoped3A_420, %dma_wait3A_470, %dma_wait3A_471] : memref<3x64x128xf32, #tpu.memory_space<vmem>> -> memref<1x64x128xf32, #tpu.memory_space<vmem>>
      %dma_wait3A_473 = tpu.memref_squeeze %dma_wait3A_472 : memref<1x64x128xf32, #tpu.memory_space<vmem>> -> memref<64x128xf32, #tpu.memory_space<vmem>>
      tpu.wait_dma2 semaphore(%run_scoped3A_445 : memref<!tpu.dma_semaphore, #tpu.memory_space<semaphore_mem>>) src(%dma_wait3A_473 : memref<64x128xf32, #tpu.memory_space<vmem>>) dst(%dma_wait3A_469 : memref<64x128xf32, #tpu.memory_space<hbm>>)
      tpu.yield
    }) : () -> ()
    %mul3A_421 = arith.constant 640 : i32
    %mul3A_422 = arith.muli %arg1, %mul3A_421 : i32
    %add3A_423 = arith.constant 384 : i32
    %add3A_424 = arith.addi %mul3A_422, %add3A_423 : i32
    %run_scoped3A_425 = arith.constant 0 : i32
    "tpu.region"() ({
      %run_scoped3A_445 = tpu.sem_alloc : memref<!tpu.dma_semaphore, #tpu.memory_space<semaphore_mem>>
      %dma_start3A_446 = arith.constant 0 : i32
      %dma_start3A_447 = arith.constant 0 : i32
      %dma_start3A_448 = tpu.memref_slice %arg7[%run_scoped3A_425, %dma_start3A_446, %dma_start3A_447] : memref<3x64x128xf32, #tpu.memory_space<vmem>> -> memref<1x64x128xf32, #tpu.memory_space<vmem>>
      %dma_start3A_449 = tpu.memref_squeeze %dma_start3A_448 : memref<1x64x128xf32, #tpu.memory_space<vmem>> -> memref<64x128xf32, #tpu.memory_space<vmem>>
      %dma_start3A_450 = arith.constant 0 : i32
      %dma_start3A_451 = tpu.memref_slice %arg8[%add3A_424, %dma_start3A_450] : memref<10240x128xf32, #tpu.memory_space<vmem_shared>> -> memref<64x128xf32, #tpu.memory_space<vmem_shared>>
      %dma_start3A_452 = arith.constant 0 : i32
      %dma_start3A_453 = arith.constant 0 : i32
      %dma_start3A_454 = tpu.memref_slice %arg7[%run_scoped3A_425, %dma_start3A_452, %dma_start3A_453] : memref<3x64x128xf32, #tpu.memory_space<vmem>> -> memref<1x64x128xf32, #tpu.memory_space<vmem>>
      %dma_start3A_455 = tpu.memref_squeeze %dma_start3A_454 : memref<1x64x128xf32, #tpu.memory_space<vmem>> -> memref<64x128xf32, #tpu.memory_space<vmem>>
      %dma_start3A_456 = arith.constant 0 : i32
      %dma_start3A_457 = tpu.memref_slice %arg8[%add3A_424, %dma_start3A_456] : memref<10240x128xf32, #tpu.memory_space<vmem_shared>> -> memref<64x128xf32, #tpu.memory_space<vmem_shared>>
      tpu.enqueue_dma source(%dma_start3A_457 : memref<64x128xf32, #tpu.memory_space<vmem_shared>>) target(%dma_start3A_455 : memref<64x128xf32, #tpu.memory_space<vmem>>) target_semaphore(%run_scoped3A_445 : memref<!tpu.dma_semaphore, #tpu.memory_space<semaphore_mem>>)
      %dma_wait3A_458 = arith.constant 0 : i32
      %dma_wait3A_459 = arith.constant 0 : i32
      %dma_wait3A_460 = tpu.memref_slice %arg7[%run_scoped3A_425, %dma_wait3A_458, %dma_wait3A_459] : memref<3x64x128xf32, #tpu.memory_space<vmem>> -> memref<1x64x128xf32, #tpu.memory_space<vmem>>
      %dma_wait3A_461 = tpu.memref_squeeze %dma_wait3A_460 : memref<1x64x128xf32, #tpu.memory_space<vmem>> -> memref<64x128xf32, #tpu.memory_space<vmem>>
      %dma_wait3A_462 = arith.constant 0 : i32
      %dma_wait3A_463 = tpu.memref_slice %arg8[%add3A_424, %dma_wait3A_462] : memref<10240x128xf32, #tpu.memory_space<vmem_shared>> -> memref<64x128xf32, #tpu.memory_space<vmem_shared>>
      %dma_wait3A_464 = arith.constant 0 : i32
      %dma_wait3A_465 = arith.constant 0 : i32
      %dma_wait3A_466 = tpu.memref_slice %arg7[%run_scoped3A_425, %dma_wait3A_464, %dma_wait3A_465] : memref<3x64x128xf32, #tpu.memory_space<vmem>> -> memref<1x64x128xf32, #tpu.memory_space<vmem>>
      %dma_wait3A_467 = tpu.memref_squeeze %dma_wait3A_466 : memref<1x64x128xf32, #tpu.memory_space<vmem>> -> memref<64x128xf32, #tpu.memory_space<vmem>>
      %dma_wait3A_468 = arith.constant 0 : i32
      %dma_wait3A_469 = tpu.memref_slice %arg8[%add3A_424, %dma_wait3A_468] : memref<10240x128xf32, #tpu.memory_space<vmem_shared>> -> memref<64x128xf32, #tpu.memory_space<vmem_shared>>
      tpu.wait_dma2 semaphore(%run_scoped3A_445 : memref<!tpu.dma_semaphore, #tpu.memory_space<semaphore_mem>>) src(%dma_wait3A_469 : memref<64x128xf32, #tpu.memory_space<vmem_shared>>) dst(%dma_wait3A_467 : memref<64x128xf32, #tpu.memory_space<vmem>>)
      tpu.yield
    }) : () -> ()
    %run_scoped3A_426 = arith.constant 0 : i32
    "tpu.region"() ({
      %run_scoped3A_445 = tpu.sem_alloc : memref<!tpu.dma_semaphore, #tpu.memory_space<semaphore_mem>>
      %dma_start3A_446 = arith.constant 0 : i32
      %dma_start3A_447 = arith.constant 0 : i32
      %dma_start3A_448 = tpu.memref_slice %arg7[%run_scoped3A_426, %dma_start3A_446, %dma_start3A_447] : memref<3x64x128xf32, #tpu.memory_space<vmem>> -> memref<1x64x128xf32, #tpu.memory_space<vmem>>
      %dma_start3A_449 = tpu.memref_squeeze %dma_start3A_448 : memref<1x64x128xf32, #tpu.memory_space<vmem>> -> memref<64x128xf32, #tpu.memory_space<vmem>>
      %dma_start3A_450 = arith.constant 0 : i32
      %dma_start3A_451 = tpu.memref_slice %arg4[%arg0, %add3A_424, %dma_start3A_450] : memref<2x10240x128xf32, #tpu.memory_space<hbm>> -> memref<1x64x128xf32, #tpu.memory_space<hbm>>
      %dma_start3A_452 = tpu.memref_squeeze %dma_start3A_451 : memref<1x64x128xf32, #tpu.memory_space<hbm>> -> memref<64x128xf32, #tpu.memory_space<hbm>>
      %dma_start3A_453 = arith.constant 0 : i32
      %dma_start3A_454 = tpu.memref_slice %arg4[%arg0, %add3A_424, %dma_start3A_453] : memref<2x10240x128xf32, #tpu.memory_space<hbm>> -> memref<1x64x128xf32, #tpu.memory_space<hbm>>
      %dma_start3A_455 = tpu.memref_squeeze %dma_start3A_454 : memref<1x64x128xf32, #tpu.memory_space<hbm>> -> memref<64x128xf32, #tpu.memory_space<hbm>>
      %dma_start3A_456 = arith.constant 0 : i32
      %dma_start3A_457 = arith.constant 0 : i32
      %dma_start3A_458 = tpu.memref_slice %arg7[%run_scoped3A_426, %dma_start3A_456, %dma_start3A_457] : memref<3x64x128xf32, #tpu.memory_space<vmem>> -> memref<1x64x128xf32, #tpu.memory_space<vmem>>
      %dma_start3A_459 = tpu.memref_squeeze %dma_start3A_458 : memref<1x64x128xf32, #tpu.memory_space<vmem>> -> memref<64x128xf32, #tpu.memory_space<vmem>>
      tpu.enqueue_dma source(%dma_start3A_459 : memref<64x128xf32, #tpu.memory_space<vmem>>) target(%dma_start3A_455 : memref<64x128xf32, #tpu.memory_space<hbm>>) target_semaphore(%run_scoped3A_445 : memref<!tpu.dma_semaphore, #tpu.memory_space<semaphore_mem>>)
      %dma_wait3A_460 = arith.constant 0 : i32
      %dma_wait3A_461 = arith.constant 0 : i32
      %dma_wait3A_462 = tpu.memref_slice %arg7[%run_scoped3A_426, %dma_wait3A_460, %dma_wait3A_461] : memref<3x64x128xf32, #tpu.memory_space<vmem>> -> memref<1x64x128xf32, #tpu.memory_space<vmem>>
      %dma_wait3A_463 = tpu.memref_squeeze %dma_wait3A_462 : memref<1x64x128xf32, #tpu.memory_space<vmem>> -> memref<64x128xf32, #tpu.memory_space<vmem>>
      %dma_wait3A_464 = arith.constant 0 : i32
      %dma_wait3A_465 = tpu.memref_slice %arg4[%arg0, %add3A_424, %dma_wait3A_464] : memref<2x10240x128xf32, #tpu.memory_space<hbm>> -> memref<1x64x128xf32, #tpu.memory_space<hbm>>
      %dma_wait3A_466 = tpu.memref_squeeze %dma_wait3A_465 : memref<1x64x128xf32, #tpu.memory_space<hbm>> -> memref<64x128xf32, #tpu.memory_space<hbm>>
      %dma_wait3A_467 = arith.constant 0 : i32
      %dma_wait3A_468 = tpu.memref_slice %arg4[%arg0, %add3A_424, %dma_wait3A_467] : memref<2x10240x128xf32, #tpu.memory_space<hbm>> -> memref<1x64x128xf32, #tpu.memory_space<hbm>>
      %dma_wait3A_469 = tpu.memref_squeeze %dma_wait3A_468 : memref<1x64x128xf32, #tpu.memory_space<hbm>> -> memref<64x128xf32, #tpu.memory_space<hbm>>
      %dma_wait3A_470 = arith.constant 0 : i32
      %dma_wait3A_471 = arith.constant 0 : i32
      %dma_wait3A_472 = tpu.memref_slice %arg7[%run_scoped3A_426, %dma_wait3A_470, %dma_wait3A_471] : memref<3x64x128xf32, #tpu.memory_space<vmem>> -> memref<1x64x128xf32, #tpu.memory_space<vmem>>
      %dma_wait3A_473 = tpu.memref_squeeze %dma_wait3A_472 : memref<1x64x128xf32, #tpu.memory_space<vmem>> -> memref<64x128xf32, #tpu.memory_space<vmem>>
      tpu.wait_dma2 semaphore(%run_scoped3A_445 : memref<!tpu.dma_semaphore, #tpu.memory_space<semaphore_mem>>) src(%dma_wait3A_473 : memref<64x128xf32, #tpu.memory_space<vmem>>) dst(%dma_wait3A_469 : memref<64x128xf32, #tpu.memory_space<hbm>>)
      tpu.yield
    }) : () -> ()
    %mul3A_427 = arith.constant 640 : i32
    %mul3A_428 = arith.muli %arg1, %mul3A_427 : i32
    %add3A_429 = arith.constant 448 : i32
    %add3A_430 = arith.addi %mul3A_428, %add3A_429 : i32
    %run_scoped3A_431 = arith.constant 0 : i32
    "tpu.region"() ({
      %run_scoped3A_445 = tpu.sem_alloc : memref<!tpu.dma_semaphore, #tpu.memory_space<semaphore_mem>>
      %dma_start3A_446 = arith.constant 0 : i32
      %dma_start3A_447 = arith.constant 0 : i32
      %dma_start3A_448 = tpu.memref_slice %arg7[%run_scoped3A_431, %dma_start3A_446, %dma_start3A_447] : memref<3x64x128xf32, #tpu.memory_space<vmem>> -> memref<1x64x128xf32, #tpu.memory_space<vmem>>
      %dma_start3A_449 = tpu.memref_squeeze %dma_start3A_448 : memref<1x64x128xf32, #tpu.memory_space<vmem>> -> memref<64x128xf32, #tpu.memory_space<vmem>>
      %dma_start3A_450 = arith.constant 0 : i32
      %dma_start3A_451 = tpu.memref_slice %arg8[%add3A_430, %dma_start3A_450] : memref<10240x128xf32, #tpu.memory_space<vmem_shared>> -> memref<64x128xf32, #tpu.memory_space<vmem_shared>>
      %dma_start3A_452 = arith.constant 0 : i32
      %dma_start3A_453 = arith.constant 0 : i32
      %dma_start3A_454 = tpu.memref_slice %arg7[%run_scoped3A_431, %dma_start3A_452, %dma_start3A_453] : memref<3x64x128xf32, #tpu.memory_space<vmem>> -> memref<1x64x128xf32, #tpu.memory_space<vmem>>
      %dma_start3A_455 = tpu.memref_squeeze %dma_start3A_454 : memref<1x64x128xf32, #tpu.memory_space<vmem>> -> memref<64x128xf32, #tpu.memory_space<vmem>>
      %dma_start3A_456 = arith.constant 0 : i32
      %dma_start3A_457 = tpu.memref_slice %arg8[%add3A_430, %dma_start3A_456] : memref<10240x128xf32, #tpu.memory_space<vmem_shared>> -> memref<64x128xf32, #tpu.memory_space<vmem_shared>>
      tpu.enqueue_dma source(%dma_start3A_457 : memref<64x128xf32, #tpu.memory_space<vmem_shared>>) target(%dma_start3A_455 : memref<64x128xf32, #tpu.memory_space<vmem>>) target_semaphore(%run_scoped3A_445 : memref<!tpu.dma_semaphore, #tpu.memory_space<semaphore_mem>>)
      %dma_wait3A_458 = arith.constant 0 : i32
      %dma_wait3A_459 = arith.constant 0 : i32
      %dma_wait3A_460 = tpu.memref_slice %arg7[%run_scoped3A_431, %dma_wait3A_458, %dma_wait3A_459] : memref<3x64x128xf32, #tpu.memory_space<vmem>> -> memref<1x64x128xf32, #tpu.memory_space<vmem>>
      %dma_wait3A_461 = tpu.memref_squeeze %dma_wait3A_460 : memref<1x64x128xf32, #tpu.memory_space<vmem>> -> memref<64x128xf32, #tpu.memory_space<vmem>>
      %dma_wait3A_462 = arith.constant 0 : i32
      %dma_wait3A_463 = tpu.memref_slice %arg8[%add3A_430, %dma_wait3A_462] : memref<10240x128xf32, #tpu.memory_space<vmem_shared>> -> memref<64x128xf32, #tpu.memory_space<vmem_shared>>
      %dma_wait3A_464 = arith.constant 0 : i32
      %dma_wait3A_465 = arith.constant 0 : i32
      %dma_wait3A_466 = tpu.memref_slice %arg7[%run_scoped3A_431, %dma_wait3A_464, %dma_wait3A_465] : memref<3x64x128xf32, #tpu.memory_space<vmem>> -> memref<1x64x128xf32, #tpu.memory_space<vmem>>
      %dma_wait3A_467 = tpu.memref_squeeze %dma_wait3A_466 : memref<1x64x128xf32, #tpu.memory_space<vmem>> -> memref<64x128xf32, #tpu.memory_space<vmem>>
      %dma_wait3A_468 = arith.constant 0 : i32
      %dma_wait3A_469 = tpu.memref_slice %arg8[%add3A_430, %dma_wait3A_468] : memref<10240x128xf32, #tpu.memory_space<vmem_shared>> -> memref<64x128xf32, #tpu.memory_space<vmem_shared>>
      tpu.wait_dma2 semaphore(%run_scoped3A_445 : memref<!tpu.dma_semaphore, #tpu.memory_space<semaphore_mem>>) src(%dma_wait3A_469 : memref<64x128xf32, #tpu.memory_space<vmem_shared>>) dst(%dma_wait3A_467 : memref<64x128xf32, #tpu.memory_space<vmem>>)
      tpu.yield
    }) : () -> ()
    %run_scoped3A_432 = arith.constant 0 : i32
    "tpu.region"() ({
      %run_scoped3A_445 = tpu.sem_alloc : memref<!tpu.dma_semaphore, #tpu.memory_space<semaphore_mem>>
      %dma_start3A_446 = arith.constant 0 : i32
      %dma_start3A_447 = arith.constant 0 : i32
      %dma_start3A_448 = tpu.memref_slice %arg7[%run_scoped3A_432, %dma_start3A_446, %dma_start3A_447] : memref<3x64x128xf32, #tpu.memory_space<vmem>> -> memref<1x64x128xf32, #tpu.memory_space<vmem>>
      %dma_start3A_449 = tpu.memref_squeeze %dma_start3A_448 : memref<1x64x128xf32, #tpu.memory_space<vmem>> -> memref<64x128xf32, #tpu.memory_space<vmem>>
      %dma_start3A_450 = arith.constant 0 : i32
      %dma_start3A_451 = tpu.memref_slice %arg4[%arg0, %add3A_430, %dma_start3A_450] : memref<2x10240x128xf32, #tpu.memory_space<hbm>> -> memref<1x64x128xf32, #tpu.memory_space<hbm>>
      %dma_start3A_452 = tpu.memref_squeeze %dma_start3A_451 : memref<1x64x128xf32, #tpu.memory_space<hbm>> -> memref<64x128xf32, #tpu.memory_space<hbm>>
      %dma_start3A_453 = arith.constant 0 : i32
      %dma_start3A_454 = tpu.memref_slice %arg4[%arg0, %add3A_430, %dma_start3A_453] : memref<2x10240x128xf32, #tpu.memory_space<hbm>> -> memref<1x64x128xf32, #tpu.memory_space<hbm>>
      %dma_start3A_455 = tpu.memref_squeeze %dma_start3A_454 : memref<1x64x128xf32, #tpu.memory_space<hbm>> -> memref<64x128xf32, #tpu.memory_space<hbm>>
      %dma_start3A_456 = arith.constant 0 : i32
      %dma_start3A_457 = arith.constant 0 : i32
      %dma_start3A_458 = tpu.memref_slice %arg7[%run_scoped3A_432, %dma_start3A_456, %dma_start3A_457] : memref<3x64x128xf32, #tpu.memory_space<vmem>> -> memref<1x64x128xf32, #tpu.memory_space<vmem>>
      %dma_start3A_459 = tpu.memref_squeeze %dma_start3A_458 : memref<1x64x128xf32, #tpu.memory_space<vmem>> -> memref<64x128xf32, #tpu.memory_space<vmem>>
      tpu.enqueue_dma source(%dma_start3A_459 : memref<64x128xf32, #tpu.memory_space<vmem>>) target(%dma_start3A_455 : memref<64x128xf32, #tpu.memory_space<hbm>>) target_semaphore(%run_scoped3A_445 : memref<!tpu.dma_semaphore, #tpu.memory_space<semaphore_mem>>)
      %dma_wait3A_460 = arith.constant 0 : i32
      %dma_wait3A_461 = arith.constant 0 : i32
      %dma_wait3A_462 = tpu.memref_slice %arg7[%run_scoped3A_432, %dma_wait3A_460, %dma_wait3A_461] : memref<3x64x128xf32, #tpu.memory_space<vmem>> -> memref<1x64x128xf32, #tpu.memory_space<vmem>>
      %dma_wait3A_463 = tpu.memref_squeeze %dma_wait3A_462 : memref<1x64x128xf32, #tpu.memory_space<vmem>> -> memref<64x128xf32, #tpu.memory_space<vmem>>
      %dma_wait3A_464 = arith.constant 0 : i32
      %dma_wait3A_465 = tpu.memref_slice %arg4[%arg0, %add3A_430, %dma_wait3A_464] : memref<2x10240x128xf32, #tpu.memory_space<hbm>> -> memref<1x64x128xf32, #tpu.memory_space<hbm>>
      %dma_wait3A_466 = tpu.memref_squeeze %dma_wait3A_465 : memref<1x64x128xf32, #tpu.memory_space<hbm>> -> memref<64x128xf32, #tpu.memory_space<hbm>>
      %dma_wait3A_467 = arith.constant 0 : i32
      %dma_wait3A_468 = tpu.memref_slice %arg4[%arg0, %add3A_430, %dma_wait3A_467] : memref<2x10240x128xf32, #tpu.memory_space<hbm>> -> memref<1x64x128xf32, #tpu.memory_space<hbm>>
      %dma_wait3A_469 = tpu.memref_squeeze %dma_wait3A_468 : memref<1x64x128xf32, #tpu.memory_space<hbm>> -> memref<64x128xf32, #tpu.memory_space<hbm>>
      %dma_wait3A_470 = arith.constant 0 : i32
      %dma_wait3A_471 = arith.constant 0 : i32
      %dma_wait3A_472 = tpu.memref_slice %arg7[%run_scoped3A_432, %dma_wait3A_470, %dma_wait3A_471] : memref<3x64x128xf32, #tpu.memory_space<vmem>> -> memref<1x64x128xf32, #tpu.memory_space<vmem>>
      %dma_wait3A_473 = tpu.memref_squeeze %dma_wait3A_472 : memref<1x64x128xf32, #tpu.memory_space<vmem>> -> memref<64x128xf32, #tpu.memory_space<vmem>>
      tpu.wait_dma2 semaphore(%run_scoped3A_445 : memref<!tpu.dma_semaphore, #tpu.memory_space<semaphore_mem>>) src(%dma_wait3A_473 : memref<64x128xf32, #tpu.memory_space<vmem>>) dst(%dma_wait3A_469 : memref<64x128xf32, #tpu.memory_space<hbm>>)
      tpu.yield
    }) : () -> ()
    %mul3A_433 = arith.constant 640 : i32
    %mul3A_434 = arith.muli %arg1, %mul3A_433 : i32
    %add3A_435 = arith.constant 512 : i32
    %add3A_436 = arith.addi %mul3A_434, %add3A_435 : i32
    %run_scoped3A_437 = arith.constant 0 : i32
    "tpu.region"() ({
      %run_scoped3A_445 = tpu.sem_alloc : memref<!tpu.dma_semaphore, #tpu.memory_space<semaphore_mem>>
      %dma_start3A_446 = arith.constant 0 : i32
      %dma_start3A_447 = arith.constant 0 : i32
      %dma_start3A_448 = tpu.memref_slice %arg7[%run_scoped3A_437, %dma_start3A_446, %dma_start3A_447] : memref<3x64x128xf32, #tpu.memory_space<vmem>> -> memref<1x64x128xf32, #tpu.memory_space<vmem>>
      %dma_start3A_449 = tpu.memref_squeeze %dma_start3A_448 : memref<1x64x128xf32, #tpu.memory_space<vmem>> -> memref<64x128xf32, #tpu.memory_space<vmem>>
      %dma_start3A_450 = arith.constant 0 : i32
      %dma_start3A_451 = tpu.memref_slice %arg8[%add3A_436, %dma_start3A_450] : memref<10240x128xf32, #tpu.memory_space<vmem_shared>> -> memref<64x128xf32, #tpu.memory_space<vmem_shared>>
      %dma_start3A_452 = arith.constant 0 : i32
      %dma_start3A_453 = arith.constant 0 : i32
      %dma_start3A_454 = tpu.memref_slice %arg7[%run_scoped3A_437, %dma_start3A_452, %dma_start3A_453] : memref<3x64x128xf32, #tpu.memory_space<vmem>> -> memref<1x64x128xf32, #tpu.memory_space<vmem>>
      %dma_start3A_455 = tpu.memref_squeeze %dma_start3A_454 : memref<1x64x128xf32, #tpu.memory_space<vmem>> -> memref<64x128xf32, #tpu.memory_space<vmem>>
      %dma_start3A_456 = arith.constant 0 : i32
      %dma_start3A_457 = tpu.memref_slice %arg8[%add3A_436, %dma_start3A_456] : memref<10240x128xf32, #tpu.memory_space<vmem_shared>> -> memref<64x128xf32, #tpu.memory_space<vmem_shared>>
      tpu.enqueue_dma source(%dma_start3A_457 : memref<64x128xf32, #tpu.memory_space<vmem_shared>>) target(%dma_start3A_455 : memref<64x128xf32, #tpu.memory_space<vmem>>) target_semaphore(%run_scoped3A_445 : memref<!tpu.dma_semaphore, #tpu.memory_space<semaphore_mem>>)
      %dma_wait3A_458 = arith.constant 0 : i32
      %dma_wait3A_459 = arith.constant 0 : i32
      %dma_wait3A_460 = tpu.memref_slice %arg7[%run_scoped3A_437, %dma_wait3A_458, %dma_wait3A_459] : memref<3x64x128xf32, #tpu.memory_space<vmem>> -> memref<1x64x128xf32, #tpu.memory_space<vmem>>
      %dma_wait3A_461 = tpu.memref_squeeze %dma_wait3A_460 : memref<1x64x128xf32, #tpu.memory_space<vmem>> -> memref<64x128xf32, #tpu.memory_space<vmem>>
      %dma_wait3A_462 = arith.constant 0 : i32
      %dma_wait3A_463 = tpu.memref_slice %arg8[%add3A_436, %dma_wait3A_462] : memref<10240x128xf32, #tpu.memory_space<vmem_shared>> -> memref<64x128xf32, #tpu.memory_space<vmem_shared>>
      %dma_wait3A_464 = arith.constant 0 : i32
      %dma_wait3A_465 = arith.constant 0 : i32
      %dma_wait3A_466 = tpu.memref_slice %arg7[%run_scoped3A_437, %dma_wait3A_464, %dma_wait3A_465] : memref<3x64x128xf32, #tpu.memory_space<vmem>> -> memref<1x64x128xf32, #tpu.memory_space<vmem>>
      %dma_wait3A_467 = tpu.memref_squeeze %dma_wait3A_466 : memref<1x64x128xf32, #tpu.memory_space<vmem>> -> memref<64x128xf32, #tpu.memory_space<vmem>>
      %dma_wait3A_468 = arith.constant 0 : i32
      %dma_wait3A_469 = tpu.memref_slice %arg8[%add3A_436, %dma_wait3A_468] : memref<10240x128xf32, #tpu.memory_space<vmem_shared>> -> memref<64x128xf32, #tpu.memory_space<vmem_shared>>
      tpu.wait_dma2 semaphore(%run_scoped3A_445 : memref<!tpu.dma_semaphore, #tpu.memory_space<semaphore_mem>>) src(%dma_wait3A_469 : memref<64x128xf32, #tpu.memory_space<vmem_shared>>) dst(%dma_wait3A_467 : memref<64x128xf32, #tpu.memory_space<vmem>>)
      tpu.yield
    }) : () -> ()
    %run_scoped3A_438 = arith.constant 0 : i32
    "tpu.region"() ({
      %run_scoped3A_445 = tpu.sem_alloc : memref<!tpu.dma_semaphore, #tpu.memory_space<semaphore_mem>>
      %dma_start3A_446 = arith.constant 0 : i32
      %dma_start3A_447 = arith.constant 0 : i32
      %dma_start3A_448 = tpu.memref_slice %arg7[%run_scoped3A_438, %dma_start3A_446, %dma_start3A_447] : memref<3x64x128xf32, #tpu.memory_space<vmem>> -> memref<1x64x128xf32, #tpu.memory_space<vmem>>
      %dma_start3A_449 = tpu.memref_squeeze %dma_start3A_448 : memref<1x64x128xf32, #tpu.memory_space<vmem>> -> memref<64x128xf32, #tpu.memory_space<vmem>>
      %dma_start3A_450 = arith.constant 0 : i32
      %dma_start3A_451 = tpu.memref_slice %arg4[%arg0, %add3A_436, %dma_start3A_450] : memref<2x10240x128xf32, #tpu.memory_space<hbm>> -> memref<1x64x128xf32, #tpu.memory_space<hbm>>
      %dma_start3A_452 = tpu.memref_squeeze %dma_start3A_451 : memref<1x64x128xf32, #tpu.memory_space<hbm>> -> memref<64x128xf32, #tpu.memory_space<hbm>>
      %dma_start3A_453 = arith.constant 0 : i32
      %dma_start3A_454 = tpu.memref_slice %arg4[%arg0, %add3A_436, %dma_start3A_453] : memref<2x10240x128xf32, #tpu.memory_space<hbm>> -> memref<1x64x128xf32, #tpu.memory_space<hbm>>
      %dma_start3A_455 = tpu.memref_squeeze %dma_start3A_454 : memref<1x64x128xf32, #tpu.memory_space<hbm>> -> memref<64x128xf32, #tpu.memory_space<hbm>>
      %dma_start3A_456 = arith.constant 0 : i32
      %dma_start3A_457 = arith.constant 0 : i32
      %dma_start3A_458 = tpu.memref_slice %arg7[%run_scoped3A_438, %dma_start3A_456, %dma_start3A_457] : memref<3x64x128xf32, #tpu.memory_space<vmem>> -> memref<1x64x128xf32, #tpu.memory_space<vmem>>
      %dma_start3A_459 = tpu.memref_squeeze %dma_start3A_458 : memref<1x64x128xf32, #tpu.memory_space<vmem>> -> memref<64x128xf32, #tpu.memory_space<vmem>>
      tpu.enqueue_dma source(%dma_start3A_459 : memref<64x128xf32, #tpu.memory_space<vmem>>) target(%dma_start3A_455 : memref<64x128xf32, #tpu.memory_space<hbm>>) target_semaphore(%run_scoped3A_445 : memref<!tpu.dma_semaphore, #tpu.memory_space<semaphore_mem>>)
      %dma_wait3A_460 = arith.constant 0 : i32
      %dma_wait3A_461 = arith.constant 0 : i32
      %dma_wait3A_462 = tpu.memref_slice %arg7[%run_scoped3A_438, %dma_wait3A_460, %dma_wait3A_461] : memref<3x64x128xf32, #tpu.memory_space<vmem>> -> memref<1x64x128xf32, #tpu.memory_space<vmem>>
      %dma_wait3A_463 = tpu.memref_squeeze %dma_wait3A_462 : memref<1x64x128xf32, #tpu.memory_space<vmem>> -> memref<64x128xf32, #tpu.memory_space<vmem>>
      %dma_wait3A_464 = arith.constant 0 : i32
      %dma_wait3A_465 = tpu.memref_slice %arg4[%arg0, %add3A_436, %dma_wait3A_464] : memref<2x10240x128xf32, #tpu.memory_space<hbm>> -> memref<1x64x128xf32, #tpu.memory_space<hbm>>
      %dma_wait3A_466 = tpu.memref_squeeze %dma_wait3A_465 : memref<1x64x128xf32, #tpu.memory_space<hbm>> -> memref<64x128xf32, #tpu.memory_space<hbm>>
      %dma_wait3A_467 = arith.constant 0 : i32
      %dma_wait3A_468 = tpu.memref_slice %arg4[%arg0, %add3A_436, %dma_wait3A_467] : memref<2x10240x128xf32, #tpu.memory_space<hbm>> -> memref<1x64x128xf32, #tpu.memory_space<hbm>>
      %dma_wait3A_469 = tpu.memref_squeeze %dma_wait3A_468 : memref<1x64x128xf32, #tpu.memory_space<hbm>> -> memref<64x128xf32, #tpu.memory_space<hbm>>
      %dma_wait3A_470 = arith.constant 0 : i32
      %dma_wait3A_471 = arith.constant 0 : i32
      %dma_wait3A_472 = tpu.memref_slice %arg7[%run_scoped3A_438, %dma_wait3A_470, %dma_wait3A_471] : memref<3x64x128xf32, #tpu.memory_space<vmem>> -> memref<1x64x128xf32, #tpu.memory_space<vmem>>
      %dma_wait3A_473 = tpu.memref_squeeze %dma_wait3A_472 : memref<1x64x128xf32, #tpu.memory_space<vmem>> -> memref<64x128xf32, #tpu.memory_space<vmem>>
      tpu.wait_dma2 semaphore(%run_scoped3A_445 : memref<!tpu.dma_semaphore, #tpu.memory_space<semaphore_mem>>) src(%dma_wait3A_473 : memref<64x128xf32, #tpu.memory_space<vmem>>) dst(%dma_wait3A_469 : memref<64x128xf32, #tpu.memory_space<hbm>>)
      tpu.yield
    }) : () -> ()
    %mul3A_439 = arith.constant 640 : i32
    %mul3A_440 = arith.muli %arg1, %mul3A_439 : i32
    %add3A_441 = arith.constant 576 : i32
    %add3A_442 = arith.addi %mul3A_440, %add3A_441 : i32
    %run_scoped3A_443 = arith.constant 0 : i32
    "tpu.region"() ({
      %run_scoped3A_445 = tpu.sem_alloc : memref<!tpu.dma_semaphore, #tpu.memory_space<semaphore_mem>>
      %dma_start3A_446 = arith.constant 0 : i32
      %dma_start3A_447 = arith.constant 0 : i32
      %dma_start3A_448 = tpu.memref_slice %arg7[%run_scoped3A_443, %dma_start3A_446, %dma_start3A_447] : memref<3x64x128xf32, #tpu.memory_space<vmem>> -> memref<1x64x128xf32, #tpu.memory_space<vmem>>
      %dma_start3A_449 = tpu.memref_squeeze %dma_start3A_448 : memref<1x64x128xf32, #tpu.memory_space<vmem>> -> memref<64x128xf32, #tpu.memory_space<vmem>>
      %dma_start3A_450 = arith.constant 0 : i32
      %dma_start3A_451 = tpu.memref_slice %arg8[%add3A_442, %dma_start3A_450] : memref<10240x128xf32, #tpu.memory_space<vmem_shared>> -> memref<64x128xf32, #tpu.memory_space<vmem_shared>>
      %dma_start3A_452 = arith.constant 0 : i32
      %dma_start3A_453 = arith.constant 0 : i32
      %dma_start3A_454 = tpu.memref_slice %arg7[%run_scoped3A_443, %dma_start3A_452, %dma_start3A_453] : memref<3x64x128xf32, #tpu.memory_space<vmem>> -> memref<1x64x128xf32, #tpu.memory_space<vmem>>
      %dma_start3A_455 = tpu.memref_squeeze %dma_start3A_454 : memref<1x64x128xf32, #tpu.memory_space<vmem>> -> memref<64x128xf32, #tpu.memory_space<vmem>>
      %dma_start3A_456 = arith.constant 0 : i32
      %dma_start3A_457 = tpu.memref_slice %arg8[%add3A_442, %dma_start3A_456] : memref<10240x128xf32, #tpu.memory_space<vmem_shared>> -> memref<64x128xf32, #tpu.memory_space<vmem_shared>>
      tpu.enqueue_dma source(%dma_start3A_457 : memref<64x128xf32, #tpu.memory_space<vmem_shared>>) target(%dma_start3A_455 : memref<64x128xf32, #tpu.memory_space<vmem>>) target_semaphore(%run_scoped3A_445 : memref<!tpu.dma_semaphore, #tpu.memory_space<semaphore_mem>>)
      %dma_wait3A_458 = arith.constant 0 : i32
      %dma_wait3A_459 = arith.constant 0 : i32
      %dma_wait3A_460 = tpu.memref_slice %arg7[%run_scoped3A_443, %dma_wait3A_458, %dma_wait3A_459] : memref<3x64x128xf32, #tpu.memory_space<vmem>> -> memref<1x64x128xf32, #tpu.memory_space<vmem>>
      %dma_wait3A_461 = tpu.memref_squeeze %dma_wait3A_460 : memref<1x64x128xf32, #tpu.memory_space<vmem>> -> memref<64x128xf32, #tpu.memory_space<vmem>>
      %dma_wait3A_462 = arith.constant 0 : i32
      %dma_wait3A_463 = tpu.memref_slice %arg8[%add3A_442, %dma_wait3A_462] : memref<10240x128xf32, #tpu.memory_space<vmem_shared>> -> memref<64x128xf32, #tpu.memory_space<vmem_shared>>
      %dma_wait3A_464 = arith.constant 0 : i32
      %dma_wait3A_465 = arith.constant 0 : i32
      %dma_wait3A_466 = tpu.memref_slice %arg7[%run_scoped3A_443, %dma_wait3A_464, %dma_wait3A_465] : memref<3x64x128xf32, #tpu.memory_space<vmem>> -> memref<1x64x128xf32, #tpu.memory_space<vmem>>
      %dma_wait3A_467 = tpu.memref_squeeze %dma_wait3A_466 : memref<1x64x128xf32, #tpu.memory_space<vmem>> -> memref<64x128xf32, #tpu.memory_space<vmem>>
      %dma_wait3A_468 = arith.constant 0 : i32
      %dma_wait3A_469 = tpu.memref_slice %arg8[%add3A_442, %dma_wait3A_468] : memref<10240x128xf32, #tpu.memory_space<vmem_shared>> -> memref<64x128xf32, #tpu.memory_space<vmem_shared>>
      tpu.wait_dma2 semaphore(%run_scoped3A_445 : memref<!tpu.dma_semaphore, #tpu.memory_space<semaphore_mem>>) src(%dma_wait3A_469 : memref<64x128xf32, #tpu.memory_space<vmem_shared>>) dst(%dma_wait3A_467 : memref<64x128xf32, #tpu.memory_space<vmem>>)
      tpu.yield
    }) : () -> ()
    %run_scoped3A_444 = arith.constant 0 : i32
    "tpu.region"() ({
      %run_scoped3A_445 = tpu.sem_alloc : memref<!tpu.dma_semaphore, #tpu.memory_space<semaphore_mem>>
      %dma_start3A_446 = arith.constant 0 : i32
      %dma_start3A_447 = arith.constant 0 : i32
      %dma_start3A_448 = tpu.memref_slice %arg7[%run_scoped3A_444, %dma_start3A_446, %dma_start3A_447] : memref<3x64x128xf32, #tpu.memory_space<vmem>> -> memref<1x64x128xf32, #tpu.memory_space<vmem>>
      %dma_start3A_449 = tpu.memref_squeeze %dma_start3A_448 : memref<1x64x128xf32, #tpu.memory_space<vmem>> -> memref<64x128xf32, #tpu.memory_space<vmem>>
      %dma_start3A_450 = arith.constant 0 : i32
      %dma_start3A_451 = tpu.memref_slice %arg4[%arg0, %add3A_442, %dma_start3A_450] : memref<2x10240x128xf32, #tpu.memory_space<hbm>> -> memref<1x64x128xf32, #tpu.memory_space<hbm>>
      %dma_start3A_452 = tpu.memref_squeeze %dma_start3A_451 : memref<1x64x128xf32, #tpu.memory_space<hbm>> -> memref<64x128xf32, #tpu.memory_space<hbm>>
      %dma_start3A_453 = arith.constant 0 : i32
      %dma_start3A_454 = tpu.memref_slice %arg4[%arg0, %add3A_442, %dma_start3A_453] : memref<2x10240x128xf32, #tpu.memory_space<hbm>> -> memref<1x64x128xf32, #tpu.memory_space<hbm>>
      %dma_start3A_455 = tpu.memref_squeeze %dma_start3A_454 : memref<1x64x128xf32, #tpu.memory_space<hbm>> -> memref<64x128xf32, #tpu.memory_space<hbm>>
      %dma_start3A_456 = arith.constant 0 : i32
      %dma_start3A_457 = arith.constant 0 : i32
      %dma_start3A_458 = tpu.memref_slice %arg7[%run_scoped3A_444, %dma_start3A_456, %dma_start3A_457] : memref<3x64x128xf32, #tpu.memory_space<vmem>> -> memref<1x64x128xf32, #tpu.memory_space<vmem>>
      %dma_start3A_459 = tpu.memref_squeeze %dma_start3A_458 : memref<1x64x128xf32, #tpu.memory_space<vmem>> -> memref<64x128xf32, #tpu.memory_space<vmem>>
      tpu.enqueue_dma source(%dma_start3A_459 : memref<64x128xf32, #tpu.memory_space<vmem>>) target(%dma_start3A_455 : memref<64x128xf32, #tpu.memory_space<hbm>>) target_semaphore(%run_scoped3A_445 : memref<!tpu.dma_semaphore, #tpu.memory_space<semaphore_mem>>)
      %dma_wait3A_460 = arith.constant 0 : i32
      %dma_wait3A_461 = arith.constant 0 : i32
      %dma_wait3A_462 = tpu.memref_slice %arg7[%run_scoped3A_444, %dma_wait3A_460, %dma_wait3A_461] : memref<3x64x128xf32, #tpu.memory_space<vmem>> -> memref<1x64x128xf32, #tpu.memory_space<vmem>>
      %dma_wait3A_463 = tpu.memref_squeeze %dma_wait3A_462 : memref<1x64x128xf32, #tpu.memory_space<vmem>> -> memref<64x128xf32, #tpu.memory_space<vmem>>
      %dma_wait3A_464 = arith.constant 0 : i32
      %dma_wait3A_465 = tpu.memref_slice %arg4[%arg0, %add3A_442, %dma_wait3A_464] : memref<2x10240x128xf32, #tpu.memory_space<hbm>> -> memref<1x64x128xf32, #tpu.memory_space<hbm>>
      %dma_wait3A_466 = tpu.memref_squeeze %dma_wait3A_465 : memref<1x64x128xf32, #tpu.memory_space<hbm>> -> memref<64x128xf32, #tpu.memory_space<hbm>>
      %dma_wait3A_467 = arith.constant 0 : i32
      %dma_wait3A_468 = tpu.memref_slice %arg4[%arg0, %add3A_442, %dma_wait3A_467] : memref<2x10240x128xf32, #tpu.memory_space<hbm>> -> memref<1x64x128xf32, #tpu.memory_space<hbm>>
      %dma_wait3A_469 = tpu.memref_squeeze %dma_wait3A_468 : memref<1x64x128xf32, #tpu.memory_space<hbm>> -> memref<64x128xf32, #tpu.memory_space<hbm>>
      %dma_wait3A_470 = arith.constant 0 : i32
      %dma_wait3A_471 = arith.constant 0 : i32
      %dma_wait3A_472 = tpu.memref_slice %arg7[%run_scoped3A_444, %dma_wait3A_470, %dma_wait3A_471] : memref<3x64x128xf32, #tpu.memory_space<vmem>> -> memref<1x64x128xf32, #tpu.memory_space<vmem>>
      %dma_wait3A_473 = tpu.memref_squeeze %dma_wait3A_472 : memref<1x64x128xf32, #tpu.memory_space<vmem>> -> memref<64x128xf32, #tpu.memory_space<vmem>>
      tpu.wait_dma2 semaphore(%run_scoped3A_445 : memref<!tpu.dma_semaphore, #tpu.memory_space<semaphore_mem>>) src(%dma_wait3A_473 : memref<64x128xf32, #tpu.memory_space<vmem>>) dst(%dma_wait3A_469 : memref<64x128xf32, #tpu.memory_space<hbm>>)
      tpu.yield
    }) : () -> ()
    return
  }
}

#map = affine_map<(d0, d1) -> (0, 0)>
#map1 = affine_map<(d0, d1) -> (0)>
#map2 = affine_map<(d0, d1) -> (0, 0, 0)>
module attributes {stable_mosaic.version = 14 : i64} {
  func.func @_msg_body(%arg0: i32, %arg1: i32, %arg2: memref<20480x128xf32, #tpu.memory_space<hbm>>, %arg3: memref<327680xi32, #tpu.memory_space<hbm>>, %arg4: memref<2x10240x128xf32, #tpu.memory_space<hbm>>, %arg5: memref<10240xi32, #tpu.memory_space<vmem>>, %arg6: memref<10240xi32, #tpu.memory_space<vmem>>, %arg7: memref<3x64x128xf32, #tpu.memory_space<vmem>>, %arg8: memref<10240x128xf32, #tpu.memory_space<vmem_shared>>, %arg9: memref<3x!tpu.dma_semaphore, #tpu.memory_space<semaphore_mem>>, %arg10: memref<3x!tpu.dma_semaphore, #tpu.memory_space<semaphore_mem>>, %arg11: memref<!tpu.dma_semaphore, #tpu.memory_space<semaphore_mem>>) attributes {dimension_semantics = [#tpu.dimension_semantics<core_parallel>, #tpu.dimension_semantics<subcore_parallel>], iteration_bounds = array<i64: 2, 16>, scalar_prefetch = 0 : i64, scratch_operands = 7 : i64, tpu.core_type = #tpu.core_type<sc_vector_subcore>, window_params = [{transform_indices = #map}, {transform_indices = #map1}, {transform_indices = #map2}]} {
    %mul3A = arith.constant 10240 : i32
    %mul3A_0 = arith.muli %arg0, %mul3A : i32
    %mul3A_1 = arith.constant 10240 : i32
    %mul3A_2 = arith.muli %arg1, %mul3A_1 : i32
    %dma_start3A = tpu.memref_slice %arg3[%mul3A_2] : memref<327680xi32, #tpu.memory_space<hbm>> -> memref<10240xi32, #tpu.memory_space<hbm>>
    %dma_start3A_3 = tpu.memref_slice %arg3[%mul3A_2] : memref<327680xi32, #tpu.memory_space<hbm>> -> memref<10240xi32, #tpu.memory_space<hbm>>
    tpu.enqueue_dma source(%dma_start3A_3 : memref<10240xi32, #tpu.memory_space<hbm>>) target(%arg5 : memref<10240xi32, #tpu.memory_space<vmem>>) target_semaphore(%arg11 : memref<!tpu.dma_semaphore, #tpu.memory_space<semaphore_mem>>)
    %add3A = arith.constant 163840 : i32
    %add3A_4 = arith.addi %add3A, %mul3A_2 : i32
    %dma_start3A_5 = tpu.memref_slice %arg3[%add3A_4] : memref<327680xi32, #tpu.memory_space<hbm>> -> memref<10240xi32, #tpu.memory_space<hbm>>
    %dma_start3A_6 = tpu.memref_slice %arg3[%add3A_4] : memref<327680xi32, #tpu.memory_space<hbm>> -> memref<10240xi32, #tpu.memory_space<hbm>>
    tpu.enqueue_dma source(%dma_start3A_6 : memref<10240xi32, #tpu.memory_space<hbm>>) target(%arg6 : memref<10240xi32, #tpu.memory_space<vmem>>) target_semaphore(%arg11 : memref<!tpu.dma_semaphore, #tpu.memory_space<semaphore_mem>>)
    %broadcast_in_dim3A = arith.constant 0.000000e+00 : f32
    %broadcast_in_dim3A_7 = vector.broadcast %broadcast_in_dim3A : f32 to vector<16xf32>
    %scan3A = arith.constant 0 : i32
    %scan3A_8 = arith.constant 0 : i32
    %scan3A_9 = arith.constant 64 : i32
    %scan3A_10 = arith.addi %scan3A_8, %scan3A_9 : i32
    %scan3A_11 = arith.constant 1 : i32
    %scan3A_12 = scf.for %scan3A_389 = %scan3A_8 to %scan3A_10 step %scan3A_11 iter_args(%scan3A_390 = %scan3A) -> (i32)  : i32 {
      %swap3A = arith.constant 0 : i32
      %swap3A_391 = arith.index_cast %swap3A : i32 to index
      %swap3A_392 = arith.index_cast %scan3A_389 : i32 to index
      %swap3A_393 = arith.constant 0 : index
      %swap3A_394 = tpu.vector_load %arg7[%swap3A_391, %swap3A_392, %swap3A_393] {strides = array<i32>} : memref<3x64x128xf32, #tpu.memory_space<vmem>>, vector<16xf32>,
      tpu.vector_store %arg7[%swap3A_391, %swap3A_392, %swap3A_393], %broadcast_in_dim3A_7 {strides = array<i32>} : memref<3x64x128xf32, #tpu.memory_space<vmem>>, vector<16xf32>,
      %swap3A_395 = arith.constant 0 : i32
      %swap3A_396 = arith.index_cast %swap3A_395 : i32 to index
      %swap3A_397 = arith.index_cast %scan3A_389 : i32 to index
      %swap3A_398 = arith.constant 16 : index
      %swap3A_399 = tpu.vector_load %arg7[%swap3A_396, %swap3A_397, %swap3A_398] {strides = array<i32>} : memref<3x64x128xf32, #tpu.memory_space<vmem>>, vector<16xf32>,
      tpu.vector_store %arg7[%swap3A_396, %swap3A_397, %swap3A_398], %broadcast_in_dim3A_7 {strides = array<i32>} : memref<3x64x128xf32, #tpu.memory_space<vmem>>, vector<16xf32>,
      %swap3A_400 = arith.constant 0 : i32
      %swap3A_401 = arith.index_cast %swap3A_400 : i32 to index
      %swap3A_402 = arith.index_cast %scan3A_389 : i32 to index
      %swap3A_403 = arith.constant 32 : index
      %swap3A_404 = tpu.vector_load %arg7[%swap3A_401, %swap3A_402, %swap3A_403] {strides = array<i32>} : memref<3x64x128xf32, #tpu.memory_space<vmem>>, vector<16xf32>,
      tpu.vector_store %arg7[%swap3A_401, %swap3A_402, %swap3A_403], %broadcast_in_dim3A_7 {strides = array<i32>} : memref<3x64x128xf32, #tpu.memory_space<vmem>>, vector<16xf32>,
      %swap3A_405 = arith.constant 0 : i32
      %swap3A_406 = arith.index_cast %swap3A_405 : i32 to index
      %swap3A_407 = arith.index_cast %scan3A_389 : i32 to index
      %swap3A_408 = arith.constant 48 : index
      %swap3A_409 = tpu.vector_load %arg7[%swap3A_406, %swap3A_407, %swap3A_408] {strides = array<i32>} : memref<3x64x128xf32, #tpu.memory_space<vmem>>, vector<16xf32>,
      tpu.vector_store %arg7[%swap3A_406, %swap3A_407, %swap3A_408], %broadcast_in_dim3A_7 {strides = array<i32>} : memref<3x64x128xf32, #tpu.memory_space<vmem>>, vector<16xf32>,
      %swap3A_410 = arith.constant 0 : i32
      %swap3A_411 = arith.index_cast %swap3A_410 : i32 to index
      %swap3A_412 = arith.index_cast %scan3A_389 : i32 to index
      %swap3A_413 = arith.constant 64 : index
      %swap3A_414 = tpu.vector_load %arg7[%swap3A_411, %swap3A_412, %swap3A_413] {strides = array<i32>} : memref<3x64x128xf32, #tpu.memory_space<vmem>>, vector<16xf32>,
      tpu.vector_store %arg7[%swap3A_411, %swap3A_412, %swap3A_413], %broadcast_in_dim3A_7 {strides = array<i32>} : memref<3x64x128xf32, #tpu.memory_space<vmem>>, vector<16xf32>,
      %swap3A_415 = arith.constant 0 : i32
      %swap3A_416 = arith.index_cast %swap3A_415 : i32 to index
      %swap3A_417 = arith.index_cast %scan3A_389 : i32 to index
      %swap3A_418 = arith.constant 80 : index
      %swap3A_419 = tpu.vector_load %arg7[%swap3A_416, %swap3A_417, %swap3A_418] {strides = array<i32>} : memref<3x64x128xf32, #tpu.memory_space<vmem>>, vector<16xf32>,
      tpu.vector_store %arg7[%swap3A_416, %swap3A_417, %swap3A_418], %broadcast_in_dim3A_7 {strides = array<i32>} : memref<3x64x128xf32, #tpu.memory_space<vmem>>, vector<16xf32>,
      %swap3A_420 = arith.constant 0 : i32
      %swap3A_421 = arith.index_cast %swap3A_420 : i32 to index
      %swap3A_422 = arith.index_cast %scan3A_389 : i32 to index
      %swap3A_423 = arith.constant 96 : index
      %swap3A_424 = tpu.vector_load %arg7[%swap3A_421, %swap3A_422, %swap3A_423] {strides = array<i32>} : memref<3x64x128xf32, #tpu.memory_space<vmem>>, vector<16xf32>,
      tpu.vector_store %arg7[%swap3A_421, %swap3A_422, %swap3A_423], %broadcast_in_dim3A_7 {strides = array<i32>} : memref<3x64x128xf32, #tpu.memory_space<vmem>>, vector<16xf32>,
      %swap3A_425 = arith.constant 0 : i32
      %swap3A_426 = arith.index_cast %swap3A_425 : i32 to index
      %swap3A_427 = arith.index_cast %scan3A_389 : i32 to index
      %swap3A_428 = arith.constant 112 : index
      %swap3A_429 = tpu.vector_load %arg7[%swap3A_426, %swap3A_427, %swap3A_428] {strides = array<i32>} : memref<3x64x128xf32, #tpu.memory_space<vmem>>, vector<16xf32>,
      tpu.vector_store %arg7[%swap3A_426, %swap3A_427, %swap3A_428], %broadcast_in_dim3A_7 {strides = array<i32>} : memref<3x64x128xf32, #tpu.memory_space<vmem>>, vector<16xf32>,
      %scan3A_430 = arith.constant 0 : i32
      scf.yield %scan3A_430 : i32
    }
    %scan3A_13 = arith.constant 64 : i32
    %mul3A_14 = arith.constant 640 : i32
    %mul3A_15 = arith.muli %arg1, %mul3A_14 : i32
    %add3A_16 = arith.constant 0 : i32
    %add3A_17 = arith.addi %mul3A_15, %add3A_16 : i32
    %run_scoped3A = arith.constant 0 : i32
    "tpu.region"() ({
      %run_scoped3A_389 = tpu.sem_alloc : memref<!tpu.dma_semaphore, #tpu.memory_space<semaphore_mem>>
      %dma_start3A_390 = arith.constant 0 : i32
      %dma_start3A_391 = arith.constant 0 : i32
      %dma_start3A_392 = tpu.memref_slice %arg7[%run_scoped3A, %dma_start3A_390, %dma_start3A_391] : memref<3x64x128xf32, #tpu.memory_space<vmem>> -> memref<1x64x128xf32, #tpu.memory_space<vmem>>
      %dma_start3A_393 = tpu.memref_squeeze %dma_start3A_392 : memref<1x64x128xf32, #tpu.memory_space<vmem>> -> memref<64x128xf32, #tpu.memory_space<vmem>>
      %dma_start3A_394 = arith.constant 0 : i32
      %dma_start3A_395 = tpu.memref_slice %arg8[%add3A_17, %dma_start3A_394] : memref<10240x128xf32, #tpu.memory_space<vmem_shared>> -> memref<64x128xf32, #tpu.memory_space<vmem_shared>>
      %dma_start3A_396 = arith.constant 0 : i32
      %dma_start3A_397 = tpu.memref_slice %arg8[%add3A_17, %dma_start3A_396] : memref<10240x128xf32, #tpu.memory_space<vmem_shared>> -> memref<64x128xf32, #tpu.memory_space<vmem_shared>>
      %dma_start3A_398 = arith.constant 0 : i32
      %dma_start3A_399 = arith.constant 0 : i32
      %dma_start3A_400 = tpu.memref_slice %arg7[%run_scoped3A, %dma_start3A_398, %dma_start3A_399] : memref<3x64x128xf32, #tpu.memory_space<vmem>> -> memref<1x64x128xf32, #tpu.memory_space<vmem>>
      %dma_start3A_401 = tpu.memref_squeeze %dma_start3A_400 : memref<1x64x128xf32, #tpu.memory_space<vmem>> -> memref<64x128xf32, #tpu.memory_space<vmem>>
      tpu.enqueue_dma source(%dma_start3A_401 : memref<64x128xf32, #tpu.memory_space<vmem>>) target(%dma_start3A_397 : memref<64x128xf32, #tpu.memory_space<vmem_shared>>) target_semaphore(%run_scoped3A_389 : memref<!tpu.dma_semaphore, #tpu.memory_space<semaphore_mem>>)
      %dma_wait3A_402 = arith.constant 0 : i32
      %dma_wait3A_403 = arith.constant 0 : i32
      %dma_wait3A_404 = tpu.memref_slice %arg7[%run_scoped3A, %dma_wait3A_402, %dma_wait3A_403] : memref<3x64x128xf32, #tpu.memory_space<vmem>> -> memref<1x64x128xf32, #tpu.memory_space<vmem>>
      %dma_wait3A_405 = tpu.memref_squeeze %dma_wait3A_404 : memref<1x64x128xf32, #tpu.memory_space<vmem>> -> memref<64x128xf32, #tpu.memory_space<vmem>>
      %dma_wait3A_406 = arith.constant 0 : i32
      %dma_wait3A_407 = tpu.memref_slice %arg8[%add3A_17, %dma_wait3A_406] : memref<10240x128xf32, #tpu.memory_space<vmem_shared>> -> memref<64x128xf32, #tpu.memory_space<vmem_shared>>
      %dma_wait3A_408 = arith.constant 0 : i32
      %dma_wait3A_409 = tpu.memref_slice %arg8[%add3A_17, %dma_wait3A_408] : memref<10240x128xf32, #tpu.memory_space<vmem_shared>> -> memref<64x128xf32, #tpu.memory_space<vmem_shared>>
      %dma_wait3A_410 = arith.constant 0 : i32
      %dma_wait3A_411 = arith.constant 0 : i32
      %dma_wait3A_412 = tpu.memref_slice %arg7[%run_scoped3A, %dma_wait3A_410, %dma_wait3A_411] : memref<3x64x128xf32, #tpu.memory_space<vmem>> -> memref<1x64x128xf32, #tpu.memory_space<vmem>>
      %dma_wait3A_413 = tpu.memref_squeeze %dma_wait3A_412 : memref<1x64x128xf32, #tpu.memory_space<vmem>> -> memref<64x128xf32, #tpu.memory_space<vmem>>
      tpu.wait_dma2 semaphore(%run_scoped3A_389 : memref<!tpu.dma_semaphore, #tpu.memory_space<semaphore_mem>>) src(%dma_wait3A_413 : memref<64x128xf32, #tpu.memory_space<vmem>>) dst(%dma_wait3A_409 : memref<64x128xf32, #tpu.memory_space<vmem_shared>>)
      tpu.yield
    }) : () -> ()
    %mul3A_18 = arith.constant 640 : i32
    %mul3A_19 = arith.muli %arg1, %mul3A_18 : i32
    %add3A_20 = arith.constant 64 : i32
    %add3A_21 = arith.addi %mul3A_19, %add3A_20 : i32
    %run_scoped3A_22 = arith.constant 0 : i32
    "tpu.region"() ({
      %run_scoped3A_389 = tpu.sem_alloc : memref<!tpu.dma_semaphore, #tpu.memory_space<semaphore_mem>>
      %dma_start3A_390 = arith.constant 0 : i32
      %dma_start3A_391 = arith.constant 0 : i32
      %dma_start3A_392 = tpu.memref_slice %arg7[%run_scoped3A_22, %dma_start3A_390, %dma_start3A_391] : memref<3x64x128xf32, #tpu.memory_space<vmem>> -> memref<1x64x128xf32, #tpu.memory_space<vmem>>
      %dma_start3A_393 = tpu.memref_squeeze %dma_start3A_392 : memref<1x64x128xf32, #tpu.memory_space<vmem>> -> memref<64x128xf32, #tpu.memory_space<vmem>>
      %dma_start3A_394 = arith.constant 0 : i32
      %dma_start3A_395 = tpu.memref_slice %arg8[%add3A_21, %dma_start3A_394] : memref<10240x128xf32, #tpu.memory_space<vmem_shared>> -> memref<64x128xf32, #tpu.memory_space<vmem_shared>>
      %dma_start3A_396 = arith.constant 0 : i32
      %dma_start3A_397 = tpu.memref_slice %arg8[%add3A_21, %dma_start3A_396] : memref<10240x128xf32, #tpu.memory_space<vmem_shared>> -> memref<64x128xf32, #tpu.memory_space<vmem_shared>>
      %dma_start3A_398 = arith.constant 0 : i32
      %dma_start3A_399 = arith.constant 0 : i32
      %dma_start3A_400 = tpu.memref_slice %arg7[%run_scoped3A_22, %dma_start3A_398, %dma_start3A_399] : memref<3x64x128xf32, #tpu.memory_space<vmem>> -> memref<1x64x128xf32, #tpu.memory_space<vmem>>
      %dma_start3A_401 = tpu.memref_squeeze %dma_start3A_400 : memref<1x64x128xf32, #tpu.memory_space<vmem>> -> memref<64x128xf32, #tpu.memory_space<vmem>>
      tpu.enqueue_dma source(%dma_start3A_401 : memref<64x128xf32, #tpu.memory_space<vmem>>) target(%dma_start3A_397 : memref<64x128xf32, #tpu.memory_space<vmem_shared>>) target_semaphore(%run_scoped3A_389 : memref<!tpu.dma_semaphore, #tpu.memory_space<semaphore_mem>>)
      %dma_wait3A_402 = arith.constant 0 : i32
      %dma_wait3A_403 = arith.constant 0 : i32
      %dma_wait3A_404 = tpu.memref_slice %arg7[%run_scoped3A_22, %dma_wait3A_402, %dma_wait3A_403] : memref<3x64x128xf32, #tpu.memory_space<vmem>> -> memref<1x64x128xf32, #tpu.memory_space<vmem>>
      %dma_wait3A_405 = tpu.memref_squeeze %dma_wait3A_404 : memref<1x64x128xf32, #tpu.memory_space<vmem>> -> memref<64x128xf32, #tpu.memory_space<vmem>>
      %dma_wait3A_406 = arith.constant 0 : i32
      %dma_wait3A_407 = tpu.memref_slice %arg8[%add3A_21, %dma_wait3A_406] : memref<10240x128xf32, #tpu.memory_space<vmem_shared>> -> memref<64x128xf32, #tpu.memory_space<vmem_shared>>
      %dma_wait3A_408 = arith.constant 0 : i32
      %dma_wait3A_409 = tpu.memref_slice %arg8[%add3A_21, %dma_wait3A_408] : memref<10240x128xf32, #tpu.memory_space<vmem_shared>> -> memref<64x128xf32, #tpu.memory_space<vmem_shared>>
      %dma_wait3A_410 = arith.constant 0 : i32
      %dma_wait3A_411 = arith.constant 0 : i32
      %dma_wait3A_412 = tpu.memref_slice %arg7[%run_scoped3A_22, %dma_wait3A_410, %dma_wait3A_411] : memref<3x64x128xf32, #tpu.memory_space<vmem>> -> memref<1x64x128xf32, #tpu.memory_space<vmem>>
      %dma_wait3A_413 = tpu.memref_squeeze %dma_wait3A_412 : memref<1x64x128xf32, #tpu.memory_space<vmem>> -> memref<64x128xf32, #tpu.memory_space<vmem>>
      tpu.wait_dma2 semaphore(%run_scoped3A_389 : memref<!tpu.dma_semaphore, #tpu.memory_space<semaphore_mem>>) src(%dma_wait3A_413 : memref<64x128xf32, #tpu.memory_space<vmem>>) dst(%dma_wait3A_409 : memref<64x128xf32, #tpu.memory_space<vmem_shared>>)
      tpu.yield
    }) : () -> ()
    %mul3A_23 = arith.constant 640 : i32
    %mul3A_24 = arith.muli %arg1, %mul3A_23 : i32
    %add3A_25 = arith.constant 128 : i32
    %add3A_26 = arith.addi %mul3A_24, %add3A_25 : i32
    %run_scoped3A_27 = arith.constant 0 : i32
    "tpu.region"() ({
      %run_scoped3A_389 = tpu.sem_alloc : memref<!tpu.dma_semaphore, #tpu.memory_space<semaphore_mem>>
      %dma_start3A_390 = arith.constant 0 : i32
      %dma_start3A_391 = arith.constant 0 : i32
      %dma_start3A_392 = tpu.memref_slice %arg7[%run_scoped3A_27, %dma_start3A_390, %dma_start3A_391] : memref<3x64x128xf32, #tpu.memory_space<vmem>> -> memref<1x64x128xf32, #tpu.memory_space<vmem>>
      %dma_start3A_393 = tpu.memref_squeeze %dma_start3A_392 : memref<1x64x128xf32, #tpu.memory_space<vmem>> -> memref<64x128xf32, #tpu.memory_space<vmem>>
      %dma_start3A_394 = arith.constant 0 : i32
      %dma_start3A_395 = tpu.memref_slice %arg8[%add3A_26, %dma_start3A_394] : memref<10240x128xf32, #tpu.memory_space<vmem_shared>> -> memref<64x128xf32, #tpu.memory_space<vmem_shared>>
      %dma_start3A_396 = arith.constant 0 : i32
      %dma_start3A_397 = tpu.memref_slice %arg8[%add3A_26, %dma_start3A_396] : memref<10240x128xf32, #tpu.memory_space<vmem_shared>> -> memref<64x128xf32, #tpu.memory_space<vmem_shared>>
      %dma_start3A_398 = arith.constant 0 : i32
      %dma_start3A_399 = arith.constant 0 : i32
      %dma_start3A_400 = tpu.memref_slice %arg7[%run_scoped3A_27, %dma_start3A_398, %dma_start3A_399] : memref<3x64x128xf32, #tpu.memory_space<vmem>> -> memref<1x64x128xf32, #tpu.memory_space<vmem>>
      %dma_start3A_401 = tpu.memref_squeeze %dma_start3A_400 : memref<1x64x128xf32, #tpu.memory_space<vmem>> -> memref<64x128xf32, #tpu.memory_space<vmem>>
      tpu.enqueue_dma source(%dma_start3A_401 : memref<64x128xf32, #tpu.memory_space<vmem>>) target(%dma_start3A_397 : memref<64x128xf32, #tpu.memory_space<vmem_shared>>) target_semaphore(%run_scoped3A_389 : memref<!tpu.dma_semaphore, #tpu.memory_space<semaphore_mem>>)
      %dma_wait3A_402 = arith.constant 0 : i32
      %dma_wait3A_403 = arith.constant 0 : i32
      %dma_wait3A_404 = tpu.memref_slice %arg7[%run_scoped3A_27, %dma_wait3A_402, %dma_wait3A_403] : memref<3x64x128xf32, #tpu.memory_space<vmem>> -> memref<1x64x128xf32, #tpu.memory_space<vmem>>
      %dma_wait3A_405 = tpu.memref_squeeze %dma_wait3A_404 : memref<1x64x128xf32, #tpu.memory_space<vmem>> -> memref<64x128xf32, #tpu.memory_space<vmem>>
      %dma_wait3A_406 = arith.constant 0 : i32
      %dma_wait3A_407 = tpu.memref_slice %arg8[%add3A_26, %dma_wait3A_406] : memref<10240x128xf32, #tpu.memory_space<vmem_shared>> -> memref<64x128xf32, #tpu.memory_space<vmem_shared>>
      %dma_wait3A_408 = arith.constant 0 : i32
      %dma_wait3A_409 = tpu.memref_slice %arg8[%add3A_26, %dma_wait3A_408] : memref<10240x128xf32, #tpu.memory_space<vmem_shared>> -> memref<64x128xf32, #tpu.memory_space<vmem_shared>>
      %dma_wait3A_410 = arith.constant 0 : i32
      %dma_wait3A_411 = arith.constant 0 : i32
      %dma_wait3A_412 = tpu.memref_slice %arg7[%run_scoped3A_27, %dma_wait3A_410, %dma_wait3A_411] : memref<3x64x128xf32, #tpu.memory_space<vmem>> -> memref<1x64x128xf32, #tpu.memory_space<vmem>>
      %dma_wait3A_413 = tpu.memref_squeeze %dma_wait3A_412 : memref<1x64x128xf32, #tpu.memory_space<vmem>> -> memref<64x128xf32, #tpu.memory_space<vmem>>
      tpu.wait_dma2 semaphore(%run_scoped3A_389 : memref<!tpu.dma_semaphore, #tpu.memory_space<semaphore_mem>>) src(%dma_wait3A_413 : memref<64x128xf32, #tpu.memory_space<vmem>>) dst(%dma_wait3A_409 : memref<64x128xf32, #tpu.memory_space<vmem_shared>>)
      tpu.yield
    }) : () -> ()
    %mul3A_28 = arith.constant 640 : i32
    %mul3A_29 = arith.muli %arg1, %mul3A_28 : i32
    %add3A_30 = arith.constant 192 : i32
    %add3A_31 = arith.addi %mul3A_29, %add3A_30 : i32
    %run_scoped3A_32 = arith.constant 0 : i32
    "tpu.region"() ({
      %run_scoped3A_389 = tpu.sem_alloc : memref<!tpu.dma_semaphore, #tpu.memory_space<semaphore_mem>>
      %dma_start3A_390 = arith.constant 0 : i32
      %dma_start3A_391 = arith.constant 0 : i32
      %dma_start3A_392 = tpu.memref_slice %arg7[%run_scoped3A_32, %dma_start3A_390, %dma_start3A_391] : memref<3x64x128xf32, #tpu.memory_space<vmem>> -> memref<1x64x128xf32, #tpu.memory_space<vmem>>
      %dma_start3A_393 = tpu.memref_squeeze %dma_start3A_392 : memref<1x64x128xf32, #tpu.memory_space<vmem>> -> memref<64x128xf32, #tpu.memory_space<vmem>>
      %dma_start3A_394 = arith.constant 0 : i32
      %dma_start3A_395 = tpu.memref_slice %arg8[%add3A_31, %dma_start3A_394] : memref<10240x128xf32, #tpu.memory_space<vmem_shared>> -> memref<64x128xf32, #tpu.memory_space<vmem_shared>>
      %dma_start3A_396 = arith.constant 0 : i32
      %dma_start3A_397 = tpu.memref_slice %arg8[%add3A_31, %dma_start3A_396] : memref<10240x128xf32, #tpu.memory_space<vmem_shared>> -> memref<64x128xf32, #tpu.memory_space<vmem_shared>>
      %dma_start3A_398 = arith.constant 0 : i32
      %dma_start3A_399 = arith.constant 0 : i32
      %dma_start3A_400 = tpu.memref_slice %arg7[%run_scoped3A_32, %dma_start3A_398, %dma_start3A_399] : memref<3x64x128xf32, #tpu.memory_space<vmem>> -> memref<1x64x128xf32, #tpu.memory_space<vmem>>
      %dma_start3A_401 = tpu.memref_squeeze %dma_start3A_400 : memref<1x64x128xf32, #tpu.memory_space<vmem>> -> memref<64x128xf32, #tpu.memory_space<vmem>>
      tpu.enqueue_dma source(%dma_start3A_401 : memref<64x128xf32, #tpu.memory_space<vmem>>) target(%dma_start3A_397 : memref<64x128xf32, #tpu.memory_space<vmem_shared>>) target_semaphore(%run_scoped3A_389 : memref<!tpu.dma_semaphore, #tpu.memory_space<semaphore_mem>>)
      %dma_wait3A_402 = arith.constant 0 : i32
      %dma_wait3A_403 = arith.constant 0 : i32
      %dma_wait3A_404 = tpu.memref_slice %arg7[%run_scoped3A_32, %dma_wait3A_402, %dma_wait3A_403] : memref<3x64x128xf32, #tpu.memory_space<vmem>> -> memref<1x64x128xf32, #tpu.memory_space<vmem>>
      %dma_wait3A_405 = tpu.memref_squeeze %dma_wait3A_404 : memref<1x64x128xf32, #tpu.memory_space<vmem>> -> memref<64x128xf32, #tpu.memory_space<vmem>>
      %dma_wait3A_406 = arith.constant 0 : i32
      %dma_wait3A_407 = tpu.memref_slice %arg8[%add3A_31, %dma_wait3A_406] : memref<10240x128xf32, #tpu.memory_space<vmem_shared>> -> memref<64x128xf32, #tpu.memory_space<vmem_shared>>
      %dma_wait3A_408 = arith.constant 0 : i32
      %dma_wait3A_409 = tpu.memref_slice %arg8[%add3A_31, %dma_wait3A_408] : memref<10240x128xf32, #tpu.memory_space<vmem_shared>> -> memref<64x128xf32, #tpu.memory_space<vmem_shared>>
      %dma_wait3A_410 = arith.constant 0 : i32
      %dma_wait3A_411 = arith.constant 0 : i32
      %dma_wait3A_412 = tpu.memref_slice %arg7[%run_scoped3A_32, %dma_wait3A_410, %dma_wait3A_411] : memref<3x64x128xf32, #tpu.memory_space<vmem>> -> memref<1x64x128xf32, #tpu.memory_space<vmem>>
      %dma_wait3A_413 = tpu.memref_squeeze %dma_wait3A_412 : memref<1x64x128xf32, #tpu.memory_space<vmem>> -> memref<64x128xf32, #tpu.memory_space<vmem>>
      tpu.wait_dma2 semaphore(%run_scoped3A_389 : memref<!tpu.dma_semaphore, #tpu.memory_space<semaphore_mem>>) src(%dma_wait3A_413 : memref<64x128xf32, #tpu.memory_space<vmem>>) dst(%dma_wait3A_409 : memref<64x128xf32, #tpu.memory_space<vmem_shared>>)
      tpu.yield
    }) : () -> ()
    %mul3A_33 = arith.constant 640 : i32
    %mul3A_34 = arith.muli %arg1, %mul3A_33 : i32
    %add3A_35 = arith.constant 256 : i32
    %add3A_36 = arith.addi %mul3A_34, %add3A_35 : i32
    %run_scoped3A_37 = arith.constant 0 : i32
    "tpu.region"() ({
      %run_scoped3A_389 = tpu.sem_alloc : memref<!tpu.dma_semaphore, #tpu.memory_space<semaphore_mem>>
      %dma_start3A_390 = arith.constant 0 : i32
      %dma_start3A_391 = arith.constant 0 : i32
      %dma_start3A_392 = tpu.memref_slice %arg7[%run_scoped3A_37, %dma_start3A_390, %dma_start3A_391] : memref<3x64x128xf32, #tpu.memory_space<vmem>> -> memref<1x64x128xf32, #tpu.memory_space<vmem>>
      %dma_start3A_393 = tpu.memref_squeeze %dma_start3A_392 : memref<1x64x128xf32, #tpu.memory_space<vmem>> -> memref<64x128xf32, #tpu.memory_space<vmem>>
      %dma_start3A_394 = arith.constant 0 : i32
      %dma_start3A_395 = tpu.memref_slice %arg8[%add3A_36, %dma_start3A_394] : memref<10240x128xf32, #tpu.memory_space<vmem_shared>> -> memref<64x128xf32, #tpu.memory_space<vmem_shared>>
      %dma_start3A_396 = arith.constant 0 : i32
      %dma_start3A_397 = tpu.memref_slice %arg8[%add3A_36, %dma_start3A_396] : memref<10240x128xf32, #tpu.memory_space<vmem_shared>> -> memref<64x128xf32, #tpu.memory_space<vmem_shared>>
      %dma_start3A_398 = arith.constant 0 : i32
      %dma_start3A_399 = arith.constant 0 : i32
      %dma_start3A_400 = tpu.memref_slice %arg7[%run_scoped3A_37, %dma_start3A_398, %dma_start3A_399] : memref<3x64x128xf32, #tpu.memory_space<vmem>> -> memref<1x64x128xf32, #tpu.memory_space<vmem>>
      %dma_start3A_401 = tpu.memref_squeeze %dma_start3A_400 : memref<1x64x128xf32, #tpu.memory_space<vmem>> -> memref<64x128xf32, #tpu.memory_space<vmem>>
      tpu.enqueue_dma source(%dma_start3A_401 : memref<64x128xf32, #tpu.memory_space<vmem>>) target(%dma_start3A_397 : memref<64x128xf32, #tpu.memory_space<vmem_shared>>) target_semaphore(%run_scoped3A_389 : memref<!tpu.dma_semaphore, #tpu.memory_space<semaphore_mem>>)
      %dma_wait3A_402 = arith.constant 0 : i32
      %dma_wait3A_403 = arith.constant 0 : i32
      %dma_wait3A_404 = tpu.memref_slice %arg7[%run_scoped3A_37, %dma_wait3A_402, %dma_wait3A_403] : memref<3x64x128xf32, #tpu.memory_space<vmem>> -> memref<1x64x128xf32, #tpu.memory_space<vmem>>
      %dma_wait3A_405 = tpu.memref_squeeze %dma_wait3A_404 : memref<1x64x128xf32, #tpu.memory_space<vmem>> -> memref<64x128xf32, #tpu.memory_space<vmem>>
      %dma_wait3A_406 = arith.constant 0 : i32
      %dma_wait3A_407 = tpu.memref_slice %arg8[%add3A_36, %dma_wait3A_406] : memref<10240x128xf32, #tpu.memory_space<vmem_shared>> -> memref<64x128xf32, #tpu.memory_space<vmem_shared>>
      %dma_wait3A_408 = arith.constant 0 : i32
      %dma_wait3A_409 = tpu.memref_slice %arg8[%add3A_36, %dma_wait3A_408] : memref<10240x128xf32, #tpu.memory_space<vmem_shared>> -> memref<64x128xf32, #tpu.memory_space<vmem_shared>>
      %dma_wait3A_410 = arith.constant 0 : i32
      %dma_wait3A_411 = arith.constant 0 : i32
      %dma_wait3A_412 = tpu.memref_slice %arg7[%run_scoped3A_37, %dma_wait3A_410, %dma_wait3A_411] : memref<3x64x128xf32, #tpu.memory_space<vmem>> -> memref<1x64x128xf32, #tpu.memory_space<vmem>>
      %dma_wait3A_413 = tpu.memref_squeeze %dma_wait3A_412 : memref<1x64x128xf32, #tpu.memory_space<vmem>> -> memref<64x128xf32, #tpu.memory_space<vmem>>
      tpu.wait_dma2 semaphore(%run_scoped3A_389 : memref<!tpu.dma_semaphore, #tpu.memory_space<semaphore_mem>>) src(%dma_wait3A_413 : memref<64x128xf32, #tpu.memory_space<vmem>>) dst(%dma_wait3A_409 : memref<64x128xf32, #tpu.memory_space<vmem_shared>>)
      tpu.yield
    }) : () -> ()
    %mul3A_38 = arith.constant 640 : i32
    %mul3A_39 = arith.muli %arg1, %mul3A_38 : i32
    %add3A_40 = arith.constant 320 : i32
    %add3A_41 = arith.addi %mul3A_39, %add3A_40 : i32
    %run_scoped3A_42 = arith.constant 0 : i32
    "tpu.region"() ({
      %run_scoped3A_389 = tpu.sem_alloc : memref<!tpu.dma_semaphore, #tpu.memory_space<semaphore_mem>>
      %dma_start3A_390 = arith.constant 0 : i32
      %dma_start3A_391 = arith.constant 0 : i32
      %dma_start3A_392 = tpu.memref_slice %arg7[%run_scoped3A_42, %dma_start3A_390, %dma_start3A_391] : memref<3x64x128xf32, #tpu.memory_space<vmem>> -> memref<1x64x128xf32, #tpu.memory_space<vmem>>
      %dma_start3A_393 = tpu.memref_squeeze %dma_start3A_392 : memref<1x64x128xf32, #tpu.memory_space<vmem>> -> memref<64x128xf32, #tpu.memory_space<vmem>>
      %dma_start3A_394 = arith.constant 0 : i32
      %dma_start3A_395 = tpu.memref_slice %arg8[%add3A_41, %dma_start3A_394] : memref<10240x128xf32, #tpu.memory_space<vmem_shared>> -> memref<64x128xf32, #tpu.memory_space<vmem_shared>>
      %dma_start3A_396 = arith.constant 0 : i32
      %dma_start3A_397 = tpu.memref_slice %arg8[%add3A_41, %dma_start3A_396] : memref<10240x128xf32, #tpu.memory_space<vmem_shared>> -> memref<64x128xf32, #tpu.memory_space<vmem_shared>>
      %dma_start3A_398 = arith.constant 0 : i32
      %dma_start3A_399 = arith.constant 0 : i32
      %dma_start3A_400 = tpu.memref_slice %arg7[%run_scoped3A_42, %dma_start3A_398, %dma_start3A_399] : memref<3x64x128xf32, #tpu.memory_space<vmem>> -> memref<1x64x128xf32, #tpu.memory_space<vmem>>
      %dma_start3A_401 = tpu.memref_squeeze %dma_start3A_400 : memref<1x64x128xf32, #tpu.memory_space<vmem>> -> memref<64x128xf32, #tpu.memory_space<vmem>>
      tpu.enqueue_dma source(%dma_start3A_401 : memref<64x128xf32, #tpu.memory_space<vmem>>) target(%dma_start3A_397 : memref<64x128xf32, #tpu.memory_space<vmem_shared>>) target_semaphore(%run_scoped3A_389 : memref<!tpu.dma_semaphore, #tpu.memory_space<semaphore_mem>>)
      %dma_wait3A_402 = arith.constant 0 : i32
      %dma_wait3A_403 = arith.constant 0 : i32
      %dma_wait3A_404 = tpu.memref_slice %arg7[%run_scoped3A_42, %dma_wait3A_402, %dma_wait3A_403] : memref<3x64x128xf32, #tpu.memory_space<vmem>> -> memref<1x64x128xf32, #tpu.memory_space<vmem>>
      %dma_wait3A_405 = tpu.memref_squeeze %dma_wait3A_404 : memref<1x64x128xf32, #tpu.memory_space<vmem>> -> memref<64x128xf32, #tpu.memory_space<vmem>>
      %dma_wait3A_406 = arith.constant 0 : i32
      %dma_wait3A_407 = tpu.memref_slice %arg8[%add3A_41, %dma_wait3A_406] : memref<10240x128xf32, #tpu.memory_space<vmem_shared>> -> memref<64x128xf32, #tpu.memory_space<vmem_shared>>
      %dma_wait3A_408 = arith.constant 0 : i32
      %dma_wait3A_409 = tpu.memref_slice %arg8[%add3A_41, %dma_wait3A_408] : memref<10240x128xf32, #tpu.memory_space<vmem_shared>> -> memref<64x128xf32, #tpu.memory_space<vmem_shared>>
      %dma_wait3A_410 = arith.constant 0 : i32
      %dma_wait3A_411 = arith.constant 0 : i32
      %dma_wait3A_412 = tpu.memref_slice %arg7[%run_scoped3A_42, %dma_wait3A_410, %dma_wait3A_411] : memref<3x64x128xf32, #tpu.memory_space<vmem>> -> memref<1x64x128xf32, #tpu.memory_space<vmem>>
      %dma_wait3A_413 = tpu.memref_squeeze %dma_wait3A_412 : memref<1x64x128xf32, #tpu.memory_space<vmem>> -> memref<64x128xf32, #tpu.memory_space<vmem>>
      tpu.wait_dma2 semaphore(%run_scoped3A_389 : memref<!tpu.dma_semaphore, #tpu.memory_space<semaphore_mem>>) src(%dma_wait3A_413 : memref<64x128xf32, #tpu.memory_space<vmem>>) dst(%dma_wait3A_409 : memref<64x128xf32, #tpu.memory_space<vmem_shared>>)
      tpu.yield
    }) : () -> ()
    %mul3A_43 = arith.constant 640 : i32
    %mul3A_44 = arith.muli %arg1, %mul3A_43 : i32
    %add3A_45 = arith.constant 384 : i32
    %add3A_46 = arith.addi %mul3A_44, %add3A_45 : i32
    %run_scoped3A_47 = arith.constant 0 : i32
    "tpu.region"() ({
      %run_scoped3A_389 = tpu.sem_alloc : memref<!tpu.dma_semaphore, #tpu.memory_space<semaphore_mem>>
      %dma_start3A_390 = arith.constant 0 : i32
      %dma_start3A_391 = arith.constant 0 : i32
      %dma_start3A_392 = tpu.memref_slice %arg7[%run_scoped3A_47, %dma_start3A_390, %dma_start3A_391] : memref<3x64x128xf32, #tpu.memory_space<vmem>> -> memref<1x64x128xf32, #tpu.memory_space<vmem>>
      %dma_start3A_393 = tpu.memref_squeeze %dma_start3A_392 : memref<1x64x128xf32, #tpu.memory_space<vmem>> -> memref<64x128xf32, #tpu.memory_space<vmem>>
      %dma_start3A_394 = arith.constant 0 : i32
      %dma_start3A_395 = tpu.memref_slice %arg8[%add3A_46, %dma_start3A_394] : memref<10240x128xf32, #tpu.memory_space<vmem_shared>> -> memref<64x128xf32, #tpu.memory_space<vmem_shared>>
      %dma_start3A_396 = arith.constant 0 : i32
      %dma_start3A_397 = tpu.memref_slice %arg8[%add3A_46, %dma_start3A_396] : memref<10240x128xf32, #tpu.memory_space<vmem_shared>> -> memref<64x128xf32, #tpu.memory_space<vmem_shared>>
      %dma_start3A_398 = arith.constant 0 : i32
      %dma_start3A_399 = arith.constant 0 : i32
      %dma_start3A_400 = tpu.memref_slice %arg7[%run_scoped3A_47, %dma_start3A_398, %dma_start3A_399] : memref<3x64x128xf32, #tpu.memory_space<vmem>> -> memref<1x64x128xf32, #tpu.memory_space<vmem>>
      %dma_start3A_401 = tpu.memref_squeeze %dma_start3A_400 : memref<1x64x128xf32, #tpu.memory_space<vmem>> -> memref<64x128xf32, #tpu.memory_space<vmem>>
      tpu.enqueue_dma source(%dma_start3A_401 : memref<64x128xf32, #tpu.memory_space<vmem>>) target(%dma_start3A_397 : memref<64x128xf32, #tpu.memory_space<vmem_shared>>) target_semaphore(%run_scoped3A_389 : memref<!tpu.dma_semaphore, #tpu.memory_space<semaphore_mem>>)
      %dma_wait3A_402 = arith.constant 0 : i32
      %dma_wait3A_403 = arith.constant 0 : i32
      %dma_wait3A_404 = tpu.memref_slice %arg7[%run_scoped3A_47, %dma_wait3A_402, %dma_wait3A_403] : memref<3x64x128xf32, #tpu.memory_space<vmem>> -> memref<1x64x128xf32, #tpu.memory_space<vmem>>
      %dma_wait3A_405 = tpu.memref_squeeze %dma_wait3A_404 : memref<1x64x128xf32, #tpu.memory_space<vmem>> -> memref<64x128xf32, #tpu.memory_space<vmem>>
      %dma_wait3A_406 = arith.constant 0 : i32
      %dma_wait3A_407 = tpu.memref_slice %arg8[%add3A_46, %dma_wait3A_406] : memref<10240x128xf32, #tpu.memory_space<vmem_shared>> -> memref<64x128xf32, #tpu.memory_space<vmem_shared>>
      %dma_wait3A_408 = arith.constant 0 : i32
      %dma_wait3A_409 = tpu.memref_slice %arg8[%add3A_46, %dma_wait3A_408] : memref<10240x128xf32, #tpu.memory_space<vmem_shared>> -> memref<64x128xf32, #tpu.memory_space<vmem_shared>>
      %dma_wait3A_410 = arith.constant 0 : i32
      %dma_wait3A_411 = arith.constant 0 : i32
      %dma_wait3A_412 = tpu.memref_slice %arg7[%run_scoped3A_47, %dma_wait3A_410, %dma_wait3A_411] : memref<3x64x128xf32, #tpu.memory_space<vmem>> -> memref<1x64x128xf32, #tpu.memory_space<vmem>>
      %dma_wait3A_413 = tpu.memref_squeeze %dma_wait3A_412 : memref<1x64x128xf32, #tpu.memory_space<vmem>> -> memref<64x128xf32, #tpu.memory_space<vmem>>
      tpu.wait_dma2 semaphore(%run_scoped3A_389 : memref<!tpu.dma_semaphore, #tpu.memory_space<semaphore_mem>>) src(%dma_wait3A_413 : memref<64x128xf32, #tpu.memory_space<vmem>>) dst(%dma_wait3A_409 : memref<64x128xf32, #tpu.memory_space<vmem_shared>>)
      tpu.yield
    }) : () -> ()
    %mul3A_48 = arith.constant 640 : i32
    %mul3A_49 = arith.muli %arg1, %mul3A_48 : i32
    %add3A_50 = arith.constant 448 : i32
    %add3A_51 = arith.addi %mul3A_49, %add3A_50 : i32
    %run_scoped3A_52 = arith.constant 0 : i32
    "tpu.region"() ({
      %run_scoped3A_389 = tpu.sem_alloc : memref<!tpu.dma_semaphore, #tpu.memory_space<semaphore_mem>>
      %dma_start3A_390 = arith.constant 0 : i32
      %dma_start3A_391 = arith.constant 0 : i32
      %dma_start3A_392 = tpu.memref_slice %arg7[%run_scoped3A_52, %dma_start3A_390, %dma_start3A_391] : memref<3x64x128xf32, #tpu.memory_space<vmem>> -> memref<1x64x128xf32, #tpu.memory_space<vmem>>
      %dma_start3A_393 = tpu.memref_squeeze %dma_start3A_392 : memref<1x64x128xf32, #tpu.memory_space<vmem>> -> memref<64x128xf32, #tpu.memory_space<vmem>>
      %dma_start3A_394 = arith.constant 0 : i32
      %dma_start3A_395 = tpu.memref_slice %arg8[%add3A_51, %dma_start3A_394] : memref<10240x128xf32, #tpu.memory_space<vmem_shared>> -> memref<64x128xf32, #tpu.memory_space<vmem_shared>>
      %dma_start3A_396 = arith.constant 0 : i32
      %dma_start3A_397 = tpu.memref_slice %arg8[%add3A_51, %dma_start3A_396] : memref<10240x128xf32, #tpu.memory_space<vmem_shared>> -> memref<64x128xf32, #tpu.memory_space<vmem_shared>>
      %dma_start3A_398 = arith.constant 0 : i32
      %dma_start3A_399 = arith.constant 0 : i32
      %dma_start3A_400 = tpu.memref_slice %arg7[%run_scoped3A_52, %dma_start3A_398, %dma_start3A_399] : memref<3x64x128xf32, #tpu.memory_space<vmem>> -> memref<1x64x128xf32, #tpu.memory_space<vmem>>
      %dma_start3A_401 = tpu.memref_squeeze %dma_start3A_400 : memref<1x64x128xf32, #tpu.memory_space<vmem>> -> memref<64x128xf32, #tpu.memory_space<vmem>>
      tpu.enqueue_dma source(%dma_start3A_401 : memref<64x128xf32, #tpu.memory_space<vmem>>) target(%dma_start3A_397 : memref<64x128xf32, #tpu.memory_space<vmem_shared>>) target_semaphore(%run_scoped3A_389 : memref<!tpu.dma_semaphore, #tpu.memory_space<semaphore_mem>>)
      %dma_wait3A_402 = arith.constant 0 : i32
      %dma_wait3A_403 = arith.constant 0 : i32
      %dma_wait3A_404 = tpu.memref_slice %arg7[%run_scoped3A_52, %dma_wait3A_402, %dma_wait3A_403] : memref<3x64x128xf32, #tpu.memory_space<vmem>> -> memref<1x64x128xf32, #tpu.memory_space<vmem>>
      %dma_wait3A_405 = tpu.memref_squeeze %dma_wait3A_404 : memref<1x64x128xf32, #tpu.memory_space<vmem>> -> memref<64x128xf32, #tpu.memory_space<vmem>>
      %dma_wait3A_406 = arith.constant 0 : i32
      %dma_wait3A_407 = tpu.memref_slice %arg8[%add3A_51, %dma_wait3A_406] : memref<10240x128xf32, #tpu.memory_space<vmem_shared>> -> memref<64x128xf32, #tpu.memory_space<vmem_shared>>
      %dma_wait3A_408 = arith.constant 0 : i32
      %dma_wait3A_409 = tpu.memref_slice %arg8[%add3A_51, %dma_wait3A_408] : memref<10240x128xf32, #tpu.memory_space<vmem_shared>> -> memref<64x128xf32, #tpu.memory_space<vmem_shared>>
      %dma_wait3A_410 = arith.constant 0 : i32
      %dma_wait3A_411 = arith.constant 0 : i32
      %dma_wait3A_412 = tpu.memref_slice %arg7[%run_scoped3A_52, %dma_wait3A_410, %dma_wait3A_411] : memref<3x64x128xf32, #tpu.memory_space<vmem>> -> memref<1x64x128xf32, #tpu.memory_space<vmem>>
      %dma_wait3A_413 = tpu.memref_squeeze %dma_wait3A_412 : memref<1x64x128xf32, #tpu.memory_space<vmem>> -> memref<64x128xf32, #tpu.memory_space<vmem>>
      tpu.wait_dma2 semaphore(%run_scoped3A_389 : memref<!tpu.dma_semaphore, #tpu.memory_space<semaphore_mem>>) src(%dma_wait3A_413 : memref<64x128xf32, #tpu.memory_space<vmem>>) dst(%dma_wait3A_409 : memref<64x128xf32, #tpu.memory_space<vmem_shared>>)
      tpu.yield
    }) : () -> ()
    %mul3A_53 = arith.constant 640 : i32
    %mul3A_54 = arith.muli %arg1, %mul3A_53 : i32
    %add3A_55 = arith.constant 512 : i32
    %add3A_56 = arith.addi %mul3A_54, %add3A_55 : i32
    %run_scoped3A_57 = arith.constant 0 : i32
    "tpu.region"() ({
      %run_scoped3A_389 = tpu.sem_alloc : memref<!tpu.dma_semaphore, #tpu.memory_space<semaphore_mem>>
      %dma_start3A_390 = arith.constant 0 : i32
      %dma_start3A_391 = arith.constant 0 : i32
      %dma_start3A_392 = tpu.memref_slice %arg7[%run_scoped3A_57, %dma_start3A_390, %dma_start3A_391] : memref<3x64x128xf32, #tpu.memory_space<vmem>> -> memref<1x64x128xf32, #tpu.memory_space<vmem>>
      %dma_start3A_393 = tpu.memref_squeeze %dma_start3A_392 : memref<1x64x128xf32, #tpu.memory_space<vmem>> -> memref<64x128xf32, #tpu.memory_space<vmem>>
      %dma_start3A_394 = arith.constant 0 : i32
      %dma_start3A_395 = tpu.memref_slice %arg8[%add3A_56, %dma_start3A_394] : memref<10240x128xf32, #tpu.memory_space<vmem_shared>> -> memref<64x128xf32, #tpu.memory_space<vmem_shared>>
      %dma_start3A_396 = arith.constant 0 : i32
      %dma_start3A_397 = tpu.memref_slice %arg8[%add3A_56, %dma_start3A_396] : memref<10240x128xf32, #tpu.memory_space<vmem_shared>> -> memref<64x128xf32, #tpu.memory_space<vmem_shared>>
      %dma_start3A_398 = arith.constant 0 : i32
      %dma_start3A_399 = arith.constant 0 : i32
      %dma_start3A_400 = tpu.memref_slice %arg7[%run_scoped3A_57, %dma_start3A_398, %dma_start3A_399] : memref<3x64x128xf32, #tpu.memory_space<vmem>> -> memref<1x64x128xf32, #tpu.memory_space<vmem>>
      %dma_start3A_401 = tpu.memref_squeeze %dma_start3A_400 : memref<1x64x128xf32, #tpu.memory_space<vmem>> -> memref<64x128xf32, #tpu.memory_space<vmem>>
      tpu.enqueue_dma source(%dma_start3A_401 : memref<64x128xf32, #tpu.memory_space<vmem>>) target(%dma_start3A_397 : memref<64x128xf32, #tpu.memory_space<vmem_shared>>) target_semaphore(%run_scoped3A_389 : memref<!tpu.dma_semaphore, #tpu.memory_space<semaphore_mem>>)
      %dma_wait3A_402 = arith.constant 0 : i32
      %dma_wait3A_403 = arith.constant 0 : i32
      %dma_wait3A_404 = tpu.memref_slice %arg7[%run_scoped3A_57, %dma_wait3A_402, %dma_wait3A_403] : memref<3x64x128xf32, #tpu.memory_space<vmem>> -> memref<1x64x128xf32, #tpu.memory_space<vmem>>
      %dma_wait3A_405 = tpu.memref_squeeze %dma_wait3A_404 : memref<1x64x128xf32, #tpu.memory_space<vmem>> -> memref<64x128xf32, #tpu.memory_space<vmem>>
      %dma_wait3A_406 = arith.constant 0 : i32
      %dma_wait3A_407 = tpu.memref_slice %arg8[%add3A_56, %dma_wait3A_406] : memref<10240x128xf32, #tpu.memory_space<vmem_shared>> -> memref<64x128xf32, #tpu.memory_space<vmem_shared>>
      %dma_wait3A_408 = arith.constant 0 : i32
      %dma_wait3A_409 = tpu.memref_slice %arg8[%add3A_56, %dma_wait3A_408] : memref<10240x128xf32, #tpu.memory_space<vmem_shared>> -> memref<64x128xf32, #tpu.memory_space<vmem_shared>>
      %dma_wait3A_410 = arith.constant 0 : i32
      %dma_wait3A_411 = arith.constant 0 : i32
      %dma_wait3A_412 = tpu.memref_slice %arg7[%run_scoped3A_57, %dma_wait3A_410, %dma_wait3A_411] : memref<3x64x128xf32, #tpu.memory_space<vmem>> -> memref<1x64x128xf32, #tpu.memory_space<vmem>>
      %dma_wait3A_413 = tpu.memref_squeeze %dma_wait3A_412 : memref<1x64x128xf32, #tpu.memory_space<vmem>> -> memref<64x128xf32, #tpu.memory_space<vmem>>
      tpu.wait_dma2 semaphore(%run_scoped3A_389 : memref<!tpu.dma_semaphore, #tpu.memory_space<semaphore_mem>>) src(%dma_wait3A_413 : memref<64x128xf32, #tpu.memory_space<vmem>>) dst(%dma_wait3A_409 : memref<64x128xf32, #tpu.memory_space<vmem_shared>>)
      tpu.yield
    }) : () -> ()
    %mul3A_58 = arith.constant 640 : i32
    %mul3A_59 = arith.muli %arg1, %mul3A_58 : i32
    %add3A_60 = arith.constant 576 : i32
    %add3A_61 = arith.addi %mul3A_59, %add3A_60 : i32
    %run_scoped3A_62 = arith.constant 0 : i32
    "tpu.region"() ({
      %run_scoped3A_389 = tpu.sem_alloc : memref<!tpu.dma_semaphore, #tpu.memory_space<semaphore_mem>>
      %dma_start3A_390 = arith.constant 0 : i32
      %dma_start3A_391 = arith.constant 0 : i32
      %dma_start3A_392 = tpu.memref_slice %arg7[%run_scoped3A_62, %dma_start3A_390, %dma_start3A_391] : memref<3x64x128xf32, #tpu.memory_space<vmem>> -> memref<1x64x128xf32, #tpu.memory_space<vmem>>
      %dma_start3A_393 = tpu.memref_squeeze %dma_start3A_392 : memref<1x64x128xf32, #tpu.memory_space<vmem>> -> memref<64x128xf32, #tpu.memory_space<vmem>>
      %dma_start3A_394 = arith.constant 0 : i32
      %dma_start3A_395 = tpu.memref_slice %arg8[%add3A_61, %dma_start3A_394] : memref<10240x128xf32, #tpu.memory_space<vmem_shared>> -> memref<64x128xf32, #tpu.memory_space<vmem_shared>>
      %dma_start3A_396 = arith.constant 0 : i32
      %dma_start3A_397 = tpu.memref_slice %arg8[%add3A_61, %dma_start3A_396] : memref<10240x128xf32, #tpu.memory_space<vmem_shared>> -> memref<64x128xf32, #tpu.memory_space<vmem_shared>>
      %dma_start3A_398 = arith.constant 0 : i32
      %dma_start3A_399 = arith.constant 0 : i32
      %dma_start3A_400 = tpu.memref_slice %arg7[%run_scoped3A_62, %dma_start3A_398, %dma_start3A_399] : memref<3x64x128xf32, #tpu.memory_space<vmem>> -> memref<1x64x128xf32, #tpu.memory_space<vmem>>
      %dma_start3A_401 = tpu.memref_squeeze %dma_start3A_400 : memref<1x64x128xf32, #tpu.memory_space<vmem>> -> memref<64x128xf32, #tpu.memory_space<vmem>>
      tpu.enqueue_dma source(%dma_start3A_401 : memref<64x128xf32, #tpu.memory_space<vmem>>) target(%dma_start3A_397 : memref<64x128xf32, #tpu.memory_space<vmem_shared>>) target_semaphore(%run_scoped3A_389 : memref<!tpu.dma_semaphore, #tpu.memory_space<semaphore_mem>>)
      %dma_wait3A_402 = arith.constant 0 : i32
      %dma_wait3A_403 = arith.constant 0 : i32
      %dma_wait3A_404 = tpu.memref_slice %arg7[%run_scoped3A_62, %dma_wait3A_402, %dma_wait3A_403] : memref<3x64x128xf32, #tpu.memory_space<vmem>> -> memref<1x64x128xf32, #tpu.memory_space<vmem>>
      %dma_wait3A_405 = tpu.memref_squeeze %dma_wait3A_404 : memref<1x64x128xf32, #tpu.memory_space<vmem>> -> memref<64x128xf32, #tpu.memory_space<vmem>>
      %dma_wait3A_406 = arith.constant 0 : i32
      %dma_wait3A_407 = tpu.memref_slice %arg8[%add3A_61, %dma_wait3A_406] : memref<10240x128xf32, #tpu.memory_space<vmem_shared>> -> memref<64x128xf32, #tpu.memory_space<vmem_shared>>
      %dma_wait3A_408 = arith.constant 0 : i32
      %dma_wait3A_409 = tpu.memref_slice %arg8[%add3A_61, %dma_wait3A_408] : memref<10240x128xf32, #tpu.memory_space<vmem_shared>> -> memref<64x128xf32, #tpu.memory_space<vmem_shared>>
      %dma_wait3A_410 = arith.constant 0 : i32
      %dma_wait3A_411 = arith.constant 0 : i32
      %dma_wait3A_412 = tpu.memref_slice %arg7[%run_scoped3A_62, %dma_wait3A_410, %dma_wait3A_411] : memref<3x64x128xf32, #tpu.memory_space<vmem>> -> memref<1x64x128xf32, #tpu.memory_space<vmem>>
      %dma_wait3A_413 = tpu.memref_squeeze %dma_wait3A_412 : memref<1x64x128xf32, #tpu.memory_space<vmem>> -> memref<64x128xf32, #tpu.memory_space<vmem>>
      tpu.wait_dma2 semaphore(%run_scoped3A_389 : memref<!tpu.dma_semaphore, #tpu.memory_space<semaphore_mem>>) src(%dma_wait3A_413 : memref<64x128xf32, #tpu.memory_space<vmem>>) dst(%dma_wait3A_409 : memref<64x128xf32, #tpu.memory_space<vmem_shared>>)
      tpu.yield
    }) : () -> ()
    %dma_wait3A = tpu.memref_slice %arg3[%mul3A_2] : memref<327680xi32, #tpu.memory_space<hbm>> -> memref<10240xi32, #tpu.memory_space<hbm>>
    %dma_wait3A_63 = tpu.memref_slice %arg3[%mul3A_2] : memref<327680xi32, #tpu.memory_space<hbm>> -> memref<10240xi32, #tpu.memory_space<hbm>>
    tpu.wait_dma2 semaphore(%arg11 : memref<!tpu.dma_semaphore, #tpu.memory_space<semaphore_mem>>) src(%dma_wait3A_63 : memref<10240xi32, #tpu.memory_space<hbm>>) dst(%arg5 : memref<10240xi32, #tpu.memory_space<vmem>>)
    %dma_wait3A_64 = tpu.memref_slice %arg3[%add3A_4] : memref<327680xi32, #tpu.memory_space<hbm>> -> memref<10240xi32, #tpu.memory_space<hbm>>
    %dma_wait3A_65 = tpu.memref_slice %arg3[%add3A_4] : memref<327680xi32, #tpu.memory_space<hbm>> -> memref<10240xi32, #tpu.memory_space<hbm>>
    tpu.wait_dma2 semaphore(%arg11 : memref<!tpu.dma_semaphore, #tpu.memory_space<semaphore_mem>>) src(%dma_wait3A_65 : memref<10240xi32, #tpu.memory_space<hbm>>) dst(%arg6 : memref<10240xi32, #tpu.memory_space<vmem>>)
    %scan3A_66 = arith.constant 0 : i32
    %scan3A_67 = arith.constant 0 : i32
    %scan3A_68 = arith.constant 640 : i32
    %scan3A_69 = arith.addi %scan3A_67, %scan3A_68 : i32
    %scan3A_70 = arith.constant 1 : i32
    %scan3A_71 = scf.for %scan3A_389 = %scan3A_67 to %scan3A_69 step %scan3A_70 iter_args(%scan3A_390 = %scan3A_66) -> (i32)  : i32 {
      %mul3A_391 = arith.constant 16 : i32
      %mul3A_392 = arith.muli %scan3A_389, %mul3A_391 : i32
      %get3A = arith.index_cast %mul3A_392 : i32 to index
      %get3A_393 = tpu.vector_load %arg5[%get3A] {strides = array<i32>} : memref<10240xi32, #tpu.memory_space<vmem>>, vector<16xi32>,
      %add3A_394 = vector.broadcast %mul3A_0 : i32 to vector<16xi32>
      %add3A_395 = arith.addi %get3A_393, %add3A_394 : vector<16xi32>
      %mul3A_396 = arith.constant 16 : i32
      %mul3A_397 = arith.muli %scan3A_389, %mul3A_396 : i32
      %swap3A = arith.index_cast %mul3A_397 : i32 to index
      %swap3A_398 = tpu.vector_load %arg5[%swap3A] {strides = array<i32>} : memref<10240xi32, #tpu.memory_space<vmem>>, vector<16xi32>,
      tpu.vector_store %arg5[%swap3A], %add3A_395 {strides = array<i32>} : memref<10240xi32, #tpu.memory_space<vmem>>, vector<16xi32>,
      %scan3A_399 = arith.constant 0 : i32
      scf.yield %scan3A_399 : i32
    }
    %scan3A_72 = arith.constant 640 : i32
    %barrier3A = arith.constant 0 : index
    tpu.barrier barrier_id(%barrier3A)
    %dma_start3A_73 = arith.constant 0 : i32
    %dma_start3A_74 = arith.constant 0 : i32
    %dma_start3A_75 = arith.constant 0 : i32
    %dma_start3A_76 = arith.constant 0 : i32
    %dma_start3A_77 = tpu.memref_slice %arg7[%dma_start3A_73, %dma_start3A_75, %dma_start3A_76] : memref<3x64x128xf32, #tpu.memory_space<vmem>> -> memref<1x64x128xf32, #tpu.memory_space<vmem>>
    %dma_start3A_78 = tpu.memref_squeeze %dma_start3A_77 : memref<1x64x128xf32, #tpu.memory_space<vmem>> -> memref<64x128xf32, #tpu.memory_space<vmem>>
    %dma_start3A_79 = arith.constant 0 : i32
    %dma_start3A_80 = tpu.memref_slice %arg5[%dma_start3A_79] : memref<10240xi32, #tpu.memory_space<vmem>> -> memref<64xi32, #tpu.memory_space<vmem>>
    %dma_start3A_81 = arith.constant 0 : i32
    %dma_start3A_82 = arith.constant 0 : i32
    %dma_start3A_83 = tpu.memref_slice %arg2[%dma_start3A_81, %dma_start3A_82] : memref<20480x128xf32, #tpu.memory_space<hbm>> -> memref<20480x128xf32, #tpu.memory_space<hbm>>
    %dma_start3A_84 = tpu.memref_slice %arg9[%dma_start3A_74] : memref<3x!tpu.dma_semaphore, #tpu.memory_space<semaphore_mem>> -> memref<1x!tpu.dma_semaphore, #tpu.memory_space<semaphore_mem>>
    %dma_start3A_85 = tpu.memref_squeeze %dma_start3A_84 : memref<1x!tpu.dma_semaphore, #tpu.memory_space<semaphore_mem>> -> memref<!tpu.dma_semaphore, #tpu.memory_space<semaphore_mem>>
    tpu.enqueue_indirect_dma source(%dma_start3A_83 : memref<20480x128xf32, #tpu.memory_space<hbm>>) target(%dma_start3A_78 : memref<64x128xf32, #tpu.memory_space<vmem>>) offsets(%dma_start3A_80 : memref<64xi32, #tpu.memory_space<vmem>>) semaphore(%dma_start3A_85 : memref<!tpu.dma_semaphore, #tpu.memory_space<semaphore_mem>>)
    %dma_start3A_86 = arith.constant 1 : i32
    %dma_start3A_87 = arith.constant 1 : i32
    %dma_start3A_88 = arith.constant 0 : i32
    %dma_start3A_89 = arith.constant 0 : i32
    %dma_start3A_90 = tpu.memref_slice %arg7[%dma_start3A_86, %dma_start3A_88, %dma_start3A_89] : memref<3x64x128xf32, #tpu.memory_space<vmem>> -> memref<1x64x128xf32, #tpu.memory_space<vmem>>
    %dma_start3A_91 = tpu.memref_squeeze %dma_start3A_90 : memref<1x64x128xf32, #tpu.memory_space<vmem>> -> memref<64x128xf32, #tpu.memory_space<vmem>>
    %dma_start3A_92 = arith.constant 64 : i32
    %dma_start3A_93 = tpu.memref_slice %arg5[%dma_start3A_92] : memref<10240xi32, #tpu.memory_space<vmem>> -> memref<64xi32, #tpu.memory_space<vmem>>
    %dma_start3A_94 = arith.constant 0 : i32
    %dma_start3A_95 = arith.constant 0 : i32
    %dma_start3A_96 = tpu.memref_slice %arg2[%dma_start3A_94, %dma_start3A_95] : memref<20480x128xf32, #tpu.memory_space<hbm>> -> memref<20480x128xf32, #tpu.memory_space<hbm>>
    %dma_start3A_97 = tpu.memref_slice %arg9[%dma_start3A_87] : memref<3x!tpu.dma_semaphore, #tpu.memory_space<semaphore_mem>> -> memref<1x!tpu.dma_semaphore, #tpu.memory_space<semaphore_mem>>
    %dma_start3A_98 = tpu.memref_squeeze %dma_start3A_97 : memref<1x!tpu.dma_semaphore, #tpu.memory_space<semaphore_mem>> -> memref<!tpu.dma_semaphore, #tpu.memory_space<semaphore_mem>>
    tpu.enqueue_indirect_dma source(%dma_start3A_96 : memref<20480x128xf32, #tpu.memory_space<hbm>>) target(%dma_start3A_91 : memref<64x128xf32, #tpu.memory_space<vmem>>) offsets(%dma_start3A_93 : memref<64xi32, #tpu.memory_space<vmem>>) semaphore(%dma_start3A_98 : memref<!tpu.dma_semaphore, #tpu.memory_space<semaphore_mem>>)
    %dma_wait3A_99 = arith.constant 0 : i32
    %dma_wait3A_100 = arith.constant 0 : i32
    %dma_wait3A_101 = arith.constant 0 : i32
    %dma_wait3A_102 = arith.constant 0 : i32
    %dma_wait3A_103 = tpu.memref_slice %arg7[%dma_wait3A_99, %dma_wait3A_101, %dma_wait3A_102] : memref<3x64x128xf32, #tpu.memory_space<vmem>> -> memref<1x64x128xf32, #tpu.memory_space<vmem>>
    %dma_wait3A_104 = tpu.memref_squeeze %dma_wait3A_103 : memref<1x64x128xf32, #tpu.memory_space<vmem>> -> memref<64x128xf32, #tpu.memory_space<vmem>>
    %dma_wait3A_105 = arith.constant 0 : i32
    %dma_wait3A_106 = arith.constant 0 : i32
    %dma_wait3A_107 = tpu.memref_slice %arg2[%dma_wait3A_105, %dma_wait3A_106] : memref<20480x128xf32, #tpu.memory_space<hbm>> -> memref<64x128xf32, #tpu.memory_space<hbm>>
    %dma_wait3A_108 = tpu.memref_slice %arg9[%dma_wait3A_100] : memref<3x!tpu.dma_semaphore, #tpu.memory_space<semaphore_mem>> -> memref<1x!tpu.dma_semaphore, #tpu.memory_space<semaphore_mem>>
    %dma_wait3A_109 = tpu.memref_squeeze %dma_wait3A_108 : memref<1x!tpu.dma_semaphore, #tpu.memory_space<semaphore_mem>> -> memref<!tpu.dma_semaphore, #tpu.memory_space<semaphore_mem>>
    %dma_wait3A_110 = arith.constant 0 : i32
    %dma_wait3A_111 = arith.constant 0 : i32
    %dma_wait3A_112 = tpu.memref_slice %arg7[%dma_wait3A_99, %dma_wait3A_110, %dma_wait3A_111] : memref<3x64x128xf32, #tpu.memory_space<vmem>> -> memref<1x64x128xf32, #tpu.memory_space<vmem>>
    %dma_wait3A_113 = tpu.memref_squeeze %dma_wait3A_112 : memref<1x64x128xf32, #tpu.memory_space<vmem>> -> memref<64x128xf32, #tpu.memory_space<vmem>>
    %dma_wait3A_114 = arith.constant 0 : i32
    %dma_wait3A_115 = arith.constant 0 : i32
    %dma_wait3A_116 = tpu.memref_slice %arg2[%dma_wait3A_114, %dma_wait3A_115] : memref<20480x128xf32, #tpu.memory_space<hbm>> -> memref<64x128xf32, #tpu.memory_space<hbm>>
    tpu.wait_dma2 semaphore(%dma_wait3A_109 : memref<!tpu.dma_semaphore, #tpu.memory_space<semaphore_mem>>) src(%dma_wait3A_116 : memref<64x128xf32, #tpu.memory_space<hbm>>) dst(%dma_wait3A_113 : memref<64x128xf32, #tpu.memory_space<vmem>>)
    %dma_start3A_117 = arith.constant 0 : i32
    %dma_start3A_118 = arith.constant 0 : i32
    %dma_start3A_119 = arith.constant 0 : i32
    %dma_start3A_120 = arith.constant 0 : i32
    %dma_start3A_121 = tpu.memref_slice %arg7[%dma_start3A_117, %dma_start3A_119, %dma_start3A_120] : memref<3x64x128xf32, #tpu.memory_space<vmem>> -> memref<1x64x128xf32, #tpu.memory_space<vmem>>
    %dma_start3A_122 = tpu.memref_squeeze %dma_start3A_121 : memref<1x64x128xf32, #tpu.memory_space<vmem>> -> memref<64x128xf32, #tpu.memory_space<vmem>>
    %dma_start3A_123 = arith.constant 0 : i32
    %dma_start3A_124 = tpu.memref_slice %arg6[%dma_start3A_123] : memref<10240xi32, #tpu.memory_space<vmem>> -> memref<64xi32, #tpu.memory_space<vmem>>
    %dma_start3A_125 = arith.constant 0 : i32
    %dma_start3A_126 = arith.constant 0 : i32
    %dma_start3A_127 = tpu.memref_slice %arg8[%dma_start3A_125, %dma_start3A_126] : memref<10240x128xf32, #tpu.memory_space<vmem_shared>> -> memref<10240x128xf32, #tpu.memory_space<vmem_shared>>
    %dma_start3A_128 = tpu.memref_slice %arg10[%dma_start3A_118] : memref<3x!tpu.dma_semaphore, #tpu.memory_space<semaphore_mem>> -> memref<1x!tpu.dma_semaphore, #tpu.memory_space<semaphore_mem>>
    %dma_start3A_129 = tpu.memref_squeeze %dma_start3A_128 : memref<1x!tpu.dma_semaphore, #tpu.memory_space<semaphore_mem>> -> memref<!tpu.dma_semaphore, #tpu.memory_space<semaphore_mem>>
    tpu.enqueue_indirect_dma source(%dma_start3A_122 : memref<64x128xf32, #tpu.memory_space<vmem>>) target(%dma_start3A_127 : memref<10240x128xf32, #tpu.memory_space<vmem_shared>>) offsets(%dma_start3A_124 : memref<64xi32, #tpu.memory_space<vmem>>) semaphore(%dma_start3A_129 : memref<!tpu.dma_semaphore, #tpu.memory_space<semaphore_mem>>) {add = true}
    %dma_start3A_130 = arith.constant 2 : i32
    %dma_start3A_131 = arith.constant 2 : i32
    %dma_start3A_132 = arith.constant 0 : i32
    %dma_start3A_133 = arith.constant 0 : i32
    %dma_start3A_134 = tpu.memref_slice %arg7[%dma_start3A_130, %dma_start3A_132, %dma_start3A_133] : memref<3x64x128xf32, #tpu.memory_space<vmem>> -> memref<1x64x128xf32, #tpu.memory_space<vmem>>
    %dma_start3A_135 = tpu.memref_squeeze %dma_start3A_134 : memref<1x64x128xf32, #tpu.memory_space<vmem>> -> memref<64x128xf32, #tpu.memory_space<vmem>>
    %dma_start3A_136 = arith.constant 128 : i32
    %dma_start3A_137 = tpu.memref_slice %arg5[%dma_start3A_136] : memref<10240xi32, #tpu.memory_space<vmem>> -> memref<64xi32, #tpu.memory_space<vmem>>
    %dma_start3A_138 = arith.constant 0 : i32
    %dma_start3A_139 = arith.constant 0 : i32
    %dma_start3A_140 = tpu.memref_slice %arg2[%dma_start3A_138, %dma_start3A_139] : memref<20480x128xf32, #tpu.memory_space<hbm>> -> memref<20480x128xf32, #tpu.memory_space<hbm>>
    %dma_start3A_141 = tpu.memref_slice %arg9[%dma_start3A_131] : memref<3x!tpu.dma_semaphore, #tpu.memory_space<semaphore_mem>> -> memref<1x!tpu.dma_semaphore, #tpu.memory_space<semaphore_mem>>
    %dma_start3A_142 = tpu.memref_squeeze %dma_start3A_141 : memref<1x!tpu.dma_semaphore, #tpu.memory_space<semaphore_mem>> -> memref<!tpu.dma_semaphore, #tpu.memory_space<semaphore_mem>>
    tpu.enqueue_indirect_dma source(%dma_start3A_140 : memref<20480x128xf32, #tpu.memory_space<hbm>>) target(%dma_start3A_135 : memref<64x128xf32, #tpu.memory_space<vmem>>) offsets(%dma_start3A_137 : memref<64xi32, #tpu.memory_space<vmem>>) semaphore(%dma_start3A_142 : memref<!tpu.dma_semaphore, #tpu.memory_space<semaphore_mem>>)
    %dma_wait3A_143 = arith.constant 1 : i32
    %dma_wait3A_144 = arith.constant 1 : i32
    %dma_wait3A_145 = arith.constant 0 : i32
    %dma_wait3A_146 = arith.constant 0 : i32
    %dma_wait3A_147 = tpu.memref_slice %arg7[%dma_wait3A_143, %dma_wait3A_145, %dma_wait3A_146] : memref<3x64x128xf32, #tpu.memory_space<vmem>> -> memref<1x64x128xf32, #tpu.memory_space<vmem>>
    %dma_wait3A_148 = tpu.memref_squeeze %dma_wait3A_147 : memref<1x64x128xf32, #tpu.memory_space<vmem>> -> memref<64x128xf32, #tpu.memory_space<vmem>>
    %dma_wait3A_149 = arith.constant 0 : i32
    %dma_wait3A_150 = arith.constant 0 : i32
    %dma_wait3A_151 = tpu.memref_slice %arg2[%dma_wait3A_149, %dma_wait3A_150] : memref<20480x128xf32, #tpu.memory_space<hbm>> -> memref<64x128xf32, #tpu.memory_space<hbm>>
    %dma_wait3A_152 = tpu.memref_slice %arg9[%dma_wait3A_144] : memref<3x!tpu.dma_semaphore, #tpu.memory_space<semaphore_mem>> -> memref<1x!tpu.dma_semaphore, #tpu.memory_space<semaphore_mem>>
    %dma_wait3A_153 = tpu.memref_squeeze %dma_wait3A_152 : memref<1x!tpu.dma_semaphore, #tpu.memory_space<semaphore_mem>> -> memref<!tpu.dma_semaphore, #tpu.memory_space<semaphore_mem>>
    %dma_wait3A_154 = arith.constant 0 : i32
    %dma_wait3A_155 = arith.constant 0 : i32
    %dma_wait3A_156 = tpu.memref_slice %arg7[%dma_wait3A_143, %dma_wait3A_154, %dma_wait3A_155] : memref<3x64x128xf32, #tpu.memory_space<vmem>> -> memref<1x64x128xf32, #tpu.memory_space<vmem>>
    %dma_wait3A_157 = tpu.memref_squeeze %dma_wait3A_156 : memref<1x64x128xf32, #tpu.memory_space<vmem>> -> memref<64x128xf32, #tpu.memory_space<vmem>>
    %dma_wait3A_158 = arith.constant 0 : i32
    %dma_wait3A_159 = arith.constant 0 : i32
    %dma_wait3A_160 = tpu.memref_slice %arg2[%dma_wait3A_158, %dma_wait3A_159] : memref<20480x128xf32, #tpu.memory_space<hbm>> -> memref<64x128xf32, #tpu.memory_space<hbm>>
    tpu.wait_dma2 semaphore(%dma_wait3A_153 : memref<!tpu.dma_semaphore, #tpu.memory_space<semaphore_mem>>) src(%dma_wait3A_160 : memref<64x128xf32, #tpu.memory_space<hbm>>) dst(%dma_wait3A_157 : memref<64x128xf32, #tpu.memory_space<vmem>>)
    %dma_start3A_161 = arith.constant 1 : i32
    %dma_start3A_162 = arith.constant 1 : i32
    %dma_start3A_163 = arith.constant 0 : i32
    %dma_start3A_164 = arith.constant 0 : i32
    %dma_start3A_165 = tpu.memref_slice %arg7[%dma_start3A_161, %dma_start3A_163, %dma_start3A_164] : memref<3x64x128xf32, #tpu.memory_space<vmem>> -> memref<1x64x128xf32, #tpu.memory_space<vmem>>
    %dma_start3A_166 = tpu.memref_squeeze %dma_start3A_165 : memref<1x64x128xf32, #tpu.memory_space<vmem>> -> memref<64x128xf32, #tpu.memory_space<vmem>>
    %dma_start3A_167 = arith.constant 64 : i32
    %dma_start3A_168 = tpu.memref_slice %arg6[%dma_start3A_167] : memref<10240xi32, #tpu.memory_space<vmem>> -> memref<64xi32, #tpu.memory_space<vmem>>
    %dma_start3A_169 = arith.constant 0 : i32
    %dma_start3A_170 = arith.constant 0 : i32
    %dma_start3A_171 = tpu.memref_slice %arg8[%dma_start3A_169, %dma_start3A_170] : memref<10240x128xf32, #tpu.memory_space<vmem_shared>> -> memref<10240x128xf32, #tpu.memory_space<vmem_shared>>
    %dma_start3A_172 = tpu.memref_slice %arg10[%dma_start3A_162] : memref<3x!tpu.dma_semaphore, #tpu.memory_space<semaphore_mem>> -> memref<1x!tpu.dma_semaphore, #tpu.memory_space<semaphore_mem>>
    %dma_start3A_173 = tpu.memref_squeeze %dma_start3A_172 : memref<1x!tpu.dma_semaphore, #tpu.memory_space<semaphore_mem>> -> memref<!tpu.dma_semaphore, #tpu.memory_space<semaphore_mem>>
    tpu.enqueue_indirect_dma source(%dma_start3A_166 : memref<64x128xf32, #tpu.memory_space<vmem>>) target(%dma_start3A_171 : memref<10240x128xf32, #tpu.memory_space<vmem_shared>>) offsets(%dma_start3A_168 : memref<64xi32, #tpu.memory_space<vmem>>) semaphore(%dma_start3A_173 : memref<!tpu.dma_semaphore, #tpu.memory_space<semaphore_mem>>) {add = true}
    %dma_wait3A_174 = arith.constant 0 : i32
    %dma_wait3A_175 = arith.constant 0 : i32
    %dma_wait3A_176 = arith.constant 0 : i32
    %dma_wait3A_177 = arith.constant 0 : i32
    %dma_wait3A_178 = tpu.memref_slice %arg7[%dma_wait3A_174, %dma_wait3A_176, %dma_wait3A_177] : memref<3x64x128xf32, #tpu.memory_space<vmem>> -> memref<1x64x128xf32, #tpu.memory_space<vmem>>
    %dma_wait3A_179 = tpu.memref_squeeze %dma_wait3A_178 : memref<1x64x128xf32, #tpu.memory_space<vmem>> -> memref<64x128xf32, #tpu.memory_space<vmem>>
    %dma_wait3A_180 = arith.constant 0 : i32
    %dma_wait3A_181 = arith.constant 0 : i32
    %dma_wait3A_182 = tpu.memref_slice %arg8[%dma_wait3A_180, %dma_wait3A_181] : memref<10240x128xf32, #tpu.memory_space<vmem_shared>> -> memref<64x128xf32, #tpu.memory_space<vmem_shared>>
    %dma_wait3A_183 = tpu.memref_slice %arg10[%dma_wait3A_175] : memref<3x!tpu.dma_semaphore, #tpu.memory_space<semaphore_mem>> -> memref<1x!tpu.dma_semaphore, #tpu.memory_space<semaphore_mem>>
    %dma_wait3A_184 = tpu.memref_squeeze %dma_wait3A_183 : memref<1x!tpu.dma_semaphore, #tpu.memory_space<semaphore_mem>> -> memref<!tpu.dma_semaphore, #tpu.memory_space<semaphore_mem>>
    %dma_wait3A_185 = arith.constant 0 : i32
    %dma_wait3A_186 = arith.constant 0 : i32
    %dma_wait3A_187 = tpu.memref_slice %arg8[%dma_wait3A_185, %dma_wait3A_186] : memref<10240x128xf32, #tpu.memory_space<vmem_shared>> -> memref<64x128xf32, #tpu.memory_space<vmem_shared>>
    %dma_wait3A_188 = arith.constant 0 : i32
    %dma_wait3A_189 = arith.constant 0 : i32
    %dma_wait3A_190 = tpu.memref_slice %arg7[%dma_wait3A_174, %dma_wait3A_188, %dma_wait3A_189] : memref<3x64x128xf32, #tpu.memory_space<vmem>> -> memref<1x64x128xf32, #tpu.memory_space<vmem>>
    %dma_wait3A_191 = tpu.memref_squeeze %dma_wait3A_190 : memref<1x64x128xf32, #tpu.memory_space<vmem>> -> memref<64x128xf32, #tpu.memory_space<vmem>>
    tpu.wait_dma2 semaphore(%dma_wait3A_184 : memref<!tpu.dma_semaphore, #tpu.memory_space<semaphore_mem>>) src(%dma_wait3A_191 : memref<64x128xf32, #tpu.memory_space<vmem>>) dst(%dma_wait3A_187 : memref<64x128xf32, #tpu.memory_space<vmem_shared>>)
    %dma_start3A_192 = arith.constant 0 : i32
    %dma_start3A_193 = arith.constant 0 : i32
    %dma_start3A_194 = arith.constant 0 : i32
    %dma_start3A_195 = arith.constant 0 : i32
    %dma_start3A_196 = tpu.memref_slice %arg7[%dma_start3A_192, %dma_start3A_194, %dma_start3A_195] : memref<3x64x128xf32, #tpu.memory_space<vmem>> -> memref<1x64x128xf32, #tpu.memory_space<vmem>>
    %dma_start3A_197 = tpu.memref_squeeze %dma_start3A_196 : memref<1x64x128xf32, #tpu.memory_space<vmem>> -> memref<64x128xf32, #tpu.memory_space<vmem>>
    %dma_start3A_198 = arith.constant 192 : i32
    %dma_start3A_199 = tpu.memref_slice %arg5[%dma_start3A_198] : memref<10240xi32, #tpu.memory_space<vmem>> -> memref<64xi32, #tpu.memory_space<vmem>>
    %dma_start3A_200 = arith.constant 0 : i32
    %dma_start3A_201 = arith.constant 0 : i32
    %dma_start3A_202 = tpu.memref_slice %arg2[%dma_start3A_200, %dma_start3A_201] : memref<20480x128xf32, #tpu.memory_space<hbm>> -> memref<20480x128xf32, #tpu.memory_space<hbm>>
    %dma_start3A_203 = tpu.memref_slice %arg9[%dma_start3A_193] : memref<3x!tpu.dma_semaphore, #tpu.memory_space<semaphore_mem>> -> memref<1x!tpu.dma_semaphore, #tpu.memory_space<semaphore_mem>>
    %dma_start3A_204 = tpu.memref_squeeze %dma_start3A_203 : memref<1x!tpu.dma_semaphore, #tpu.memory_space<semaphore_mem>> -> memref<!tpu.dma_semaphore, #tpu.memory_space<semaphore_mem>>
    tpu.enqueue_indirect_dma source(%dma_start3A_202 : memref<20480x128xf32, #tpu.memory_space<hbm>>) target(%dma_start3A_197 : memref<64x128xf32, #tpu.memory_space<vmem>>) offsets(%dma_start3A_199 : memref<64xi32, #tpu.memory_space<vmem>>) semaphore(%dma_start3A_204 : memref<!tpu.dma_semaphore, #tpu.memory_space<semaphore_mem>>)
    %scan3A_205 = arith.constant 0 : i32
    %scan3A_206 = arith.constant 0 : i32
    %scan3A_207 = arith.constant 52 : i32
    %scan3A_208 = arith.addi %scan3A_206, %scan3A_207 : i32
    %scan3A_209 = arith.constant 1 : i32
    %scan3A_210 = scf.for %scan3A_389 = %scan3A_206 to %scan3A_208 step %scan3A_209 iter_args(%scan3A_390 = %scan3A_205) -> (i32)  : i32 {
      %mul3A_391 = arith.constant 3 : i32
      %mul3A_392 = arith.muli %scan3A_389, %mul3A_391 : i32
      %add3A_393 = arith.constant 2 : i32
      %add3A_394 = arith.addi %add3A_393, %mul3A_392 : i32
      %add3A_395 = arith.constant 0 : i32
      %add3A_396 = arith.addi %add3A_394, %add3A_395 : i32
      %dma_wait3A_397 = arith.constant 2 : i32
      %dma_wait3A_398 = arith.constant 2 : i32
      %dma_wait3A_399 = arith.constant 0 : i32
      %dma_wait3A_400 = arith.constant 0 : i32
      %dma_wait3A_401 = tpu.memref_slice %arg7[%dma_wait3A_397, %dma_wait3A_399, %dma_wait3A_400] : memref<3x64x128xf32, #tpu.memory_space<vmem>> -> memref<1x64x128xf32, #tpu.memory_space<vmem>>
      %dma_wait3A_402 = tpu.memref_squeeze %dma_wait3A_401 : memref<1x64x128xf32, #tpu.memory_space<vmem>> -> memref<64x128xf32, #tpu.memory_space<vmem>>
      %dma_wait3A_403 = arith.constant 0 : i32
      %dma_wait3A_404 = arith.constant 0 : i32
      %dma_wait3A_405 = tpu.memref_slice %arg2[%dma_wait3A_403, %dma_wait3A_404] : memref<20480x128xf32, #tpu.memory_space<hbm>> -> memref<64x128xf32, #tpu.memory_space<hbm>>
      %dma_wait3A_406 = tpu.memref_slice %arg9[%dma_wait3A_398] : memref<3x!tpu.dma_semaphore, #tpu.memory_space<semaphore_mem>> -> memref<1x!tpu.dma_semaphore, #tpu.memory_space<semaphore_mem>>
      %dma_wait3A_407 = tpu.memref_squeeze %dma_wait3A_406 : memref<1x!tpu.dma_semaphore, #tpu.memory_space<semaphore_mem>> -> memref<!tpu.dma_semaphore, #tpu.memory_space<semaphore_mem>>
      %dma_wait3A_408 = arith.constant 0 : i32
      %dma_wait3A_409 = arith.constant 0 : i32
      %dma_wait3A_410 = tpu.memref_slice %arg7[%dma_wait3A_397, %dma_wait3A_408, %dma_wait3A_409] : memref<3x64x128xf32, #tpu.memory_space<vmem>> -> memref<1x64x128xf32, #tpu.memory_space<vmem>>
      %dma_wait3A_411 = tpu.memref_squeeze %dma_wait3A_410 : memref<1x64x128xf32, #tpu.memory_space<vmem>> -> memref<64x128xf32, #tpu.memory_space<vmem>>
      %dma_wait3A_412 = arith.constant 0 : i32
      %dma_wait3A_413 = arith.constant 0 : i32
      %dma_wait3A_414 = tpu.memref_slice %arg2[%dma_wait3A_412, %dma_wait3A_413] : memref<20480x128xf32, #tpu.memory_space<hbm>> -> memref<64x128xf32, #tpu.memory_space<hbm>>
      tpu.wait_dma2 semaphore(%dma_wait3A_407 : memref<!tpu.dma_semaphore, #tpu.memory_space<semaphore_mem>>) src(%dma_wait3A_414 : memref<64x128xf32, #tpu.memory_space<hbm>>) dst(%dma_wait3A_411 : memref<64x128xf32, #tpu.memory_space<vmem>>)
      %mul3A_415 = arith.constant 64 : i32
      %mul3A_416 = arith.muli %add3A_396, %mul3A_415 : i32
      %dma_start3A_417 = arith.constant 2 : i32
      %dma_start3A_418 = arith.constant 2 : i32
      %dma_start3A_419 = arith.constant 0 : i32
      %dma_start3A_420 = arith.constant 0 : i32
      %dma_start3A_421 = tpu.memref_slice %arg7[%dma_start3A_417, %dma_start3A_419, %dma_start3A_420] : memref<3x64x128xf32, #tpu.memory_space<vmem>> -> memref<1x64x128xf32, #tpu.memory_space<vmem>>
      %dma_start3A_422 = tpu.memref_squeeze %dma_start3A_421 : memref<1x64x128xf32, #tpu.memory_space<vmem>> -> memref<64x128xf32, #tpu.memory_space<vmem>>
      %dma_start3A_423 = tpu.memref_slice %arg6[%mul3A_416] : memref<10240xi32, #tpu.memory_space<vmem>> -> memref<64xi32, #tpu.memory_space<vmem>>
      %dma_start3A_424 = arith.constant 0 : i32
      %dma_start3A_425 = arith.constant 0 : i32
      %dma_start3A_426 = tpu.memref_slice %arg8[%dma_start3A_424, %dma_start3A_425] : memref<10240x128xf32, #tpu.memory_space<vmem_shared>> -> memref<10240x128xf32, #tpu.memory_space<vmem_shared>>
      %dma_start3A_427 = tpu.memref_slice %arg10[%dma_start3A_418] : memref<3x!tpu.dma_semaphore, #tpu.memory_space<semaphore_mem>> -> memref<1x!tpu.dma_semaphore, #tpu.memory_space<semaphore_mem>>
      %dma_start3A_428 = tpu.memref_squeeze %dma_start3A_427 : memref<1x!tpu.dma_semaphore, #tpu.memory_space<semaphore_mem>> -> memref<!tpu.dma_semaphore, #tpu.memory_space<semaphore_mem>>
      tpu.enqueue_indirect_dma source(%dma_start3A_422 : memref<64x128xf32, #tpu.memory_space<vmem>>) target(%dma_start3A_426 : memref<10240x128xf32, #tpu.memory_space<vmem_shared>>) offsets(%dma_start3A_423 : memref<64xi32, #tpu.memory_space<vmem>>) semaphore(%dma_start3A_428 : memref<!tpu.dma_semaphore, #tpu.memory_space<semaphore_mem>>) {add = true}
      %dma_wait3A_429 = arith.constant 1 : i32
      %dma_wait3A_430 = arith.constant 1 : i32
      %dma_wait3A_431 = arith.constant 0 : i32
      %dma_wait3A_432 = arith.constant 0 : i32
      %dma_wait3A_433 = tpu.memref_slice %arg7[%dma_wait3A_429, %dma_wait3A_431, %dma_wait3A_432] : memref<3x64x128xf32, #tpu.memory_space<vmem>> -> memref<1x64x128xf32, #tpu.memory_space<vmem>>
      %dma_wait3A_434 = tpu.memref_squeeze %dma_wait3A_433 : memref<1x64x128xf32, #tpu.memory_space<vmem>> -> memref<64x128xf32, #tpu.memory_space<vmem>>
      %dma_wait3A_435 = arith.constant 0 : i32
      %dma_wait3A_436 = arith.constant 0 : i32
      %dma_wait3A_437 = tpu.memref_slice %arg8[%dma_wait3A_435, %dma_wait3A_436] : memref<10240x128xf32, #tpu.memory_space<vmem_shared>> -> memref<64x128xf32, #tpu.memory_space<vmem_shared>>
      %dma_wait3A_438 = tpu.memref_slice %arg10[%dma_wait3A_430] : memref<3x!tpu.dma_semaphore, #tpu.memory_space<semaphore_mem>> -> memref<1x!tpu.dma_semaphore, #tpu.memory_space<semaphore_mem>>
      %dma_wait3A_439 = tpu.memref_squeeze %dma_wait3A_438 : memref<1x!tpu.dma_semaphore, #tpu.memory_space<semaphore_mem>> -> memref<!tpu.dma_semaphore, #tpu.memory_space<semaphore_mem>>
      %dma_wait3A_440 = arith.constant 0 : i32
      %dma_wait3A_441 = arith.constant 0 : i32
      %dma_wait3A_442 = tpu.memref_slice %arg8[%dma_wait3A_440, %dma_wait3A_441] : memref<10240x128xf32, #tpu.memory_space<vmem_shared>> -> memref<64x128xf32, #tpu.memory_space<vmem_shared>>
      %dma_wait3A_443 = arith.constant 0 : i32
      %dma_wait3A_444 = arith.constant 0 : i32
      %dma_wait3A_445 = tpu.memref_slice %arg7[%dma_wait3A_429, %dma_wait3A_443, %dma_wait3A_444] : memref<3x64x128xf32, #tpu.memory_space<vmem>> -> memref<1x64x128xf32, #tpu.memory_space<vmem>>
      %dma_wait3A_446 = tpu.memref_squeeze %dma_wait3A_445 : memref<1x64x128xf32, #tpu.memory_space<vmem>> -> memref<64x128xf32, #tpu.memory_space<vmem>>
      tpu.wait_dma2 semaphore(%dma_wait3A_439 : memref<!tpu.dma_semaphore, #tpu.memory_space<semaphore_mem>>) src(%dma_wait3A_446 : memref<64x128xf32, #tpu.memory_space<vmem>>) dst(%dma_wait3A_442 : memref<64x128xf32, #tpu.memory_space<vmem_shared>>)
      %add3A_447 = arith.constant 2 : i32
      %add3A_448 = arith.addi %add3A_396, %add3A_447 : i32
      %mul3A_449 = arith.constant 64 : i32
      %mul3A_450 = arith.muli %add3A_448, %mul3A_449 : i32
      %dma_start3A_451 = arith.constant 1 : i32
      %dma_start3A_452 = arith.constant 1 : i32
      %dma_start3A_453 = arith.constant 0 : i32
      %dma_start3A_454 = arith.constant 0 : i32
      %dma_start3A_455 = tpu.memref_slice %arg7[%dma_start3A_451, %dma_start3A_453, %dma_start3A_454] : memref<3x64x128xf32, #tpu.memory_space<vmem>> -> memref<1x64x128xf32, #tpu.memory_space<vmem>>
      %dma_start3A_456 = tpu.memref_squeeze %dma_start3A_455 : memref<1x64x128xf32, #tpu.memory_space<vmem>> -> memref<64x128xf32, #tpu.memory_space<vmem>>
      %dma_start3A_457 = tpu.memref_slice %arg5[%mul3A_450] : memref<10240xi32, #tpu.memory_space<vmem>> -> memref<64xi32, #tpu.memory_space<vmem>>
      %dma_start3A_458 = arith.constant 0 : i32
      %dma_start3A_459 = arith.constant 0 : i32
      %dma_start3A_460 = tpu.memref_slice %arg2[%dma_start3A_458, %dma_start3A_459] : memref<20480x128xf32, #tpu.memory_space<hbm>> -> memref<20480x128xf32, #tpu.memory_space<hbm>>
      %dma_start3A_461 = tpu.memref_slice %arg9[%dma_start3A_452] : memref<3x!tpu.dma_semaphore, #tpu.memory_space<semaphore_mem>> -> memref<1x!tpu.dma_semaphore, #tpu.memory_space<semaphore_mem>>
      %dma_start3A_462 = tpu.memref_squeeze %dma_start3A_461 : memref<1x!tpu.dma_semaphore, #tpu.memory_space<semaphore_mem>> -> memref<!tpu.dma_semaphore, #tpu.memory_space<semaphore_mem>>
      tpu.enqueue_indirect_dma source(%dma_start3A_460 : memref<20480x128xf32, #tpu.memory_space<hbm>>) target(%dma_start3A_456 : memref<64x128xf32, #tpu.memory_space<vmem>>) offsets(%dma_start3A_457 : memref<64xi32, #tpu.memory_space<vmem>>) semaphore(%dma_start3A_462 : memref<!tpu.dma_semaphore, #tpu.memory_space<semaphore_mem>>)
      %mul3A_463 = arith.constant 3 : i32
      %mul3A_464 = arith.muli %scan3A_389, %mul3A_463 : i32
      %add3A_465 = arith.constant 2 : i32
      %add3A_466 = arith.addi %add3A_465, %mul3A_464 : i32
      %add3A_467 = arith.constant 1 : i32
      %add3A_468 = arith.addi %add3A_466, %add3A_467 : i32
      %dma_wait3A_469 = arith.constant 0 : i32
      %dma_wait3A_470 = arith.constant 0 : i32
      %dma_wait3A_471 = arith.constant 0 : i32
      %dma_wait3A_472 = arith.constant 0 : i32
      %dma_wait3A_473 = tpu.memref_slice %arg7[%dma_wait3A_469, %dma_wait3A_471, %dma_wait3A_472] : memref<3x64x128xf32, #tpu.memory_space<vmem>> -> memref<1x64x128xf32, #tpu.memory_space<vmem>>
      %dma_wait3A_474 = tpu.memref_squeeze %dma_wait3A_473 : memref<1x64x128xf32, #tpu.memory_space<vmem>> -> memref<64x128xf32, #tpu.memory_space<vmem>>
      %dma_wait3A_475 = arith.constant 0 : i32
      %dma_wait3A_476 = arith.constant 0 : i32
      %dma_wait3A_477 = tpu.memref_slice %arg2[%dma_wait3A_475, %dma_wait3A_476] : memref<20480x128xf32, #tpu.memory_space<hbm>> -> memref<64x128xf32, #tpu.memory_space<hbm>>
      %dma_wait3A_478 = tpu.memref_slice %arg9[%dma_wait3A_470] : memref<3x!tpu.dma_semaphore, #tpu.memory_space<semaphore_mem>> -> memref<1x!tpu.dma_semaphore, #tpu.memory_space<semaphore_mem>>
      %dma_wait3A_479 = tpu.memref_squeeze %dma_wait3A_478 : memref<1x!tpu.dma_semaphore, #tpu.memory_space<semaphore_mem>> -> memref<!tpu.dma_semaphore, #tpu.memory_space<semaphore_mem>>
      %dma_wait3A_480 = arith.constant 0 : i32
      %dma_wait3A_481 = arith.constant 0 : i32
      %dma_wait3A_482 = tpu.memref_slice %arg7[%dma_wait3A_469, %dma_wait3A_480, %dma_wait3A_481] : memref<3x64x128xf32, #tpu.memory_space<vmem>> -> memref<1x64x128xf32, #tpu.memory_space<vmem>>
      %dma_wait3A_483 = tpu.memref_squeeze %dma_wait3A_482 : memref<1x64x128xf32, #tpu.memory_space<vmem>> -> memref<64x128xf32, #tpu.memory_space<vmem>>
      %dma_wait3A_484 = arith.constant 0 : i32
      %dma_wait3A_485 = arith.constant 0 : i32
      %dma_wait3A_486 = tpu.memref_slice %arg2[%dma_wait3A_484, %dma_wait3A_485] : memref<20480x128xf32, #tpu.memory_space<hbm>> -> memref<64x128xf32, #tpu.memory_space<hbm>>
      tpu.wait_dma2 semaphore(%dma_wait3A_479 : memref<!tpu.dma_semaphore, #tpu.memory_space<semaphore_mem>>) src(%dma_wait3A_486 : memref<64x128xf32, #tpu.memory_space<hbm>>) dst(%dma_wait3A_483 : memref<64x128xf32, #tpu.memory_space<vmem>>)
      %mul3A_487 = arith.constant 64 : i32
      %mul3A_488 = arith.muli %add3A_468, %mul3A_487 : i32
      %dma_start3A_489 = arith.constant 0 : i32
      %dma_start3A_490 = arith.constant 0 : i32
      %dma_start3A_491 = arith.constant 0 : i32
      %dma_start3A_492 = arith.constant 0 : i32
      %dma_start3A_493 = tpu.memref_slice %arg7[%dma_start3A_489, %dma_start3A_491, %dma_start3A_492] : memref<3x64x128xf32, #tpu.memory_space<vmem>> -> memref<1x64x128xf32, #tpu.memory_space<vmem>>
      %dma_start3A_494 = tpu.memref_squeeze %dma_start3A_493 : memref<1x64x128xf32, #tpu.memory_space<vmem>> -> memref<64x128xf32, #tpu.memory_space<vmem>>
      %dma_start3A_495 = tpu.memref_slice %arg6[%mul3A_488] : memref<10240xi32, #tpu.memory_space<vmem>> -> memref<64xi32, #tpu.memory_space<vmem>>
      %dma_start3A_496 = arith.constant 0 : i32
      %dma_start3A_497 = arith.constant 0 : i32
      %dma_start3A_498 = tpu.memref_slice %arg8[%dma_start3A_496, %dma_start3A_497] : memref<10240x128xf32, #tpu.memory_space<vmem_shared>> -> memref<10240x128xf32, #tpu.memory_space<vmem_shared>>
      %dma_start3A_499 = tpu.memref_slice %arg10[%dma_start3A_490] : memref<3x!tpu.dma_semaphore, #tpu.memory_space<semaphore_mem>> -> memref<1x!tpu.dma_semaphore, #tpu.memory_space<semaphore_mem>>
      %dma_start3A_500 = tpu.memref_squeeze %dma_start3A_499 : memref<1x!tpu.dma_semaphore, #tpu.memory_space<semaphore_mem>> -> memref<!tpu.dma_semaphore, #tpu.memory_space<semaphore_mem>>
      tpu.enqueue_indirect_dma source(%dma_start3A_494 : memref<64x128xf32, #tpu.memory_space<vmem>>) target(%dma_start3A_498 : memref<10240x128xf32, #tpu.memory_space<vmem_shared>>) offsets(%dma_start3A_495 : memref<64xi32, #tpu.memory_space<vmem>>) semaphore(%dma_start3A_500 : memref<!tpu.dma_semaphore, #tpu.memory_space<semaphore_mem>>) {add = true}
      %dma_wait3A_501 = arith.constant 2 : i32
      %dma_wait3A_502 = arith.constant 2 : i32
      %dma_wait3A_503 = arith.constant 0 : i32
      %dma_wait3A_504 = arith.constant 0 : i32
      %dma_wait3A_505 = tpu.memref_slice %arg7[%dma_wait3A_501, %dma_wait3A_503, %dma_wait3A_504] : memref<3x64x128xf32, #tpu.memory_space<vmem>> -> memref<1x64x128xf32, #tpu.memory_space<vmem>>
      %dma_wait3A_506 = tpu.memref_squeeze %dma_wait3A_505 : memref<1x64x128xf32, #tpu.memory_space<vmem>> -> memref<64x128xf32, #tpu.memory_space<vmem>>
      %dma_wait3A_507 = arith.constant 0 : i32
      %dma_wait3A_508 = arith.constant 0 : i32
      %dma_wait3A_509 = tpu.memref_slice %arg8[%dma_wait3A_507, %dma_wait3A_508] : memref<10240x128xf32, #tpu.memory_space<vmem_shared>> -> memref<64x128xf32, #tpu.memory_space<vmem_shared>>
      %dma_wait3A_510 = tpu.memref_slice %arg10[%dma_wait3A_502] : memref<3x!tpu.dma_semaphore, #tpu.memory_space<semaphore_mem>> -> memref<1x!tpu.dma_semaphore, #tpu.memory_space<semaphore_mem>>
      %dma_wait3A_511 = tpu.memref_squeeze %dma_wait3A_510 : memref<1x!tpu.dma_semaphore, #tpu.memory_space<semaphore_mem>> -> memref<!tpu.dma_semaphore, #tpu.memory_space<semaphore_mem>>
      %dma_wait3A_512 = arith.constant 0 : i32
      %dma_wait3A_513 = arith.constant 0 : i32
      %dma_wait3A_514 = tpu.memref_slice %arg8[%dma_wait3A_512, %dma_wait3A_513] : memref<10240x128xf32, #tpu.memory_space<vmem_shared>> -> memref<64x128xf32, #tpu.memory_space<vmem_shared>>
      %dma_wait3A_515 = arith.constant 0 : i32
      %dma_wait3A_516 = arith.constant 0 : i32
      %dma_wait3A_517 = tpu.memref_slice %arg7[%dma_wait3A_501, %dma_wait3A_515, %dma_wait3A_516] : memref<3x64x128xf32, #tpu.memory_space<vmem>> -> memref<1x64x128xf32, #tpu.memory_space<vmem>>
      %dma_wait3A_518 = tpu.memref_squeeze %dma_wait3A_517 : memref<1x64x128xf32, #tpu.memory_space<vmem>> -> memref<64x128xf32, #tpu.memory_space<vmem>>
      tpu.wait_dma2 semaphore(%dma_wait3A_511 : memref<!tpu.dma_semaphore, #tpu.memory_space<semaphore_mem>>) src(%dma_wait3A_518 : memref<64x128xf32, #tpu.memory_space<vmem>>) dst(%dma_wait3A_514 : memref<64x128xf32, #tpu.memory_space<vmem_shared>>)
      %add3A_519 = arith.constant 2 : i32
      %add3A_520 = arith.addi %add3A_468, %add3A_519 : i32
      %mul3A_521 = arith.constant 64 : i32
      %mul3A_522 = arith.muli %add3A_520, %mul3A_521 : i32
      %dma_start3A_523 = arith.constant 2 : i32
      %dma_start3A_524 = arith.constant 2 : i32
      %dma_start3A_525 = arith.constant 0 : i32
      %dma_start3A_526 = arith.constant 0 : i32
      %dma_start3A_527 = tpu.memref_slice %arg7[%dma_start3A_523, %dma_start3A_525, %dma_start3A_526] : memref<3x64x128xf32, #tpu.memory_space<vmem>> -> memref<1x64x128xf32, #tpu.memory_space<vmem>>
      %dma_start3A_528 = tpu.memref_squeeze %dma_start3A_527 : memref<1x64x128xf32, #tpu.memory_space<vmem>> -> memref<64x128xf32, #tpu.memory_space<vmem>>
      %dma_start3A_529 = tpu.memref_slice %arg5[%mul3A_522] : memref<10240xi32, #tpu.memory_space<vmem>> -> memref<64xi32, #tpu.memory_space<vmem>>
      %dma_start3A_530 = arith.constant 0 : i32
      %dma_start3A_531 = arith.constant 0 : i32
      %dma_start3A_532 = tpu.memref_slice %arg2[%dma_start3A_530, %dma_start3A_531] : memref<20480x128xf32, #tpu.memory_space<hbm>> -> memref<20480x128xf32, #tpu.memory_space<hbm>>
      %dma_start3A_533 = tpu.memref_slice %arg9[%dma_start3A_524] : memref<3x!tpu.dma_semaphore, #tpu.memory_space<semaphore_mem>> -> memref<1x!tpu.dma_semaphore, #tpu.memory_space<semaphore_mem>>
      %dma_start3A_534 = tpu.memref_squeeze %dma_start3A_533 : memref<1x!tpu.dma_semaphore, #tpu.memory_space<semaphore_mem>> -> memref<!tpu.dma_semaphore, #tpu.memory_space<semaphore_mem>>
      tpu.enqueue_indirect_dma source(%dma_start3A_532 : memref<20480x128xf32, #tpu.memory_space<hbm>>) target(%dma_start3A_528 : memref<64x128xf32, #tpu.memory_space<vmem>>) offsets(%dma_start3A_529 : memref<64xi32, #tpu.memory_space<vmem>>) semaphore(%dma_start3A_534 : memref<!tpu.dma_semaphore, #tpu.memory_space<semaphore_mem>>)
      %mul3A_535 = arith.constant 3 : i32
      %mul3A_536 = arith.muli %scan3A_389, %mul3A_535 : i32
      %add3A_537 = arith.constant 2 : i32
      %add3A_538 = arith.addi %add3A_537, %mul3A_536 : i32
      %add3A_539 = arith.constant 2 : i32
      %add3A_540 = arith.addi %add3A_538, %add3A_539 : i32
      %dma_wait3A_541 = arith.constant 1 : i32
      %dma_wait3A_542 = arith.constant 1 : i32
      %dma_wait3A_543 = arith.constant 0 : i32
      %dma_wait3A_544 = arith.constant 0 : i32
      %dma_wait3A_545 = tpu.memref_slice %arg7[%dma_wait3A_541, %dma_wait3A_543, %dma_wait3A_544] : memref<3x64x128xf32, #tpu.memory_space<vmem>> -> memref<1x64x128xf32, #tpu.memory_space<vmem>>
      %dma_wait3A_546 = tpu.memref_squeeze %dma_wait3A_545 : memref<1x64x128xf32, #tpu.memory_space<vmem>> -> memref<64x128xf32, #tpu.memory_space<vmem>>
      %dma_wait3A_547 = arith.constant 0 : i32
      %dma_wait3A_548 = arith.constant 0 : i32
      %dma_wait3A_549 = tpu.memref_slice %arg2[%dma_wait3A_547, %dma_wait3A_548] : memref<20480x128xf32, #tpu.memory_space<hbm>> -> memref<64x128xf32, #tpu.memory_space<hbm>>
      %dma_wait3A_550 = tpu.memref_slice %arg9[%dma_wait3A_542] : memref<3x!tpu.dma_semaphore, #tpu.memory_space<semaphore_mem>> -> memref<1x!tpu.dma_semaphore, #tpu.memory_space<semaphore_mem>>
      %dma_wait3A_551 = tpu.memref_squeeze %dma_wait3A_550 : memref<1x!tpu.dma_semaphore, #tpu.memory_space<semaphore_mem>> -> memref<!tpu.dma_semaphore, #tpu.memory_space<semaphore_mem>>
      %dma_wait3A_552 = arith.constant 0 : i32
      %dma_wait3A_553 = arith.constant 0 : i32
      %dma_wait3A_554 = tpu.memref_slice %arg7[%dma_wait3A_541, %dma_wait3A_552, %dma_wait3A_553] : memref<3x64x128xf32, #tpu.memory_space<vmem>> -> memref<1x64x128xf32, #tpu.memory_space<vmem>>
      %dma_wait3A_555 = tpu.memref_squeeze %dma_wait3A_554 : memref<1x64x128xf32, #tpu.memory_space<vmem>> -> memref<64x128xf32, #tpu.memory_space<vmem>>
      %dma_wait3A_556 = arith.constant 0 : i32
      %dma_wait3A_557 = arith.constant 0 : i32
      %dma_wait3A_558 = tpu.memref_slice %arg2[%dma_wait3A_556, %dma_wait3A_557] : memref<20480x128xf32, #tpu.memory_space<hbm>> -> memref<64x128xf32, #tpu.memory_space<hbm>>
      tpu.wait_dma2 semaphore(%dma_wait3A_551 : memref<!tpu.dma_semaphore, #tpu.memory_space<semaphore_mem>>) src(%dma_wait3A_558 : memref<64x128xf32, #tpu.memory_space<hbm>>) dst(%dma_wait3A_555 : memref<64x128xf32, #tpu.memory_space<vmem>>)
      %mul3A_559 = arith.constant 64 : i32
      %mul3A_560 = arith.muli %add3A_540, %mul3A_559 : i32
      %dma_start3A_561 = arith.constant 1 : i32
      %dma_start3A_562 = arith.constant 1 : i32
      %dma_start3A_563 = arith.constant 0 : i32
      %dma_start3A_564 = arith.constant 0 : i32
      %dma_start3A_565 = tpu.memref_slice %arg7[%dma_start3A_561, %dma_start3A_563, %dma_start3A_564] : memref<3x64x128xf32, #tpu.memory_space<vmem>> -> memref<1x64x128xf32, #tpu.memory_space<vmem>>
      %dma_start3A_566 = tpu.memref_squeeze %dma_start3A_565 : memref<1x64x128xf32, #tpu.memory_space<vmem>> -> memref<64x128xf32, #tpu.memory_space<vmem>>
      %dma_start3A_567 = tpu.memref_slice %arg6[%mul3A_560] : memref<10240xi32, #tpu.memory_space<vmem>> -> memref<64xi32, #tpu.memory_space<vmem>>
      %dma_start3A_568 = arith.constant 0 : i32
      %dma_start3A_569 = arith.constant 0 : i32
      %dma_start3A_570 = tpu.memref_slice %arg8[%dma_start3A_568, %dma_start3A_569] : memref<10240x128xf32, #tpu.memory_space<vmem_shared>> -> memref<10240x128xf32, #tpu.memory_space<vmem_shared>>
      %dma_start3A_571 = tpu.memref_slice %arg10[%dma_start3A_562] : memref<3x!tpu.dma_semaphore, #tpu.memory_space<semaphore_mem>> -> memref<1x!tpu.dma_semaphore, #tpu.memory_space<semaphore_mem>>
      %dma_start3A_572 = tpu.memref_squeeze %dma_start3A_571 : memref<1x!tpu.dma_semaphore, #tpu.memory_space<semaphore_mem>> -> memref<!tpu.dma_semaphore, #tpu.memory_space<semaphore_mem>>
      tpu.enqueue_indirect_dma source(%dma_start3A_566 : memref<64x128xf32, #tpu.memory_space<vmem>>) target(%dma_start3A_570 : memref<10240x128xf32, #tpu.memory_space<vmem_shared>>) offsets(%dma_start3A_567 : memref<64xi32, #tpu.memory_space<vmem>>) semaphore(%dma_start3A_572 : memref<!tpu.dma_semaphore, #tpu.memory_space<semaphore_mem>>) {add = true}
      %dma_wait3A_573 = arith.constant 0 : i32
      %dma_wait3A_574 = arith.constant 0 : i32
      %dma_wait3A_575 = arith.constant 0 : i32
      %dma_wait3A_576 = arith.constant 0 : i32
      %dma_wait3A_577 = tpu.memref_slice %arg7[%dma_wait3A_573, %dma_wait3A_575, %dma_wait3A_576] : memref<3x64x128xf32, #tpu.memory_space<vmem>> -> memref<1x64x128xf32, #tpu.memory_space<vmem>>
      %dma_wait3A_578 = tpu.memref_squeeze %dma_wait3A_577 : memref<1x64x128xf32, #tpu.memory_space<vmem>> -> memref<64x128xf32, #tpu.memory_space<vmem>>
      %dma_wait3A_579 = arith.constant 0 : i32
      %dma_wait3A_580 = arith.constant 0 : i32
      %dma_wait3A_581 = tpu.memref_slice %arg8[%dma_wait3A_579, %dma_wait3A_580] : memref<10240x128xf32, #tpu.memory_space<vmem_shared>> -> memref<64x128xf32, #tpu.memory_space<vmem_shared>>
      %dma_wait3A_582 = tpu.memref_slice %arg10[%dma_wait3A_574] : memref<3x!tpu.dma_semaphore, #tpu.memory_space<semaphore_mem>> -> memref<1x!tpu.dma_semaphore, #tpu.memory_space<semaphore_mem>>
      %dma_wait3A_583 = tpu.memref_squeeze %dma_wait3A_582 : memref<1x!tpu.dma_semaphore, #tpu.memory_space<semaphore_mem>> -> memref<!tpu.dma_semaphore, #tpu.memory_space<semaphore_mem>>
      %dma_wait3A_584 = arith.constant 0 : i32
      %dma_wait3A_585 = arith.constant 0 : i32
      %dma_wait3A_586 = tpu.memref_slice %arg8[%dma_wait3A_584, %dma_wait3A_585] : memref<10240x128xf32, #tpu.memory_space<vmem_shared>> -> memref<64x128xf32, #tpu.memory_space<vmem_shared>>
      %dma_wait3A_587 = arith.constant 0 : i32
      %dma_wait3A_588 = arith.constant 0 : i32
      %dma_wait3A_589 = tpu.memref_slice %arg7[%dma_wait3A_573, %dma_wait3A_587, %dma_wait3A_588] : memref<3x64x128xf32, #tpu.memory_space<vmem>> -> memref<1x64x128xf32, #tpu.memory_space<vmem>>
      %dma_wait3A_590 = tpu.memref_squeeze %dma_wait3A_589 : memref<1x64x128xf32, #tpu.memory_space<vmem>> -> memref<64x128xf32, #tpu.memory_space<vmem>>
      tpu.wait_dma2 semaphore(%dma_wait3A_583 : memref<!tpu.dma_semaphore, #tpu.memory_space<semaphore_mem>>) src(%dma_wait3A_590 : memref<64x128xf32, #tpu.memory_space<vmem>>) dst(%dma_wait3A_586 : memref<64x128xf32, #tpu.memory_space<vmem_shared>>)
      %add3A_591 = arith.constant 2 : i32
      %add3A_592 = arith.addi %add3A_540, %add3A_591 : i32
      %mul3A_593 = arith.constant 64 : i32
      %mul3A_594 = arith.muli %add3A_592, %mul3A_593 : i32
      %dma_start3A_595 = arith.constant 0 : i32
      %dma_start3A_596 = arith.constant 0 : i32
      %dma_start3A_597 = arith.constant 0 : i32
      %dma_start3A_598 = arith.constant 0 : i32
      %dma_start3A_599 = tpu.memref_slice %arg7[%dma_start3A_595, %dma_start3A_597, %dma_start3A_598] : memref<3x64x128xf32, #tpu.memory_space<vmem>> -> memref<1x64x128xf32, #tpu.memory_space<vmem>>
      %dma_start3A_600 = tpu.memref_squeeze %dma_start3A_599 : memref<1x64x128xf32, #tpu.memory_space<vmem>> -> memref<64x128xf32, #tpu.memory_space<vmem>>
      %dma_start3A_601 = tpu.memref_slice %arg5[%mul3A_594] : memref<10240xi32, #tpu.memory_space<vmem>> -> memref<64xi32, #tpu.memory_space<vmem>>
      %dma_start3A_602 = arith.constant 0 : i32
      %dma_start3A_603 = arith.constant 0 : i32
      %dma_start3A_604 = tpu.memref_slice %arg2[%dma_start3A_602, %dma_start3A_603] : memref<20480x128xf32, #tpu.memory_space<hbm>> -> memref<20480x128xf32, #tpu.memory_space<hbm>>
      %dma_start3A_605 = tpu.memref_slice %arg9[%dma_start3A_596] : memref<3x!tpu.dma_semaphore, #tpu.memory_space<semaphore_mem>> -> memref<1x!tpu.dma_semaphore, #tpu.memory_space<semaphore_mem>>
      %dma_start3A_606 = tpu.memref_squeeze %dma_start3A_605 : memref<1x!tpu.dma_semaphore, #tpu.memory_space<semaphore_mem>> -> memref<!tpu.dma_semaphore, #tpu.memory_space<semaphore_mem>>
      tpu.enqueue_indirect_dma source(%dma_start3A_604 : memref<20480x128xf32, #tpu.memory_space<hbm>>) target(%dma_start3A_600 : memref<64x128xf32, #tpu.memory_space<vmem>>) offsets(%dma_start3A_601 : memref<64xi32, #tpu.memory_space<vmem>>) semaphore(%dma_start3A_606 : memref<!tpu.dma_semaphore, #tpu.memory_space<semaphore_mem>>)
      %scan3A_607 = arith.constant 0 : i32
      scf.yield %scan3A_607 : i32
    }
    %scan3A_211 = arith.constant 52 : i32
    %dma_wait3A_212 = arith.constant 2 : i32
    %dma_wait3A_213 = arith.constant 2 : i32
    %dma_wait3A_214 = arith.constant 0 : i32
    %dma_wait3A_215 = arith.constant 0 : i32
    %dma_wait3A_216 = tpu.memref_slice %arg7[%dma_wait3A_212, %dma_wait3A_214, %dma_wait3A_215] : memref<3x64x128xf32, #tpu.memory_space<vmem>> -> memref<1x64x128xf32, #tpu.memory_space<vmem>>
    %dma_wait3A_217 = tpu.memref_squeeze %dma_wait3A_216 : memref<1x64x128xf32, #tpu.memory_space<vmem>> -> memref<64x128xf32, #tpu.memory_space<vmem>>
    %dma_wait3A_218 = arith.constant 0 : i32
    %dma_wait3A_219 = arith.constant 0 : i32
    %dma_wait3A_220 = tpu.memref_slice %arg2[%dma_wait3A_218, %dma_wait3A_219] : memref<20480x128xf32, #tpu.memory_space<hbm>> -> memref<64x128xf32, #tpu.memory_space<hbm>>
    %dma_wait3A_221 = tpu.memref_slice %arg9[%dma_wait3A_213] : memref<3x!tpu.dma_semaphore, #tpu.memory_space<semaphore_mem>> -> memref<1x!tpu.dma_semaphore, #tpu.memory_space<semaphore_mem>>
    %dma_wait3A_222 = tpu.memref_squeeze %dma_wait3A_221 : memref<1x!tpu.dma_semaphore, #tpu.memory_space<semaphore_mem>> -> memref<!tpu.dma_semaphore, #tpu.memory_space<semaphore_mem>>
    %dma_wait3A_223 = arith.constant 0 : i32
    %dma_wait3A_224 = arith.constant 0 : i32
    %dma_wait3A_225 = tpu.memref_slice %arg7[%dma_wait3A_212, %dma_wait3A_223, %dma_wait3A_224] : memref<3x64x128xf32, #tpu.memory_space<vmem>> -> memref<1x64x128xf32, #tpu.memory_space<vmem>>
    %dma_wait3A_226 = tpu.memref_squeeze %dma_wait3A_225 : memref<1x64x128xf32, #tpu.memory_space<vmem>> -> memref<64x128xf32, #tpu.memory_space<vmem>>
    %dma_wait3A_227 = arith.constant 0 : i32
    %dma_wait3A_228 = arith.constant 0 : i32
    %dma_wait3A_229 = tpu.memref_slice %arg2[%dma_wait3A_227, %dma_wait3A_228] : memref<20480x128xf32, #tpu.memory_space<hbm>> -> memref<64x128xf32, #tpu.memory_space<hbm>>
    tpu.wait_dma2 semaphore(%dma_wait3A_222 : memref<!tpu.dma_semaphore, #tpu.memory_space<semaphore_mem>>) src(%dma_wait3A_229 : memref<64x128xf32, #tpu.memory_space<hbm>>) dst(%dma_wait3A_226 : memref<64x128xf32, #tpu.memory_space<vmem>>)
    %dma_start3A_230 = arith.constant 2 : i32
    %dma_start3A_231 = arith.constant 2 : i32
    %dma_start3A_232 = arith.constant 0 : i32
    %dma_start3A_233 = arith.constant 0 : i32
    %dma_start3A_234 = tpu.memref_slice %arg7[%dma_start3A_230, %dma_start3A_232, %dma_start3A_233] : memref<3x64x128xf32, #tpu.memory_space<vmem>> -> memref<1x64x128xf32, #tpu.memory_space<vmem>>
    %dma_start3A_235 = tpu.memref_squeeze %dma_start3A_234 : memref<1x64x128xf32, #tpu.memory_space<vmem>> -> memref<64x128xf32, #tpu.memory_space<vmem>>
    %dma_start3A_236 = arith.constant 10112 : i32
    %dma_start3A_237 = tpu.memref_slice %arg6[%dma_start3A_236] : memref<10240xi32, #tpu.memory_space<vmem>> -> memref<64xi32, #tpu.memory_space<vmem>>
    %dma_start3A_238 = arith.constant 0 : i32
    %dma_start3A_239 = arith.constant 0 : i32
    %dma_start3A_240 = tpu.memref_slice %arg8[%dma_start3A_238, %dma_start3A_239] : memref<10240x128xf32, #tpu.memory_space<vmem_shared>> -> memref<10240x128xf32, #tpu.memory_space<vmem_shared>>
    %dma_start3A_241 = tpu.memref_slice %arg10[%dma_start3A_231] : memref<3x!tpu.dma_semaphore, #tpu.memory_space<semaphore_mem>> -> memref<1x!tpu.dma_semaphore, #tpu.memory_space<semaphore_mem>>
    %dma_start3A_242 = tpu.memref_squeeze %dma_start3A_241 : memref<1x!tpu.dma_semaphore, #tpu.memory_space<semaphore_mem>> -> memref<!tpu.dma_semaphore, #tpu.memory_space<semaphore_mem>>
    tpu.enqueue_indirect_dma source(%dma_start3A_235 : memref<64x128xf32, #tpu.memory_space<vmem>>) target(%dma_start3A_240 : memref<10240x128xf32, #tpu.memory_space<vmem_shared>>) offsets(%dma_start3A_237 : memref<64xi32, #tpu.memory_space<vmem>>) semaphore(%dma_start3A_242 : memref<!tpu.dma_semaphore, #tpu.memory_space<semaphore_mem>>) {add = true}
    %dma_wait3A_243 = arith.constant 1 : i32
    %dma_wait3A_244 = arith.constant 1 : i32
    %dma_wait3A_245 = arith.constant 0 : i32
    %dma_wait3A_246 = arith.constant 0 : i32
    %dma_wait3A_247 = tpu.memref_slice %arg7[%dma_wait3A_243, %dma_wait3A_245, %dma_wait3A_246] : memref<3x64x128xf32, #tpu.memory_space<vmem>> -> memref<1x64x128xf32, #tpu.memory_space<vmem>>
    %dma_wait3A_248 = tpu.memref_squeeze %dma_wait3A_247 : memref<1x64x128xf32, #tpu.memory_space<vmem>> -> memref<64x128xf32, #tpu.memory_space<vmem>>
    %dma_wait3A_249 = arith.constant 0 : i32
    %dma_wait3A_250 = arith.constant 0 : i32
    %dma_wait3A_251 = tpu.memref_slice %arg8[%dma_wait3A_249, %dma_wait3A_250] : memref<10240x128xf32, #tpu.memory_space<vmem_shared>> -> memref<64x128xf32, #tpu.memory_space<vmem_shared>>
    %dma_wait3A_252 = tpu.memref_slice %arg10[%dma_wait3A_244] : memref<3x!tpu.dma_semaphore, #tpu.memory_space<semaphore_mem>> -> memref<1x!tpu.dma_semaphore, #tpu.memory_space<semaphore_mem>>
    %dma_wait3A_253 = tpu.memref_squeeze %dma_wait3A_252 : memref<1x!tpu.dma_semaphore, #tpu.memory_space<semaphore_mem>> -> memref<!tpu.dma_semaphore, #tpu.memory_space<semaphore_mem>>
    %dma_wait3A_254 = arith.constant 0 : i32
    %dma_wait3A_255 = arith.constant 0 : i32
    %dma_wait3A_256 = tpu.memref_slice %arg8[%dma_wait3A_254, %dma_wait3A_255] : memref<10240x128xf32, #tpu.memory_space<vmem_shared>> -> memref<64x128xf32, #tpu.memory_space<vmem_shared>>
    %dma_wait3A_257 = arith.constant 0 : i32
    %dma_wait3A_258 = arith.constant 0 : i32
    %dma_wait3A_259 = tpu.memref_slice %arg7[%dma_wait3A_243, %dma_wait3A_257, %dma_wait3A_258] : memref<3x64x128xf32, #tpu.memory_space<vmem>> -> memref<1x64x128xf32, #tpu.memory_space<vmem>>
    %dma_wait3A_260 = tpu.memref_squeeze %dma_wait3A_259 : memref<1x64x128xf32, #tpu.memory_space<vmem>> -> memref<64x128xf32, #tpu.memory_space<vmem>>
    tpu.wait_dma2 semaphore(%dma_wait3A_253 : memref<!tpu.dma_semaphore, #tpu.memory_space<semaphore_mem>>) src(%dma_wait3A_260 : memref<64x128xf32, #tpu.memory_space<vmem>>) dst(%dma_wait3A_256 : memref<64x128xf32, #tpu.memory_space<vmem_shared>>)
    %dma_wait3A_261 = arith.constant 0 : i32
    %dma_wait3A_262 = arith.constant 0 : i32
    %dma_wait3A_263 = arith.constant 0 : i32
    %dma_wait3A_264 = arith.constant 0 : i32
    %dma_wait3A_265 = tpu.memref_slice %arg7[%dma_wait3A_261, %dma_wait3A_263, %dma_wait3A_264] : memref<3x64x128xf32, #tpu.memory_space<vmem>> -> memref<1x64x128xf32, #tpu.memory_space<vmem>>
    %dma_wait3A_266 = tpu.memref_squeeze %dma_wait3A_265 : memref<1x64x128xf32, #tpu.memory_space<vmem>> -> memref<64x128xf32, #tpu.memory_space<vmem>>
    %dma_wait3A_267 = arith.constant 0 : i32
    %dma_wait3A_268 = arith.constant 0 : i32
    %dma_wait3A_269 = tpu.memref_slice %arg2[%dma_wait3A_267, %dma_wait3A_268] : memref<20480x128xf32, #tpu.memory_space<hbm>> -> memref<64x128xf32, #tpu.memory_space<hbm>>
    %dma_wait3A_270 = tpu.memref_slice %arg9[%dma_wait3A_262] : memref<3x!tpu.dma_semaphore, #tpu.memory_space<semaphore_mem>> -> memref<1x!tpu.dma_semaphore, #tpu.memory_space<semaphore_mem>>
    %dma_wait3A_271 = tpu.memref_squeeze %dma_wait3A_270 : memref<1x!tpu.dma_semaphore, #tpu.memory_space<semaphore_mem>> -> memref<!tpu.dma_semaphore, #tpu.memory_space<semaphore_mem>>
    %dma_wait3A_272 = arith.constant 0 : i32
    %dma_wait3A_273 = arith.constant 0 : i32
    %dma_wait3A_274 = tpu.memref_slice %arg7[%dma_wait3A_261, %dma_wait3A_272, %dma_wait3A_273] : memref<3x64x128xf32, #tpu.memory_space<vmem>> -> memref<1x64x128xf32, #tpu.memory_space<vmem>>
    %dma_wait3A_275 = tpu.memref_squeeze %dma_wait3A_274 : memref<1x64x128xf32, #tpu.memory_space<vmem>> -> memref<64x128xf32, #tpu.memory_space<vmem>>
    %dma_wait3A_276 = arith.constant 0 : i32
    %dma_wait3A_277 = arith.constant 0 : i32
    %dma_wait3A_278 = tpu.memref_slice %arg2[%dma_wait3A_276, %dma_wait3A_277] : memref<20480x128xf32, #tpu.memory_space<hbm>> -> memref<64x128xf32, #tpu.memory_space<hbm>>
    tpu.wait_dma2 semaphore(%dma_wait3A_271 : memref<!tpu.dma_semaphore, #tpu.memory_space<semaphore_mem>>) src(%dma_wait3A_278 : memref<64x128xf32, #tpu.memory_space<hbm>>) dst(%dma_wait3A_275 : memref<64x128xf32, #tpu.memory_space<vmem>>)
    %dma_start3A_279 = arith.constant 0 : i32
    %dma_start3A_280 = arith.constant 0 : i32
    %dma_start3A_281 = arith.constant 0 : i32
    %dma_start3A_282 = arith.constant 0 : i32
    %dma_start3A_283 = tpu.memref_slice %arg7[%dma_start3A_279, %dma_start3A_281, %dma_start3A_282] : memref<3x64x128xf32, #tpu.memory_space<vmem>> -> memref<1x64x128xf32, #tpu.memory_space<vmem>>
    %dma_start3A_284 = tpu.memref_squeeze %dma_start3A_283 : memref<1x64x128xf32, #tpu.memory_space<vmem>> -> memref<64x128xf32, #tpu.memory_space<vmem>>
    %dma_start3A_285 = arith.constant 10176 : i32
    %dma_start3A_286 = tpu.memref_slice %arg6[%dma_start3A_285] : memref<10240xi32, #tpu.memory_space<vmem>> -> memref<64xi32, #tpu.memory_space<vmem>>
    %dma_start3A_287 = arith.constant 0 : i32
    %dma_start3A_288 = arith.constant 0 : i32
    %dma_start3A_289 = tpu.memref_slice %arg8[%dma_start3A_287, %dma_start3A_288] : memref<10240x128xf32, #tpu.memory_space<vmem_shared>> -> memref<10240x128xf32, #tpu.memory_space<vmem_shared>>
    %dma_start3A_290 = tpu.memref_slice %arg10[%dma_start3A_280] : memref<3x!tpu.dma_semaphore, #tpu.memory_space<semaphore_mem>> -> memref<1x!tpu.dma_semaphore, #tpu.memory_space<semaphore_mem>>
    %dma_start3A_291 = tpu.memref_squeeze %dma_start3A_290 : memref<1x!tpu.dma_semaphore, #tpu.memory_space<semaphore_mem>> -> memref<!tpu.dma_semaphore, #tpu.memory_space<semaphore_mem>>
    tpu.enqueue_indirect_dma source(%dma_start3A_284 : memref<64x128xf32, #tpu.memory_space<vmem>>) target(%dma_start3A_289 : memref<10240x128xf32, #tpu.memory_space<vmem_shared>>) offsets(%dma_start3A_286 : memref<64xi32, #tpu.memory_space<vmem>>) semaphore(%dma_start3A_291 : memref<!tpu.dma_semaphore, #tpu.memory_space<semaphore_mem>>) {add = true}
    %dma_wait3A_292 = arith.constant 2 : i32
    %dma_wait3A_293 = arith.constant 2 : i32
    %dma_wait3A_294 = arith.constant 0 : i32
    %dma_wait3A_295 = arith.constant 0 : i32
    %dma_wait3A_296 = tpu.memref_slice %arg7[%dma_wait3A_292, %dma_wait3A_294, %dma_wait3A_295] : memref<3x64x128xf32, #tpu.memory_space<vmem>> -> memref<1x64x128xf32, #tpu.memory_space<vmem>>
    %dma_wait3A_297 = tpu.memref_squeeze %dma_wait3A_296 : memref<1x64x128xf32, #tpu.memory_space<vmem>> -> memref<64x128xf32, #tpu.memory_space<vmem>>
    %dma_wait3A_298 = arith.constant 0 : i32
    %dma_wait3A_299 = arith.constant 0 : i32
    %dma_wait3A_300 = tpu.memref_slice %arg8[%dma_wait3A_298, %dma_wait3A_299] : memref<10240x128xf32, #tpu.memory_space<vmem_shared>> -> memref<64x128xf32, #tpu.memory_space<vmem_shared>>
    %dma_wait3A_301 = tpu.memref_slice %arg10[%dma_wait3A_293] : memref<3x!tpu.dma_semaphore, #tpu.memory_space<semaphore_mem>> -> memref<1x!tpu.dma_semaphore, #tpu.memory_space<semaphore_mem>>
    %dma_wait3A_302 = tpu.memref_squeeze %dma_wait3A_301 : memref<1x!tpu.dma_semaphore, #tpu.memory_space<semaphore_mem>> -> memref<!tpu.dma_semaphore, #tpu.memory_space<semaphore_mem>>
    %dma_wait3A_303 = arith.constant 0 : i32
    %dma_wait3A_304 = arith.constant 0 : i32
    %dma_wait3A_305 = tpu.memref_slice %arg8[%dma_wait3A_303, %dma_wait3A_304] : memref<10240x128xf32, #tpu.memory_space<vmem_shared>> -> memref<64x128xf32, #tpu.memory_space<vmem_shared>>
    %dma_wait3A_306 = arith.constant 0 : i32
    %dma_wait3A_307 = arith.constant 0 : i32
    %dma_wait3A_308 = tpu.memref_slice %arg7[%dma_wait3A_292, %dma_wait3A_306, %dma_wait3A_307] : memref<3x64x128xf32, #tpu.memory_space<vmem>> -> memref<1x64x128xf32, #tpu.memory_space<vmem>>
    %dma_wait3A_309 = tpu.memref_squeeze %dma_wait3A_308 : memref<1x64x128xf32, #tpu.memory_space<vmem>> -> memref<64x128xf32, #tpu.memory_space<vmem>>
    tpu.wait_dma2 semaphore(%dma_wait3A_302 : memref<!tpu.dma_semaphore, #tpu.memory_space<semaphore_mem>>) src(%dma_wait3A_309 : memref<64x128xf32, #tpu.memory_space<vmem>>) dst(%dma_wait3A_305 : memref<64x128xf32, #tpu.memory_space<vmem_shared>>)
    %dma_wait3A_310 = arith.constant 0 : i32
    %dma_wait3A_311 = arith.constant 0 : i32
    %dma_wait3A_312 = arith.constant 0 : i32
    %dma_wait3A_313 = arith.constant 0 : i32
    %dma_wait3A_314 = tpu.memref_slice %arg7[%dma_wait3A_310, %dma_wait3A_312, %dma_wait3A_313] : memref<3x64x128xf32, #tpu.memory_space<vmem>> -> memref<1x64x128xf32, #tpu.memory_space<vmem>>
    %dma_wait3A_315 = tpu.memref_squeeze %dma_wait3A_314 : memref<1x64x128xf32, #tpu.memory_space<vmem>> -> memref<64x128xf32, #tpu.memory_space<vmem>>
    %dma_wait3A_316 = arith.constant 0 : i32
    %dma_wait3A_317 = arith.constant 0 : i32
    %dma_wait3A_318 = tpu.memref_slice %arg8[%dma_wait3A_316, %dma_wait3A_317] : memref<10240x128xf32, #tpu.memory_space<vmem_shared>> -> memref<64x128xf32, #tpu.memory_space<vmem_shared>>
    %dma_wait3A_319 = tpu.memref_slice %arg10[%dma_wait3A_311] : memref<3x!tpu.dma_semaphore, #tpu.memory_space<semaphore_mem>> -> memref<1x!tpu.dma_semaphore, #tpu.memory_space<semaphore_mem>>
    %dma_wait3A_320 = tpu.memref_squeeze %dma_wait3A_319 : memref<1x!tpu.dma_semaphore, #tpu.memory_space<semaphore_mem>> -> memref<!tpu.dma_semaphore, #tpu.memory_space<semaphore_mem>>
    %dma_wait3A_321 = arith.constant 0 : i32
    %dma_wait3A_322 = arith.constant 0 : i32
    %dma_wait3A_323 = tpu.memref_slice %arg8[%dma_wait3A_321, %dma_wait3A_322] : memref<10240x128xf32, #tpu.memory_space<vmem_shared>> -> memref<64x128xf32, #tpu.memory_space<vmem_shared>>
    %dma_wait3A_324 = arith.constant 0 : i32
    %dma_wait3A_325 = arith.constant 0 : i32
    %dma_wait3A_326 = tpu.memref_slice %arg7[%dma_wait3A_310, %dma_wait3A_324, %dma_wait3A_325] : memref<3x64x128xf32, #tpu.memory_space<vmem>> -> memref<1x64x128xf32, #tpu.memory_space<vmem>>
    %dma_wait3A_327 = tpu.memref_squeeze %dma_wait3A_326 : memref<1x64x128xf32, #tpu.memory_space<vmem>> -> memref<64x128xf32, #tpu.memory_space<vmem>>
    tpu.wait_dma2 semaphore(%dma_wait3A_320 : memref<!tpu.dma_semaphore, #tpu.memory_space<semaphore_mem>>) src(%dma_wait3A_327 : memref<64x128xf32, #tpu.memory_space<vmem>>) dst(%dma_wait3A_323 : memref<64x128xf32, #tpu.memory_space<vmem_shared>>)
    %barrier3A_328 = arith.constant 0 : index
    tpu.barrier barrier_id(%barrier3A_328)
    %mul3A_329 = arith.constant 640 : i32
    %mul3A_330 = arith.muli %arg1, %mul3A_329 : i32
    %add3A_331 = arith.constant 0 : i32
    %add3A_332 = arith.addi %mul3A_330, %add3A_331 : i32
    %run_scoped3A_333 = arith.constant 0 : i32
    "tpu.region"() ({
      %run_scoped3A_389 = tpu.sem_alloc : memref<!tpu.dma_semaphore, #tpu.memory_space<semaphore_mem>>
      %dma_start3A_390 = arith.constant 0 : i32
      %dma_start3A_391 = arith.constant 0 : i32
      %dma_start3A_392 = tpu.memref_slice %arg7[%run_scoped3A_333, %dma_start3A_390, %dma_start3A_391] : memref<3x64x128xf32, #tpu.memory_space<vmem>> -> memref<1x64x128xf32, #tpu.memory_space<vmem>>
      %dma_start3A_393 = tpu.memref_squeeze %dma_start3A_392 : memref<1x64x128xf32, #tpu.memory_space<vmem>> -> memref<64x128xf32, #tpu.memory_space<vmem>>
      %dma_start3A_394 = arith.constant 0 : i32
      %dma_start3A_395 = tpu.memref_slice %arg8[%add3A_332, %dma_start3A_394] : memref<10240x128xf32, #tpu.memory_space<vmem_shared>> -> memref<64x128xf32, #tpu.memory_space<vmem_shared>>
      %dma_start3A_396 = arith.constant 0 : i32
      %dma_start3A_397 = arith.constant 0 : i32
      %dma_start3A_398 = tpu.memref_slice %arg7[%run_scoped3A_333, %dma_start3A_396, %dma_start3A_397] : memref<3x64x128xf32, #tpu.memory_space<vmem>> -> memref<1x64x128xf32, #tpu.memory_space<vmem>>
      %dma_start3A_399 = tpu.memref_squeeze %dma_start3A_398 : memref<1x64x128xf32, #tpu.memory_space<vmem>> -> memref<64x128xf32, #tpu.memory_space<vmem>>
      %dma_start3A_400 = arith.constant 0 : i32
      %dma_start3A_401 = tpu.memref_slice %arg8[%add3A_332, %dma_start3A_400] : memref<10240x128xf32, #tpu.memory_space<vmem_shared>> -> memref<64x128xf32, #tpu.memory_space<vmem_shared>>
      tpu.enqueue_dma source(%dma_start3A_401 : memref<64x128xf32, #tpu.memory_space<vmem_shared>>) target(%dma_start3A_399 : memref<64x128xf32, #tpu.memory_space<vmem>>) target_semaphore(%run_scoped3A_389 : memref<!tpu.dma_semaphore, #tpu.memory_space<semaphore_mem>>)
      %dma_wait3A_402 = arith.constant 0 : i32
      %dma_wait3A_403 = arith.constant 0 : i32
      %dma_wait3A_404 = tpu.memref_slice %arg7[%run_scoped3A_333, %dma_wait3A_402, %dma_wait3A_403] : memref<3x64x128xf32, #tpu.memory_space<vmem>> -> memref<1x64x128xf32, #tpu.memory_space<vmem>>
      %dma_wait3A_405 = tpu.memref_squeeze %dma_wait3A_404 : memref<1x64x128xf32, #tpu.memory_space<vmem>> -> memref<64x128xf32, #tpu.memory_space<vmem>>
      %dma_wait3A_406 = arith.constant 0 : i32
      %dma_wait3A_407 = tpu.memref_slice %arg8[%add3A_332, %dma_wait3A_406] : memref<10240x128xf32, #tpu.memory_space<vmem_shared>> -> memref<64x128xf32, #tpu.memory_space<vmem_shared>>
      %dma_wait3A_408 = arith.constant 0 : i32
      %dma_wait3A_409 = arith.constant 0 : i32
      %dma_wait3A_410 = tpu.memref_slice %arg7[%run_scoped3A_333, %dma_wait3A_408, %dma_wait3A_409] : memref<3x64x128xf32, #tpu.memory_space<vmem>> -> memref<1x64x128xf32, #tpu.memory_space<vmem>>
      %dma_wait3A_411 = tpu.memref_squeeze %dma_wait3A_410 : memref<1x64x128xf32, #tpu.memory_space<vmem>> -> memref<64x128xf32, #tpu.memory_space<vmem>>
      %dma_wait3A_412 = arith.constant 0 : i32
      %dma_wait3A_413 = tpu.memref_slice %arg8[%add3A_332, %dma_wait3A_412] : memref<10240x128xf32, #tpu.memory_space<vmem_shared>> -> memref<64x128xf32, #tpu.memory_space<vmem_shared>>
      tpu.wait_dma2 semaphore(%run_scoped3A_389 : memref<!tpu.dma_semaphore, #tpu.memory_space<semaphore_mem>>) src(%dma_wait3A_413 : memref<64x128xf32, #tpu.memory_space<vmem_shared>>) dst(%dma_wait3A_411 : memref<64x128xf32, #tpu.memory_space<vmem>>)
      tpu.yield
    }) : () -> ()
    %run_scoped3A_334 = arith.constant 0 : i32
    "tpu.region"() ({
      %run_scoped3A_389 = tpu.sem_alloc : memref<!tpu.dma_semaphore, #tpu.memory_space<semaphore_mem>>
      %dma_start3A_390 = arith.constant 0 : i32
      %dma_start3A_391 = arith.constant 0 : i32
      %dma_start3A_392 = tpu.memref_slice %arg7[%run_scoped3A_334, %dma_start3A_390, %dma_start3A_391] : memref<3x64x128xf32, #tpu.memory_space<vmem>> -> memref<1x64x128xf32, #tpu.memory_space<vmem>>
      %dma_start3A_393 = tpu.memref_squeeze %dma_start3A_392 : memref<1x64x128xf32, #tpu.memory_space<vmem>> -> memref<64x128xf32, #tpu.memory_space<vmem>>
      %dma_start3A_394 = arith.constant 0 : i32
      %dma_start3A_395 = tpu.memref_slice %arg4[%arg0, %add3A_332, %dma_start3A_394] : memref<2x10240x128xf32, #tpu.memory_space<hbm>> -> memref<1x64x128xf32, #tpu.memory_space<hbm>>
      %dma_start3A_396 = tpu.memref_squeeze %dma_start3A_395 : memref<1x64x128xf32, #tpu.memory_space<hbm>> -> memref<64x128xf32, #tpu.memory_space<hbm>>
      %dma_start3A_397 = arith.constant 0 : i32
      %dma_start3A_398 = tpu.memref_slice %arg4[%arg0, %add3A_332, %dma_start3A_397] : memref<2x10240x128xf32, #tpu.memory_space<hbm>> -> memref<1x64x128xf32, #tpu.memory_space<hbm>>
      %dma_start3A_399 = tpu.memref_squeeze %dma_start3A_398 : memref<1x64x128xf32, #tpu.memory_space<hbm>> -> memref<64x128xf32, #tpu.memory_space<hbm>>
      %dma_start3A_400 = arith.constant 0 : i32
      %dma_start3A_401 = arith.constant 0 : i32
      %dma_start3A_402 = tpu.memref_slice %arg7[%run_scoped3A_334, %dma_start3A_400, %dma_start3A_401] : memref<3x64x128xf32, #tpu.memory_space<vmem>> -> memref<1x64x128xf32, #tpu.memory_space<vmem>>
      %dma_start3A_403 = tpu.memref_squeeze %dma_start3A_402 : memref<1x64x128xf32, #tpu.memory_space<vmem>> -> memref<64x128xf32, #tpu.memory_space<vmem>>
      tpu.enqueue_dma source(%dma_start3A_403 : memref<64x128xf32, #tpu.memory_space<vmem>>) target(%dma_start3A_399 : memref<64x128xf32, #tpu.memory_space<hbm>>) target_semaphore(%run_scoped3A_389 : memref<!tpu.dma_semaphore, #tpu.memory_space<semaphore_mem>>)
      %dma_wait3A_404 = arith.constant 0 : i32
      %dma_wait3A_405 = arith.constant 0 : i32
      %dma_wait3A_406 = tpu.memref_slice %arg7[%run_scoped3A_334, %dma_wait3A_404, %dma_wait3A_405] : memref<3x64x128xf32, #tpu.memory_space<vmem>> -> memref<1x64x128xf32, #tpu.memory_space<vmem>>
      %dma_wait3A_407 = tpu.memref_squeeze %dma_wait3A_406 : memref<1x64x128xf32, #tpu.memory_space<vmem>> -> memref<64x128xf32, #tpu.memory_space<vmem>>
      %dma_wait3A_408 = arith.constant 0 : i32
      %dma_wait3A_409 = tpu.memref_slice %arg4[%arg0, %add3A_332, %dma_wait3A_408] : memref<2x10240x128xf32, #tpu.memory_space<hbm>> -> memref<1x64x128xf32, #tpu.memory_space<hbm>>
      %dma_wait3A_410 = tpu.memref_squeeze %dma_wait3A_409 : memref<1x64x128xf32, #tpu.memory_space<hbm>> -> memref<64x128xf32, #tpu.memory_space<hbm>>
      %dma_wait3A_411 = arith.constant 0 : i32
      %dma_wait3A_412 = tpu.memref_slice %arg4[%arg0, %add3A_332, %dma_wait3A_411] : memref<2x10240x128xf32, #tpu.memory_space<hbm>> -> memref<1x64x128xf32, #tpu.memory_space<hbm>>
      %dma_wait3A_413 = tpu.memref_squeeze %dma_wait3A_412 : memref<1x64x128xf32, #tpu.memory_space<hbm>> -> memref<64x128xf32, #tpu.memory_space<hbm>>
      %dma_wait3A_414 = arith.constant 0 : i32
      %dma_wait3A_415 = arith.constant 0 : i32
      %dma_wait3A_416 = tpu.memref_slice %arg7[%run_scoped3A_334, %dma_wait3A_414, %dma_wait3A_415] : memref<3x64x128xf32, #tpu.memory_space<vmem>> -> memref<1x64x128xf32, #tpu.memory_space<vmem>>
      %dma_wait3A_417 = tpu.memref_squeeze %dma_wait3A_416 : memref<1x64x128xf32, #tpu.memory_space<vmem>> -> memref<64x128xf32, #tpu.memory_space<vmem>>
      tpu.wait_dma2 semaphore(%run_scoped3A_389 : memref<!tpu.dma_semaphore, #tpu.memory_space<semaphore_mem>>) src(%dma_wait3A_417 : memref<64x128xf32, #tpu.memory_space<vmem>>) dst(%dma_wait3A_413 : memref<64x128xf32, #tpu.memory_space<hbm>>)
      tpu.yield
    }) : () -> ()
    %mul3A_335 = arith.constant 640 : i32
    %mul3A_336 = arith.muli %arg1, %mul3A_335 : i32
    %add3A_337 = arith.constant 64 : i32
    %add3A_338 = arith.addi %mul3A_336, %add3A_337 : i32
    %run_scoped3A_339 = arith.constant 0 : i32
    "tpu.region"() ({
      %run_scoped3A_389 = tpu.sem_alloc : memref<!tpu.dma_semaphore, #tpu.memory_space<semaphore_mem>>
      %dma_start3A_390 = arith.constant 0 : i32
      %dma_start3A_391 = arith.constant 0 : i32
      %dma_start3A_392 = tpu.memref_slice %arg7[%run_scoped3A_339, %dma_start3A_390, %dma_start3A_391] : memref<3x64x128xf32, #tpu.memory_space<vmem>> -> memref<1x64x128xf32, #tpu.memory_space<vmem>>
      %dma_start3A_393 = tpu.memref_squeeze %dma_start3A_392 : memref<1x64x128xf32, #tpu.memory_space<vmem>> -> memref<64x128xf32, #tpu.memory_space<vmem>>
      %dma_start3A_394 = arith.constant 0 : i32
      %dma_start3A_395 = tpu.memref_slice %arg8[%add3A_338, %dma_start3A_394] : memref<10240x128xf32, #tpu.memory_space<vmem_shared>> -> memref<64x128xf32, #tpu.memory_space<vmem_shared>>
      %dma_start3A_396 = arith.constant 0 : i32
      %dma_start3A_397 = arith.constant 0 : i32
      %dma_start3A_398 = tpu.memref_slice %arg7[%run_scoped3A_339, %dma_start3A_396, %dma_start3A_397] : memref<3x64x128xf32, #tpu.memory_space<vmem>> -> memref<1x64x128xf32, #tpu.memory_space<vmem>>
      %dma_start3A_399 = tpu.memref_squeeze %dma_start3A_398 : memref<1x64x128xf32, #tpu.memory_space<vmem>> -> memref<64x128xf32, #tpu.memory_space<vmem>>
      %dma_start3A_400 = arith.constant 0 : i32
      %dma_start3A_401 = tpu.memref_slice %arg8[%add3A_338, %dma_start3A_400] : memref<10240x128xf32, #tpu.memory_space<vmem_shared>> -> memref<64x128xf32, #tpu.memory_space<vmem_shared>>
      tpu.enqueue_dma source(%dma_start3A_401 : memref<64x128xf32, #tpu.memory_space<vmem_shared>>) target(%dma_start3A_399 : memref<64x128xf32, #tpu.memory_space<vmem>>) target_semaphore(%run_scoped3A_389 : memref<!tpu.dma_semaphore, #tpu.memory_space<semaphore_mem>>)
      %dma_wait3A_402 = arith.constant 0 : i32
      %dma_wait3A_403 = arith.constant 0 : i32
      %dma_wait3A_404 = tpu.memref_slice %arg7[%run_scoped3A_339, %dma_wait3A_402, %dma_wait3A_403] : memref<3x64x128xf32, #tpu.memory_space<vmem>> -> memref<1x64x128xf32, #tpu.memory_space<vmem>>
      %dma_wait3A_405 = tpu.memref_squeeze %dma_wait3A_404 : memref<1x64x128xf32, #tpu.memory_space<vmem>> -> memref<64x128xf32, #tpu.memory_space<vmem>>
      %dma_wait3A_406 = arith.constant 0 : i32
      %dma_wait3A_407 = tpu.memref_slice %arg8[%add3A_338, %dma_wait3A_406] : memref<10240x128xf32, #tpu.memory_space<vmem_shared>> -> memref<64x128xf32, #tpu.memory_space<vmem_shared>>
      %dma_wait3A_408 = arith.constant 0 : i32
      %dma_wait3A_409 = arith.constant 0 : i32
      %dma_wait3A_410 = tpu.memref_slice %arg7[%run_scoped3A_339, %dma_wait3A_408, %dma_wait3A_409] : memref<3x64x128xf32, #tpu.memory_space<vmem>> -> memref<1x64x128xf32, #tpu.memory_space<vmem>>
      %dma_wait3A_411 = tpu.memref_squeeze %dma_wait3A_410 : memref<1x64x128xf32, #tpu.memory_space<vmem>> -> memref<64x128xf32, #tpu.memory_space<vmem>>
      %dma_wait3A_412 = arith.constant 0 : i32
      %dma_wait3A_413 = tpu.memref_slice %arg8[%add3A_338, %dma_wait3A_412] : memref<10240x128xf32, #tpu.memory_space<vmem_shared>> -> memref<64x128xf32, #tpu.memory_space<vmem_shared>>
      tpu.wait_dma2 semaphore(%run_scoped3A_389 : memref<!tpu.dma_semaphore, #tpu.memory_space<semaphore_mem>>) src(%dma_wait3A_413 : memref<64x128xf32, #tpu.memory_space<vmem_shared>>) dst(%dma_wait3A_411 : memref<64x128xf32, #tpu.memory_space<vmem>>)
      tpu.yield
    }) : () -> ()
    %run_scoped3A_340 = arith.constant 0 : i32
    "tpu.region"() ({
      %run_scoped3A_389 = tpu.sem_alloc : memref<!tpu.dma_semaphore, #tpu.memory_space<semaphore_mem>>
      %dma_start3A_390 = arith.constant 0 : i32
      %dma_start3A_391 = arith.constant 0 : i32
      %dma_start3A_392 = tpu.memref_slice %arg7[%run_scoped3A_340, %dma_start3A_390, %dma_start3A_391] : memref<3x64x128xf32, #tpu.memory_space<vmem>> -> memref<1x64x128xf32, #tpu.memory_space<vmem>>
      %dma_start3A_393 = tpu.memref_squeeze %dma_start3A_392 : memref<1x64x128xf32, #tpu.memory_space<vmem>> -> memref<64x128xf32, #tpu.memory_space<vmem>>
      %dma_start3A_394 = arith.constant 0 : i32
      %dma_start3A_395 = tpu.memref_slice %arg4[%arg0, %add3A_338, %dma_start3A_394] : memref<2x10240x128xf32, #tpu.memory_space<hbm>> -> memref<1x64x128xf32, #tpu.memory_space<hbm>>
      %dma_start3A_396 = tpu.memref_squeeze %dma_start3A_395 : memref<1x64x128xf32, #tpu.memory_space<hbm>> -> memref<64x128xf32, #tpu.memory_space<hbm>>
      %dma_start3A_397 = arith.constant 0 : i32
      %dma_start3A_398 = tpu.memref_slice %arg4[%arg0, %add3A_338, %dma_start3A_397] : memref<2x10240x128xf32, #tpu.memory_space<hbm>> -> memref<1x64x128xf32, #tpu.memory_space<hbm>>
      %dma_start3A_399 = tpu.memref_squeeze %dma_start3A_398 : memref<1x64x128xf32, #tpu.memory_space<hbm>> -> memref<64x128xf32, #tpu.memory_space<hbm>>
      %dma_start3A_400 = arith.constant 0 : i32
      %dma_start3A_401 = arith.constant 0 : i32
      %dma_start3A_402 = tpu.memref_slice %arg7[%run_scoped3A_340, %dma_start3A_400, %dma_start3A_401] : memref<3x64x128xf32, #tpu.memory_space<vmem>> -> memref<1x64x128xf32, #tpu.memory_space<vmem>>
      %dma_start3A_403 = tpu.memref_squeeze %dma_start3A_402 : memref<1x64x128xf32, #tpu.memory_space<vmem>> -> memref<64x128xf32, #tpu.memory_space<vmem>>
      tpu.enqueue_dma source(%dma_start3A_403 : memref<64x128xf32, #tpu.memory_space<vmem>>) target(%dma_start3A_399 : memref<64x128xf32, #tpu.memory_space<hbm>>) target_semaphore(%run_scoped3A_389 : memref<!tpu.dma_semaphore, #tpu.memory_space<semaphore_mem>>)
      %dma_wait3A_404 = arith.constant 0 : i32
      %dma_wait3A_405 = arith.constant 0 : i32
      %dma_wait3A_406 = tpu.memref_slice %arg7[%run_scoped3A_340, %dma_wait3A_404, %dma_wait3A_405] : memref<3x64x128xf32, #tpu.memory_space<vmem>> -> memref<1x64x128xf32, #tpu.memory_space<vmem>>
      %dma_wait3A_407 = tpu.memref_squeeze %dma_wait3A_406 : memref<1x64x128xf32, #tpu.memory_space<vmem>> -> memref<64x128xf32, #tpu.memory_space<vmem>>
      %dma_wait3A_408 = arith.constant 0 : i32
      %dma_wait3A_409 = tpu.memref_slice %arg4[%arg0, %add3A_338, %dma_wait3A_408] : memref<2x10240x128xf32, #tpu.memory_space<hbm>> -> memref<1x64x128xf32, #tpu.memory_space<hbm>>
      %dma_wait3A_410 = tpu.memref_squeeze %dma_wait3A_409 : memref<1x64x128xf32, #tpu.memory_space<hbm>> -> memref<64x128xf32, #tpu.memory_space<hbm>>
      %dma_wait3A_411 = arith.constant 0 : i32
      %dma_wait3A_412 = tpu.memref_slice %arg4[%arg0, %add3A_338, %dma_wait3A_411] : memref<2x10240x128xf32, #tpu.memory_space<hbm>> -> memref<1x64x128xf32, #tpu.memory_space<hbm>>
      %dma_wait3A_413 = tpu.memref_squeeze %dma_wait3A_412 : memref<1x64x128xf32, #tpu.memory_space<hbm>> -> memref<64x128xf32, #tpu.memory_space<hbm>>
      %dma_wait3A_414 = arith.constant 0 : i32
      %dma_wait3A_415 = arith.constant 0 : i32
      %dma_wait3A_416 = tpu.memref_slice %arg7[%run_scoped3A_340, %dma_wait3A_414, %dma_wait3A_415] : memref<3x64x128xf32, #tpu.memory_space<vmem>> -> memref<1x64x128xf32, #tpu.memory_space<vmem>>
      %dma_wait3A_417 = tpu.memref_squeeze %dma_wait3A_416 : memref<1x64x128xf32, #tpu.memory_space<vmem>> -> memref<64x128xf32, #tpu.memory_space<vmem>>
      tpu.wait_dma2 semaphore(%run_scoped3A_389 : memref<!tpu.dma_semaphore, #tpu.memory_space<semaphore_mem>>) src(%dma_wait3A_417 : memref<64x128xf32, #tpu.memory_space<vmem>>) dst(%dma_wait3A_413 : memref<64x128xf32, #tpu.memory_space<hbm>>)
      tpu.yield
    }) : () -> ()
    %mul3A_341 = arith.constant 640 : i32
    %mul3A_342 = arith.muli %arg1, %mul3A_341 : i32
    %add3A_343 = arith.constant 128 : i32
    %add3A_344 = arith.addi %mul3A_342, %add3A_343 : i32
    %run_scoped3A_345 = arith.constant 0 : i32
    "tpu.region"() ({
      %run_scoped3A_389 = tpu.sem_alloc : memref<!tpu.dma_semaphore, #tpu.memory_space<semaphore_mem>>
      %dma_start3A_390 = arith.constant 0 : i32
      %dma_start3A_391 = arith.constant 0 : i32
      %dma_start3A_392 = tpu.memref_slice %arg7[%run_scoped3A_345, %dma_start3A_390, %dma_start3A_391] : memref<3x64x128xf32, #tpu.memory_space<vmem>> -> memref<1x64x128xf32, #tpu.memory_space<vmem>>
      %dma_start3A_393 = tpu.memref_squeeze %dma_start3A_392 : memref<1x64x128xf32, #tpu.memory_space<vmem>> -> memref<64x128xf32, #tpu.memory_space<vmem>>
      %dma_start3A_394 = arith.constant 0 : i32
      %dma_start3A_395 = tpu.memref_slice %arg8[%add3A_344, %dma_start3A_394] : memref<10240x128xf32, #tpu.memory_space<vmem_shared>> -> memref<64x128xf32, #tpu.memory_space<vmem_shared>>
      %dma_start3A_396 = arith.constant 0 : i32
      %dma_start3A_397 = arith.constant 0 : i32
      %dma_start3A_398 = tpu.memref_slice %arg7[%run_scoped3A_345, %dma_start3A_396, %dma_start3A_397] : memref<3x64x128xf32, #tpu.memory_space<vmem>> -> memref<1x64x128xf32, #tpu.memory_space<vmem>>
      %dma_start3A_399 = tpu.memref_squeeze %dma_start3A_398 : memref<1x64x128xf32, #tpu.memory_space<vmem>> -> memref<64x128xf32, #tpu.memory_space<vmem>>
      %dma_start3A_400 = arith.constant 0 : i32
      %dma_start3A_401 = tpu.memref_slice %arg8[%add3A_344, %dma_start3A_400] : memref<10240x128xf32, #tpu.memory_space<vmem_shared>> -> memref<64x128xf32, #tpu.memory_space<vmem_shared>>
      tpu.enqueue_dma source(%dma_start3A_401 : memref<64x128xf32, #tpu.memory_space<vmem_shared>>) target(%dma_start3A_399 : memref<64x128xf32, #tpu.memory_space<vmem>>) target_semaphore(%run_scoped3A_389 : memref<!tpu.dma_semaphore, #tpu.memory_space<semaphore_mem>>)
      %dma_wait3A_402 = arith.constant 0 : i32
      %dma_wait3A_403 = arith.constant 0 : i32
      %dma_wait3A_404 = tpu.memref_slice %arg7[%run_scoped3A_345, %dma_wait3A_402, %dma_wait3A_403] : memref<3x64x128xf32, #tpu.memory_space<vmem>> -> memref<1x64x128xf32, #tpu.memory_space<vmem>>
      %dma_wait3A_405 = tpu.memref_squeeze %dma_wait3A_404 : memref<1x64x128xf32, #tpu.memory_space<vmem>> -> memref<64x128xf32, #tpu.memory_space<vmem>>
      %dma_wait3A_406 = arith.constant 0 : i32
      %dma_wait3A_407 = tpu.memref_slice %arg8[%add3A_344, %dma_wait3A_406] : memref<10240x128xf32, #tpu.memory_space<vmem_shared>> -> memref<64x128xf32, #tpu.memory_space<vmem_shared>>
      %dma_wait3A_408 = arith.constant 0 : i32
      %dma_wait3A_409 = arith.constant 0 : i32
      %dma_wait3A_410 = tpu.memref_slice %arg7[%run_scoped3A_345, %dma_wait3A_408, %dma_wait3A_409] : memref<3x64x128xf32, #tpu.memory_space<vmem>> -> memref<1x64x128xf32, #tpu.memory_space<vmem>>
      %dma_wait3A_411 = tpu.memref_squeeze %dma_wait3A_410 : memref<1x64x128xf32, #tpu.memory_space<vmem>> -> memref<64x128xf32, #tpu.memory_space<vmem>>
      %dma_wait3A_412 = arith.constant 0 : i32
      %dma_wait3A_413 = tpu.memref_slice %arg8[%add3A_344, %dma_wait3A_412] : memref<10240x128xf32, #tpu.memory_space<vmem_shared>> -> memref<64x128xf32, #tpu.memory_space<vmem_shared>>
      tpu.wait_dma2 semaphore(%run_scoped3A_389 : memref<!tpu.dma_semaphore, #tpu.memory_space<semaphore_mem>>) src(%dma_wait3A_413 : memref<64x128xf32, #tpu.memory_space<vmem_shared>>) dst(%dma_wait3A_411 : memref<64x128xf32, #tpu.memory_space<vmem>>)
      tpu.yield
    }) : () -> ()
    %run_scoped3A_346 = arith.constant 0 : i32
    "tpu.region"() ({
      %run_scoped3A_389 = tpu.sem_alloc : memref<!tpu.dma_semaphore, #tpu.memory_space<semaphore_mem>>
      %dma_start3A_390 = arith.constant 0 : i32
      %dma_start3A_391 = arith.constant 0 : i32
      %dma_start3A_392 = tpu.memref_slice %arg7[%run_scoped3A_346, %dma_start3A_390, %dma_start3A_391] : memref<3x64x128xf32, #tpu.memory_space<vmem>> -> memref<1x64x128xf32, #tpu.memory_space<vmem>>
      %dma_start3A_393 = tpu.memref_squeeze %dma_start3A_392 : memref<1x64x128xf32, #tpu.memory_space<vmem>> -> memref<64x128xf32, #tpu.memory_space<vmem>>
      %dma_start3A_394 = arith.constant 0 : i32
      %dma_start3A_395 = tpu.memref_slice %arg4[%arg0, %add3A_344, %dma_start3A_394] : memref<2x10240x128xf32, #tpu.memory_space<hbm>> -> memref<1x64x128xf32, #tpu.memory_space<hbm>>
      %dma_start3A_396 = tpu.memref_squeeze %dma_start3A_395 : memref<1x64x128xf32, #tpu.memory_space<hbm>> -> memref<64x128xf32, #tpu.memory_space<hbm>>
      %dma_start3A_397 = arith.constant 0 : i32
      %dma_start3A_398 = tpu.memref_slice %arg4[%arg0, %add3A_344, %dma_start3A_397] : memref<2x10240x128xf32, #tpu.memory_space<hbm>> -> memref<1x64x128xf32, #tpu.memory_space<hbm>>
      %dma_start3A_399 = tpu.memref_squeeze %dma_start3A_398 : memref<1x64x128xf32, #tpu.memory_space<hbm>> -> memref<64x128xf32, #tpu.memory_space<hbm>>
      %dma_start3A_400 = arith.constant 0 : i32
      %dma_start3A_401 = arith.constant 0 : i32
      %dma_start3A_402 = tpu.memref_slice %arg7[%run_scoped3A_346, %dma_start3A_400, %dma_start3A_401] : memref<3x64x128xf32, #tpu.memory_space<vmem>> -> memref<1x64x128xf32, #tpu.memory_space<vmem>>
      %dma_start3A_403 = tpu.memref_squeeze %dma_start3A_402 : memref<1x64x128xf32, #tpu.memory_space<vmem>> -> memref<64x128xf32, #tpu.memory_space<vmem>>
      tpu.enqueue_dma source(%dma_start3A_403 : memref<64x128xf32, #tpu.memory_space<vmem>>) target(%dma_start3A_399 : memref<64x128xf32, #tpu.memory_space<hbm>>) target_semaphore(%run_scoped3A_389 : memref<!tpu.dma_semaphore, #tpu.memory_space<semaphore_mem>>)
      %dma_wait3A_404 = arith.constant 0 : i32
      %dma_wait3A_405 = arith.constant 0 : i32
      %dma_wait3A_406 = tpu.memref_slice %arg7[%run_scoped3A_346, %dma_wait3A_404, %dma_wait3A_405] : memref<3x64x128xf32, #tpu.memory_space<vmem>> -> memref<1x64x128xf32, #tpu.memory_space<vmem>>
      %dma_wait3A_407 = tpu.memref_squeeze %dma_wait3A_406 : memref<1x64x128xf32, #tpu.memory_space<vmem>> -> memref<64x128xf32, #tpu.memory_space<vmem>>
      %dma_wait3A_408 = arith.constant 0 : i32
      %dma_wait3A_409 = tpu.memref_slice %arg4[%arg0, %add3A_344, %dma_wait3A_408] : memref<2x10240x128xf32, #tpu.memory_space<hbm>> -> memref<1x64x128xf32, #tpu.memory_space<hbm>>
      %dma_wait3A_410 = tpu.memref_squeeze %dma_wait3A_409 : memref<1x64x128xf32, #tpu.memory_space<hbm>> -> memref<64x128xf32, #tpu.memory_space<hbm>>
      %dma_wait3A_411 = arith.constant 0 : i32
      %dma_wait3A_412 = tpu.memref_slice %arg4[%arg0, %add3A_344, %dma_wait3A_411] : memref<2x10240x128xf32, #tpu.memory_space<hbm>> -> memref<1x64x128xf32, #tpu.memory_space<hbm>>
      %dma_wait3A_413 = tpu.memref_squeeze %dma_wait3A_412 : memref<1x64x128xf32, #tpu.memory_space<hbm>> -> memref<64x128xf32, #tpu.memory_space<hbm>>
      %dma_wait3A_414 = arith.constant 0 : i32
      %dma_wait3A_415 = arith.constant 0 : i32
      %dma_wait3A_416 = tpu.memref_slice %arg7[%run_scoped3A_346, %dma_wait3A_414, %dma_wait3A_415] : memref<3x64x128xf32, #tpu.memory_space<vmem>> -> memref<1x64x128xf32, #tpu.memory_space<vmem>>
      %dma_wait3A_417 = tpu.memref_squeeze %dma_wait3A_416 : memref<1x64x128xf32, #tpu.memory_space<vmem>> -> memref<64x128xf32, #tpu.memory_space<vmem>>
      tpu.wait_dma2 semaphore(%run_scoped3A_389 : memref<!tpu.dma_semaphore, #tpu.memory_space<semaphore_mem>>) src(%dma_wait3A_417 : memref<64x128xf32, #tpu.memory_space<vmem>>) dst(%dma_wait3A_413 : memref<64x128xf32, #tpu.memory_space<hbm>>)
      tpu.yield
    }) : () -> ()
    %mul3A_347 = arith.constant 640 : i32
    %mul3A_348 = arith.muli %arg1, %mul3A_347 : i32
    %add3A_349 = arith.constant 192 : i32
    %add3A_350 = arith.addi %mul3A_348, %add3A_349 : i32
    %run_scoped3A_351 = arith.constant 0 : i32
    "tpu.region"() ({
      %run_scoped3A_389 = tpu.sem_alloc : memref<!tpu.dma_semaphore, #tpu.memory_space<semaphore_mem>>
      %dma_start3A_390 = arith.constant 0 : i32
      %dma_start3A_391 = arith.constant 0 : i32
      %dma_start3A_392 = tpu.memref_slice %arg7[%run_scoped3A_351, %dma_start3A_390, %dma_start3A_391] : memref<3x64x128xf32, #tpu.memory_space<vmem>> -> memref<1x64x128xf32, #tpu.memory_space<vmem>>
      %dma_start3A_393 = tpu.memref_squeeze %dma_start3A_392 : memref<1x64x128xf32, #tpu.memory_space<vmem>> -> memref<64x128xf32, #tpu.memory_space<vmem>>
      %dma_start3A_394 = arith.constant 0 : i32
      %dma_start3A_395 = tpu.memref_slice %arg8[%add3A_350, %dma_start3A_394] : memref<10240x128xf32, #tpu.memory_space<vmem_shared>> -> memref<64x128xf32, #tpu.memory_space<vmem_shared>>
      %dma_start3A_396 = arith.constant 0 : i32
      %dma_start3A_397 = arith.constant 0 : i32
      %dma_start3A_398 = tpu.memref_slice %arg7[%run_scoped3A_351, %dma_start3A_396, %dma_start3A_397] : memref<3x64x128xf32, #tpu.memory_space<vmem>> -> memref<1x64x128xf32, #tpu.memory_space<vmem>>
      %dma_start3A_399 = tpu.memref_squeeze %dma_start3A_398 : memref<1x64x128xf32, #tpu.memory_space<vmem>> -> memref<64x128xf32, #tpu.memory_space<vmem>>
      %dma_start3A_400 = arith.constant 0 : i32
      %dma_start3A_401 = tpu.memref_slice %arg8[%add3A_350, %dma_start3A_400] : memref<10240x128xf32, #tpu.memory_space<vmem_shared>> -> memref<64x128xf32, #tpu.memory_space<vmem_shared>>
      tpu.enqueue_dma source(%dma_start3A_401 : memref<64x128xf32, #tpu.memory_space<vmem_shared>>) target(%dma_start3A_399 : memref<64x128xf32, #tpu.memory_space<vmem>>) target_semaphore(%run_scoped3A_389 : memref<!tpu.dma_semaphore, #tpu.memory_space<semaphore_mem>>)
      %dma_wait3A_402 = arith.constant 0 : i32
      %dma_wait3A_403 = arith.constant 0 : i32
      %dma_wait3A_404 = tpu.memref_slice %arg7[%run_scoped3A_351, %dma_wait3A_402, %dma_wait3A_403] : memref<3x64x128xf32, #tpu.memory_space<vmem>> -> memref<1x64x128xf32, #tpu.memory_space<vmem>>
      %dma_wait3A_405 = tpu.memref_squeeze %dma_wait3A_404 : memref<1x64x128xf32, #tpu.memory_space<vmem>> -> memref<64x128xf32, #tpu.memory_space<vmem>>
      %dma_wait3A_406 = arith.constant 0 : i32
      %dma_wait3A_407 = tpu.memref_slice %arg8[%add3A_350, %dma_wait3A_406] : memref<10240x128xf32, #tpu.memory_space<vmem_shared>> -> memref<64x128xf32, #tpu.memory_space<vmem_shared>>
      %dma_wait3A_408 = arith.constant 0 : i32
      %dma_wait3A_409 = arith.constant 0 : i32
      %dma_wait3A_410 = tpu.memref_slice %arg7[%run_scoped3A_351, %dma_wait3A_408, %dma_wait3A_409] : memref<3x64x128xf32, #tpu.memory_space<vmem>> -> memref<1x64x128xf32, #tpu.memory_space<vmem>>
      %dma_wait3A_411 = tpu.memref_squeeze %dma_wait3A_410 : memref<1x64x128xf32, #tpu.memory_space<vmem>> -> memref<64x128xf32, #tpu.memory_space<vmem>>
      %dma_wait3A_412 = arith.constant 0 : i32
      %dma_wait3A_413 = tpu.memref_slice %arg8[%add3A_350, %dma_wait3A_412] : memref<10240x128xf32, #tpu.memory_space<vmem_shared>> -> memref<64x128xf32, #tpu.memory_space<vmem_shared>>
      tpu.wait_dma2 semaphore(%run_scoped3A_389 : memref<!tpu.dma_semaphore, #tpu.memory_space<semaphore_mem>>) src(%dma_wait3A_413 : memref<64x128xf32, #tpu.memory_space<vmem_shared>>) dst(%dma_wait3A_411 : memref<64x128xf32, #tpu.memory_space<vmem>>)
      tpu.yield
    }) : () -> ()
    %run_scoped3A_352 = arith.constant 0 : i32
    "tpu.region"() ({
      %run_scoped3A_389 = tpu.sem_alloc : memref<!tpu.dma_semaphore, #tpu.memory_space<semaphore_mem>>
      %dma_start3A_390 = arith.constant 0 : i32
      %dma_start3A_391 = arith.constant 0 : i32
      %dma_start3A_392 = tpu.memref_slice %arg7[%run_scoped3A_352, %dma_start3A_390, %dma_start3A_391] : memref<3x64x128xf32, #tpu.memory_space<vmem>> -> memref<1x64x128xf32, #tpu.memory_space<vmem>>
      %dma_start3A_393 = tpu.memref_squeeze %dma_start3A_392 : memref<1x64x128xf32, #tpu.memory_space<vmem>> -> memref<64x128xf32, #tpu.memory_space<vmem>>
      %dma_start3A_394 = arith.constant 0 : i32
      %dma_start3A_395 = tpu.memref_slice %arg4[%arg0, %add3A_350, %dma_start3A_394] : memref<2x10240x128xf32, #tpu.memory_space<hbm>> -> memref<1x64x128xf32, #tpu.memory_space<hbm>>
      %dma_start3A_396 = tpu.memref_squeeze %dma_start3A_395 : memref<1x64x128xf32, #tpu.memory_space<hbm>> -> memref<64x128xf32, #tpu.memory_space<hbm>>
      %dma_start3A_397 = arith.constant 0 : i32
      %dma_start3A_398 = tpu.memref_slice %arg4[%arg0, %add3A_350, %dma_start3A_397] : memref<2x10240x128xf32, #tpu.memory_space<hbm>> -> memref<1x64x128xf32, #tpu.memory_space<hbm>>
      %dma_start3A_399 = tpu.memref_squeeze %dma_start3A_398 : memref<1x64x128xf32, #tpu.memory_space<hbm>> -> memref<64x128xf32, #tpu.memory_space<hbm>>
      %dma_start3A_400 = arith.constant 0 : i32
      %dma_start3A_401 = arith.constant 0 : i32
      %dma_start3A_402 = tpu.memref_slice %arg7[%run_scoped3A_352, %dma_start3A_400, %dma_start3A_401] : memref<3x64x128xf32, #tpu.memory_space<vmem>> -> memref<1x64x128xf32, #tpu.memory_space<vmem>>
      %dma_start3A_403 = tpu.memref_squeeze %dma_start3A_402 : memref<1x64x128xf32, #tpu.memory_space<vmem>> -> memref<64x128xf32, #tpu.memory_space<vmem>>
      tpu.enqueue_dma source(%dma_start3A_403 : memref<64x128xf32, #tpu.memory_space<vmem>>) target(%dma_start3A_399 : memref<64x128xf32, #tpu.memory_space<hbm>>) target_semaphore(%run_scoped3A_389 : memref<!tpu.dma_semaphore, #tpu.memory_space<semaphore_mem>>)
      %dma_wait3A_404 = arith.constant 0 : i32
      %dma_wait3A_405 = arith.constant 0 : i32
      %dma_wait3A_406 = tpu.memref_slice %arg7[%run_scoped3A_352, %dma_wait3A_404, %dma_wait3A_405] : memref<3x64x128xf32, #tpu.memory_space<vmem>> -> memref<1x64x128xf32, #tpu.memory_space<vmem>>
      %dma_wait3A_407 = tpu.memref_squeeze %dma_wait3A_406 : memref<1x64x128xf32, #tpu.memory_space<vmem>> -> memref<64x128xf32, #tpu.memory_space<vmem>>
      %dma_wait3A_408 = arith.constant 0 : i32
      %dma_wait3A_409 = tpu.memref_slice %arg4[%arg0, %add3A_350, %dma_wait3A_408] : memref<2x10240x128xf32, #tpu.memory_space<hbm>> -> memref<1x64x128xf32, #tpu.memory_space<hbm>>
      %dma_wait3A_410 = tpu.memref_squeeze %dma_wait3A_409 : memref<1x64x128xf32, #tpu.memory_space<hbm>> -> memref<64x128xf32, #tpu.memory_space<hbm>>
      %dma_wait3A_411 = arith.constant 0 : i32
      %dma_wait3A_412 = tpu.memref_slice %arg4[%arg0, %add3A_350, %dma_wait3A_411] : memref<2x10240x128xf32, #tpu.memory_space<hbm>> -> memref<1x64x128xf32, #tpu.memory_space<hbm>>
      %dma_wait3A_413 = tpu.memref_squeeze %dma_wait3A_412 : memref<1x64x128xf32, #tpu.memory_space<hbm>> -> memref<64x128xf32, #tpu.memory_space<hbm>>
      %dma_wait3A_414 = arith.constant 0 : i32
      %dma_wait3A_415 = arith.constant 0 : i32
      %dma_wait3A_416 = tpu.memref_slice %arg7[%run_scoped3A_352, %dma_wait3A_414, %dma_wait3A_415] : memref<3x64x128xf32, #tpu.memory_space<vmem>> -> memref<1x64x128xf32, #tpu.memory_space<vmem>>
      %dma_wait3A_417 = tpu.memref_squeeze %dma_wait3A_416 : memref<1x64x128xf32, #tpu.memory_space<vmem>> -> memref<64x128xf32, #tpu.memory_space<vmem>>
      tpu.wait_dma2 semaphore(%run_scoped3A_389 : memref<!tpu.dma_semaphore, #tpu.memory_space<semaphore_mem>>) src(%dma_wait3A_417 : memref<64x128xf32, #tpu.memory_space<vmem>>) dst(%dma_wait3A_413 : memref<64x128xf32, #tpu.memory_space<hbm>>)
      tpu.yield
    }) : () -> ()
    %mul3A_353 = arith.constant 640 : i32
    %mul3A_354 = arith.muli %arg1, %mul3A_353 : i32
    %add3A_355 = arith.constant 256 : i32
    %add3A_356 = arith.addi %mul3A_354, %add3A_355 : i32
    %run_scoped3A_357 = arith.constant 0 : i32
    "tpu.region"() ({
      %run_scoped3A_389 = tpu.sem_alloc : memref<!tpu.dma_semaphore, #tpu.memory_space<semaphore_mem>>
      %dma_start3A_390 = arith.constant 0 : i32
      %dma_start3A_391 = arith.constant 0 : i32
      %dma_start3A_392 = tpu.memref_slice %arg7[%run_scoped3A_357, %dma_start3A_390, %dma_start3A_391] : memref<3x64x128xf32, #tpu.memory_space<vmem>> -> memref<1x64x128xf32, #tpu.memory_space<vmem>>
      %dma_start3A_393 = tpu.memref_squeeze %dma_start3A_392 : memref<1x64x128xf32, #tpu.memory_space<vmem>> -> memref<64x128xf32, #tpu.memory_space<vmem>>
      %dma_start3A_394 = arith.constant 0 : i32
      %dma_start3A_395 = tpu.memref_slice %arg8[%add3A_356, %dma_start3A_394] : memref<10240x128xf32, #tpu.memory_space<vmem_shared>> -> memref<64x128xf32, #tpu.memory_space<vmem_shared>>
      %dma_start3A_396 = arith.constant 0 : i32
      %dma_start3A_397 = arith.constant 0 : i32
      %dma_start3A_398 = tpu.memref_slice %arg7[%run_scoped3A_357, %dma_start3A_396, %dma_start3A_397] : memref<3x64x128xf32, #tpu.memory_space<vmem>> -> memref<1x64x128xf32, #tpu.memory_space<vmem>>
      %dma_start3A_399 = tpu.memref_squeeze %dma_start3A_398 : memref<1x64x128xf32, #tpu.memory_space<vmem>> -> memref<64x128xf32, #tpu.memory_space<vmem>>
      %dma_start3A_400 = arith.constant 0 : i32
      %dma_start3A_401 = tpu.memref_slice %arg8[%add3A_356, %dma_start3A_400] : memref<10240x128xf32, #tpu.memory_space<vmem_shared>> -> memref<64x128xf32, #tpu.memory_space<vmem_shared>>
      tpu.enqueue_dma source(%dma_start3A_401 : memref<64x128xf32, #tpu.memory_space<vmem_shared>>) target(%dma_start3A_399 : memref<64x128xf32, #tpu.memory_space<vmem>>) target_semaphore(%run_scoped3A_389 : memref<!tpu.dma_semaphore, #tpu.memory_space<semaphore_mem>>)
      %dma_wait3A_402 = arith.constant 0 : i32
      %dma_wait3A_403 = arith.constant 0 : i32
      %dma_wait3A_404 = tpu.memref_slice %arg7[%run_scoped3A_357, %dma_wait3A_402, %dma_wait3A_403] : memref<3x64x128xf32, #tpu.memory_space<vmem>> -> memref<1x64x128xf32, #tpu.memory_space<vmem>>
      %dma_wait3A_405 = tpu.memref_squeeze %dma_wait3A_404 : memref<1x64x128xf32, #tpu.memory_space<vmem>> -> memref<64x128xf32, #tpu.memory_space<vmem>>
      %dma_wait3A_406 = arith.constant 0 : i32
      %dma_wait3A_407 = tpu.memref_slice %arg8[%add3A_356, %dma_wait3A_406] : memref<10240x128xf32, #tpu.memory_space<vmem_shared>> -> memref<64x128xf32, #tpu.memory_space<vmem_shared>>
      %dma_wait3A_408 = arith.constant 0 : i32
      %dma_wait3A_409 = arith.constant 0 : i32
      %dma_wait3A_410 = tpu.memref_slice %arg7[%run_scoped3A_357, %dma_wait3A_408, %dma_wait3A_409] : memref<3x64x128xf32, #tpu.memory_space<vmem>> -> memref<1x64x128xf32, #tpu.memory_space<vmem>>
      %dma_wait3A_411 = tpu.memref_squeeze %dma_wait3A_410 : memref<1x64x128xf32, #tpu.memory_space<vmem>> -> memref<64x128xf32, #tpu.memory_space<vmem>>
      %dma_wait3A_412 = arith.constant 0 : i32
      %dma_wait3A_413 = tpu.memref_slice %arg8[%add3A_356, %dma_wait3A_412] : memref<10240x128xf32, #tpu.memory_space<vmem_shared>> -> memref<64x128xf32, #tpu.memory_space<vmem_shared>>
      tpu.wait_dma2 semaphore(%run_scoped3A_389 : memref<!tpu.dma_semaphore, #tpu.memory_space<semaphore_mem>>) src(%dma_wait3A_413 : memref<64x128xf32, #tpu.memory_space<vmem_shared>>) dst(%dma_wait3A_411 : memref<64x128xf32, #tpu.memory_space<vmem>>)
      tpu.yield
    }) : () -> ()
    %run_scoped3A_358 = arith.constant 0 : i32
    "tpu.region"() ({
      %run_scoped3A_389 = tpu.sem_alloc : memref<!tpu.dma_semaphore, #tpu.memory_space<semaphore_mem>>
      %dma_start3A_390 = arith.constant 0 : i32
      %dma_start3A_391 = arith.constant 0 : i32
      %dma_start3A_392 = tpu.memref_slice %arg7[%run_scoped3A_358, %dma_start3A_390, %dma_start3A_391] : memref<3x64x128xf32, #tpu.memory_space<vmem>> -> memref<1x64x128xf32, #tpu.memory_space<vmem>>
      %dma_start3A_393 = tpu.memref_squeeze %dma_start3A_392 : memref<1x64x128xf32, #tpu.memory_space<vmem>> -> memref<64x128xf32, #tpu.memory_space<vmem>>
      %dma_start3A_394 = arith.constant 0 : i32
      %dma_start3A_395 = tpu.memref_slice %arg4[%arg0, %add3A_356, %dma_start3A_394] : memref<2x10240x128xf32, #tpu.memory_space<hbm>> -> memref<1x64x128xf32, #tpu.memory_space<hbm>>
      %dma_start3A_396 = tpu.memref_squeeze %dma_start3A_395 : memref<1x64x128xf32, #tpu.memory_space<hbm>> -> memref<64x128xf32, #tpu.memory_space<hbm>>
      %dma_start3A_397 = arith.constant 0 : i32
      %dma_start3A_398 = tpu.memref_slice %arg4[%arg0, %add3A_356, %dma_start3A_397] : memref<2x10240x128xf32, #tpu.memory_space<hbm>> -> memref<1x64x128xf32, #tpu.memory_space<hbm>>
      %dma_start3A_399 = tpu.memref_squeeze %dma_start3A_398 : memref<1x64x128xf32, #tpu.memory_space<hbm>> -> memref<64x128xf32, #tpu.memory_space<hbm>>
      %dma_start3A_400 = arith.constant 0 : i32
      %dma_start3A_401 = arith.constant 0 : i32
      %dma_start3A_402 = tpu.memref_slice %arg7[%run_scoped3A_358, %dma_start3A_400, %dma_start3A_401] : memref<3x64x128xf32, #tpu.memory_space<vmem>> -> memref<1x64x128xf32, #tpu.memory_space<vmem>>
      %dma_start3A_403 = tpu.memref_squeeze %dma_start3A_402 : memref<1x64x128xf32, #tpu.memory_space<vmem>> -> memref<64x128xf32, #tpu.memory_space<vmem>>
      tpu.enqueue_dma source(%dma_start3A_403 : memref<64x128xf32, #tpu.memory_space<vmem>>) target(%dma_start3A_399 : memref<64x128xf32, #tpu.memory_space<hbm>>) target_semaphore(%run_scoped3A_389 : memref<!tpu.dma_semaphore, #tpu.memory_space<semaphore_mem>>)
      %dma_wait3A_404 = arith.constant 0 : i32
      %dma_wait3A_405 = arith.constant 0 : i32
      %dma_wait3A_406 = tpu.memref_slice %arg7[%run_scoped3A_358, %dma_wait3A_404, %dma_wait3A_405] : memref<3x64x128xf32, #tpu.memory_space<vmem>> -> memref<1x64x128xf32, #tpu.memory_space<vmem>>
      %dma_wait3A_407 = tpu.memref_squeeze %dma_wait3A_406 : memref<1x64x128xf32, #tpu.memory_space<vmem>> -> memref<64x128xf32, #tpu.memory_space<vmem>>
      %dma_wait3A_408 = arith.constant 0 : i32
      %dma_wait3A_409 = tpu.memref_slice %arg4[%arg0, %add3A_356, %dma_wait3A_408] : memref<2x10240x128xf32, #tpu.memory_space<hbm>> -> memref<1x64x128xf32, #tpu.memory_space<hbm>>
      %dma_wait3A_410 = tpu.memref_squeeze %dma_wait3A_409 : memref<1x64x128xf32, #tpu.memory_space<hbm>> -> memref<64x128xf32, #tpu.memory_space<hbm>>
      %dma_wait3A_411 = arith.constant 0 : i32
      %dma_wait3A_412 = tpu.memref_slice %arg4[%arg0, %add3A_356, %dma_wait3A_411] : memref<2x10240x128xf32, #tpu.memory_space<hbm>> -> memref<1x64x128xf32, #tpu.memory_space<hbm>>
      %dma_wait3A_413 = tpu.memref_squeeze %dma_wait3A_412 : memref<1x64x128xf32, #tpu.memory_space<hbm>> -> memref<64x128xf32, #tpu.memory_space<hbm>>
      %dma_wait3A_414 = arith.constant 0 : i32
      %dma_wait3A_415 = arith.constant 0 : i32
      %dma_wait3A_416 = tpu.memref_slice %arg7[%run_scoped3A_358, %dma_wait3A_414, %dma_wait3A_415] : memref<3x64x128xf32, #tpu.memory_space<vmem>> -> memref<1x64x128xf32, #tpu.memory_space<vmem>>
      %dma_wait3A_417 = tpu.memref_squeeze %dma_wait3A_416 : memref<1x64x128xf32, #tpu.memory_space<vmem>> -> memref<64x128xf32, #tpu.memory_space<vmem>>
      tpu.wait_dma2 semaphore(%run_scoped3A_389 : memref<!tpu.dma_semaphore, #tpu.memory_space<semaphore_mem>>) src(%dma_wait3A_417 : memref<64x128xf32, #tpu.memory_space<vmem>>) dst(%dma_wait3A_413 : memref<64x128xf32, #tpu.memory_space<hbm>>)
      tpu.yield
    }) : () -> ()
    %mul3A_359 = arith.constant 640 : i32
    %mul3A_360 = arith.muli %arg1, %mul3A_359 : i32
    %add3A_361 = arith.constant 320 : i32
    %add3A_362 = arith.addi %mul3A_360, %add3A_361 : i32
    %run_scoped3A_363 = arith.constant 0 : i32
    "tpu.region"() ({
      %run_scoped3A_389 = tpu.sem_alloc : memref<!tpu.dma_semaphore, #tpu.memory_space<semaphore_mem>>
      %dma_start3A_390 = arith.constant 0 : i32
      %dma_start3A_391 = arith.constant 0 : i32
      %dma_start3A_392 = tpu.memref_slice %arg7[%run_scoped3A_363, %dma_start3A_390, %dma_start3A_391] : memref<3x64x128xf32, #tpu.memory_space<vmem>> -> memref<1x64x128xf32, #tpu.memory_space<vmem>>
      %dma_start3A_393 = tpu.memref_squeeze %dma_start3A_392 : memref<1x64x128xf32, #tpu.memory_space<vmem>> -> memref<64x128xf32, #tpu.memory_space<vmem>>
      %dma_start3A_394 = arith.constant 0 : i32
      %dma_start3A_395 = tpu.memref_slice %arg8[%add3A_362, %dma_start3A_394] : memref<10240x128xf32, #tpu.memory_space<vmem_shared>> -> memref<64x128xf32, #tpu.memory_space<vmem_shared>>
      %dma_start3A_396 = arith.constant 0 : i32
      %dma_start3A_397 = arith.constant 0 : i32
      %dma_start3A_398 = tpu.memref_slice %arg7[%run_scoped3A_363, %dma_start3A_396, %dma_start3A_397] : memref<3x64x128xf32, #tpu.memory_space<vmem>> -> memref<1x64x128xf32, #tpu.memory_space<vmem>>
      %dma_start3A_399 = tpu.memref_squeeze %dma_start3A_398 : memref<1x64x128xf32, #tpu.memory_space<vmem>> -> memref<64x128xf32, #tpu.memory_space<vmem>>
      %dma_start3A_400 = arith.constant 0 : i32
      %dma_start3A_401 = tpu.memref_slice %arg8[%add3A_362, %dma_start3A_400] : memref<10240x128xf32, #tpu.memory_space<vmem_shared>> -> memref<64x128xf32, #tpu.memory_space<vmem_shared>>
      tpu.enqueue_dma source(%dma_start3A_401 : memref<64x128xf32, #tpu.memory_space<vmem_shared>>) target(%dma_start3A_399 : memref<64x128xf32, #tpu.memory_space<vmem>>) target_semaphore(%run_scoped3A_389 : memref<!tpu.dma_semaphore, #tpu.memory_space<semaphore_mem>>)
      %dma_wait3A_402 = arith.constant 0 : i32
      %dma_wait3A_403 = arith.constant 0 : i32
      %dma_wait3A_404 = tpu.memref_slice %arg7[%run_scoped3A_363, %dma_wait3A_402, %dma_wait3A_403] : memref<3x64x128xf32, #tpu.memory_space<vmem>> -> memref<1x64x128xf32, #tpu.memory_space<vmem>>
      %dma_wait3A_405 = tpu.memref_squeeze %dma_wait3A_404 : memref<1x64x128xf32, #tpu.memory_space<vmem>> -> memref<64x128xf32, #tpu.memory_space<vmem>>
      %dma_wait3A_406 = arith.constant 0 : i32
      %dma_wait3A_407 = tpu.memref_slice %arg8[%add3A_362, %dma_wait3A_406] : memref<10240x128xf32, #tpu.memory_space<vmem_shared>> -> memref<64x128xf32, #tpu.memory_space<vmem_shared>>
      %dma_wait3A_408 = arith.constant 0 : i32
      %dma_wait3A_409 = arith.constant 0 : i32
      %dma_wait3A_410 = tpu.memref_slice %arg7[%run_scoped3A_363, %dma_wait3A_408, %dma_wait3A_409] : memref<3x64x128xf32, #tpu.memory_space<vmem>> -> memref<1x64x128xf32, #tpu.memory_space<vmem>>
      %dma_wait3A_411 = tpu.memref_squeeze %dma_wait3A_410 : memref<1x64x128xf32, #tpu.memory_space<vmem>> -> memref<64x128xf32, #tpu.memory_space<vmem>>
      %dma_wait3A_412 = arith.constant 0 : i32
      %dma_wait3A_413 = tpu.memref_slice %arg8[%add3A_362, %dma_wait3A_412] : memref<10240x128xf32, #tpu.memory_space<vmem_shared>> -> memref<64x128xf32, #tpu.memory_space<vmem_shared>>
      tpu.wait_dma2 semaphore(%run_scoped3A_389 : memref<!tpu.dma_semaphore, #tpu.memory_space<semaphore_mem>>) src(%dma_wait3A_413 : memref<64x128xf32, #tpu.memory_space<vmem_shared>>) dst(%dma_wait3A_411 : memref<64x128xf32, #tpu.memory_space<vmem>>)
      tpu.yield
    }) : () -> ()
    %run_scoped3A_364 = arith.constant 0 : i32
    "tpu.region"() ({
      %run_scoped3A_389 = tpu.sem_alloc : memref<!tpu.dma_semaphore, #tpu.memory_space<semaphore_mem>>
      %dma_start3A_390 = arith.constant 0 : i32
      %dma_start3A_391 = arith.constant 0 : i32
      %dma_start3A_392 = tpu.memref_slice %arg7[%run_scoped3A_364, %dma_start3A_390, %dma_start3A_391] : memref<3x64x128xf32, #tpu.memory_space<vmem>> -> memref<1x64x128xf32, #tpu.memory_space<vmem>>
      %dma_start3A_393 = tpu.memref_squeeze %dma_start3A_392 : memref<1x64x128xf32, #tpu.memory_space<vmem>> -> memref<64x128xf32, #tpu.memory_space<vmem>>
      %dma_start3A_394 = arith.constant 0 : i32
      %dma_start3A_395 = tpu.memref_slice %arg4[%arg0, %add3A_362, %dma_start3A_394] : memref<2x10240x128xf32, #tpu.memory_space<hbm>> -> memref<1x64x128xf32, #tpu.memory_space<hbm>>
      %dma_start3A_396 = tpu.memref_squeeze %dma_start3A_395 : memref<1x64x128xf32, #tpu.memory_space<hbm>> -> memref<64x128xf32, #tpu.memory_space<hbm>>
      %dma_start3A_397 = arith.constant 0 : i32
      %dma_start3A_398 = tpu.memref_slice %arg4[%arg0, %add3A_362, %dma_start3A_397] : memref<2x10240x128xf32, #tpu.memory_space<hbm>> -> memref<1x64x128xf32, #tpu.memory_space<hbm>>
      %dma_start3A_399 = tpu.memref_squeeze %dma_start3A_398 : memref<1x64x128xf32, #tpu.memory_space<hbm>> -> memref<64x128xf32, #tpu.memory_space<hbm>>
      %dma_start3A_400 = arith.constant 0 : i32
      %dma_start3A_401 = arith.constant 0 : i32
      %dma_start3A_402 = tpu.memref_slice %arg7[%run_scoped3A_364, %dma_start3A_400, %dma_start3A_401] : memref<3x64x128xf32, #tpu.memory_space<vmem>> -> memref<1x64x128xf32, #tpu.memory_space<vmem>>
      %dma_start3A_403 = tpu.memref_squeeze %dma_start3A_402 : memref<1x64x128xf32, #tpu.memory_space<vmem>> -> memref<64x128xf32, #tpu.memory_space<vmem>>
      tpu.enqueue_dma source(%dma_start3A_403 : memref<64x128xf32, #tpu.memory_space<vmem>>) target(%dma_start3A_399 : memref<64x128xf32, #tpu.memory_space<hbm>>) target_semaphore(%run_scoped3A_389 : memref<!tpu.dma_semaphore, #tpu.memory_space<semaphore_mem>>)
      %dma_wait3A_404 = arith.constant 0 : i32
      %dma_wait3A_405 = arith.constant 0 : i32
      %dma_wait3A_406 = tpu.memref_slice %arg7[%run_scoped3A_364, %dma_wait3A_404, %dma_wait3A_405] : memref<3x64x128xf32, #tpu.memory_space<vmem>> -> memref<1x64x128xf32, #tpu.memory_space<vmem>>
      %dma_wait3A_407 = tpu.memref_squeeze %dma_wait3A_406 : memref<1x64x128xf32, #tpu.memory_space<vmem>> -> memref<64x128xf32, #tpu.memory_space<vmem>>
      %dma_wait3A_408 = arith.constant 0 : i32
      %dma_wait3A_409 = tpu.memref_slice %arg4[%arg0, %add3A_362, %dma_wait3A_408] : memref<2x10240x128xf32, #tpu.memory_space<hbm>> -> memref<1x64x128xf32, #tpu.memory_space<hbm>>
      %dma_wait3A_410 = tpu.memref_squeeze %dma_wait3A_409 : memref<1x64x128xf32, #tpu.memory_space<hbm>> -> memref<64x128xf32, #tpu.memory_space<hbm>>
      %dma_wait3A_411 = arith.constant 0 : i32
      %dma_wait3A_412 = tpu.memref_slice %arg4[%arg0, %add3A_362, %dma_wait3A_411] : memref<2x10240x128xf32, #tpu.memory_space<hbm>> -> memref<1x64x128xf32, #tpu.memory_space<hbm>>
      %dma_wait3A_413 = tpu.memref_squeeze %dma_wait3A_412 : memref<1x64x128xf32, #tpu.memory_space<hbm>> -> memref<64x128xf32, #tpu.memory_space<hbm>>
      %dma_wait3A_414 = arith.constant 0 : i32
      %dma_wait3A_415 = arith.constant 0 : i32
      %dma_wait3A_416 = tpu.memref_slice %arg7[%run_scoped3A_364, %dma_wait3A_414, %dma_wait3A_415] : memref<3x64x128xf32, #tpu.memory_space<vmem>> -> memref<1x64x128xf32, #tpu.memory_space<vmem>>
      %dma_wait3A_417 = tpu.memref_squeeze %dma_wait3A_416 : memref<1x64x128xf32, #tpu.memory_space<vmem>> -> memref<64x128xf32, #tpu.memory_space<vmem>>
      tpu.wait_dma2 semaphore(%run_scoped3A_389 : memref<!tpu.dma_semaphore, #tpu.memory_space<semaphore_mem>>) src(%dma_wait3A_417 : memref<64x128xf32, #tpu.memory_space<vmem>>) dst(%dma_wait3A_413 : memref<64x128xf32, #tpu.memory_space<hbm>>)
      tpu.yield
    }) : () -> ()
    %mul3A_365 = arith.constant 640 : i32
    %mul3A_366 = arith.muli %arg1, %mul3A_365 : i32
    %add3A_367 = arith.constant 384 : i32
    %add3A_368 = arith.addi %mul3A_366, %add3A_367 : i32
    %run_scoped3A_369 = arith.constant 0 : i32
    "tpu.region"() ({
      %run_scoped3A_389 = tpu.sem_alloc : memref<!tpu.dma_semaphore, #tpu.memory_space<semaphore_mem>>
      %dma_start3A_390 = arith.constant 0 : i32
      %dma_start3A_391 = arith.constant 0 : i32
      %dma_start3A_392 = tpu.memref_slice %arg7[%run_scoped3A_369, %dma_start3A_390, %dma_start3A_391] : memref<3x64x128xf32, #tpu.memory_space<vmem>> -> memref<1x64x128xf32, #tpu.memory_space<vmem>>
      %dma_start3A_393 = tpu.memref_squeeze %dma_start3A_392 : memref<1x64x128xf32, #tpu.memory_space<vmem>> -> memref<64x128xf32, #tpu.memory_space<vmem>>
      %dma_start3A_394 = arith.constant 0 : i32
      %dma_start3A_395 = tpu.memref_slice %arg8[%add3A_368, %dma_start3A_394] : memref<10240x128xf32, #tpu.memory_space<vmem_shared>> -> memref<64x128xf32, #tpu.memory_space<vmem_shared>>
      %dma_start3A_396 = arith.constant 0 : i32
      %dma_start3A_397 = arith.constant 0 : i32
      %dma_start3A_398 = tpu.memref_slice %arg7[%run_scoped3A_369, %dma_start3A_396, %dma_start3A_397] : memref<3x64x128xf32, #tpu.memory_space<vmem>> -> memref<1x64x128xf32, #tpu.memory_space<vmem>>
      %dma_start3A_399 = tpu.memref_squeeze %dma_start3A_398 : memref<1x64x128xf32, #tpu.memory_space<vmem>> -> memref<64x128xf32, #tpu.memory_space<vmem>>
      %dma_start3A_400 = arith.constant 0 : i32
      %dma_start3A_401 = tpu.memref_slice %arg8[%add3A_368, %dma_start3A_400] : memref<10240x128xf32, #tpu.memory_space<vmem_shared>> -> memref<64x128xf32, #tpu.memory_space<vmem_shared>>
      tpu.enqueue_dma source(%dma_start3A_401 : memref<64x128xf32, #tpu.memory_space<vmem_shared>>) target(%dma_start3A_399 : memref<64x128xf32, #tpu.memory_space<vmem>>) target_semaphore(%run_scoped3A_389 : memref<!tpu.dma_semaphore, #tpu.memory_space<semaphore_mem>>)
      %dma_wait3A_402 = arith.constant 0 : i32
      %dma_wait3A_403 = arith.constant 0 : i32
      %dma_wait3A_404 = tpu.memref_slice %arg7[%run_scoped3A_369, %dma_wait3A_402, %dma_wait3A_403] : memref<3x64x128xf32, #tpu.memory_space<vmem>> -> memref<1x64x128xf32, #tpu.memory_space<vmem>>
      %dma_wait3A_405 = tpu.memref_squeeze %dma_wait3A_404 : memref<1x64x128xf32, #tpu.memory_space<vmem>> -> memref<64x128xf32, #tpu.memory_space<vmem>>
      %dma_wait3A_406 = arith.constant 0 : i32
      %dma_wait3A_407 = tpu.memref_slice %arg8[%add3A_368, %dma_wait3A_406] : memref<10240x128xf32, #tpu.memory_space<vmem_shared>> -> memref<64x128xf32, #tpu.memory_space<vmem_shared>>
      %dma_wait3A_408 = arith.constant 0 : i32
      %dma_wait3A_409 = arith.constant 0 : i32
      %dma_wait3A_410 = tpu.memref_slice %arg7[%run_scoped3A_369, %dma_wait3A_408, %dma_wait3A_409] : memref<3x64x128xf32, #tpu.memory_space<vmem>> -> memref<1x64x128xf32, #tpu.memory_space<vmem>>
      %dma_wait3A_411 = tpu.memref_squeeze %dma_wait3A_410 : memref<1x64x128xf32, #tpu.memory_space<vmem>> -> memref<64x128xf32, #tpu.memory_space<vmem>>
      %dma_wait3A_412 = arith.constant 0 : i32
      %dma_wait3A_413 = tpu.memref_slice %arg8[%add3A_368, %dma_wait3A_412] : memref<10240x128xf32, #tpu.memory_space<vmem_shared>> -> memref<64x128xf32, #tpu.memory_space<vmem_shared>>
      tpu.wait_dma2 semaphore(%run_scoped3A_389 : memref<!tpu.dma_semaphore, #tpu.memory_space<semaphore_mem>>) src(%dma_wait3A_413 : memref<64x128xf32, #tpu.memory_space<vmem_shared>>) dst(%dma_wait3A_411 : memref<64x128xf32, #tpu.memory_space<vmem>>)
      tpu.yield
    }) : () -> ()
    %run_scoped3A_370 = arith.constant 0 : i32
    "tpu.region"() ({
      %run_scoped3A_389 = tpu.sem_alloc : memref<!tpu.dma_semaphore, #tpu.memory_space<semaphore_mem>>
      %dma_start3A_390 = arith.constant 0 : i32
      %dma_start3A_391 = arith.constant 0 : i32
      %dma_start3A_392 = tpu.memref_slice %arg7[%run_scoped3A_370, %dma_start3A_390, %dma_start3A_391] : memref<3x64x128xf32, #tpu.memory_space<vmem>> -> memref<1x64x128xf32, #tpu.memory_space<vmem>>
      %dma_start3A_393 = tpu.memref_squeeze %dma_start3A_392 : memref<1x64x128xf32, #tpu.memory_space<vmem>> -> memref<64x128xf32, #tpu.memory_space<vmem>>
      %dma_start3A_394 = arith.constant 0 : i32
      %dma_start3A_395 = tpu.memref_slice %arg4[%arg0, %add3A_368, %dma_start3A_394] : memref<2x10240x128xf32, #tpu.memory_space<hbm>> -> memref<1x64x128xf32, #tpu.memory_space<hbm>>
      %dma_start3A_396 = tpu.memref_squeeze %dma_start3A_395 : memref<1x64x128xf32, #tpu.memory_space<hbm>> -> memref<64x128xf32, #tpu.memory_space<hbm>>
      %dma_start3A_397 = arith.constant 0 : i32
      %dma_start3A_398 = tpu.memref_slice %arg4[%arg0, %add3A_368, %dma_start3A_397] : memref<2x10240x128xf32, #tpu.memory_space<hbm>> -> memref<1x64x128xf32, #tpu.memory_space<hbm>>
      %dma_start3A_399 = tpu.memref_squeeze %dma_start3A_398 : memref<1x64x128xf32, #tpu.memory_space<hbm>> -> memref<64x128xf32, #tpu.memory_space<hbm>>
      %dma_start3A_400 = arith.constant 0 : i32
      %dma_start3A_401 = arith.constant 0 : i32
      %dma_start3A_402 = tpu.memref_slice %arg7[%run_scoped3A_370, %dma_start3A_400, %dma_start3A_401] : memref<3x64x128xf32, #tpu.memory_space<vmem>> -> memref<1x64x128xf32, #tpu.memory_space<vmem>>
      %dma_start3A_403 = tpu.memref_squeeze %dma_start3A_402 : memref<1x64x128xf32, #tpu.memory_space<vmem>> -> memref<64x128xf32, #tpu.memory_space<vmem>>
      tpu.enqueue_dma source(%dma_start3A_403 : memref<64x128xf32, #tpu.memory_space<vmem>>) target(%dma_start3A_399 : memref<64x128xf32, #tpu.memory_space<hbm>>) target_semaphore(%run_scoped3A_389 : memref<!tpu.dma_semaphore, #tpu.memory_space<semaphore_mem>>)
      %dma_wait3A_404 = arith.constant 0 : i32
      %dma_wait3A_405 = arith.constant 0 : i32
      %dma_wait3A_406 = tpu.memref_slice %arg7[%run_scoped3A_370, %dma_wait3A_404, %dma_wait3A_405] : memref<3x64x128xf32, #tpu.memory_space<vmem>> -> memref<1x64x128xf32, #tpu.memory_space<vmem>>
      %dma_wait3A_407 = tpu.memref_squeeze %dma_wait3A_406 : memref<1x64x128xf32, #tpu.memory_space<vmem>> -> memref<64x128xf32, #tpu.memory_space<vmem>>
      %dma_wait3A_408 = arith.constant 0 : i32
      %dma_wait3A_409 = tpu.memref_slice %arg4[%arg0, %add3A_368, %dma_wait3A_408] : memref<2x10240x128xf32, #tpu.memory_space<hbm>> -> memref<1x64x128xf32, #tpu.memory_space<hbm>>
      %dma_wait3A_410 = tpu.memref_squeeze %dma_wait3A_409 : memref<1x64x128xf32, #tpu.memory_space<hbm>> -> memref<64x128xf32, #tpu.memory_space<hbm>>
      %dma_wait3A_411 = arith.constant 0 : i32
      %dma_wait3A_412 = tpu.memref_slice %arg4[%arg0, %add3A_368, %dma_wait3A_411] : memref<2x10240x128xf32, #tpu.memory_space<hbm>> -> memref<1x64x128xf32, #tpu.memory_space<hbm>>
      %dma_wait3A_413 = tpu.memref_squeeze %dma_wait3A_412 : memref<1x64x128xf32, #tpu.memory_space<hbm>> -> memref<64x128xf32, #tpu.memory_space<hbm>>
      %dma_wait3A_414 = arith.constant 0 : i32
      %dma_wait3A_415 = arith.constant 0 : i32
      %dma_wait3A_416 = tpu.memref_slice %arg7[%run_scoped3A_370, %dma_wait3A_414, %dma_wait3A_415] : memref<3x64x128xf32, #tpu.memory_space<vmem>> -> memref<1x64x128xf32, #tpu.memory_space<vmem>>
      %dma_wait3A_417 = tpu.memref_squeeze %dma_wait3A_416 : memref<1x64x128xf32, #tpu.memory_space<vmem>> -> memref<64x128xf32, #tpu.memory_space<vmem>>
      tpu.wait_dma2 semaphore(%run_scoped3A_389 : memref<!tpu.dma_semaphore, #tpu.memory_space<semaphore_mem>>) src(%dma_wait3A_417 : memref<64x128xf32, #tpu.memory_space<vmem>>) dst(%dma_wait3A_413 : memref<64x128xf32, #tpu.memory_space<hbm>>)
      tpu.yield
    }) : () -> ()
    %mul3A_371 = arith.constant 640 : i32
    %mul3A_372 = arith.muli %arg1, %mul3A_371 : i32
    %add3A_373 = arith.constant 448 : i32
    %add3A_374 = arith.addi %mul3A_372, %add3A_373 : i32
    %run_scoped3A_375 = arith.constant 0 : i32
    "tpu.region"() ({
      %run_scoped3A_389 = tpu.sem_alloc : memref<!tpu.dma_semaphore, #tpu.memory_space<semaphore_mem>>
      %dma_start3A_390 = arith.constant 0 : i32
      %dma_start3A_391 = arith.constant 0 : i32
      %dma_start3A_392 = tpu.memref_slice %arg7[%run_scoped3A_375, %dma_start3A_390, %dma_start3A_391] : memref<3x64x128xf32, #tpu.memory_space<vmem>> -> memref<1x64x128xf32, #tpu.memory_space<vmem>>
      %dma_start3A_393 = tpu.memref_squeeze %dma_start3A_392 : memref<1x64x128xf32, #tpu.memory_space<vmem>> -> memref<64x128xf32, #tpu.memory_space<vmem>>
      %dma_start3A_394 = arith.constant 0 : i32
      %dma_start3A_395 = tpu.memref_slice %arg8[%add3A_374, %dma_start3A_394] : memref<10240x128xf32, #tpu.memory_space<vmem_shared>> -> memref<64x128xf32, #tpu.memory_space<vmem_shared>>
      %dma_start3A_396 = arith.constant 0 : i32
      %dma_start3A_397 = arith.constant 0 : i32
      %dma_start3A_398 = tpu.memref_slice %arg7[%run_scoped3A_375, %dma_start3A_396, %dma_start3A_397] : memref<3x64x128xf32, #tpu.memory_space<vmem>> -> memref<1x64x128xf32, #tpu.memory_space<vmem>>
      %dma_start3A_399 = tpu.memref_squeeze %dma_start3A_398 : memref<1x64x128xf32, #tpu.memory_space<vmem>> -> memref<64x128xf32, #tpu.memory_space<vmem>>
      %dma_start3A_400 = arith.constant 0 : i32
      %dma_start3A_401 = tpu.memref_slice %arg8[%add3A_374, %dma_start3A_400] : memref<10240x128xf32, #tpu.memory_space<vmem_shared>> -> memref<64x128xf32, #tpu.memory_space<vmem_shared>>
      tpu.enqueue_dma source(%dma_start3A_401 : memref<64x128xf32, #tpu.memory_space<vmem_shared>>) target(%dma_start3A_399 : memref<64x128xf32, #tpu.memory_space<vmem>>) target_semaphore(%run_scoped3A_389 : memref<!tpu.dma_semaphore, #tpu.memory_space<semaphore_mem>>)
      %dma_wait3A_402 = arith.constant 0 : i32
      %dma_wait3A_403 = arith.constant 0 : i32
      %dma_wait3A_404 = tpu.memref_slice %arg7[%run_scoped3A_375, %dma_wait3A_402, %dma_wait3A_403] : memref<3x64x128xf32, #tpu.memory_space<vmem>> -> memref<1x64x128xf32, #tpu.memory_space<vmem>>
      %dma_wait3A_405 = tpu.memref_squeeze %dma_wait3A_404 : memref<1x64x128xf32, #tpu.memory_space<vmem>> -> memref<64x128xf32, #tpu.memory_space<vmem>>
      %dma_wait3A_406 = arith.constant 0 : i32
      %dma_wait3A_407 = tpu.memref_slice %arg8[%add3A_374, %dma_wait3A_406] : memref<10240x128xf32, #tpu.memory_space<vmem_shared>> -> memref<64x128xf32, #tpu.memory_space<vmem_shared>>
      %dma_wait3A_408 = arith.constant 0 : i32
      %dma_wait3A_409 = arith.constant 0 : i32
      %dma_wait3A_410 = tpu.memref_slice %arg7[%run_scoped3A_375, %dma_wait3A_408, %dma_wait3A_409] : memref<3x64x128xf32, #tpu.memory_space<vmem>> -> memref<1x64x128xf32, #tpu.memory_space<vmem>>
      %dma_wait3A_411 = tpu.memref_squeeze %dma_wait3A_410 : memref<1x64x128xf32, #tpu.memory_space<vmem>> -> memref<64x128xf32, #tpu.memory_space<vmem>>
      %dma_wait3A_412 = arith.constant 0 : i32
      %dma_wait3A_413 = tpu.memref_slice %arg8[%add3A_374, %dma_wait3A_412] : memref<10240x128xf32, #tpu.memory_space<vmem_shared>> -> memref<64x128xf32, #tpu.memory_space<vmem_shared>>
      tpu.wait_dma2 semaphore(%run_scoped3A_389 : memref<!tpu.dma_semaphore, #tpu.memory_space<semaphore_mem>>) src(%dma_wait3A_413 : memref<64x128xf32, #tpu.memory_space<vmem_shared>>) dst(%dma_wait3A_411 : memref<64x128xf32, #tpu.memory_space<vmem>>)
      tpu.yield
    }) : () -> ()
    %run_scoped3A_376 = arith.constant 0 : i32
    "tpu.region"() ({
      %run_scoped3A_389 = tpu.sem_alloc : memref<!tpu.dma_semaphore, #tpu.memory_space<semaphore_mem>>
      %dma_start3A_390 = arith.constant 0 : i32
      %dma_start3A_391 = arith.constant 0 : i32
      %dma_start3A_392 = tpu.memref_slice %arg7[%run_scoped3A_376, %dma_start3A_390, %dma_start3A_391] : memref<3x64x128xf32, #tpu.memory_space<vmem>> -> memref<1x64x128xf32, #tpu.memory_space<vmem>>
      %dma_start3A_393 = tpu.memref_squeeze %dma_start3A_392 : memref<1x64x128xf32, #tpu.memory_space<vmem>> -> memref<64x128xf32, #tpu.memory_space<vmem>>
      %dma_start3A_394 = arith.constant 0 : i32
      %dma_start3A_395 = tpu.memref_slice %arg4[%arg0, %add3A_374, %dma_start3A_394] : memref<2x10240x128xf32, #tpu.memory_space<hbm>> -> memref<1x64x128xf32, #tpu.memory_space<hbm>>
      %dma_start3A_396 = tpu.memref_squeeze %dma_start3A_395 : memref<1x64x128xf32, #tpu.memory_space<hbm>> -> memref<64x128xf32, #tpu.memory_space<hbm>>
      %dma_start3A_397 = arith.constant 0 : i32
      %dma_start3A_398 = tpu.memref_slice %arg4[%arg0, %add3A_374, %dma_start3A_397] : memref<2x10240x128xf32, #tpu.memory_space<hbm>> -> memref<1x64x128xf32, #tpu.memory_space<hbm>>
      %dma_start3A_399 = tpu.memref_squeeze %dma_start3A_398 : memref<1x64x128xf32, #tpu.memory_space<hbm>> -> memref<64x128xf32, #tpu.memory_space<hbm>>
      %dma_start3A_400 = arith.constant 0 : i32
      %dma_start3A_401 = arith.constant 0 : i32
      %dma_start3A_402 = tpu.memref_slice %arg7[%run_scoped3A_376, %dma_start3A_400, %dma_start3A_401] : memref<3x64x128xf32, #tpu.memory_space<vmem>> -> memref<1x64x128xf32, #tpu.memory_space<vmem>>
      %dma_start3A_403 = tpu.memref_squeeze %dma_start3A_402 : memref<1x64x128xf32, #tpu.memory_space<vmem>> -> memref<64x128xf32, #tpu.memory_space<vmem>>
      tpu.enqueue_dma source(%dma_start3A_403 : memref<64x128xf32, #tpu.memory_space<vmem>>) target(%dma_start3A_399 : memref<64x128xf32, #tpu.memory_space<hbm>>) target_semaphore(%run_scoped3A_389 : memref<!tpu.dma_semaphore, #tpu.memory_space<semaphore_mem>>)
      %dma_wait3A_404 = arith.constant 0 : i32
      %dma_wait3A_405 = arith.constant 0 : i32
      %dma_wait3A_406 = tpu.memref_slice %arg7[%run_scoped3A_376, %dma_wait3A_404, %dma_wait3A_405] : memref<3x64x128xf32, #tpu.memory_space<vmem>> -> memref<1x64x128xf32, #tpu.memory_space<vmem>>
      %dma_wait3A_407 = tpu.memref_squeeze %dma_wait3A_406 : memref<1x64x128xf32, #tpu.memory_space<vmem>> -> memref<64x128xf32, #tpu.memory_space<vmem>>
      %dma_wait3A_408 = arith.constant 0 : i32
      %dma_wait3A_409 = tpu.memref_slice %arg4[%arg0, %add3A_374, %dma_wait3A_408] : memref<2x10240x128xf32, #tpu.memory_space<hbm>> -> memref<1x64x128xf32, #tpu.memory_space<hbm>>
      %dma_wait3A_410 = tpu.memref_squeeze %dma_wait3A_409 : memref<1x64x128xf32, #tpu.memory_space<hbm>> -> memref<64x128xf32, #tpu.memory_space<hbm>>
      %dma_wait3A_411 = arith.constant 0 : i32
      %dma_wait3A_412 = tpu.memref_slice %arg4[%arg0, %add3A_374, %dma_wait3A_411] : memref<2x10240x128xf32, #tpu.memory_space<hbm>> -> memref<1x64x128xf32, #tpu.memory_space<hbm>>
      %dma_wait3A_413 = tpu.memref_squeeze %dma_wait3A_412 : memref<1x64x128xf32, #tpu.memory_space<hbm>> -> memref<64x128xf32, #tpu.memory_space<hbm>>
      %dma_wait3A_414 = arith.constant 0 : i32
      %dma_wait3A_415 = arith.constant 0 : i32
      %dma_wait3A_416 = tpu.memref_slice %arg7[%run_scoped3A_376, %dma_wait3A_414, %dma_wait3A_415] : memref<3x64x128xf32, #tpu.memory_space<vmem>> -> memref<1x64x128xf32, #tpu.memory_space<vmem>>
      %dma_wait3A_417 = tpu.memref_squeeze %dma_wait3A_416 : memref<1x64x128xf32, #tpu.memory_space<vmem>> -> memref<64x128xf32, #tpu.memory_space<vmem>>
      tpu.wait_dma2 semaphore(%run_scoped3A_389 : memref<!tpu.dma_semaphore, #tpu.memory_space<semaphore_mem>>) src(%dma_wait3A_417 : memref<64x128xf32, #tpu.memory_space<vmem>>) dst(%dma_wait3A_413 : memref<64x128xf32, #tpu.memory_space<hbm>>)
      tpu.yield
    }) : () -> ()
    %mul3A_377 = arith.constant 640 : i32
    %mul3A_378 = arith.muli %arg1, %mul3A_377 : i32
    %add3A_379 = arith.constant 512 : i32
    %add3A_380 = arith.addi %mul3A_378, %add3A_379 : i32
    %run_scoped3A_381 = arith.constant 0 : i32
    "tpu.region"() ({
      %run_scoped3A_389 = tpu.sem_alloc : memref<!tpu.dma_semaphore, #tpu.memory_space<semaphore_mem>>
      %dma_start3A_390 = arith.constant 0 : i32
      %dma_start3A_391 = arith.constant 0 : i32
      %dma_start3A_392 = tpu.memref_slice %arg7[%run_scoped3A_381, %dma_start3A_390, %dma_start3A_391] : memref<3x64x128xf32, #tpu.memory_space<vmem>> -> memref<1x64x128xf32, #tpu.memory_space<vmem>>
      %dma_start3A_393 = tpu.memref_squeeze %dma_start3A_392 : memref<1x64x128xf32, #tpu.memory_space<vmem>> -> memref<64x128xf32, #tpu.memory_space<vmem>>
      %dma_start3A_394 = arith.constant 0 : i32
      %dma_start3A_395 = tpu.memref_slice %arg8[%add3A_380, %dma_start3A_394] : memref<10240x128xf32, #tpu.memory_space<vmem_shared>> -> memref<64x128xf32, #tpu.memory_space<vmem_shared>>
      %dma_start3A_396 = arith.constant 0 : i32
      %dma_start3A_397 = arith.constant 0 : i32
      %dma_start3A_398 = tpu.memref_slice %arg7[%run_scoped3A_381, %dma_start3A_396, %dma_start3A_397] : memref<3x64x128xf32, #tpu.memory_space<vmem>> -> memref<1x64x128xf32, #tpu.memory_space<vmem>>
      %dma_start3A_399 = tpu.memref_squeeze %dma_start3A_398 : memref<1x64x128xf32, #tpu.memory_space<vmem>> -> memref<64x128xf32, #tpu.memory_space<vmem>>
      %dma_start3A_400 = arith.constant 0 : i32
      %dma_start3A_401 = tpu.memref_slice %arg8[%add3A_380, %dma_start3A_400] : memref<10240x128xf32, #tpu.memory_space<vmem_shared>> -> memref<64x128xf32, #tpu.memory_space<vmem_shared>>
      tpu.enqueue_dma source(%dma_start3A_401 : memref<64x128xf32, #tpu.memory_space<vmem_shared>>) target(%dma_start3A_399 : memref<64x128xf32, #tpu.memory_space<vmem>>) target_semaphore(%run_scoped3A_389 : memref<!tpu.dma_semaphore, #tpu.memory_space<semaphore_mem>>)
      %dma_wait3A_402 = arith.constant 0 : i32
      %dma_wait3A_403 = arith.constant 0 : i32
      %dma_wait3A_404 = tpu.memref_slice %arg7[%run_scoped3A_381, %dma_wait3A_402, %dma_wait3A_403] : memref<3x64x128xf32, #tpu.memory_space<vmem>> -> memref<1x64x128xf32, #tpu.memory_space<vmem>>
      %dma_wait3A_405 = tpu.memref_squeeze %dma_wait3A_404 : memref<1x64x128xf32, #tpu.memory_space<vmem>> -> memref<64x128xf32, #tpu.memory_space<vmem>>
      %dma_wait3A_406 = arith.constant 0 : i32
      %dma_wait3A_407 = tpu.memref_slice %arg8[%add3A_380, %dma_wait3A_406] : memref<10240x128xf32, #tpu.memory_space<vmem_shared>> -> memref<64x128xf32, #tpu.memory_space<vmem_shared>>
      %dma_wait3A_408 = arith.constant 0 : i32
      %dma_wait3A_409 = arith.constant 0 : i32
      %dma_wait3A_410 = tpu.memref_slice %arg7[%run_scoped3A_381, %dma_wait3A_408, %dma_wait3A_409] : memref<3x64x128xf32, #tpu.memory_space<vmem>> -> memref<1x64x128xf32, #tpu.memory_space<vmem>>
      %dma_wait3A_411 = tpu.memref_squeeze %dma_wait3A_410 : memref<1x64x128xf32, #tpu.memory_space<vmem>> -> memref<64x128xf32, #tpu.memory_space<vmem>>
      %dma_wait3A_412 = arith.constant 0 : i32
      %dma_wait3A_413 = tpu.memref_slice %arg8[%add3A_380, %dma_wait3A_412] : memref<10240x128xf32, #tpu.memory_space<vmem_shared>> -> memref<64x128xf32, #tpu.memory_space<vmem_shared>>
      tpu.wait_dma2 semaphore(%run_scoped3A_389 : memref<!tpu.dma_semaphore, #tpu.memory_space<semaphore_mem>>) src(%dma_wait3A_413 : memref<64x128xf32, #tpu.memory_space<vmem_shared>>) dst(%dma_wait3A_411 : memref<64x128xf32, #tpu.memory_space<vmem>>)
      tpu.yield
    }) : () -> ()
    %run_scoped3A_382 = arith.constant 0 : i32
    "tpu.region"() ({
      %run_scoped3A_389 = tpu.sem_alloc : memref<!tpu.dma_semaphore, #tpu.memory_space<semaphore_mem>>
      %dma_start3A_390 = arith.constant 0 : i32
      %dma_start3A_391 = arith.constant 0 : i32
      %dma_start3A_392 = tpu.memref_slice %arg7[%run_scoped3A_382, %dma_start3A_390, %dma_start3A_391] : memref<3x64x128xf32, #tpu.memory_space<vmem>> -> memref<1x64x128xf32, #tpu.memory_space<vmem>>
      %dma_start3A_393 = tpu.memref_squeeze %dma_start3A_392 : memref<1x64x128xf32, #tpu.memory_space<vmem>> -> memref<64x128xf32, #tpu.memory_space<vmem>>
      %dma_start3A_394 = arith.constant 0 : i32
      %dma_start3A_395 = tpu.memref_slice %arg4[%arg0, %add3A_380, %dma_start3A_394] : memref<2x10240x128xf32, #tpu.memory_space<hbm>> -> memref<1x64x128xf32, #tpu.memory_space<hbm>>
      %dma_start3A_396 = tpu.memref_squeeze %dma_start3A_395 : memref<1x64x128xf32, #tpu.memory_space<hbm>> -> memref<64x128xf32, #tpu.memory_space<hbm>>
      %dma_start3A_397 = arith.constant 0 : i32
      %dma_start3A_398 = tpu.memref_slice %arg4[%arg0, %add3A_380, %dma_start3A_397] : memref<2x10240x128xf32, #tpu.memory_space<hbm>> -> memref<1x64x128xf32, #tpu.memory_space<hbm>>
      %dma_start3A_399 = tpu.memref_squeeze %dma_start3A_398 : memref<1x64x128xf32, #tpu.memory_space<hbm>> -> memref<64x128xf32, #tpu.memory_space<hbm>>
      %dma_start3A_400 = arith.constant 0 : i32
      %dma_start3A_401 = arith.constant 0 : i32
      %dma_start3A_402 = tpu.memref_slice %arg7[%run_scoped3A_382, %dma_start3A_400, %dma_start3A_401] : memref<3x64x128xf32, #tpu.memory_space<vmem>> -> memref<1x64x128xf32, #tpu.memory_space<vmem>>
      %dma_start3A_403 = tpu.memref_squeeze %dma_start3A_402 : memref<1x64x128xf32, #tpu.memory_space<vmem>> -> memref<64x128xf32, #tpu.memory_space<vmem>>
      tpu.enqueue_dma source(%dma_start3A_403 : memref<64x128xf32, #tpu.memory_space<vmem>>) target(%dma_start3A_399 : memref<64x128xf32, #tpu.memory_space<hbm>>) target_semaphore(%run_scoped3A_389 : memref<!tpu.dma_semaphore, #tpu.memory_space<semaphore_mem>>)
      %dma_wait3A_404 = arith.constant 0 : i32
      %dma_wait3A_405 = arith.constant 0 : i32
      %dma_wait3A_406 = tpu.memref_slice %arg7[%run_scoped3A_382, %dma_wait3A_404, %dma_wait3A_405] : memref<3x64x128xf32, #tpu.memory_space<vmem>> -> memref<1x64x128xf32, #tpu.memory_space<vmem>>
      %dma_wait3A_407 = tpu.memref_squeeze %dma_wait3A_406 : memref<1x64x128xf32, #tpu.memory_space<vmem>> -> memref<64x128xf32, #tpu.memory_space<vmem>>
      %dma_wait3A_408 = arith.constant 0 : i32
      %dma_wait3A_409 = tpu.memref_slice %arg4[%arg0, %add3A_380, %dma_wait3A_408] : memref<2x10240x128xf32, #tpu.memory_space<hbm>> -> memref<1x64x128xf32, #tpu.memory_space<hbm>>
      %dma_wait3A_410 = tpu.memref_squeeze %dma_wait3A_409 : memref<1x64x128xf32, #tpu.memory_space<hbm>> -> memref<64x128xf32, #tpu.memory_space<hbm>>
      %dma_wait3A_411 = arith.constant 0 : i32
      %dma_wait3A_412 = tpu.memref_slice %arg4[%arg0, %add3A_380, %dma_wait3A_411] : memref<2x10240x128xf32, #tpu.memory_space<hbm>> -> memref<1x64x128xf32, #tpu.memory_space<hbm>>
      %dma_wait3A_413 = tpu.memref_squeeze %dma_wait3A_412 : memref<1x64x128xf32, #tpu.memory_space<hbm>> -> memref<64x128xf32, #tpu.memory_space<hbm>>
      %dma_wait3A_414 = arith.constant 0 : i32
      %dma_wait3A_415 = arith.constant 0 : i32
      %dma_wait3A_416 = tpu.memref_slice %arg7[%run_scoped3A_382, %dma_wait3A_414, %dma_wait3A_415] : memref<3x64x128xf32, #tpu.memory_space<vmem>> -> memref<1x64x128xf32, #tpu.memory_space<vmem>>
      %dma_wait3A_417 = tpu.memref_squeeze %dma_wait3A_416 : memref<1x64x128xf32, #tpu.memory_space<vmem>> -> memref<64x128xf32, #tpu.memory_space<vmem>>
      tpu.wait_dma2 semaphore(%run_scoped3A_389 : memref<!tpu.dma_semaphore, #tpu.memory_space<semaphore_mem>>) src(%dma_wait3A_417 : memref<64x128xf32, #tpu.memory_space<vmem>>) dst(%dma_wait3A_413 : memref<64x128xf32, #tpu.memory_space<hbm>>)
      tpu.yield
    }) : () -> ()
    %mul3A_383 = arith.constant 640 : i32
    %mul3A_384 = arith.muli %arg1, %mul3A_383 : i32
    %add3A_385 = arith.constant 576 : i32
    %add3A_386 = arith.addi %mul3A_384, %add3A_385 : i32
    %run_scoped3A_387 = arith.constant 0 : i32
    "tpu.region"() ({
      %run_scoped3A_389 = tpu.sem_alloc : memref<!tpu.dma_semaphore, #tpu.memory_space<semaphore_mem>>
      %dma_start3A_390 = arith.constant 0 : i32
      %dma_start3A_391 = arith.constant 0 : i32
      %dma_start3A_392 = tpu.memref_slice %arg7[%run_scoped3A_387, %dma_start3A_390, %dma_start3A_391] : memref<3x64x128xf32, #tpu.memory_space<vmem>> -> memref<1x64x128xf32, #tpu.memory_space<vmem>>
      %dma_start3A_393 = tpu.memref_squeeze %dma_start3A_392 : memref<1x64x128xf32, #tpu.memory_space<vmem>> -> memref<64x128xf32, #tpu.memory_space<vmem>>
      %dma_start3A_394 = arith.constant 0 : i32
      %dma_start3A_395 = tpu.memref_slice %arg8[%add3A_386, %dma_start3A_394] : memref<10240x128xf32, #tpu.memory_space<vmem_shared>> -> memref<64x128xf32, #tpu.memory_space<vmem_shared>>
      %dma_start3A_396 = arith.constant 0 : i32
      %dma_start3A_397 = arith.constant 0 : i32
      %dma_start3A_398 = tpu.memref_slice %arg7[%run_scoped3A_387, %dma_start3A_396, %dma_start3A_397] : memref<3x64x128xf32, #tpu.memory_space<vmem>> -> memref<1x64x128xf32, #tpu.memory_space<vmem>>
      %dma_start3A_399 = tpu.memref_squeeze %dma_start3A_398 : memref<1x64x128xf32, #tpu.memory_space<vmem>> -> memref<64x128xf32, #tpu.memory_space<vmem>>
      %dma_start3A_400 = arith.constant 0 : i32
      %dma_start3A_401 = tpu.memref_slice %arg8[%add3A_386, %dma_start3A_400] : memref<10240x128xf32, #tpu.memory_space<vmem_shared>> -> memref<64x128xf32, #tpu.memory_space<vmem_shared>>
      tpu.enqueue_dma source(%dma_start3A_401 : memref<64x128xf32, #tpu.memory_space<vmem_shared>>) target(%dma_start3A_399 : memref<64x128xf32, #tpu.memory_space<vmem>>) target_semaphore(%run_scoped3A_389 : memref<!tpu.dma_semaphore, #tpu.memory_space<semaphore_mem>>)
      %dma_wait3A_402 = arith.constant 0 : i32
      %dma_wait3A_403 = arith.constant 0 : i32
      %dma_wait3A_404 = tpu.memref_slice %arg7[%run_scoped3A_387, %dma_wait3A_402, %dma_wait3A_403] : memref<3x64x128xf32, #tpu.memory_space<vmem>> -> memref<1x64x128xf32, #tpu.memory_space<vmem>>
      %dma_wait3A_405 = tpu.memref_squeeze %dma_wait3A_404 : memref<1x64x128xf32, #tpu.memory_space<vmem>> -> memref<64x128xf32, #tpu.memory_space<vmem>>
      %dma_wait3A_406 = arith.constant 0 : i32
      %dma_wait3A_407 = tpu.memref_slice %arg8[%add3A_386, %dma_wait3A_406] : memref<10240x128xf32, #tpu.memory_space<vmem_shared>> -> memref<64x128xf32, #tpu.memory_space<vmem_shared>>
      %dma_wait3A_408 = arith.constant 0 : i32
      %dma_wait3A_409 = arith.constant 0 : i32
      %dma_wait3A_410 = tpu.memref_slice %arg7[%run_scoped3A_387, %dma_wait3A_408, %dma_wait3A_409] : memref<3x64x128xf32, #tpu.memory_space<vmem>> -> memref<1x64x128xf32, #tpu.memory_space<vmem>>
      %dma_wait3A_411 = tpu.memref_squeeze %dma_wait3A_410 : memref<1x64x128xf32, #tpu.memory_space<vmem>> -> memref<64x128xf32, #tpu.memory_space<vmem>>
      %dma_wait3A_412 = arith.constant 0 : i32
      %dma_wait3A_413 = tpu.memref_slice %arg8[%add3A_386, %dma_wait3A_412] : memref<10240x128xf32, #tpu.memory_space<vmem_shared>> -> memref<64x128xf32, #tpu.memory_space<vmem_shared>>
      tpu.wait_dma2 semaphore(%run_scoped3A_389 : memref<!tpu.dma_semaphore, #tpu.memory_space<semaphore_mem>>) src(%dma_wait3A_413 : memref<64x128xf32, #tpu.memory_space<vmem_shared>>) dst(%dma_wait3A_411 : memref<64x128xf32, #tpu.memory_space<vmem>>)
      tpu.yield
    }) : () -> ()
    %run_scoped3A_388 = arith.constant 0 : i32
    "tpu.region"() ({
      %run_scoped3A_389 = tpu.sem_alloc : memref<!tpu.dma_semaphore, #tpu.memory_space<semaphore_mem>>
      %dma_start3A_390 = arith.constant 0 : i32
      %dma_start3A_391 = arith.constant 0 : i32
      %dma_start3A_392 = tpu.memref_slice %arg7[%run_scoped3A_388, %dma_start3A_390, %dma_start3A_391] : memref<3x64x128xf32, #tpu.memory_space<vmem>> -> memref<1x64x128xf32, #tpu.memory_space<vmem>>
      %dma_start3A_393 = tpu.memref_squeeze %dma_start3A_392 : memref<1x64x128xf32, #tpu.memory_space<vmem>> -> memref<64x128xf32, #tpu.memory_space<vmem>>
      %dma_start3A_394 = arith.constant 0 : i32
      %dma_start3A_395 = tpu.memref_slice %arg4[%arg0, %add3A_386, %dma_start3A_394] : memref<2x10240x128xf32, #tpu.memory_space<hbm>> -> memref<1x64x128xf32, #tpu.memory_space<hbm>>
      %dma_start3A_396 = tpu.memref_squeeze %dma_start3A_395 : memref<1x64x128xf32, #tpu.memory_space<hbm>> -> memref<64x128xf32, #tpu.memory_space<hbm>>
      %dma_start3A_397 = arith.constant 0 : i32
      %dma_start3A_398 = tpu.memref_slice %arg4[%arg0, %add3A_386, %dma_start3A_397] : memref<2x10240x128xf32, #tpu.memory_space<hbm>> -> memref<1x64x128xf32, #tpu.memory_space<hbm>>
      %dma_start3A_399 = tpu.memref_squeeze %dma_start3A_398 : memref<1x64x128xf32, #tpu.memory_space<hbm>> -> memref<64x128xf32, #tpu.memory_space<hbm>>
      %dma_start3A_400 = arith.constant 0 : i32
      %dma_start3A_401 = arith.constant 0 : i32
      %dma_start3A_402 = tpu.memref_slice %arg7[%run_scoped3A_388, %dma_start3A_400, %dma_start3A_401] : memref<3x64x128xf32, #tpu.memory_space<vmem>> -> memref<1x64x128xf32, #tpu.memory_space<vmem>>
      %dma_start3A_403 = tpu.memref_squeeze %dma_start3A_402 : memref<1x64x128xf32, #tpu.memory_space<vmem>> -> memref<64x128xf32, #tpu.memory_space<vmem>>
      tpu.enqueue_dma source(%dma_start3A_403 : memref<64x128xf32, #tpu.memory_space<vmem>>) target(%dma_start3A_399 : memref<64x128xf32, #tpu.memory_space<hbm>>) target_semaphore(%run_scoped3A_389 : memref<!tpu.dma_semaphore, #tpu.memory_space<semaphore_mem>>)
      %dma_wait3A_404 = arith.constant 0 : i32
      %dma_wait3A_405 = arith.constant 0 : i32
      %dma_wait3A_406 = tpu.memref_slice %arg7[%run_scoped3A_388, %dma_wait3A_404, %dma_wait3A_405] : memref<3x64x128xf32, #tpu.memory_space<vmem>> -> memref<1x64x128xf32, #tpu.memory_space<vmem>>
      %dma_wait3A_407 = tpu.memref_squeeze %dma_wait3A_406 : memref<1x64x128xf32, #tpu.memory_space<vmem>> -> memref<64x128xf32, #tpu.memory_space<vmem>>
      %dma_wait3A_408 = arith.constant 0 : i32
      %dma_wait3A_409 = tpu.memref_slice %arg4[%arg0, %add3A_386, %dma_wait3A_408] : memref<2x10240x128xf32, #tpu.memory_space<hbm>> -> memref<1x64x128xf32, #tpu.memory_space<hbm>>
      %dma_wait3A_410 = tpu.memref_squeeze %dma_wait3A_409 : memref<1x64x128xf32, #tpu.memory_space<hbm>> -> memref<64x128xf32, #tpu.memory_space<hbm>>
      %dma_wait3A_411 = arith.constant 0 : i32
      %dma_wait3A_412 = tpu.memref_slice %arg4[%arg0, %add3A_386, %dma_wait3A_411] : memref<2x10240x128xf32, #tpu.memory_space<hbm>> -> memref<1x64x128xf32, #tpu.memory_space<hbm>>
      %dma_wait3A_413 = tpu.memref_squeeze %dma_wait3A_412 : memref<1x64x128xf32, #tpu.memory_space<hbm>> -> memref<64x128xf32, #tpu.memory_space<hbm>>
      %dma_wait3A_414 = arith.constant 0 : i32
      %dma_wait3A_415 = arith.constant 0 : i32
      %dma_wait3A_416 = tpu.memref_slice %arg7[%run_scoped3A_388, %dma_wait3A_414, %dma_wait3A_415] : memref<3x64x128xf32, #tpu.memory_space<vmem>> -> memref<1x64x128xf32, #tpu.memory_space<vmem>>
      %dma_wait3A_417 = tpu.memref_squeeze %dma_wait3A_416 : memref<1x64x128xf32, #tpu.memory_space<vmem>> -> memref<64x128xf32, #tpu.memory_space<vmem>>
      tpu.wait_dma2 semaphore(%run_scoped3A_389 : memref<!tpu.dma_semaphore, #tpu.memory_space<semaphore_mem>>) src(%dma_wait3A_417 : memref<64x128xf32, #tpu.memory_space<vmem>>) dst(%dma_wait3A_413 : memref<64x128xf32, #tpu.memory_space<hbm>>)
      tpu.yield
    }) : () -> ()
    return
  }
}

module attributes {stable_mosaic.version = 14 : i64} {
  func.func @_norm_body(%arg0: memref<32x10240xf32, #tpu.memory_space<vmem>>, %arg1: memref<10240xf32, #tpu.memory_space<vmem>>) attributes {dimension_semantics = [], scalar_prefetch = 0 : i64, scratch_operands = 0 : i64, tpu.core_type = #tpu.core_type<tc>} {
    %get3A = arith.constant 0 : index
    %get3A_0 = arith.constant 0 : index
    %get3A_1 = vector.load %arg0[%get3A, %get3A_0] : memref<32x10240xf32, #tpu.memory_space<vmem>>, vector<32x10240xf32>
    %reduce_sum3A = arith.constant dense<0.000000e+00> : vector<10240xf32>
    %reduce_sum3A_2 = vector.multi_reduction <add>, %get3A_1, %reduce_sum3A [0] : vector<32x10240xf32> to vector<10240xf32>
    %max3A = arith.constant 1.000000e+00 : f32
    %max3A_3 = vector.broadcast %max3A : f32 to vector<10240xf32>
    %max3A_4 = arith.maximumf %reduce_sum3A_2, %max3A_3 : vector<10240xf32>
    %rsqrt3A = math.rsqrt %max3A_4 : vector<10240xf32>
    %swap3A = arith.constant 0 : index
    %swap3A_5 = vector.load %arg1[%swap3A] : memref<10240xf32, #tpu.memory_space<vmem>>, vector<10240xf32>
    tpu.vector_store %arg1[%swap3A], %rsqrt3A {strides = array<i32>} : memref<10240xf32, #tpu.memory_space<vmem>>, vector<10240xf32>,
    return
  }
}

module attributes {stable_mosaic.version = 14 : i64} {
  func.func @_matmul1_body(%arg0: i32, %arg1: i32, %arg2: memref<1024x256xf32, #tpu.memory_space<vmem>>, %arg3: memref<256x128xf32, #tpu.memory_space<vmem>>, %arg4: memref<1024xf32, #tpu.memory_space<vmem>>, %arg5: memref<1x1024x128xf32, #tpu.memory_space<vmem>>) attributes {dimension_semantics = [#tpu.dimension_semantics<arbitrary>, #tpu.dimension_semantics<arbitrary>], iteration_bounds = array<i64: 2, 10>, scalar_prefetch = 0 : i64, scratch_operands = 0 : i64, tpu.core_type = #tpu.core_type<tc>, window_params = [{transform_indices = @transform_0, window_bounds = array<i64: 1024, 256>}, {transform_indices = @transform_1, window_bounds = array<i64: 256, 128>}, {transform_indices = @transform_2, window_bounds = array<i64: 1024>}, {transform_indices = @transform_3, window_bounds = array<i64: 1, 1024, 128>}]} {
    %get3A = arith.constant 0 : index
    %get3A_0 = arith.constant 0 : index
    %get3A_1 = vector.load %arg2[%get3A, %get3A_0] : memref<1024x256xf32, #tpu.memory_space<vmem>>, vector<1024x256xf32>
    %get3A_2 = arith.constant 0 : index
    %get3A_3 = arith.constant 0 : index
    %get3A_4 = vector.load %arg3[%get3A_2, %get3A_3] : memref<256x128xf32, #tpu.memory_space<vmem>>, vector<256x128xf32>
    %dot_general3A = arith.constant dense<0.000000e+00> : vector<1024x128xf32>
    %dot_general3A_5 = tpu.matmul %get3A_1, %get3A_4, %dot_general3A {dimension_numbers = #tpu.dot_dimension_numbers<[1], [0], [0], [1], [0, 0, 1, 1], [], []>, transpose_lhs_hint = false} : vector<1024x256xf32>, vector<256x128xf32>, vector<1024x128xf32> -> vector<1024x128xf32>
    %get3A_6 = arith.constant 0 : index
    %get3A_7 = vector.load %arg4[%get3A_6] : memref<1024xf32, #tpu.memory_space<vmem>>, vector<1024xf32>
    %broadcast_in_dim3A = vector.shape_cast %get3A_7 : vector<1024xf32> to vector<1024x1xf32>
    %mul3A = vector.broadcast %broadcast_in_dim3A : vector<1024x1xf32> to vector<1024x128xf32>
    %mul3A_8 = arith.mulf %dot_general3A_5, %mul3A : vector<1024x128xf32>
    %swap3A = arith.constant 0 : index
    %swap3A_9 = arith.constant 0 : index
    %swap3A_10 = arith.constant 0 : index
    %swap3A_11 = vector.load %arg5[%swap3A, %swap3A_9, %swap3A_10] : memref<1x1024x128xf32, #tpu.memory_space<vmem>>, vector<1x1024x128xf32>
    %swap3A_12 = vector.shape_cast %swap3A_11 : vector<1x1024x128xf32> to vector<1024x128xf32>
    %swap3A_13 = vector.shape_cast %mul3A_8 : vector<1024x128xf32> to vector<1x1024x128xf32>
    tpu.vector_store %arg5[%swap3A, %swap3A_9, %swap3A_10], %swap3A_13 {strides = array<i32>} : memref<1x1024x128xf32, #tpu.memory_space<vmem>>, vector<1x1024x128xf32>,
    return
  }
  func.func @transform_0(%arg0: i32, %arg1: i32) -> (i32, i32) {
    %c0_i32 = arith.constant 0 : i32
    %c0_i32_0 = arith.constant 0 : i32
    return %arg1, %c0_i32 : i32, i32
  }
  func.func @transform_1(%arg0: i32, %arg1: i32) -> (i32, i32) {
    %c0_i32 = arith.constant 0 : i32
    %c0_i32_0 = arith.constant 0 : i32
    return %c0_i32, %arg0 : i32, i32
  }
  func.func @transform_2(%arg0: i32, %arg1: i32) -> i32 {
    %c0_i32 = arith.constant 0 : i32
    return %arg1 : i32
  }
  func.func @transform_3(%arg0: i32, %arg1: i32) -> (i32, i32, i32) {
    %c0_i32 = arith.constant 0 : i32
    %c0_i32_0 = arith.constant 0 : i32
    return %arg0, %arg1, %c0_i32 : i32, i32, i32
  }
}

module attributes {stable_mosaic.version = 14 : i64} {
  func.func @_zfuse_body(%arg0: i32, %arg1: memref<2x2048x128xf32, #tpu.memory_space<vmem>>, %arg2: memref<2048xf32, #tpu.memory_space<vmem>>, %arg3: memref<2048x128xbf16, #tpu.memory_space<vmem>>) attributes {dimension_semantics = [#tpu.dimension_semantics<arbitrary>], iteration_bounds = array<i64: 5>, scalar_prefetch = 0 : i64, scratch_operands = 0 : i64, tpu.core_type = #tpu.core_type<tc>, window_params = [{transform_indices = @transform_0, window_bounds = array<i64: 2, 2048, 128>}, {transform_indices = @transform_1, window_bounds = array<i64: 2048>}, {transform_indices = @transform_2, window_bounds = array<i64: 2048, 128>}]} {
    %get3A = arith.constant 0 : index
    %get3A_0 = arith.constant 0 : index
    %get3A_1 = arith.constant 0 : index
    %get3A_2 = vector.load %arg1[%get3A, %get3A_0, %get3A_1] : memref<2x2048x128xf32, #tpu.memory_space<vmem>>, vector<1x2048x128xf32>
    %get3A_3 = vector.shape_cast %get3A_2 : vector<1x2048x128xf32> to vector<2048x128xf32>
    %get3A_4 = arith.constant 1 : index
    %get3A_5 = arith.constant 0 : index
    %get3A_6 = arith.constant 0 : index
    %get3A_7 = vector.load %arg1[%get3A_4, %get3A_5, %get3A_6] : memref<2x2048x128xf32, #tpu.memory_space<vmem>>, vector<1x2048x128xf32>
    %get3A_8 = vector.shape_cast %get3A_7 : vector<1x2048x128xf32> to vector<2048x128xf32>
    %add3A = arith.addf %get3A_3, %get3A_8 : vector<2048x128xf32>
    %get3A_9 = arith.constant 0 : index
    %get3A_10 = vector.load %arg2[%get3A_9] : memref<2048xf32, #tpu.memory_space<vmem>>, vector<2048xf32>
    %broadcast_in_dim3A = vector.shape_cast %get3A_10 : vector<2048xf32> to vector<2048x1xf32>
    %mul3A = vector.broadcast %broadcast_in_dim3A : vector<2048x1xf32> to vector<2048x128xf32>
    %mul3A_11 = arith.mulf %add3A, %mul3A : vector<2048x128xf32>
    %convert_element_type3A = arith.truncf %mul3A_11 : vector<2048x128xf32> to vector<2048x128xbf16>
    %swap3A = arith.constant 0 : index
    %swap3A_12 = arith.constant 0 : index
    %swap3A_13 = vector.load %arg3[%swap3A, %swap3A_12] : memref<2048x128xbf16, #tpu.memory_space<vmem>>, vector<2048x128xbf16>
    tpu.vector_store %arg3[%swap3A, %swap3A_12], %convert_element_type3A {strides = array<i32>} : memref<2048x128xbf16, #tpu.memory_space<vmem>>, vector<2048x128xbf16>,
    return
  }
  func.func @transform_0(%arg0: i32) -> (i32, i32, i32) {
    %c0_i32 = arith.constant 0 : i32
    %c0_i32_0 = arith.constant 0 : i32
    %c0_i32_1 = arith.constant 0 : i32
    return %c0_i32, %arg0, %c0_i32_0 : i32, i32, i32
  }
  func.func @transform_1(%arg0: i32) -> i32 {
    %c0_i32 = arith.constant 0 : i32
    return %arg0 : i32
  }
  func.func @transform_2(%arg0: i32) -> (i32, i32) {
    %c0_i32 = arith.constant 0 : i32
    %c0_i32_0 = arith.constant 0 : i32
    return %arg0, %c0_i32 : i32, i32
  }
}

module attributes {stable_mosaic.version = 14 : i64} {
  func.func @_layer2_body(%arg0: i32, %arg1: memref<2x1024x128xf32, #tpu.memory_space<vmem>>, %arg2: memref<1024xf32, #tpu.memory_space<vmem>>, %arg3: memref<2x128x128xf32, #tpu.memory_space<vmem>>, %arg4: memref<1024x128xf32, #tpu.memory_space<vmem>>) attributes {dimension_semantics = [#tpu.dimension_semantics<arbitrary>], iteration_bounds = array<i64: 10>, scalar_prefetch = 0 : i64, scratch_operands = 0 : i64, tpu.core_type = #tpu.core_type<tc>, window_params = [{transform_indices = @transform_0, window_bounds = array<i64: 2, 1024, 128>}, {transform_indices = @transform_1, window_bounds = array<i64: 1024>}, {pipeline_mode = #tpu.pipeline_mode<synchronous>, transform_indices = @transform_2, window_bounds = array<i64: 2, 128, 128>}, {transform_indices = @transform_3, window_bounds = array<i64: 1024, 128>}]} {
    %get3A = arith.constant 0 : index
    %get3A_0 = vector.load %arg2[%get3A] : memref<1024xf32, #tpu.memory_space<vmem>>, vector<1024xf32>
    %broadcast_in_dim3A = vector.shape_cast %get3A_0 : vector<1024xf32> to vector<1024x1xf32>
    %get3A_1 = arith.constant 0 : index
    %get3A_2 = arith.constant 0 : index
    %get3A_3 = arith.constant 0 : index
    %get3A_4 = vector.load %arg1[%get3A_1, %get3A_2, %get3A_3] : memref<2x1024x128xf32, #tpu.memory_space<vmem>>, vector<1x1024x128xf32>
    %get3A_5 = vector.shape_cast %get3A_4 : vector<1x1024x128xf32> to vector<1024x128xf32>
    %mul3A = vector.broadcast %broadcast_in_dim3A : vector<1024x1xf32> to vector<1024x128xf32>
    %mul3A_6 = arith.mulf %get3A_5, %mul3A : vector<1024x128xf32>
    %max3A = arith.constant 0.000000e+00 : f32
    %max3A_7 = vector.broadcast %max3A : f32 to vector<1024x128xf32>
    %max3A_8 = arith.maximumf %mul3A_6, %max3A_7 : vector<1024x128xf32>
    %get3A_9 = arith.constant 1 : index
    %get3A_10 = arith.constant 0 : index
    %get3A_11 = arith.constant 0 : index
    %get3A_12 = vector.load %arg1[%get3A_9, %get3A_10, %get3A_11] : memref<2x1024x128xf32, #tpu.memory_space<vmem>>, vector<1x1024x128xf32>
    %get3A_13 = vector.shape_cast %get3A_12 : vector<1x1024x128xf32> to vector<1024x128xf32>
    %mul3A_14 = vector.broadcast %broadcast_in_dim3A : vector<1024x1xf32> to vector<1024x128xf32>
    %mul3A_15 = arith.mulf %get3A_13, %mul3A_14 : vector<1024x128xf32>
    %max3A_16 = arith.constant 0.000000e+00 : f32
    %max3A_17 = vector.broadcast %max3A_16 : f32 to vector<1024x128xf32>
    %max3A_18 = arith.maximumf %mul3A_15, %max3A_17 : vector<1024x128xf32>
    %get3A_19 = arith.constant 0 : index
    %get3A_20 = arith.constant 0 : index
    %get3A_21 = arith.constant 0 : index
    %get3A_22 = vector.load %arg3[%get3A_19, %get3A_20, %get3A_21] : memref<2x128x128xf32, #tpu.memory_space<vmem>>, vector<1x128x128xf32>
    %get3A_23 = vector.shape_cast %get3A_22 : vector<1x128x128xf32> to vector<128x128xf32>
    %dot_general3A = arith.constant dense<0.000000e+00> : vector<1024x128xf32>
    %dot_general3A_24 = tpu.matmul %max3A_8, %get3A_23, %dot_general3A {dimension_numbers = #tpu.dot_dimension_numbers<[1], [0], [0], [1], [0, 0, 1, 1], [], []>, transpose_lhs_hint = false} : vector<1024x128xf32>, vector<128x128xf32>, vector<1024x128xf32> -> vector<1024x128xf32>
    %get3A_25 = arith.constant 1 : index
    %get3A_26 = arith.constant 0 : index
    %get3A_27 = arith.constant 0 : index
    %get3A_28 = vector.load %arg3[%get3A_25, %get3A_26, %get3A_27] : memref<2x128x128xf32, #tpu.memory_space<vmem>>, vector<1x128x128xf32>
    %get3A_29 = vector.shape_cast %get3A_28 : vector<1x128x128xf32> to vector<128x128xf32>
    %dot_general3A_30 = arith.constant dense<0.000000e+00> : vector<1024x128xf32>
    %dot_general3A_31 = tpu.matmul %max3A_18, %get3A_29, %dot_general3A_30 {dimension_numbers = #tpu.dot_dimension_numbers<[1], [0], [0], [1], [0, 0, 1, 1], [], []>, transpose_lhs_hint = false} : vector<1024x128xf32>, vector<128x128xf32>, vector<1024x128xf32> -> vector<1024x128xf32>
    %add3A = arith.addf %dot_general3A_24, %dot_general3A_31 : vector<1024x128xf32>
    %mul3A_32 = vector.broadcast %broadcast_in_dim3A : vector<1024x1xf32> to vector<1024x128xf32>
    %mul3A_33 = arith.mulf %add3A, %mul3A_32 : vector<1024x128xf32>
    %swap3A = arith.constant 0 : index
    %swap3A_34 = arith.constant 0 : index
    %swap3A_35 = vector.load %arg4[%swap3A, %swap3A_34] : memref<1024x128xf32, #tpu.memory_space<vmem>>, vector<1024x128xf32>
    tpu.vector_store %arg4[%swap3A, %swap3A_34], %mul3A_33 {strides = array<i32>} : memref<1024x128xf32, #tpu.memory_space<vmem>>, vector<1024x128xf32>,
    return
  }
  func.func @transform_0(%arg0: i32) -> (i32, i32, i32) {
    %c0_i32 = arith.constant 0 : i32
    %c0_i32_0 = arith.constant 0 : i32
    %c0_i32_1 = arith.constant 0 : i32
    return %c0_i32, %arg0, %c0_i32_0 : i32, i32, i32
  }
  func.func @transform_1(%arg0: i32) -> i32 {
    %c0_i32 = arith.constant 0 : i32
    return %arg0 : i32
  }
  func.func @transform_2(%arg0: i32) -> (i32, i32, i32) {
    %c0_i32 = arith.constant 0 : i32
    %c0_i32_0 = arith.constant 0 : i32
    %c0_i32_1 = arith.constant 0 : i32
    %c0_i32_2 = arith.constant 0 : i32
    return %c0_i32, %c0_i32_0, %c0_i32_1 : i32, i32, i32
  }
  func.func @transform_3(%arg0: i32) -> (i32, i32) {
    %c0_i32 = arith.constant 0 : i32
    %c0_i32_0 = arith.constant 0 : i32
    return %arg0, %c0_i32 : i32, i32
  }
}

module attributes {stable_mosaic.version = 14 : i64} {
  func.func @_decoder_body(%arg0: i32, %arg1: i32, %arg2: memref<2048x128xbf16, #tpu.memory_space<vmem>>, %arg3: memref<2048x128xbf16, #tpu.memory_space<vmem>>, %arg4: memref<2048x2048xbf16, #tpu.memory_space<vmem>>) attributes {dimension_semantics = [#tpu.dimension_semantics<arbitrary>, #tpu.dimension_semantics<arbitrary>], iteration_bounds = array<i64: 5, 5>, scalar_prefetch = 0 : i64, scratch_operands = 0 : i64, tpu.core_type = #tpu.core_type<tc>, window_params = [{transform_indices = @transform_0, window_bounds = array<i64: 2048, 128>}, {transform_indices = @transform_1, window_bounds = array<i64: 2048, 128>}, {transform_indices = @transform_2, window_bounds = array<i64: 2048, 2048>}]} {
    %get3A = arith.constant 0 : index
    %get3A_0 = arith.constant 0 : index
    %get3A_1 = vector.load %arg2[%get3A, %get3A_0] : memref<2048x128xbf16, #tpu.memory_space<vmem>>, vector<2048x128xbf16>
    %get3A_2 = arith.constant 0 : index
    %get3A_3 = arith.constant 0 : index
    %get3A_4 = vector.load %arg3[%get3A_2, %get3A_3] : memref<2048x128xbf16, #tpu.memory_space<vmem>>, vector<2048x128xbf16>
    %dot_general3A = arith.constant dense<0.000000e+00> : vector<2048x2048xf32>
    %dot_general3A_5 = tpu.matmul %get3A_1, %get3A_4, %dot_general3A {dimension_numbers = #tpu.dot_dimension_numbers<[1], [1], [0], [0], [0, 0, 1, 0], [], []>, transpose_lhs_hint = false} : vector<2048x128xbf16>, vector<2048x128xbf16>, vector<2048x2048xf32> -> vector<2048x2048xf32>
    %convert_element_type3A = arith.truncf %dot_general3A_5 : vector<2048x2048xf32> to vector<2048x2048xbf16>
    %swap3A = arith.constant 0 : index
    %swap3A_6 = arith.constant 0 : index
    %swap3A_7 = vector.load %arg4[%swap3A, %swap3A_6] : memref<2048x2048xbf16, #tpu.memory_space<vmem>>, vector<2048x2048xbf16>
    tpu.vector_store %arg4[%swap3A, %swap3A_6], %convert_element_type3A {strides = array<i32>} : memref<2048x2048xbf16, #tpu.memory_space<vmem>>, vector<2048x2048xbf16>,
    return
  }
  func.func @transform_0(%arg0: i32, %arg1: i32) -> (i32, i32) {
    %c0_i32 = arith.constant 0 : i32
    %c0_i32_0 = arith.constant 0 : i32
    return %arg0, %c0_i32 : i32, i32
  }
  func.func @transform_1(%arg0: i32, %arg1: i32) -> (i32, i32) {
    %c0_i32 = arith.constant 0 : i32
    %c0_i32_0 = arith.constant 0 : i32
    return %arg1, %c0_i32 : i32, i32
  }
  func.func @transform_2(%arg0: i32, %arg1: i32) -> (i32, i32) {
    %c0_i32 = arith.constant 0 : i32
    return %arg0, %arg1 : i32, i32
  }
}

</mosaic_0001>

<sc_bundles>
// kernel: kernel.10.cloned.1.call-start
scs
__scs_entry_jumppad:
0x0: {  	(pc) =	sbr.rel $0x88, $3  }
0x1: {  	(tag) =	ssettag $0x0;
	lr =	simm.s32 $0x1  }
0x2: {  	[smem:$0x3F9D] =	sst lr;
	_ =	strace $0xD0000000  }
0x3: {  	_ = 	snop  }
0x4: {  	_ = 	snop  }
0x5: {  	_ = 	snop  }
0x6: {  	_ = 	snop  }
0x7: {  	_ = 	snop  }
__scs_overlays_trampoline_lowered:
0x8: {  	[smem:$0x3FAC] =	sst s0  }
0x9: {  	[smem:$0x3FAD] =	sst s1  }
0xa: {  	[smem:$0x3FAE] =	sst s2  }
0xb: {  	[smem:$0x3FAF] =	sst s3  }
0xc: {  	[smem:$0x3FB0] =	sst s4  }
0xd: {  	[smem:$0x3FB1] =	sst s5  }
0xe: {  	[smem:$0x3FB2] =	sst s6  }
0xf: {  	[smem:$0x3FB3] =	sst s7  }
0x10: {  	[smem:$0x3FB4] =	sst s8  }
0x11: {  	[smem:$0x3FB5] =	sst s9;
	s0 =	simm.s32 @!p0 $0x0  }
0x12: {  	s1 =	sld [smem:$0x3F9B];
	s0 =	simm.s32 @p0 $0x1  }
0x13: {  	[smem:$0x3FB6] =	sst s0;
	s0 =	simm.s32 @!p1 $0x0  }
0x14: {  	s2 =	sld [smem:$0x3F9A];
	s0 =	simm.s32 @p1 $0x1  }
0x15: {  	[smem:$0x3FB7] =	sst s0;
	s0 =	simm.s32 @!p2 $0x0  }
0x16: {  	s3 =	sld [smem:$0x3FDB];
	s0 =	simm.s32 @p2 $0x1  }
0x17: {  	s4 =	simm.s32 $0x1BF5;
	[smem:$0x3FB9] =	sst s0  }
0x18: {  	s0 =	sld [smem:$0x3F9C];
	_ =	swait.ge [sflag:s4], $0x0  }
0x19: {  	s7 =	sld [smem:$0x3F9D]  }
0x1a: {  	s8 =	sadd.s32 $0xFFFFE003, lr  }
0x1b: {  	s9 =	sadd.s32 $0xFFFFFEF7, lr;
	s5 =	simm.s32 $0xFFFFFFFF;
	p2 =	slt.u32 s8, $0xFFFFF086  }
0x1c: {  	p1 =	slt.u32 s9, $0xF7A;
	s5 =	simm.s32 @!p2 $0x0  }
0x1d: {  	s5 =	simm.s32 @p1 $0x1;
	p0 =	seq.s32 s7, s2  }
0x1e: {  	s7 =	smul.u32 @!p0 $0xF7A, s2;
	p2 =	seq.s32 @!p0 s5, $0x0  }
0x1f: {  	s9 =	smul.u32 $0xF7A, s1;
	s8 =	simm.s32 @!p0 $0x1BF5;
	p2 =	por !p2, p0  }
0x20: {  	[sflag:s8] =	ssyncset.s32 @!p0 $0xFFFFF086;
	s6 =	sadd.s32 @!p0 s3, s7;
	s7 =	simm.s32 @!p0 $0x108  }
0x21: {  	s3 =	sadd.s32 s3, s9;
	s6 =	sadd.s32 @!p0 $0x88, s6;
	s7 =	simm.s32 @p2 $0x1082  }
0x22: {  	[simem:s7], [sflag:s8] =	dma.local @!p0 [hbm:s6], $0xF7A  }
0x23: {  	s9 =	sor.u32 $0xD0000000, s2;
	s6 =	simm.s32 $0x108;
	_ =	swait.ge @!p0 [sflag:s8], $0x0  }
0x24: {  	s3 =	sadd.s32 $0x88, s3;
	s6 =	simm.s32 @!p1 $0x1082;
	[sflag:s4] =	ssyncset.s32 $0xFFFFF086  }
0x25: {  	[simem:s6], [sflag:s4] =	dma.local [hbm:s3], $0xF7A  }
0x26: {  	[smem:$0x3F9D] =	sst s1;
	(tag) =	ssettag s2;
	_ =	strace s9  }
0x27: {  	s1 =	sld [smem:$0x3FAD]  }
0x28: {  	s2 =	sld [smem:$0x3FAE]  }
0x29: {  	s4 =	sld [smem:$0x3FB0]  }
0x2a: {  	p0 =	seq.s32 s5, $0x0;
	s5 =	sld [smem:$0x3FB1]  }
0x2b: {  	s6 =	sld [smem:$0x3FB2]  }
0x2c: {  	s7 =	sld [smem:$0x3FB3]  }
0x2d: {  	s3 =	simm.s32 $0x108;
	s8 =	sld [smem:$0x3FB4]  }
0x2e: {  	s3 =	simm.s32 @!p0 $0x1082;
	s9 =	sld [smem:$0x3FB5]  }
0x2f: {  	lr =	sadd.s32 s0, s3;
	s0 =	sld [smem:$0x3FAC]  }
0x30: {  	s3 =	sld [smem:$0x3FAF]  }
0x31: {  	[smem:$0x3FB8] =	sst s10  }
0x32: {  	s10 =	sld [smem:$0x3FB6];
	_ =	sdelay $0x3  }
0x33: {  	p0 =	seq.s32 s10, $0x1;
	s10 =	sld [smem:$0x3FB8];
	_ =	sdelay $0x3  }
0x34: {  	[smem:$0x3FB8] =	sst s10  }
0x35: {  	s10 =	sld [smem:$0x3FB7];
	_ =	sdelay $0x3  }
0x36: {  	p1 =	seq.s32 s10, $0x1;
	s10 =	sld [smem:$0x3FB8];
	_ =	sdelay $0x3  }
0x37: {  	[smem:$0x3FB8] =	sst s10  }
0x38: {  	s10 =	sld [smem:$0x3FB9]  }
0x39: {  	_ = 	snop;
	(pc) =	sbr.ind lr, $3  }
0x3a: {  	_ = 	snop  }
0x3b: {  	_ = 	snop  }
0x3c: {  	p2 =	seq.s32 s10, $0x1;
	s10 =	sld [smem:$0x3FB8]  }
0x3d: {  	_ =	shalt  }
0x3e: {  	_ =	shalt  }
0x3f: {  	_ =	shalt  }
0x40: {  	_ =	shalt  }
0x41: {  	_ =	shalt  }
0x42: {  	_ =	shalt  }
0x43: {  	_ =	shalt  }
0x44: {  	_ =	shalt  }
0x45: {  	_ =	shalt  }
0x46: {  	_ =	shalt  }
0x47: {  	_ =	shalt  }
0x48: {  	_ =	shalt  }
0x49: {  	_ =	shalt  }
0x4a: {  	_ =	shalt  }
0x4b: {  	_ =	shalt  }
0x4c: {  	_ =	shalt  }
0x4d: {  	_ =	shalt  }
0x4e: {  	_ =	shalt  }
0x4f: {  	_ =	shalt  }
0x50: {  	_ =	shalt  }
0x51: {  	_ =	shalt  }
0x52: {  	_ =	shalt  }
0x53: {  	_ =	shalt  }
0x54: {  	_ =	shalt  }
0x55: {  	_ =	shalt  }
0x56: {  	_ =	shalt  }
0x57: {  	_ =	shalt  }
0x58: {  	_ =	shalt  }
0x59: {  	_ =	shalt  }
0x5a: {  	_ =	shalt  }
0x5b: {  	_ =	shalt  }
0x5c: {  	_ =	shalt  }
0x5d: {  	_ =	shalt  }
0x5e: {  	_ =	shalt  }
0x5f: {  	_ =	shalt  }
0x60: {  	_ =	shalt  }
0x61: {  	_ =	shalt  }
0x62: {  	_ =	shalt  }
0x63: {  	_ =	shalt  }
0x64: {  	_ =	shalt  }
0x65: {  	_ =	shalt  }
0x66: {  	_ =	shalt  }
0x67: {  	_ =	shalt  }
0x68: {  	_ =	shalt  }
0x69: {  	_ =	shalt  }
0x6a: {  	_ =	shalt  }
0x6b: {  	_ =	shalt  }
0x6c: {  	_ =	shalt  }
0x6d: {  	_ =	shalt  }
0x6e: {  	_ =	shalt  }
0x6f: {  	_ =	shalt  }
0x70: {  	_ =	shalt  }
0x71: {  	_ =	shalt  }
0x72: {  	_ =	shalt  }
0x73: {  	_ =	shalt  }
0x74: {  	_ =	shalt  }
0x75: {  	_ =	shalt  }
0x76: {  	_ =	shalt  }
0x77: {  	_ =	shalt  }
0x78: {  	_ =	shalt  }
0x79: {  	_ =	shalt  }
0x7a: {  	_ =	shalt  }
0x7b: {  	_ =	shalt  }
0x7c: {  	_ =	shalt  }
0x7d: {  	_ =	shalt  }
0x7e: {  	_ =	shalt  }
0x7f: {  	_ =	shalt  }
0x80: {  	_ =	shalt  }
0x81: {  	_ =	shalt  }
0x82: {  	_ =	shalt  }
0x83: {  	_ =	shalt  }
0x84: {  	_ =	shalt  }
0x85: {  	_ =	shalt  }
0x86: {  	_ =	shalt  }
0x87: {  	_ =	shalt  }
.Lfunc_end0:
.L_simem_size_0:
called_computation_lowered:
.L_overlay_start_0:
0x88: {  	s2 =	sld [smem:$0x3FD9]  }
0x89: {  	s3 =	sld [smem:$0x3FFE];
	_ =	sdelay $0x1  }
0x8a: {  	s1 =	srdreg.scid  }
0x8b: {  	s0 =	sand.u32 $0x1, s1  }
0x8c: {  	s17 =	sshll.u32 s0, $0xA;
	s2 =	sadd.s32 s3, s2  }
0x8d: {  	s2 =	sadd.s32 s2, s17  }
0x8e: {  	[smem:$0x3FC4] =	sst s2  }
0x8f: {  	_ = 	snop  }
0x90: {  	s2 =	sld [smem:$0x3FD0];
	(tm) =	ssettm $0x1  }
0x91: {  	s18 =	sld [smem:$0x3FFB];
	_ =	sdelay $0x3  }
0x92: {  	_ =	strace s18  }
0x93: {  	s3 =	sld [smem:$0x3FFC];
	_ =	sdelay $0x3  }
0x94: {  	_ =	strace s3  }
0x95: {  	s3 =	sld [smem:$0x3FFD];
	_ =	sdelay $0x3  }
0x96: {  	_ =	strace s3  }
0x97: {  	_ =	strace $0x8FFFFFFF  }
0x98: {  	s19 =	sld [smem:$0x3FDB];
	_ =	sdelay $0x1  }
0x99: {  	s4 =	simm.s32 $_scs_section_size  }
0x9a: {  	s5 =	simm.s32 $_size__tile_overlayer_lowered;
	s6 =	simm.s32 $_tile_overlayer_lowered  }
0x9b: {  	s22 =	simm.s32 $0x1BFF;
	s21 =	sshll.u32 s6, $0x1;
	s3 =	sadd.s32 s4, s19  }
0x9c: {  	s7 =	simm.s32 $0x0;
	s20 =	sshll.u32 s5, $0x1;
	s5 =	sadd.s32 s21, s3  }
0x9d: {  	[timem:s7], [sflag:s22] =	dma.local [hbm:s5], s20  }
0x9e: {  	_ =	swait.ge [sflag:s22], s20  }
0x9f: {  	s4 =	ssub.s32 $0x0, s20;
	[sflag:s22] =	ssyncset.done $0x0  }
0xa0: {  	[sflag:s22] =	ssyncadd.s32 s4;
	_ =	sdelay $0x1  }
0xa1: {  	s23 =	simm.s32 $0x1B8B  }
0xa2: {  	_ =	swait.ge [sflag:s23], $0x1  }
0xa3: {  	[sflag:s23] =	ssyncset.done $0x0  }
0xa4: {  	s25 =	simm.s32 $0x1B8E;
	s24 =	sld [smem:$0x3FFE];
	[sflag:s23] =	ssyncadd.s32 $0xFFFFFFFF  }
0xa5: {  	s26 =	simm.s32 $execute0_lowered;
	[smem:$0x3FD2] =	sst s25  }
0xa6: {  	s5 =	sshll.u32 s26, $0x1;
	_ =	strace $0x80000046;
	[dreg:$0x1] =	wrdreg $0xFFFFFFFF  }
0xa7: {  	s28 =	simm.s32 $_size_execute0_lowered;
	s3 =	sadd.s32 s3, s5;
	[dreg:$0x0] =	wrdreg $0x0  }
0xa8: {  	s5 =	sshll.u32 s28, $0x1;
	[dreg:$0x2] =	wrdreg s3  }
0xa9: {  	[dreg:$0x3] =	wrdreg s5  }
0xaa: {  	[dreg:$0x4] =	wrdreg $0xC0  }
0xab: {  	_ =	task [dreg:s7], $0x5FFFF  }
0xac: {  	[dreg:$0x1] =	wrdreg $0xFFFFFFFF  }
0xad: {  	[dreg:$0x0] =	wrdreg $0x60  }
0xae: {  	[dreg:$0x2] =	wrdreg s24  }
0xaf: {  	[dreg:$0x3] =	wrdreg s2  }
0xb0: {  	[dreg:$0x4] =	wrdreg $0x9  }
0xb1: {  	_ =	task.clear_ibuf [dreg:s7], $0x5FFFF;
	_ =	strace $0x90000046  }
0xb2: {  	s29 =	simm.s32 $0x9;
	_ =	strace $0x80000048  }
0xb3: {  	_ =	swait.ge [sflag:s29], $0x1  }
0xb4: {  	[sflag:s29] =	ssyncadd.s32 $0xFFFFFFFF  }
0xb5: {  	_ =	strace $0x90000048  }
0xb6: {  	_ =	sfence  }
0xb7: {  	s30 =	sld [smem:$0x0];
	_ =	sdelay $0x2  }
0xb8: {  	s31 =	sshll.u32 s1, $0xD;
	s1 =	sshrl.u32 s1, $0x2  }
0xb9: {  	s3 =	sand.u32 $0x4000, s31;
	s1 =	sadd.s32 s1, s30  }
0xba: {  	s0 =	sor.u32 s3, s0;
	s1 =	sshll.u32 s1, $0x11  }
0xbb: {  	s0 =	sor.u32 s1, s0  }
0xbc: {  	s0 =	sadd.s32 $0x8F2B, s0  }
0xbd: {  	[sflag:s0] =	ssyncadd.remote.s32 $0x1  }
0xbe: {  	_ =	sfence.sel $0xFFFF  }
0xbf: {  	[dreg:$0x0] =	wrdreg $0xFFFFFFFF;
	(pc) =	sbr.abs _section_cstart, $3  }
0xc0: {  	[dreg:$0x1] =	wrdreg $0xFFFFFFFF  }
0xc1: {  	_ =	task.clear_ibuf [dreg:s7], $0x2FFFF;
	_ =	strace $0x9FFFFFFF  }
0xc2: {  	(tm) =	ssettm $0x7FFFFFFF  }
0xc3: {  	_ =	shalt  }
tec
execute0_lowered:
.L_overlay_start_1:
0x0: {  	(tag) =	ssettag $0x1  }
0x1: {  	s3 =	rddreg [dreg:$0x0];
	s1 =	srdreg.scid  }
0x2: {  	s0 =	stileid.u32;
	s5 =	rddreg [dreg:$0x1];
	s10 =	simm.s32 $0x400  }
0x3: {  	s11 =	simm.s32 $0x0;
	s4 =	sand.u32 $0x1, s1;
	s2 =	sshll.u32 s0, $0x1  }
0x4: {  	s1 =	rddreg [dreg:$0x2];
	s8 =	sshrl.u32 s0, $0x2;
	s6 =	sor.u32 s4, s2  }
0x5: {  	s2 =	simm.s32 $0x0;
	s8 =	smul.u32 $0x14000, s8;
	s4 =	ssub.s32 $0x2, s4  }
0x6: {  	s7 =	smul.u32 $0x1400, s6;
	[smem:$0x7FF] =	sst s2;
	s6 =	sshll.u32 s6, $0x7  }
0x7: {  	s9 =	sshrl.u32 s4, $0x1;
	_ =	strace $0x80000047;
	s6 =	sand.u32 $0x380, s6  }
0x8: {  	s31 =	ssub.s32 s4, s9;
	s9 =	simm.s32 $0x80;
	s7 =	sshrl.u32 s7, $0x3  }
0x9: {  	s6 =	sor.u32 s8, s6;
	s8 =	simm.s32 $0x2800;
	s7 =	sadd.s32 s7, s3  }
0xa: {  	s6 =	sshrl.u32 s6, $0x3;
	s3 =	sadd.s32 $0x1600, s7;
	s4 =	sadd.s32 $0x6600, s7  }
0xb: {  	v0 =	vimm.f32 $0.0e+00;
	v1 =	vimm.f32 $1.000000000e+00;
	s5 =	sadd.s32 s5, s6;
	s6 =	smax.u32 s31, $0x1;
	s7 =	simm.s32 $0x1  }
.LBB2_1:
0xc: {  	s12 =	simm.s32 $0x0  }
.LBB2_2:
0xd: {  	p0 =	sne.s32 s12, $0x9FC0  }
.Ltmp0:
0xe: {  	_ = 	snop;
	(pc) =	sbr.rel @p0 .LBB2_2-.Ltmp0, $3  }
0xf: {  	_ =	sdelay $0x1  }
0x10: {  	s13 =	sshra.s32 s12, $0x2  }
0x11: {  	s12 =	sadd.s32 $0x40, s12;
	[tilespmem:s13+$0x2800] =	vst v0  }
0x12: {  	s12 =	simm.s32 $0x0  }
0x13: {  	s13 =	simm.s32 $0x10;
	s15 =	sadd.s32 $0x0, s3;
	s14 =	simm.s32 $0x100  }
.LBB2_4:
0x14: {  	[tilespmem:s12], [sflag:$0x1] =	stream.linear.gather [hbm4b:s15+s2], $0x80, $0x38;
	[tilespmem:$0x5000] =	vst v63  }
0x15: {  	s15 =	smov.u32 s13;
	s12 =	smov.u32 s14;
	p0 =	sne.s32 s13, $0x270  }
.Ltmp1:
0x16: {  	s13 =	sadd.s32 $0x10, s13;
	(pc) =	sbr.rel @p0 .LBB2_4-.Ltmp1, $2  }
0x17: {  	_ =	sdelay $0x2  }
0x18: {  	s14 =	sadd.s32 $0x100, s14;
	s15 =	sadd.s32 s15, s3  }
0x19: {  	[tilespmem:s12], [sflag:$0x1] =	stream.linear.gather [hbm4b:s15+s2], $0x80, $0x38;
	[tilespmem:$0x5000] =	vst v63  }
0x1a: {  	_ =	swait.ge [sflag:s7], $0x1400  }
0x1b: {  	s12 =	simm.s32 $0x80;
	s13 =	simm.s32 $0x10;
	[sflag:s7] =	ssyncset.done $0x0  }
0x1c: {  	s15 =	sadd.s32 $0x0, s4;
	s14 =	simm.s32 $0x180;
	[sflag:s7] =	ssyncadd.s32 $0xFFFFEC00  }
.LBB2_6:
0x1d: {  	[tilespmem:s12], [sflag:$0x1] =	stream.linear.gather [hbm4b:s15+s2], $0x80, $0x38;
	[tilespmem:$0x5000] =	vst v63  }
0x1e: {  	s15 =	smov.u32 s13;
	s12 =	smov.u32 s14;
	p0 =	sne.s32 s13, $0x270  }
.Ltmp2:
0x1f: {  	s13 =	sadd.s32 $0x10, s13;
	(pc) =	sbr.rel @p0 .LBB2_6-.Ltmp2, $2  }
0x20: {  	_ =	sdelay $0x2  }
0x21: {  	s14 =	sadd.s32 $0x100, s14;
	s15 =	sadd.s32 s15, s4  }
0x22: {  	[tilespmem:s12], [sflag:$0x1] =	stream.linear.gather [hbm4b:s15+s2], $0x80, $0x38;
	[tilespmem:$0x5000] =	vst v63  }
0x23: {  	s12 =	simm.s32 $0x0;
	_ =	swait.ge [sflag:s7], $0x1400  }
0x24: {  	s13 =	sand.u32 $0x70, s12;
	s14 =	sand.u32 $0x3F00, s12;
	[sflag:s7] =	ssyncset.done $0x0  }
0x25: {  	s14 =	sor.u32 s13, s14;
	s13 =	simm.s32 $0x10;
	[sflag:s7] =	ssyncadd.s32 $0xFFFFEC00  }
.LBB2_8:
0x26: {  	p0 =	sne.s32 s13, $0x13F0;
	v2 =	vld [tilespmem:s14+$0x0]  }
0x27: {  	v3 =	vld [tilespmem:s14+$0x80];
	_ =	sdelay $0x3  }
.Ltmp3:
0x28: {  	(pc) =	sbr.rel @p0 .LBB2_8-.Ltmp3, $4  }
0x29: {  	_ = 	snop  }
0x2a: {  	s12 =	sadd.s32 $0x20, s12  }
0x2b: {  	s14 =	sand.u32 $0x70, s13;
	s15 =	sand.u32 $0x3F00, s12;
	[tilespmem:v2+s8+$0x0] =	vst.idx.add.f32.msk $0xffff, v1  }
0x2c: {  	s13 =	sadd.s32 $0x10, s13;
	s14 =	sor.u32 s14, s15;
	[tilespmem:v3+s8+$0x0] =	vst.idx.add.f32.msk $0xffff, v1  }
0x2d: {  	v2 =	vld [tilespmem:s14+$0x0]  }
0x2e: {  	v3 =	vld [tilespmem:s14+$0x80];
	_ =	sdelay $0x5  }
0x2f: {  	s11 =	sadd.s32 $0x1, s11  }
0x30: {  	p0 =	sne.s32 s11, s6;
	[tilespmem:v2+s8+$0x0] =	vst.idx.add.f32.msk $0xffff, v1  }
.Ltmp4:
0x31: {  	[tilespmem:v3+s8+$0x0] =	vst.idx.add.f32.msk $0xffff, v1;
	(pc) =	sbr.rel @p0 .LBB2_1-.Ltmp4, $4  }
0x32: {  	[hbm4b:s5+s9] =	stream.strided.scatter [tilespmem:s8], [sflag:$0x1], $0x2800, s10, s9, $0x38;
	[tilespmem:$0x5000] =	vst v63  }
0x33: {  	_ =	swait.ge [sflag:s7], $0x2800  }
0x34: {  	[sflag:s7] =	ssyncset.done $0x0  }
0x35: {  	[sflag:s7] =	ssyncadd.s32 $0xFFFFD800  }
0x36: {  	_ =	sfence.sel $0x180000  }
0x37: {  	[bflag:$0x0] =	sbarrier.arrive $0xFFFF  }
0x38: {  	p0 =	sne.s32 s0, $0x0;
	_ =	strace $0x90000047  }
0x39: {  	s0 =	sadd.s32 @!p0 $0x100000, s1;
	[bflag:$0x2] =	sbarrier.arrive $0xFFFF  }
0x3a: {  	[sflag:s0] =	ssyncadd.tile.s32 @!p0 $0x1;
	_ =	shalt  }
.Lfunc_end2:
_tile_overlayer_lowered:
.L_overlay_start_2:
0x3b: {  	(tag) =	ssettag $0x2  }
0x3c: {  	s0 =	rddreg [dreg:$0x0];
	s2 =	stileid.u32  }
0x3d: {  	s1 =	rddreg [dreg:$0x1];
	p0 =	sne.s32 s2, $0x0  }
0x3e: {  	s3 =	rddreg [dreg:$0x2];
	[bflag:$0x3] =	sbarrier.arrive $0xFFFF;
	s2 =	simm.s32 @!p0 $0x1C01  }
0x3f: {  	[timem:s3], [sflag:s2] =	dma.local @!p0 [hbm:s0], s1  }
0x40: {  	s0 =	simm.s32 @!p0 $0x1  }
0x41: {  	_ =	swait.ge @!p0 [sflag:s0], s1  }
0x42: {  	s1 =	ssub.s32 @!p0 $0x0, s1;
	[sflag:s0] =	ssyncset.done @!p0 $0x0  }
0x43: {  	[sflag:s0] =	ssyncadd.s32 @!p0 s1  }
0x44: {  	[bflag:$0x3] =	sbarrier.arrive $0xFFFF  }
0x45: {  	_ =	shalt  }

// kernel: kernel.13.cloned.1.call-start
scs
__scs_entry_jumppad:
0x0: {  	(pc) =	sbr.rel $0x88, $3  }
0x1: {  	(tag) =	ssettag $0x0;
	lr =	simm.s32 $0x1  }
0x2: {  	[smem:$0x3F9D] =	sst lr;
	_ =	strace $0xD0000000  }
0x3: {  	_ = 	snop  }
0x4: {  	_ = 	snop  }
0x5: {  	_ = 	snop  }
0x6: {  	_ = 	snop  }
0x7: {  	_ = 	snop  }
__scs_overlays_trampoline_lowered:
0x8: {  	[smem:$0x3FAC] =	sst s0  }
0x9: {  	[smem:$0x3FAD] =	sst s1  }
0xa: {  	[smem:$0x3FAE] =	sst s2  }
0xb: {  	[smem:$0x3FAF] =	sst s3  }
0xc: {  	[smem:$0x3FB0] =	sst s4  }
0xd: {  	[smem:$0x3FB1] =	sst s5  }
0xe: {  	[smem:$0x3FB2] =	sst s6  }
0xf: {  	[smem:$0x3FB3] =	sst s7  }
0x10: {  	[smem:$0x3FB4] =	sst s8  }
0x11: {  	[smem:$0x3FB5] =	sst s9;
	s0 =	simm.s32 @!p0 $0x0  }
0x12: {  	s1 =	sld [smem:$0x3F9B];
	s0 =	simm.s32 @p0 $0x1  }
0x13: {  	[smem:$0x3FB6] =	sst s0;
	s0 =	simm.s32 @!p1 $0x0  }
0x14: {  	s2 =	sld [smem:$0x3F9A];
	s0 =	simm.s32 @p1 $0x1  }
0x15: {  	[smem:$0x3FB7] =	sst s0;
	s0 =	simm.s32 @!p2 $0x0  }
0x16: {  	s3 =	sld [smem:$0x3FDB];
	s0 =	simm.s32 @p2 $0x1  }
0x17: {  	s4 =	simm.s32 $0x1BF5;
	[smem:$0x3FB9] =	sst s0  }
0x18: {  	s0 =	sld [smem:$0x3F9C];
	_ =	swait.ge [sflag:s4], $0x0  }
0x19: {  	s7 =	sld [smem:$0x3F9D]  }
0x1a: {  	s8 =	sadd.s32 $0xFFFFE003, lr  }
0x1b: {  	s9 =	sadd.s32 $0xFFFFFEF7, lr;
	s5 =	simm.s32 $0xFFFFFFFF;
	p2 =	slt.u32 s8, $0xFFFFF086  }
0x1c: {  	p1 =	slt.u32 s9, $0xF7A;
	s5 =	simm.s32 @!p2 $0x0  }
0x1d: {  	s5 =	simm.s32 @p1 $0x1;
	p0 =	seq.s32 s7, s2  }
0x1e: {  	s7 =	smul.u32 @!p0 $0xF7A, s2;
	p2 =	seq.s32 @!p0 s5, $0x0  }
0x1f: {  	s9 =	smul.u32 $0xF7A, s1;
	s8 =	simm.s32 @!p0 $0x1BF5;
	p2 =	por !p2, p0  }
0x20: {  	[sflag:s8] =	ssyncset.s32 @!p0 $0xFFFFF086;
	s6 =	sadd.s32 @!p0 s3, s7;
	s7 =	simm.s32 @!p0 $0x108  }
0x21: {  	s3 =	sadd.s32 s3, s9;
	s6 =	sadd.s32 @!p0 $0x88, s6;
	s7 =	simm.s32 @p2 $0x1082  }
0x22: {  	[simem:s7], [sflag:s8] =	dma.local @!p0 [hbm:s6], $0xF7A  }
0x23: {  	s9 =	sor.u32 $0xD0000000, s2;
	s6 =	simm.s32 $0x108;
	_ =	swait.ge @!p0 [sflag:s8], $0x0  }
0x24: {  	s3 =	sadd.s32 $0x88, s3;
	s6 =	simm.s32 @!p1 $0x1082;
	[sflag:s4] =	ssyncset.s32 $0xFFFFF086  }
0x25: {  	[simem:s6], [sflag:s4] =	dma.local [hbm:s3], $0xF7A  }
0x26: {  	[smem:$0x3F9D] =	sst s1;
	(tag) =	ssettag s2;
	_ =	strace s9  }
0x27: {  	s1 =	sld [smem:$0x3FAD]  }
0x28: {  	s2 =	sld [smem:$0x3FAE]  }
0x29: {  	s4 =	sld [smem:$0x3FB0]  }
0x2a: {  	p0 =	seq.s32 s5, $0x0;
	s5 =	sld [smem:$0x3FB1]  }
0x2b: {  	s6 =	sld [smem:$0x3FB2]  }
0x2c: {  	s7 =	sld [smem:$0x3FB3]  }
0x2d: {  	s3 =	simm.s32 $0x108;
	s8 =	sld [smem:$0x3FB4]  }
0x2e: {  	s3 =	simm.s32 @!p0 $0x1082;
	s9 =	sld [smem:$0x3FB5]  }
0x2f: {  	lr =	sadd.s32 s0, s3;
	s0 =	sld [smem:$0x3FAC]  }
0x30: {  	s3 =	sld [smem:$0x3FAF]  }
0x31: {  	[smem:$0x3FB8] =	sst s10  }
0x32: {  	s10 =	sld [smem:$0x3FB6];
	_ =	sdelay $0x3  }
0x33: {  	p0 =	seq.s32 s10, $0x1;
	s10 =	sld [smem:$0x3FB8];
	_ =	sdelay $0x3  }
0x34: {  	[smem:$0x3FB8] =	sst s10  }
0x35: {  	s10 =	sld [smem:$0x3FB7];
	_ =	sdelay $0x3  }
0x36: {  	p1 =	seq.s32 s10, $0x1;
	s10 =	sld [smem:$0x3FB8];
	_ =	sdelay $0x3  }
0x37: {  	[smem:$0x3FB8] =	sst s10  }
0x38: {  	s10 =	sld [smem:$0x3FB9]  }
0x39: {  	_ = 	snop;
	(pc) =	sbr.ind lr, $3  }
0x3a: {  	_ = 	snop  }
0x3b: {  	_ = 	snop  }
0x3c: {  	p2 =	seq.s32 s10, $0x1;
	s10 =	sld [smem:$0x3FB8]  }
0x3d: {  	_ =	shalt  }
0x3e: {  	_ =	shalt  }
0x3f: {  	_ =	shalt  }
0x40: {  	_ =	shalt  }
0x41: {  	_ =	shalt  }
0x42: {  	_ =	shalt  }
0x43: {  	_ =	shalt  }
0x44: {  	_ =	shalt  }
0x45: {  	_ =	shalt  }
0x46: {  	_ =	shalt  }
0x47: {  	_ =	shalt  }
0x48: {  	_ =	shalt  }
0x49: {  	_ =	shalt  }
0x4a: {  	_ =	shalt  }
0x4b: {  	_ =	shalt  }
0x4c: {  	_ =	shalt  }
0x4d: {  	_ =	shalt  }
0x4e: {  	_ =	shalt  }
0x4f: {  	_ =	shalt  }
0x50: {  	_ =	shalt  }
0x51: {  	_ =	shalt  }
0x52: {  	_ =	shalt  }
0x53: {  	_ =	shalt  }
0x54: {  	_ =	shalt  }
0x55: {  	_ =	shalt  }
0x56: {  	_ =	shalt  }
0x57: {  	_ =	shalt  }
0x58: {  	_ =	shalt  }
0x59: {  	_ =	shalt  }
0x5a: {  	_ =	shalt  }
0x5b: {  	_ =	shalt  }
0x5c: {  	_ =	shalt  }
0x5d: {  	_ =	shalt  }
0x5e: {  	_ =	shalt  }
0x5f: {  	_ =	shalt  }
0x60: {  	_ =	shalt  }
0x61: {  	_ =	shalt  }
0x62: {  	_ =	shalt  }
0x63: {  	_ =	shalt  }
0x64: {  	_ =	shalt  }
0x65: {  	_ =	shalt  }
0x66: {  	_ =	shalt  }
0x67: {  	_ =	shalt  }
0x68: {  	_ =	shalt  }
0x69: {  	_ =	shalt  }
0x6a: {  	_ =	shalt  }
0x6b: {  	_ =	shalt  }
0x6c: {  	_ =	shalt  }
0x6d: {  	_ =	shalt  }
0x6e: {  	_ =	shalt  }
0x6f: {  	_ =	shalt  }
0x70: {  	_ =	shalt  }
0x71: {  	_ =	shalt  }
0x72: {  	_ =	shalt  }
0x73: {  	_ =	shalt  }
0x74: {  	_ =	shalt  }
0x75: {  	_ =	shalt  }
0x76: {  	_ =	shalt  }
0x77: {  	_ =	shalt  }
0x78: {  	_ =	shalt  }
0x79: {  	_ =	shalt  }
0x7a: {  	_ =	shalt  }
0x7b: {  	_ =	shalt  }
0x7c: {  	_ =	shalt  }
0x7d: {  	_ =	shalt  }
0x7e: {  	_ =	shalt  }
0x7f: {  	_ =	shalt  }
0x80: {  	_ =	shalt  }
0x81: {  	_ =	shalt  }
0x82: {  	_ =	shalt  }
0x83: {  	_ =	shalt  }
0x84: {  	_ =	shalt  }
0x85: {  	_ =	shalt  }
0x86: {  	_ =	shalt  }
0x87: {  	_ =	shalt  }
.Lfunc_end0:
.L_simem_size_0:
called_computation.1_lowered:
.L_overlay_start_0:
0x88: {  	s2 =	sld [smem:$0x3FD9]  }
0x89: {  	s3 =	sld [smem:$0x3FFE];
	_ =	sdelay $0x1  }
0x8a: {  	s1 =	srdreg.scid  }
0x8b: {  	s0 =	sand.u32 $0x1, s1  }
0x8c: {  	s17 =	sshll.u32 s0, $0xA;
	s2 =	sadd.s32 s3, s2  }
0x8d: {  	s2 =	sadd.s32 s2, s17  }
0x8e: {  	[smem:$0x3FC4] =	sst s2  }
0x8f: {  	_ = 	snop  }
0x90: {  	s2 =	sld [smem:$0x3FD0];
	(tm) =	ssettm $0x1  }
0x91: {  	s18 =	sld [smem:$0x3FFB];
	_ =	sdelay $0x3  }
0x92: {  	_ =	strace s18  }
0x93: {  	s3 =	sld [smem:$0x3FFC];
	_ =	sdelay $0x3  }
0x94: {  	_ =	strace s3  }
0x95: {  	s3 =	sld [smem:$0x3FFD];
	_ =	sdelay $0x3  }
0x96: {  	_ =	strace s3  }
0x97: {  	_ =	strace $0x8FFFFFFF  }
0x98: {  	s19 =	sld [smem:$0x3FDB];
	_ =	sdelay $0x1  }
0x99: {  	s4 =	simm.s32 $_scs_section_size  }
0x9a: {  	s5 =	simm.s32 $_size__tile_overlayer_lowered;
	s6 =	simm.s32 $_tile_overlayer_lowered  }
0x9b: {  	s22 =	simm.s32 $0x1BFF;
	s21 =	sshll.u32 s6, $0x1;
	s3 =	sadd.s32 s4, s19  }
0x9c: {  	s7 =	simm.s32 $0x0;
	s20 =	sshll.u32 s5, $0x1;
	s5 =	sadd.s32 s21, s3  }
0x9d: {  	[timem:s7], [sflag:s22] =	dma.local [hbm:s5], s20  }
0x9e: {  	_ =	swait.ge [sflag:s22], s20  }
0x9f: {  	s4 =	ssub.s32 $0x0, s20;
	[sflag:s22] =	ssyncset.done $0x0  }
0xa0: {  	[sflag:s22] =	ssyncadd.s32 s4;
	_ =	sdelay $0x1  }
0xa1: {  	s23 =	simm.s32 $0x1B8B  }
0xa2: {  	_ =	swait.ge [sflag:s23], $0x1  }
0xa3: {  	[sflag:s23] =	ssyncset.done $0x0  }
0xa4: {  	s25 =	simm.s32 $0x1B8E;
	s24 =	sld [smem:$0x3FFE];
	[sflag:s23] =	ssyncadd.s32 $0xFFFFFFFF  }
0xa5: {  	s26 =	simm.s32 $execute0_lowered;
	[smem:$0x3FD2] =	sst s25  }
0xa6: {  	s5 =	sshll.u32 s26, $0x1;
	_ =	strace $0x80000049;
	[dreg:$0x1] =	wrdreg $0xFFFFFFFF  }
0xa7: {  	s28 =	simm.s32 $_size_execute0_lowered;
	s3 =	sadd.s32 s3, s5;
	[dreg:$0x0] =	wrdreg $0x0  }
0xa8: {  	s5 =	sshll.u32 s28, $0x1;
	[dreg:$0x2] =	wrdreg s3  }
0xa9: {  	[dreg:$0x3] =	wrdreg s5  }
0xaa: {  	[dreg:$0x4] =	wrdreg $0xC0  }
0xab: {  	_ =	task [dreg:s7], $0x5FFFF  }
0xac: {  	[dreg:$0x1] =	wrdreg $0xFFFFFFFF  }
0xad: {  	[dreg:$0x0] =	wrdreg $0x60  }
0xae: {  	[dreg:$0x2] =	wrdreg s2  }
0xaf: {  	[dreg:$0x3] =	wrdreg s24  }
0xb0: {  	[dreg:$0x4] =	wrdreg $0xB0000  }
0xb1: {  	[dreg:$0x5] =	wrdreg $0x9  }
0xb2: {  	_ =	task.clear_ibuf [dreg:s7], $0x6FFFF;
	_ =	strace $0x90000049  }
0xb3: {  	s29 =	simm.s32 $0x9;
	_ =	strace $0x8000004B  }
0xb4: {  	_ =	swait.ge [sflag:s29], $0x1  }
0xb5: {  	[sflag:s29] =	ssyncadd.s32 $0xFFFFFFFF  }
0xb6: {  	_ =	strace $0x9000004B  }
0xb7: {  	_ =	sfence  }
0xb8: {  	s30 =	sld [smem:$0x0];
	_ =	sdelay $0x2  }
0xb9: {  	s31 =	sshll.u32 s1, $0xD;
	s1 =	sshrl.u32 s1, $0x2  }
0xba: {  	s3 =	sand.u32 $0x4000, s31;
	s1 =	sadd.s32 s1, s30  }
0xbb: {  	s0 =	sor.u32 s3, s0;
	s1 =	sshll.u32 s1, $0x11  }
0xbc: {  	s0 =	sor.u32 s1, s0  }
0xbd: {  	s0 =	sadd.s32 $0x8F2B, s0  }
0xbe: {  	[sflag:s0] =	ssyncadd.remote.s32 $0x1  }
0xbf: {  	_ =	sfence.sel $0xFFFF  }
0xc0: {  	[dreg:$0x0] =	wrdreg $0xFFFFFFFF;
	(pc) =	sbr.abs _section_cstart, $3  }
0xc1: {  	[dreg:$0x1] =	wrdreg $0xFFFFFFFF  }
0xc2: {  	_ =	task.clear_ibuf [dreg:s7], $0x2FFFF;
	_ =	strace $0x9FFFFFFF  }
0xc3: {  	(tm) =	ssettm $0x7FFFFFFF  }
tec
execute0_lowered:
.L_overlay_start_1:
0x0: {  	(tag) =	ssettag $0x1  }
0x1: {  	s1 =	rddreg [dreg:$0x0]  }
0x2: {  	s0 =	rddreg [dreg:$0x1];
	s17 =	stileid.u32  }
0x3: {  	s3 =	srdreg.scid;
	s2 =	simm.s32 $0x0;
	s29 =	simm.s32 $0x2800  }
0x4: {  	s30 =	simm.s32 $0x5000;
	s31 =	simm.s32 $0x8;
	s4 =	smul.u32 $0x2800, s17  }
0x5: {  	s3 =	sand.u32 $0x1, s3;
	[smem:$0x7FF] =	sst s2;
	s7 =	smul.u32 $0x14000, s17  }
0x6: {  	s5 =	ssub.s32 $0x2, s3;
	s12 =	smul.u32 $0x140000, s3;
	s4 =	sshrl.u32 s4, $0x3  }
0x7: {  	s6 =	sshrl.u32 s5, $0x1;
	s8 =	sadd.s32 $0x4000, s7;
	s9 =	sadd.s32 $0x6000, s7  }
0x8: {  	s10 =	sadd.s32 $0x8000, s7;
	s11 =	sadd.s32 $0xA000, s7;
	s14 =	sadd.s32 $0xC000, s7  }
0x9: {  	s15 =	sadd.s32 $0xE000, s7;
	s25 =	sadd.s32 $0x10000, s7;
	s26 =	sadd.s32 $0x12000, s7  }
0xa: {  	s4 =	sadd.s32 s4, s0;
	s0 =	sadd.s32 $0xB600, s0;
	s5 =	ssub.s32 s5, s6  }
0xb: {  	s6 =	sor.u32 $0x2000, s7;
	s7 =	sadd.s32 s7, s12;
	s16 =	sadd.s32 s12, s8  }
0xc: {  	s18 =	sadd.s32 s12, s10;
	s19 =	sadd.s32 s12, s11;
	s22 =	sadd.s32 s12, s14  }
0xd: {  	s23 =	sadd.s32 s12, s15;
	s13 =	sadd.s32 s12, s6;
	s7 =	sshrl.u32 s7, $0x3  }
0xe: {  	s21 =	sshrl.u32 s19, $0x3;
	s28 =	smax.u32 s5, $0x1;
	s7 =	sadd.s32 s0, s7  }
0xf: {  	s5 =	simm.s32 $0x9000;
	s13 =	sshrl.u32 s13, $0x3;
	[dreg:$0x4] =	wrdreg s7  }
0x10: {  	s24 =	sadd.s32 s0, s13;
	s13 =	sshrl.u32 s16, $0x3;
	s16 =	sadd.s32 s12, s9  }
0x11: {  	[dreg:$0x5] =	wrdreg s24;
	s7 =	sadd.s32 s0, s13;
	s13 =	sshrl.u32 s18, $0x3  }
0x12: {  	s24 =	sadd.s32 s12, s25;
	[dreg:$0x6] =	wrdreg s7;
	s7 =	sshrl.u32 s16, $0x3  }
0x13: {  	s20 =	sadd.s32 s0, s13;
	s13 =	sshrl.u32 s23, $0x3;
	s19 =	sshrl.u32 s24, $0x3  }
0x14: {  	s16 =	smul.u32 $0x2800, s3;
	s23 =	sadd.s32 $0x6600, s4;
	[dreg:$0x8] =	wrdreg s20  }
0x15: {  	s7 =	sadd.s32 s0, s7;
	s18 =	sadd.s32 s0, s13;
	s13 =	rddreg [dreg:$0x2]  }
0x16: {  	s3 =	simm.s32 $0x7000;
	s20 =	sadd.s32 s12, s26;
	[dreg:$0x7] =	wrdreg s7  }
0x17: {  	s12 =	simm.s32 $0x0;
	s7 =	sadd.s32 s0, s21;
	[dreg:$0xb] =	wrdreg s18  }
0x18: {  	s21 =	smul.u32 $0x50000, s17;
	s18 =	sadd.s32 s6, s13;
	s25 =	sadd.s32 s25, s13  }
0x19: {  	s26 =	sadd.s32 s26, s13;
	s6 =	simm.s32 $0x2;
	[dreg:$0x9] =	wrdreg s7  }
0x1a: {  	s7 =	sshrl.u32 s22, $0x3;
	s22 =	sadd.s32 $0x1600, s4;
	s4 =	simm.s32 $0x1  }
0x1b: {  	s7 =	sadd.s32 s0, s7;
	s24 =	sshrl.u32 s21, $0x2;
	s21 =	sadd.s32 s10, s13  }
0x1c: {  	s10 =	simm.s32 $0x7;
	[dreg:$0xa] =	wrdreg s7;
	s7 =	sadd.s32 s0, s19  }
0x1d: {  	s17 =	sadd.s32 s24, s13;
	[dreg:$0xc] =	wrdreg s7;
	s7 =	sshrl.u32 s20, $0x3  }
0x1e: {  	s19 =	sadd.s32 s8, s13;
	s24 =	sadd.s32 s15, s13;
	s0 =	sadd.s32 s0, s7  }
0x1f: {  	s8 =	simm.s32 $0x3;
	s20 =	sadd.s32 s9, s13;
	[dreg:$0xd] =	wrdreg s0  }
0x20: {  	s9 =	simm.s32 $0x5;
	_ =	strace $0x8000004A;
	[dreg:$0xe] =	wrdreg s22  }
0x21: {  	s7 =	simm.s32 $0x4;
	s0 =	simm.s32 $0x40;
	[dreg:$0xf] =	wrdreg s23  }
0x22: {  	v1 =	vimm.f32 $0.0e+00;
	v0 =	vmov s16;
	s22 =	sadd.s32 s11, s13;
	s23 =	sadd.s32 s14, s13;
	s11 =	simm.s32 $0x6  }
.LBB2_1:
0x23: {  	s14 =	rddreg [dreg:$0xe]  }
0x24: {  	[tilespmem:s2], [sflag:$0x7] =	stream.linear.gather [hbm4b:s14+s2], $0x2800, $0x38;
	[tilespmem:$0x1F000] =	vst v63  }
0x25: {  	s16 =	rddreg [dreg:$0xf];
	s15 =	simm.s32 $0x200;
	s14 =	simm.s32 $0x0  }
0x26: {  	[tilespmem:s29], [sflag:$0x7] =	stream.linear.gather [hbm4b:s16+s2], $0x2800, $0x38;
	[tilespmem:$0x1F000] =	vst v63  }
.LBB2_2:
0x27: {  	p0 =	sne.s32 s15, $0x7E00;
	[tilespmem:s14+$0x5070] =	vst v1  }
0x28: {  	[tilespmem:s14+$0x5000] =	vst v1  }
0x29: {  	[tilespmem:s14+$0x5010] =	vst v1  }
.Ltmp0:
0x2a: {  	[tilespmem:s14+$0x5020] =	vst v1;
	(pc) =	sbr.rel @p0 .LBB2_2-.Ltmp0, $4  }
0x2b: {  	[tilespmem:s14+$0x5030] =	vst v1  }
0x2c: {  	[tilespmem:s14+$0x5040] =	vst v1  }
0x2d: {  	[tilespmem:s14+$0x5050] =	vst v1  }
0x2e: {  	[tilespmem:s14+$0x5060] =	vst v1;
	s14 =	sshra.s32 s15, $0x2;
	s15 =	sadd.s32 $0x200, s15  }
0x2f: {  	[tilespmem:s14+$0x5070] =	vst v1  }
0x30: {  	[tilespmem:s14+$0x5000] =	vst v1  }
0x31: {  	[tilespmem:s14+$0x5010] =	vst v1  }
0x32: {  	[tilespmem:s14+$0x5020] =	vst v1  }
0x33: {  	[tilespmem:s14+$0x5030] =	vst v1  }
0x34: {  	[tilespmem:s14+$0x5040] =	vst v1  }
0x35: {  	[tilespmem:s14+$0x5050] =	vst v1  }
0x36: {  	[tilespmem:s14+$0x5060] =	vst v1  }
0x37: {  	[spmem:s17] =	stream.linear.scatter [tilespmem:s30], [sflag:$0x8], $0x2000, $0x38;
	[tilespmem:$0x1F000] =	vst v63  }
0x38: {  	_ =	swait.ge [sflag:s31], $0x2000  }
0x39: {  	[sflag:s31] =	ssyncset.done $0x0  }
0x3a: {  	[sflag:s31] =	ssyncadd.s32 $0xFFFFE000  }
0x3b: {  	[spmem:s18] =	stream.linear.scatter [tilespmem:s30], [sflag:$0x8], $0x2000, $0x38;
	[tilespmem:$0x1F000] =	vst v63  }
0x3c: {  	_ =	swait.ge [sflag:s31], $0x2000  }
0x3d: {  	[sflag:s31] =	ssyncset.done $0x0  }
0x3e: {  	[sflag:s31] =	ssyncadd.s32 $0xFFFFE000  }
0x3f: {  	[spmem:s19] =	stream.linear.scatter [tilespmem:s30], [sflag:$0x8], $0x2000, $0x38;
	[tilespmem:$0x1F000] =	vst v63  }
0x40: {  	_ =	swait.ge [sflag:s31], $0x2000  }
0x41: {  	[sflag:s31] =	ssyncset.done $0x0  }
0x42: {  	[sflag:s31] =	ssyncadd.s32 $0xFFFFE000  }
0x43: {  	[spmem:s20] =	stream.linear.scatter [tilespmem:s30], [sflag:$0x8], $0x2000, $0x38;
	[tilespmem:$0x1F000] =	vst v63  }
0x44: {  	_ =	swait.ge [sflag:s31], $0x2000  }
0x45: {  	[sflag:s31] =	ssyncset.done $0x0  }
0x46: {  	[sflag:s31] =	ssyncadd.s32 $0xFFFFE000  }
0x47: {  	[spmem:s21] =	stream.linear.scatter [tilespmem:s30], [sflag:$0x8], $0x2000, $0x38;
	[tilespmem:$0x1F000] =	vst v63  }
0x48: {  	_ =	swait.ge [sflag:s31], $0x2000  }
0x49: {  	[sflag:s31] =	ssyncset.done $0x0  }
0x4a: {  	[sflag:s31] =	ssyncadd.s32 $0xFFFFE000  }
0x4b: {  	[spmem:s22] =	stream.linear.scatter [tilespmem:s30], [sflag:$0x8], $0x2000, $0x38;
	[tilespmem:$0x1F000] =	vst v63  }
0x4c: {  	_ =	swait.ge [sflag:s31], $0x2000  }
0x4d: {  	[sflag:s31] =	ssyncset.done $0x0  }
0x4e: {  	[sflag:s31] =	ssyncadd.s32 $0xFFFFE000  }
0x4f: {  	[spmem:s23] =	stream.linear.scatter [tilespmem:s30], [sflag:$0x8], $0x2000, $0x38;
	[tilespmem:$0x1F000] =	vst v63  }
0x50: {  	_ =	swait.ge [sflag:s31], $0x2000  }
0x51: {  	[sflag:s31] =	ssyncset.done $0x0  }
0x52: {  	[sflag:s31] =	ssyncadd.s32 $0xFFFFE000  }
0x53: {  	[spmem:s24] =	stream.linear.scatter [tilespmem:s30], [sflag:$0x8], $0x2000, $0x38;
	[tilespmem:$0x1F000] =	vst v63  }
0x54: {  	_ =	swait.ge [sflag:s31], $0x2000  }
0x55: {  	[sflag:s31] =	ssyncset.done $0x0  }
0x56: {  	[sflag:s31] =	ssyncadd.s32 $0xFFFFE000  }
0x57: {  	[spmem:s25] =	stream.linear.scatter [tilespmem:s30], [sflag:$0x8], $0x2000, $0x38;
	[tilespmem:$0x1F000] =	vst v63  }
0x58: {  	_ =	swait.ge [sflag:s31], $0x2000  }
0x59: {  	[sflag:s31] =	ssyncset.done $0x0  }
0x5a: {  	[sflag:s31] =	ssyncadd.s32 $0xFFFFE000  }
0x5b: {  	[spmem:s26] =	stream.linear.scatter [tilespmem:s30], [sflag:$0x8], $0x2000, $0x38;
	[tilespmem:$0x1F000] =	vst v63  }
0x5c: {  	_ =	swait.ge [sflag:s31], $0x2000  }
0x5d: {  	[sflag:s31] =	ssyncset.done $0x0  }
0x5e: {  	[sflag:s31] =	ssyncadd.s32 $0xFFFFE000  }
0x5f: {  	_ =	swait.ge [sflag:s10], $0x2800  }
0x60: {  	[sflag:s10] =	ssyncset.done $0x0  }
0x61: {  	[sflag:s10] =	ssyncadd.s32 $0xFFFFD800  }
0x62: {  	_ =	swait.ge [sflag:s10], $0x2800  }
0x63: {  	[sflag:s10] =	ssyncset.done $0x0  }
0x64: {  	s14 =	simm.s32 $0x0;
	s15 =	simm.s32 $0x40;
	[sflag:s10] =	ssyncadd.s32 $0xFFFFD800  }
.LBB2_4:
0x65: {  	p0 =	sne.s32 s15, $0x9FC0;
	v2 =	vld [tilespmem:s14+$0x0];
	_ =	sdelay $0x1  }
.Ltmp1:
0x66: {  	(pc) =	sbr.rel @p0 .LBB2_4-.Ltmp1, $3  }
0x67: {  	_ =	sdelay $0x1  }
0x68: {  	v2 =	vadd.s32 v0, v2  }
0x69: {  	[tilespmem:s14+$0x0] =	vst v2;
	s14 =	sshra.s32 s15, $0x2;
	s15 =	sadd.s32 $0x40, s15  }
0x6a: {  	v2 =	vld [tilespmem:s14+$0x0];
	_ =	sdelay $0x4  }
0x6b: {  	v2 =	vadd.s32 v0, v2  }
0x6c: {  	[tilespmem:s14+$0x0] =	vst v2  }
0x6d: {  	s16 =	simm.s32 $0x0;
	[bflag:$0x0] =	sbarrier.arrive $0xFFFF  }
0x6e: {  	[tilespmem:s30], [sflag:$0x1] =	stream.indirect.gather [hbm4b:s1+s0], $0x80, s16, s0, $0xb8;
	[tilespmem:$0x1F000] =	vst v63  }
0x6f: {  	_ = 	snop  }
0x70: {  	[tilespmem:s3], [sflag:$0x2] =	stream.indirect.gather [hbm4b:s1+s0], $0x80, s0, s0, $0xb8;
	[tilespmem:$0x1F000] =	vst v63  }
0x71: {  	_ =	swait.ge [sflag:s4], $0x2000  }
0x72: {  	[sflag:s4] =	ssyncset.done $0x0  }
0x73: {  	[sflag:s4] =	ssyncadd.s32 $0xFFFFE000  }
0x74: {  	[spmem:s13] =	stream.indirect.scatter.add.f32 [tilespmem:s30], [sflag:$0x4], $0x80, s29, s0, $0xb8;
	[tilespmem:$0x1F000] =	vst v63  }
0x75: {  	s15 =	simm.s32 $0x80  }
0x76: {  	[tilespmem:s5], [sflag:$0x3] =	stream.indirect.gather [hbm4b:s1+s0], $0x80, s15, s0, $0xb8;
	[tilespmem:$0x1F000] =	vst v63  }
0x77: {  	_ =	swait.ge [sflag:s6], $0x2000  }
0x78: {  	[sflag:s6] =	ssyncset.done $0x0  }
0x79: {  	s16 =	simm.s32 $0x2840;
	[sflag:s6] =	ssyncadd.s32 $0xFFFFE000  }
0x7a: {  	[spmem:s13] =	stream.indirect.scatter.add.f32 [tilespmem:s3], [sflag:$0x5], $0x80, s16, s0, $0xb8;
	[tilespmem:$0x1F000] =	vst v63  }
0x7b: {  	_ =	swait.ge [sflag:s7], $0x2000  }
0x7c: {  	[sflag:s7] =	ssyncset.done $0x0  }
0x7d: {  	s15 =	simm.s32 $0xC0;
	[sflag:s7] =	ssyncadd.s32 $0xFFFFE000  }
0x7e: {  	[tilespmem:s30], [sflag:$0x1] =	stream.indirect.gather [hbm4b:s1+s0], $0x80, s15, s0, $0xb8;
	[tilespmem:$0x1F000] =	vst v63  }
0x7f: {  	_ =	swait.ge [sflag:s8], $0x2000  }
0x80: {  	[sflag:s8] =	ssyncset.done $0x0  }
0x81: {  	s16 =	simm.s32 $0x2880;
	[sflag:s8] =	ssyncadd.s32 $0xFFFFE000  }
0x82: {  	[spmem:s13] =	stream.indirect.scatter.add.f32 [tilespmem:s5], [sflag:$0x6], $0x80, s16, s0, $0xb8;
	[tilespmem:$0x1F000] =	vst v63  }
0x83: {  	_ =	swait.ge [sflag:s9], $0x2000  }
0x84: {  	[sflag:s9] =	ssyncset.done $0x0  }
0x85: {  	s15 =	simm.s32 $0x100;
	[sflag:s9] =	ssyncadd.s32 $0xFFFFE000  }
0x86: {  	[tilespmem:s3], [sflag:$0x2] =	stream.indirect.gather [hbm4b:s1+s0], $0x80, s15, s0, $0xb8;
	[tilespmem:$0x1F000] =	vst v63  }
0x87: {  	_ =	swait.ge [sflag:s4], $0x2000  }
0x88: {  	[sflag:s4] =	ssyncset.done $0x0  }
0x89: {  	s16 =	simm.s32 $0x28C0;
	[sflag:s4] =	ssyncadd.s32 $0xFFFFE000  }
0x8a: {  	[spmem:s13] =	stream.indirect.scatter.add.f32 [tilespmem:s30], [sflag:$0x4], $0x80, s16, s0, $0xb8;
	[tilespmem:$0x1F000] =	vst v63  }
0x8b: {  	_ =	swait.ge [sflag:s11], $0x2000  }
0x8c: {  	[sflag:s11] =	ssyncset.done $0x0  }
0x8d: {  	s15 =	simm.s32 $0x140;
	[sflag:s11] =	ssyncadd.s32 $0xFFFFE000  }
0x8e: {  	[tilespmem:s5], [sflag:$0x3] =	stream.indirect.gather [hbm4b:s1+s0], $0x80, s15, s0, $0xb8;
	[tilespmem:$0x1F000] =	vst v63  }
0x8f: {  	_ =	swait.ge [sflag:s6], $0x2000  }
0x90: {  	[sflag:s6] =	ssyncset.done $0x0  }
0x91: {  	s16 =	simm.s32 $0x2900;
	[sflag:s6] =	ssyncadd.s32 $0xFFFFE000  }
0x92: {  	[spmem:s13] =	stream.indirect.scatter.add.f32 [tilespmem:s3], [sflag:$0x5], $0x80, s16, s0, $0xb8;
	[tilespmem:$0x1F000] =	vst v63  }
0x93: {  	_ =	swait.ge [sflag:s7], $0x2000  }
0x94: {  	[sflag:s7] =	ssyncset.done $0x0  }
0x95: {  	s14 =	simm.s32 $0x300;
	s15 =	simm.s32 $0x180;
	[sflag:s7] =	ssyncadd.s32 $0xFFFFE000  }
.LBB2_6:
0x96: {  	[tilespmem:s30], [sflag:$0x1] =	stream.indirect.gather [hbm4b:s1+s0], $0x80, s15, s0, $0xb8;
	[tilespmem:$0x1F000] =	vst v63  }
0x97: {  	s15 =	smov.u32 s14  }
0x98: {  	p0 =	sne.s32 s14, $0x9900;
	s14 =	sadd.s32 $0x300, s14;
	_ =	swait.ge [sflag:s8], $0x2000  }
0x99: {  	s15 =	sshra.s32 s15, $0x2;
	[sflag:s8] =	ssyncset.done $0x0  }
0x9a: {  	s16 =	sadd.s32 $0x2880, s15;
	[sflag:s8] =	ssyncadd.s32 $0xFFFFE000  }
0x9b: {  	[spmem:s13] =	stream.indirect.scatter.add.f32 [tilespmem:s5], [sflag:$0x6], $0x80, s16, s0, $0xb8;
	[tilespmem:$0x1F000] =	vst v63  }
0x9c: {  	_ =	swait.ge [sflag:s9], $0x2000  }
0x9d: {  	[sflag:s9] =	ssyncset.done $0x0  }
0x9e: {  	s16 =	sadd.s32 $0x100, s15;
	[sflag:s9] =	ssyncadd.s32 $0xFFFFE000  }
0x9f: {  	[tilespmem:s3], [sflag:$0x2] =	stream.indirect.gather [hbm4b:s1+s0], $0x80, s16, s0, $0xb8;
	[tilespmem:$0x1F000] =	vst v63  }
0xa0: {  	_ =	swait.ge [sflag:s4], $0x2000  }
0xa1: {  	[sflag:s4] =	ssyncset.done $0x0  }
0xa2: {  	s16 =	sadd.s32 $0x28C0, s15;
	[sflag:s4] =	ssyncadd.s32 $0xFFFFE000  }
0xa3: {  	[spmem:s13] =	stream.indirect.scatter.add.f32 [tilespmem:s30], [sflag:$0x4], $0x80, s16, s0, $0xb8;
	[tilespmem:$0x1F000] =	vst v63  }
0xa4: {  	_ =	swait.ge [sflag:s11], $0x2000  }
0xa5: {  	[sflag:s11] =	ssyncset.done $0x0  }
0xa6: {  	s16 =	sadd.s32 $0x140, s15;
	[sflag:s11] =	ssyncadd.s32 $0xFFFFE000  }
0xa7: {  	[tilespmem:s5], [sflag:$0x3] =	stream.indirect.gather [hbm4b:s1+s0], $0x80, s16, s0, $0xb8;
	[tilespmem:$0x1F000] =	vst v63  }
0xa8: {  	_ =	swait.ge [sflag:s6], $0x2000  }
0xa9: {  	[sflag:s6] =	ssyncset.done $0x0  }
.Ltmp2:
0xaa: {  	s16 =	sadd.s32 $0x2900, s15;
	[sflag:s6] =	ssyncadd.s32 $0xFFFFE000;
	(pc) =	sbr.rel @p0 .LBB2_6-.Ltmp2, $4  }
0xab: {  	[spmem:s13] =	stream.indirect.scatter.add.f32 [tilespmem:s3], [sflag:$0x5], $0x80, s16, s0, $0xb8;
	[tilespmem:$0x1F000] =	vst v63  }
0xac: {  	_ =	swait.ge [sflag:s7], $0x2000  }
0xad: {  	[sflag:s7] =	ssyncset.done $0x0  }
0xae: {  	s15 =	sadd.s32 $0x180, s15;
	[sflag:s7] =	ssyncadd.s32 $0xFFFFE000  }
0xaf: {  	[tilespmem:s30], [sflag:$0x1] =	stream.indirect.gather [hbm4b:s1+s0], $0x80, s15, s0, $0xb8;
	[tilespmem:$0x1F000] =	vst v63  }
0xb0: {  	_ =	swait.ge [sflag:s8], $0x2000  }
0xb1: {  	[sflag:s8] =	ssyncset.done $0x0  }
0xb2: {  	s14 =	simm.s32 $0x4F80;
	[sflag:s8] =	ssyncadd.s32 $0xFFFFE000  }
0xb3: {  	[spmem:s13] =	stream.indirect.scatter.add.f32 [tilespmem:s5], [sflag:$0x6], $0x80, s14, s0, $0xb8;
	[tilespmem:$0x1F000] =	vst v63  }
0xb4: {  	_ =	swait.ge [sflag:s9], $0x2000  }
0xb5: {  	[sflag:s9] =	ssyncset.done $0x0  }
0xb6: {  	[sflag:s9] =	ssyncadd.s32 $0xFFFFE000  }
0xb7: {  	_ =	swait.ge [sflag:s4], $0x2000  }
0xb8: {  	[sflag:s4] =	ssyncset.done $0x0  }
0xb9: {  	s16 =	simm.s32 $0x4FC0;
	[sflag:s4] =	ssyncadd.s32 $0xFFFFE000  }
0xba: {  	[spmem:s13] =	stream.indirect.scatter.add.f32 [tilespmem:s30], [sflag:$0x4], $0x80, s16, s0, $0xb8;
	[tilespmem:$0x1F000] =	vst v63  }
0xbb: {  	_ =	swait.ge [sflag:s11], $0x2000  }
0xbc: {  	[sflag:s11] =	ssyncset.done $0x0  }
0xbd: {  	[sflag:s11] =	ssyncadd.s32 $0xFFFFE000  }
0xbe: {  	_ =	swait.ge [sflag:s7], $0x2000  }
0xbf: {  	[sflag:s7] =	ssyncset.done $0x0  }
0xc0: {  	[sflag:s7] =	ssyncadd.s32 $0xFFFFE000  }
0xc1: {  	[bflag:$0x0] =	sbarrier.arrive $0xFFFF  }
0xc2: {  	[tilespmem:s30], [sflag:$0x8] =	stream.linear.gather [spmem:s17], $0x2000, $0x38;
	[tilespmem:$0x1F000] =	vst v63  }
0xc3: {  	_ =	swait.ge [sflag:s31], $0x2000  }
0xc4: {  	[sflag:s31] =	ssyncset.done $0x0  }
0xc5: {  	s15 =	rddreg [dreg:$0x4];
	[sflag:s31] =	ssyncadd.s32 $0xFFFFE000  }
0xc6: {  	[hbm4b:s15+s2] =	stream.linear.scatter [tilespmem:s30], [sflag:$0x8], $0x2000, $0x38;
	[tilespmem:$0x1F000] =	vst v63  }
0xc7: {  	_ =	swait.ge [sflag:s31], $0x2000  }
0xc8: {  	[sflag:s31] =	ssyncset.done $0x0  }
0xc9: {  	[sflag:s31] =	ssyncadd.s32 $0xFFFFE000  }
0xca: {  	[tilespmem:s30], [sflag:$0x8] =	stream.linear.gather [spmem:s18], $0x2000, $0x38;
	[tilespmem:$0x1F000] =	vst v63  }
0xcb: {  	_ =	swait.ge [sflag:s31], $0x2000  }
0xcc: {  	[sflag:s31] =	ssyncset.done $0x0  }
0xcd: {  	s16 =	rddreg [dreg:$0x5];
	[sflag:s31] =	ssyncadd.s32 $0xFFFFE000  }
0xce: {  	[hbm4b:s16+s2] =	stream.linear.scatter [tilespmem:s30], [sflag:$0x8], $0x2000, $0x38;
	[tilespmem:$0x1F000] =	vst v63  }
0xcf: {  	_ =	swait.ge [sflag:s31], $0x2000  }
0xd0: {  	[sflag:s31] =	ssyncset.done $0x0  }
0xd1: {  	[sflag:s31] =	ssyncadd.s32 $0xFFFFE000  }
0xd2: {  	[tilespmem:s30], [sflag:$0x8] =	stream.linear.gather [spmem:s19], $0x2000, $0x38;
	[tilespmem:$0x1F000] =	vst v63  }
0xd3: {  	_ =	swait.ge [sflag:s31], $0x2000  }
0xd4: {  	[sflag:s31] =	ssyncset.done $0x0  }
0xd5: {  	s15 =	rddreg [dreg:$0x6];
	[sflag:s31] =	ssyncadd.s32 $0xFFFFE000  }
0xd6: {  	[hbm4b:s15+s2] =	stream.linear.scatter [tilespmem:s30], [sflag:$0x8], $0x2000, $0x38;
	[tilespmem:$0x1F000] =	vst v63  }
0xd7: {  	_ =	swait.ge [sflag:s31], $0x2000  }
0xd8: {  	[sflag:s31] =	ssyncset.done $0x0  }
0xd9: {  	[sflag:s31] =	ssyncadd.s32 $0xFFFFE000  }
0xda: {  	[tilespmem:s30], [sflag:$0x8] =	stream.linear.gather [spmem:s20], $0x2000, $0x38;
	[tilespmem:$0x1F000] =	vst v63  }
0xdb: {  	_ =	swait.ge [sflag:s31], $0x2000  }
0xdc: {  	[sflag:s31] =	ssyncset.done $0x0  }
0xdd: {  	s16 =	rddreg [dreg:$0x7];
	[sflag:s31] =	ssyncadd.s32 $0xFFFFE000  }
0xde: {  	[hbm4b:s16+s2] =	stream.linear.scatter [tilespmem:s30], [sflag:$0x8], $0x2000, $0x38;
	[tilespmem:$0x1F000] =	vst v63  }
0xdf: {  	_ =	swait.ge [sflag:s31], $0x2000  }
0xe0: {  	[sflag:s31] =	ssyncset.done $0x0  }
0xe1: {  	[sflag:s31] =	ssyncadd.s32 $0xFFFFE000  }
0xe2: {  	[tilespmem:s30], [sflag:$0x8] =	stream.linear.gather [spmem:s21], $0x2000, $0x38;
	[tilespmem:$0x1F000] =	vst v63  }
0xe3: {  	_ =	swait.ge [sflag:s31], $0x2000  }
0xe4: {  	[sflag:s31] =	ssyncset.done $0x0  }
0xe5: {  	s15 =	rddreg [dreg:$0x8];
	[sflag:s31] =	ssyncadd.s32 $0xFFFFE000  }
0xe6: {  	[hbm4b:s15+s2] =	stream.linear.scatter [tilespmem:s30], [sflag:$0x8], $0x2000, $0x38;
	[tilespmem:$0x1F000] =	vst v63  }
0xe7: {  	_ =	swait.ge [sflag:s31], $0x2000  }
0xe8: {  	[sflag:s31] =	ssyncset.done $0x0  }
0xe9: {  	[sflag:s31] =	ssyncadd.s32 $0xFFFFE000  }
0xea: {  	[tilespmem:s30], [sflag:$0x8] =	stream.linear.gather [spmem:s22], $0x2000, $0x38;
	[tilespmem:$0x1F000] =	vst v63  }
0xeb: {  	_ =	swait.ge [sflag:s31], $0x2000  }
0xec: {  	[sflag:s31] =	ssyncset.done $0x0  }
0xed: {  	s16 =	rddreg [dreg:$0x9];
	[sflag:s31] =	ssyncadd.s32 $0xFFFFE000  }
0xee: {  	[hbm4b:s16+s2] =	stream.linear.scatter [tilespmem:s30], [sflag:$0x8], $0x2000, $0x38;
	[tilespmem:$0x1F000] =	vst v63  }
0xef: {  	_ =	swait.ge [sflag:s31], $0x2000  }
0xf0: {  	[sflag:s31] =	ssyncset.done $0x0  }
0xf1: {  	[sflag:s31] =	ssyncadd.s32 $0xFFFFE000  }
0xf2: {  	[tilespmem:s30], [sflag:$0x8] =	stream.linear.gather [spmem:s23], $0x2000, $0x38;
	[tilespmem:$0x1F000] =	vst v63  }
0xf3: {  	_ =	swait.ge [sflag:s31], $0x2000  }
0xf4: {  	[sflag:s31] =	ssyncset.done $0x0  }
0xf5: {  	s15 =	rddreg [dreg:$0xa];
	[sflag:s31] =	ssyncadd.s32 $0xFFFFE000  }
0xf6: {  	[hbm4b:s15+s2] =	stream.linear.scatter [tilespmem:s30], [sflag:$0x8], $0x2000, $0x38;
	[tilespmem:$0x1F000] =	vst v63  }
0xf7: {  	_ =	swait.ge [sflag:s31], $0x2000  }
0xf8: {  	[sflag:s31] =	ssyncset.done $0x0  }
0xf9: {  	[sflag:s31] =	ssyncadd.s32 $0xFFFFE000  }
0xfa: {  	[tilespmem:s30], [sflag:$0x8] =	stream.linear.gather [spmem:s24], $0x2000, $0x38;
	[tilespmem:$0x1F000] =	vst v63  }
0xfb: {  	_ =	swait.ge [sflag:s31], $0x2000  }
0xfc: {  	[sflag:s31] =	ssyncset.done $0x0  }
0xfd: {  	s16 =	rddreg [dreg:$0xb];
	[sflag:s31] =	ssyncadd.s32 $0xFFFFE000  }
0xfe: {  	[hbm4b:s16+s2] =	stream.linear.scatter [tilespmem:s30], [sflag:$0x8], $0x2000, $0x38;
	[tilespmem:$0x1F000] =	vst v63  }
0xff: {  	_ =	swait.ge [sflag:s31], $0x2000  }
0x100: {  	[sflag:s31] =	ssyncset.done $0x0  }
0x101: {  	[sflag:s31] =	ssyncadd.s32 $0xFFFFE000  }
0x102: {  	[tilespmem:s30], [sflag:$0x8] =	stream.linear.gather [spmem:s25], $0x2000, $0x38;
	[tilespmem:$0x1F000] =	vst v63  }
0x103: {  	_ =	swait.ge [sflag:s31], $0x2000  }
0x104: {  	[sflag:s31] =	ssyncset.done $0x0  }
0x105: {  	s15 =	rddreg [dreg:$0xc];
	[sflag:s31] =	ssyncadd.s32 $0xFFFFE000  }
0x106: {  	[hbm4b:s15+s2] =	stream.linear.scatter [tilespmem:s30], [sflag:$0x8], $0x2000, $0x38;
	[tilespmem:$0x1F000] =	vst v63  }
0x107: {  	_ =	swait.ge [sflag:s31], $0x2000  }
0x108: {  	[sflag:s31] =	ssyncset.done $0x0  }
0x109: {  	[sflag:s31] =	ssyncadd.s32 $0xFFFFE000  }
0x10a: {  	[tilespmem:s30], [sflag:$0x8] =	stream.linear.gather [spmem:s26], $0x2000, $0x38;
	[tilespmem:$0x1F000] =	vst v63  }
0x10b: {  	s12 =	sadd.s32 $0x1, s12;
	_ =	swait.ge [sflag:s31], $0x2000  }
0x10c: {  	p0 =	sne.s32 s12, s28;
	[sflag:s31] =	ssyncset.done $0x0  }
.Ltmp3:
0x10d: {  	s16 =	rddreg [dreg:$0xd];
	[sflag:s31] =	ssyncadd.s32 $0xFFFFE000;
	(pc) =	sbr.rel @p0 .LBB2_1-.Ltmp3, $4  }
0x10e: {  	[hbm4b:s16+s2] =	stream.linear.scatter [tilespmem:s30], [sflag:$0x8], $0x2000, $0x38;
	[tilespmem:$0x1F000] =	vst v63  }
0x10f: {  	_ =	swait.ge [sflag:s31], $0x2000  }
0x110: {  	[sflag:s31] =	ssyncset.done $0x0  }
0x111: {  	[sflag:s31] =	ssyncadd.s32 $0xFFFFE000  }
0x112: {  	_ =	sfence.sel $0x180000  }
0x113: {  	[bflag:$0x0] =	sbarrier.arrive $0xFFFF  }
0x114: {  	_ =	strace $0x9000004A  }
0x115: {  	s0 =	stileid.u32;
	[bflag:$0x2] =	sbarrier.arrive $0xFFFF  }
0x116: {  	p0 =	sne.s32 s0, $0x0;
	s0 =	rddreg [dreg:$0x3]  }
0x117: {  	s0 =	sadd.s32 @!p0 $0x100000, s0  }
0x118: {  	[sflag:s0] =	ssyncadd.tile.s32 @!p0 $0x1;
	_ =	shalt  }
.Lfunc_end2:
_tile_overlayer_lowered:
.L_overlay_start_2:
0x119: {  	(tag) =	ssettag $0x2  }
0x11a: {  	s0 =	rddreg [dreg:$0x0];
	s2 =	stileid.u32  }
0x11b: {  	s1 =	rddreg [dreg:$0x1];
	p0 =	sne.s32 s2, $0x0  }
0x11c: {  	s3 =	rddreg [dreg:$0x2];
	[bflag:$0x3] =	sbarrier.arrive $0xFFFF;
	s2 =	simm.s32 @!p0 $0x1C08  }
0x11d: {  	[timem:s3], [sflag:s2] =	dma.local @!p0 [hbm:s0], s1  }
0x11e: {  	s0 =	simm.s32 @!p0 $0x8  }
0x11f: {  	_ =	swait.ge @!p0 [sflag:s0], s1  }
0x120: {  	s1 =	ssub.s32 @!p0 $0x0, s1;
	[sflag:s0] =	ssyncset.done @!p0 $0x0  }
0x121: {  	[sflag:s0] =	ssyncadd.s32 @!p0 s1  }
0x122: {  	[bflag:$0x3] =	sbarrier.arrive $0xFFFF  }
0x123: {  	_ =	shalt  }

// kernel: kernel.16.cloned.1.call-start
scs
__scs_entry_jumppad:
0x0: {  	(pc) =	sbr.rel $0x88, $3  }
0x1: {  	(tag) =	ssettag $0x0;
	lr =	simm.s32 $0x1  }
0x2: {  	[smem:$0x3F9D] =	sst lr;
	_ =	strace $0xD0000000  }
0x3: {  	_ = 	snop  }
0x4: {  	_ = 	snop  }
0x5: {  	_ = 	snop  }
0x6: {  	_ = 	snop  }
0x7: {  	_ = 	snop  }
__scs_overlays_trampoline_lowered:
0x8: {  	[smem:$0x3FAC] =	sst s0  }
0x9: {  	[smem:$0x3FAD] =	sst s1  }
0xa: {  	[smem:$0x3FAE] =	sst s2  }
0xb: {  	[smem:$0x3FAF] =	sst s3  }
0xc: {  	[smem:$0x3FB0] =	sst s4  }
0xd: {  	[smem:$0x3FB1] =	sst s5  }
0xe: {  	[smem:$0x3FB2] =	sst s6  }
0xf: {  	[smem:$0x3FB3] =	sst s7  }
0x10: {  	[smem:$0x3FB4] =	sst s8  }
0x11: {  	[smem:$0x3FB5] =	sst s9;
	s0 =	simm.s32 @!p0 $0x0  }
0x12: {  	s1 =	sld [smem:$0x3F9B];
	s0 =	simm.s32 @p0 $0x1  }
0x13: {  	[smem:$0x3FB6] =	sst s0;
	s0 =	simm.s32 @!p1 $0x0  }
0x14: {  	s2 =	sld [smem:$0x3F9A];
	s0 =	simm.s32 @p1 $0x1  }
0x15: {  	[smem:$0x3FB7] =	sst s0;
	s0 =	simm.s32 @!p2 $0x0  }
0x16: {  	s3 =	sld [smem:$0x3FDB];
	s0 =	simm.s32 @p2 $0x1  }
0x17: {  	s4 =	simm.s32 $0x1BF5;
	[smem:$0x3FB9] =	sst s0  }
0x18: {  	s0 =	sld [smem:$0x3F9C];
	_ =	swait.ge [sflag:s4], $0x0  }
0x19: {  	s7 =	sld [smem:$0x3F9D]  }
0x1a: {  	s8 =	sadd.s32 $0xFFFFE003, lr  }
0x1b: {  	s9 =	sadd.s32 $0xFFFFFEF7, lr;
	s5 =	simm.s32 $0xFFFFFFFF;
	p2 =	slt.u32 s8, $0xFFFFF086  }
0x1c: {  	p1 =	slt.u32 s9, $0xF7A;
	s5 =	simm.s32 @!p2 $0x0  }
0x1d: {  	s5 =	simm.s32 @p1 $0x1;
	p0 =	seq.s32 s7, s2  }
0x1e: {  	s7 =	smul.u32 @!p0 $0xF7A, s2;
	p2 =	seq.s32 @!p0 s5, $0x0  }
0x1f: {  	s9 =	smul.u32 $0xF7A, s1;
	s8 =	simm.s32 @!p0 $0x1BF5;
	p2 =	por !p2, p0  }
0x20: {  	[sflag:s8] =	ssyncset.s32 @!p0 $0xFFFFF086;
	s6 =	sadd.s32 @!p0 s3, s7;
	s7 =	simm.s32 @!p0 $0x108  }
0x21: {  	s3 =	sadd.s32 s3, s9;
	s6 =	sadd.s32 @!p0 $0x88, s6;
	s7 =	simm.s32 @p2 $0x1082  }
0x22: {  	[simem:s7], [sflag:s8] =	dma.local @!p0 [hbm:s6], $0xF7A  }
0x23: {  	s9 =	sor.u32 $0xD0000000, s2;
	s6 =	simm.s32 $0x108;
	_ =	swait.ge @!p0 [sflag:s8], $0x0  }
0x24: {  	s3 =	sadd.s32 $0x88, s3;
	s6 =	simm.s32 @!p1 $0x1082;
	[sflag:s4] =	ssyncset.s32 $0xFFFFF086  }
0x25: {  	[simem:s6], [sflag:s4] =	dma.local [hbm:s3], $0xF7A  }
0x26: {  	[smem:$0x3F9D] =	sst s1;
	(tag) =	ssettag s2;
	_ =	strace s9  }
0x27: {  	s1 =	sld [smem:$0x3FAD]  }
0x28: {  	s2 =	sld [smem:$0x3FAE]  }
0x29: {  	s4 =	sld [smem:$0x3FB0]  }
0x2a: {  	p0 =	seq.s32 s5, $0x0;
	s5 =	sld [smem:$0x3FB1]  }
0x2b: {  	s6 =	sld [smem:$0x3FB2]  }
0x2c: {  	s7 =	sld [smem:$0x3FB3]  }
0x2d: {  	s3 =	simm.s32 $0x108;
	s8 =	sld [smem:$0x3FB4]  }
0x2e: {  	s3 =	simm.s32 @!p0 $0x1082;
	s9 =	sld [smem:$0x3FB5]  }
0x2f: {  	lr =	sadd.s32 s0, s3;
	s0 =	sld [smem:$0x3FAC]  }
0x30: {  	s3 =	sld [smem:$0x3FAF]  }
0x31: {  	[smem:$0x3FB8] =	sst s10  }
0x32: {  	s10 =	sld [smem:$0x3FB6];
	_ =	sdelay $0x3  }
0x33: {  	p0 =	seq.s32 s10, $0x1;
	s10 =	sld [smem:$0x3FB8];
	_ =	sdelay $0x3  }
0x34: {  	[smem:$0x3FB8] =	sst s10  }
0x35: {  	s10 =	sld [smem:$0x3FB7];
	_ =	sdelay $0x3  }
0x36: {  	p1 =	seq.s32 s10, $0x1;
	s10 =	sld [smem:$0x3FB8];
	_ =	sdelay $0x3  }
0x37: {  	[smem:$0x3FB8] =	sst s10  }
0x38: {  	s10 =	sld [smem:$0x3FB9]  }
0x39: {  	_ = 	snop;
	(pc) =	sbr.ind lr, $3  }
0x3a: {  	_ = 	snop  }
0x3b: {  	_ = 	snop  }
0x3c: {  	p2 =	seq.s32 s10, $0x1;
	s10 =	sld [smem:$0x3FB8]  }
0x3d: {  	_ =	shalt  }
0x3e: {  	_ =	shalt  }
0x3f: {  	_ =	shalt  }
0x40: {  	_ =	shalt  }
0x41: {  	_ =	shalt  }
0x42: {  	_ =	shalt  }
0x43: {  	_ =	shalt  }
0x44: {  	_ =	shalt  }
0x45: {  	_ =	shalt  }
0x46: {  	_ =	shalt  }
0x47: {  	_ =	shalt  }
0x48: {  	_ =	shalt  }
0x49: {  	_ =	shalt  }
0x4a: {  	_ =	shalt  }
0x4b: {  	_ =	shalt  }
0x4c: {  	_ =	shalt  }
0x4d: {  	_ =	shalt  }
0x4e: {  	_ =	shalt  }
0x4f: {  	_ =	shalt  }
0x50: {  	_ =	shalt  }
0x51: {  	_ =	shalt  }
0x52: {  	_ =	shalt  }
0x53: {  	_ =	shalt  }
0x54: {  	_ =	shalt  }
0x55: {  	_ =	shalt  }
0x56: {  	_ =	shalt  }
0x57: {  	_ =	shalt  }
0x58: {  	_ =	shalt  }
0x59: {  	_ =	shalt  }
0x5a: {  	_ =	shalt  }
0x5b: {  	_ =	shalt  }
0x5c: {  	_ =	shalt  }
0x5d: {  	_ =	shalt  }
0x5e: {  	_ =	shalt  }
0x5f: {  	_ =	shalt  }
0x60: {  	_ =	shalt  }
0x61: {  	_ =	shalt  }
0x62: {  	_ =	shalt  }
0x63: {  	_ =	shalt  }
0x64: {  	_ =	shalt  }
0x65: {  	_ =	shalt  }
0x66: {  	_ =	shalt  }
0x67: {  	_ =	shalt  }
0x68: {  	_ =	shalt  }
0x69: {  	_ =	shalt  }
0x6a: {  	_ =	shalt  }
0x6b: {  	_ =	shalt  }
0x6c: {  	_ =	shalt  }
0x6d: {  	_ =	shalt  }
0x6e: {  	_ =	shalt  }
0x6f: {  	_ =	shalt  }
0x70: {  	_ =	shalt  }
0x71: {  	_ =	shalt  }
0x72: {  	_ =	shalt  }
0x73: {  	_ =	shalt  }
0x74: {  	_ =	shalt  }
0x75: {  	_ =	shalt  }
0x76: {  	_ =	shalt  }
0x77: {  	_ =	shalt  }
0x78: {  	_ =	shalt  }
0x79: {  	_ =	shalt  }
0x7a: {  	_ =	shalt  }
0x7b: {  	_ =	shalt  }
0x7c: {  	_ =	shalt  }
0x7d: {  	_ =	shalt  }
0x7e: {  	_ =	shalt  }
0x7f: {  	_ =	shalt  }
0x80: {  	_ =	shalt  }
0x81: {  	_ =	shalt  }
0x82: {  	_ =	shalt  }
0x83: {  	_ =	shalt  }
0x84: {  	_ =	shalt  }
0x85: {  	_ =	shalt  }
0x86: {  	_ =	shalt  }
0x87: {  	_ =	shalt  }
.Lfunc_end0:
.L_simem_size_0:
called_computation.2_lowered:
.L_overlay_start_0:
0x88: {  	s2 =	sld [smem:$0x3FD9]  }
0x89: {  	s3 =	sld [smem:$0x3FFE];
	_ =	sdelay $0x1  }
0x8a: {  	s1 =	srdreg.scid  }
0x8b: {  	s0 =	sand.u32 $0x1, s1  }
0x8c: {  	s17 =	sshll.u32 s0, $0xA;
	s2 =	sadd.s32 s3, s2  }
0x8d: {  	s2 =	sadd.s32 s2, s17  }
0x8e: {  	[smem:$0x3FC4] =	sst s2  }
0x8f: {  	_ = 	snop  }
0x90: {  	s2 =	sld [smem:$0x3FD0];
	(tm) =	ssettm $0x1  }
0x91: {  	s18 =	sld [smem:$0x3FFB];
	_ =	sdelay $0x3  }
0x92: {  	_ =	strace s18  }
0x93: {  	s3 =	sld [smem:$0x3FFC];
	_ =	sdelay $0x3  }
0x94: {  	_ =	strace s3  }
0x95: {  	s3 =	sld [smem:$0x3FFD];
	_ =	sdelay $0x3  }
0x96: {  	_ =	strace s3  }
0x97: {  	_ =	strace $0x8FFFFFFF  }
0x98: {  	s19 =	sld [smem:$0x3FDB];
	_ =	sdelay $0x1  }
0x99: {  	s4 =	simm.s32 $_scs_section_size  }
0x9a: {  	s5 =	simm.s32 $_size__tile_overlayer_lowered;
	s6 =	simm.s32 $_tile_overlayer_lowered  }
0x9b: {  	s22 =	simm.s32 $0x1BFF;
	s21 =	sshll.u32 s6, $0x1;
	s3 =	sadd.s32 s4, s19  }
0x9c: {  	s7 =	simm.s32 $0x0;
	s20 =	sshll.u32 s5, $0x1;
	s5 =	sadd.s32 s21, s3  }
0x9d: {  	[timem:s7], [sflag:s22] =	dma.local [hbm:s5], s20  }
0x9e: {  	_ =	swait.ge [sflag:s22], s20  }
0x9f: {  	s4 =	ssub.s32 $0x0, s20;
	[sflag:s22] =	ssyncset.done $0x0  }
0xa0: {  	[sflag:s22] =	ssyncadd.s32 s4;
	_ =	sdelay $0x1  }
0xa1: {  	s23 =	simm.s32 $0x1B8B  }
0xa2: {  	_ =	swait.ge [sflag:s23], $0x1  }
0xa3: {  	[sflag:s23] =	ssyncset.done $0x0  }
0xa4: {  	s25 =	simm.s32 $0x1B8E;
	s24 =	sld [smem:$0x3FFE];
	[sflag:s23] =	ssyncadd.s32 $0xFFFFFFFF  }
0xa5: {  	s26 =	simm.s32 $execute0_lowered;
	[smem:$0x3FD2] =	sst s25  }
0xa6: {  	s5 =	sshll.u32 s26, $0x1;
	_ =	strace $0x8000004C;
	[dreg:$0x1] =	wrdreg $0xFFFFFFFF  }
0xa7: {  	s28 =	simm.s32 $_size_execute0_lowered;
	s3 =	sadd.s32 s3, s5;
	[dreg:$0x0] =	wrdreg $0x0  }
0xa8: {  	s5 =	sshll.u32 s28, $0x1;
	[dreg:$0x2] =	wrdreg s3  }
0xa9: {  	[dreg:$0x3] =	wrdreg s5  }
0xaa: {  	[dreg:$0x4] =	wrdreg $0xC0  }
0xab: {  	_ =	task [dreg:s7], $0x5FFFF  }
0xac: {  	[dreg:$0x1] =	wrdreg $0xFFFFFFFF  }
0xad: {  	[dreg:$0x0] =	wrdreg $0x60  }
0xae: {  	[dreg:$0x2] =	wrdreg s24  }
0xaf: {  	[dreg:$0x3] =	wrdreg s2  }
0xb0: {  	[dreg:$0x4] =	wrdreg $0x88000  }
0xb1: {  	[dreg:$0x5] =	wrdreg $0x9  }
0xb2: {  	_ =	task.clear_ibuf [dreg:s7], $0x6FFFF;
	_ =	strace $0x9000004C  }
0xb3: {  	s29 =	simm.s32 $0x9;
	_ =	strace $0x8000004E  }
0xb4: {  	_ =	swait.ge [sflag:s29], $0x1  }
0xb5: {  	[sflag:s29] =	ssyncadd.s32 $0xFFFFFFFF  }
0xb6: {  	_ =	strace $0x9000004E  }
0xb7: {  	_ =	sfence  }
0xb8: {  	s30 =	sld [smem:$0x0];
	_ =	sdelay $0x2  }
0xb9: {  	s31 =	sshll.u32 s1, $0xD;
	s1 =	sshrl.u32 s1, $0x2  }
0xba: {  	s3 =	sand.u32 $0x4000, s31;
	s1 =	sadd.s32 s1, s30  }
0xbb: {  	s0 =	sor.u32 s3, s0;
	s1 =	sshll.u32 s1, $0x11  }
0xbc: {  	s0 =	sor.u32 s1, s0  }
0xbd: {  	s0 =	sadd.s32 $0x8F2B, s0  }
0xbe: {  	[sflag:s0] =	ssyncadd.remote.s32 $0x1  }
0xbf: {  	_ =	sfence.sel $0xFFFF  }
0xc0: {  	[dreg:$0x0] =	wrdreg $0xFFFFFFFF;
	(pc) =	sbr.abs _section_cstart, $3  }
0xc1: {  	[dreg:$0x1] =	wrdreg $0xFFFFFFFF  }
0xc2: {  	_ =	task.clear_ibuf [dreg:s7], $0x2FFFF;
	_ =	strace $0x9FFFFFFF  }
0xc3: {  	(tm) =	ssettm $0x7FFFFFFF  }
tec
execute0_lowered:
.L_overlay_start_1:
0x0: {  	(tag) =	ssettag $0x1  }
0x1: {  	s0 =	srdreg.scid;
	s3 =	rddreg [dreg:$0x0]  }
0x2: {  	s17 =	stileid.u32;
	s4 =	rddreg [dreg:$0x1]  }
0x3: {  	s29 =	simm.s32 $0x1400;
	s30 =	simm.s32 $0x2800;
	s0 =	sand.u32 $0x1, s0  }
0x4: {  	s31 =	simm.s32 $0x8;
	s7 =	smul.u32 $0x14000, s17;
	s1 =	sshll.u32 s0, $0x4  }
0x5: {  	s6 =	ssub.s32 $0x2, s0;
	s0 =	smul.u32 $0x140000, s0;
	s2 =	sor.u32 s17, s1  }
0x6: {  	s1 =	rddreg [dreg:$0x2];
	s8 =	sshrl.u32 s6, $0x1;
	s9 =	sadd.s32 $0x4000, s7  }
0x7: {  	s10 =	sadd.s32 $0x6000, s7;
	s11 =	sadd.s32 $0x8000, s7;
	s12 =	sadd.s32 $0xA000, s7  }
0x8: {  	s13 =	sadd.s32 $0xC000, s7;
	s15 =	sadd.s32 $0xE000, s7;
	s25 =	sadd.s32 $0x10000, s7  }
0x9: {  	s26 =	sadd.s32 $0x12000, s7;
	s5 =	smul.u32 $0x1400, s2;
	s2 =	simm.s32 $0x0  }
0xa: {  	s6 =	ssub.s32 s6, s8;
	s8 =	sor.u32 $0x2000, s7;
	s7 =	sadd.s32 s7, s0  }
0xb: {  	s16 =	sadd.s32 s0, s9;
	s18 =	sadd.s32 s0, s12;
	[smem:$0x7FF] =	sst s2  }
0xc: {  	s7 =	sshrl.u32 s7, $0x3;
	s14 =	sadd.s32 s0, s8;
	s23 =	sshrl.u32 s16, $0x3  }
0xd: {  	s16 =	sadd.s32 s0, s11;
	s20 =	sshrl.u32 s18, $0x3;
	s28 =	smax.u32 s6, $0x1  }
0xe: {  	s6 =	simm.s32 $0x2;
	s5 =	sshrl.u32 s5, $0x3;
	s7 =	sadd.s32 s4, s7  }
0xf: {  	s22 =	sshrl.u32 s14, $0x3;
	s24 =	sadd.s32 s4, s23;
	s14 =	sadd.s32 s0, s10  }
0x10: {  	s19 =	sshrl.u32 s16, $0x3;
	s21 =	sadd.s32 s4, s20;
	[dreg:$0x4] =	wrdreg s7  }
0x11: {  	s23 =	sadd.s32 s0, s15;
	s7 =	sadd.s32 s4, s22;
	[dreg:$0x6] =	wrdreg s24  }
0x12: {  	[dreg:$0x9] =	wrdreg s21;
	s22 =	sadd.s32 s0, s13;
	s24 =	sadd.s32 s0, s25  }
0x13: {  	s18 =	sshrl.u32 s23, $0x3;
	s0 =	sadd.s32 s0, s26;
	s21 =	smul.u32 $0x50000, s17  }
0x14: {  	s25 =	sadd.s32 s25, s1;
	s26 =	sadd.s32 s26, s1;
	[dreg:$0x5] =	wrdreg s7  }
0x15: {  	s7 =	sshrl.u32 s14, $0x3;
	s0 =	sshrl.u32 s0, $0x3;
	s14 =	sadd.s32 $0xB600, s3  }
0x16: {  	s7 =	sadd.s32 s4, s7;
	s0 =	sadd.s32 s4, s0;
	s23 =	sshrl.u32 s21, $0x2  }
0x17: {  	s21 =	sadd.s32 s11, s1;
	s11 =	simm.s32 $0x6;
	[dreg:$0x7] =	wrdreg s7  }
0x18: {  	s7 =	sadd.s32 s4, s19;
	s19 =	sshrl.u32 s24, $0x3;
	[dreg:$0xd] =	wrdreg s0  }
0x19: {  	s17 =	sadd.s32 s23, s1;
	s23 =	sadd.s32 s13, s1;
	[dreg:$0x8] =	wrdreg s7  }
0x1a: {  	s7 =	sshrl.u32 s22, $0x3;
	s20 =	sadd.s32 s4, s19;
	s22 =	sadd.s32 s5, s3  }
0x1b: {  	s19 =	sadd.s32 s9, s1;
	s3 =	simm.s32 $0x4800;
	s5 =	simm.s32 $0x6800  }
0x1c: {  	s9 =	simm.s32 $0x5;
	s7 =	sadd.s32 s4, s7;
	[dreg:$0xc] =	wrdreg s20  }
0x1d: {  	s24 =	sadd.s32 $0x1600, s22;
	s0 =	sadd.s32 $0x6600, s22;
	s20 =	sadd.s32 s10, s1  }
0x1e: {  	s22 =	sadd.s32 s12, s1;
	s10 =	simm.s32 $0x7;
	s12 =	simm.s32 $0x0  }
0x1f: {  	[dreg:$0xa] =	wrdreg s7;
	s7 =	sadd.s32 s4, s18;
	s18 =	sadd.s32 s8, s1  }
0x20: {  	s4 =	simm.s32 $0x1;
	s8 =	simm.s32 $0x3;
	[dreg:$0xb] =	wrdreg s7  }
0x21: {  	s7 =	simm.s32 $0x4;
	_ =	strace $0x8000004D;
	[dreg:$0xe] =	wrdreg s24  }
0x22: {  	v0 =	vimm.f32 $0.0e+00;
	[dreg:$0xf] =	wrdreg s0;
	s24 =	sadd.s32 s15, s1;
	s0 =	simm.s32 $0x40  }
.LBB2_1:
0x23: {  	s13 =	rddreg [dreg:$0xe]  }
0x24: {  	[tilespmem:s2], [sflag:$0x7] =	stream.linear.gather [hbm4b:s13+s2], $0x1400, $0x38;
	[tilespmem:$0x1C800] =	vst v63  }
0x25: {  	s16 =	rddreg [dreg:$0xf];
	s15 =	simm.s32 $0x200;
	s13 =	simm.s32 $0x0  }
0x26: {  	[tilespmem:s29], [sflag:$0x7] =	stream.linear.gather [hbm4b:s16+s2], $0x1400, $0x38;
	[tilespmem:$0x1C800] =	vst v63  }
.LBB2_2:
0x27: {  	p0 =	sne.s32 s15, $0x7E00;
	[tilespmem:s13+$0x2870] =	vst v0  }
0x28: {  	[tilespmem:s13+$0x2800] =	vst v0  }
0x29: {  	[tilespmem:s13+$0x2810] =	vst v0  }
.Ltmp0:
0x2a: {  	[tilespmem:s13+$0x2820] =	vst v0;
	(pc) =	sbr.rel @p0 .LBB2_2-.Ltmp0, $4  }
0x2b: {  	[tilespmem:s13+$0x2830] =	vst v0  }
0x2c: {  	[tilespmem:s13+$0x2840] =	vst v0  }
0x2d: {  	[tilespmem:s13+$0x2850] =	vst v0  }
0x2e: {  	[tilespmem:s13+$0x2860] =	vst v0;
	s13 =	sshra.s32 s15, $0x2;
	s15 =	sadd.s32 $0x200, s15  }
0x2f: {  	[tilespmem:s13+$0x2870] =	vst v0  }
0x30: {  	[tilespmem:s13+$0x2800] =	vst v0  }
0x31: {  	[tilespmem:s13+$0x2810] =	vst v0  }
0x32: {  	[tilespmem:s13+$0x2820] =	vst v0  }
0x33: {  	[tilespmem:s13+$0x2830] =	vst v0  }
0x34: {  	[tilespmem:s13+$0x2840] =	vst v0  }
0x35: {  	[tilespmem:s13+$0x2850] =	vst v0  }
0x36: {  	[tilespmem:s13+$0x2860] =	vst v0  }
0x37: {  	[spmem:s17] =	stream.linear.scatter [tilespmem:s30], [sflag:$0x8], $0x2000, $0x38;
	[tilespmem:$0x1C800] =	vst v63  }
0x38: {  	_ =	swait.ge [sflag:s31], $0x2000  }
0x39: {  	[sflag:s31] =	ssyncset.done $0x0  }
0x3a: {  	[sflag:s31] =	ssyncadd.s32 $0xFFFFE000  }
0x3b: {  	[spmem:s18] =	stream.linear.scatter [tilespmem:s30], [sflag:$0x8], $0x2000, $0x38;
	[tilespmem:$0x1C800] =	vst v63  }
0x3c: {  	_ =	swait.ge [sflag:s31], $0x2000  }
0x3d: {  	[sflag:s31] =	ssyncset.done $0x0  }
0x3e: {  	[sflag:s31] =	ssyncadd.s32 $0xFFFFE000  }
0x3f: {  	[spmem:s19] =	stream.linear.scatter [tilespmem:s30], [sflag:$0x8], $0x2000, $0x38;
	[tilespmem:$0x1C800] =	vst v63  }
0x40: {  	_ =	swait.ge [sflag:s31], $0x2000  }
0x41: {  	[sflag:s31] =	ssyncset.done $0x0  }
0x42: {  	[sflag:s31] =	ssyncadd.s32 $0xFFFFE000  }
0x43: {  	[spmem:s20] =	stream.linear.scatter [tilespmem:s30], [sflag:$0x8], $0x2000, $0x38;
	[tilespmem:$0x1C800] =	vst v63  }
0x44: {  	_ =	swait.ge [sflag:s31], $0x2000  }
0x45: {  	[sflag:s31] =	ssyncset.done $0x0  }
0x46: {  	[sflag:s31] =	ssyncadd.s32 $0xFFFFE000  }
0x47: {  	[spmem:s21] =	stream.linear.scatter [tilespmem:s30], [sflag:$0x8], $0x2000, $0x38;
	[tilespmem:$0x1C800] =	vst v63  }
0x48: {  	_ =	swait.ge [sflag:s31], $0x2000  }
0x49: {  	[sflag:s31] =	ssyncset.done $0x0  }
0x4a: {  	[sflag:s31] =	ssyncadd.s32 $0xFFFFE000  }
0x4b: {  	[spmem:s22] =	stream.linear.scatter [tilespmem:s30], [sflag:$0x8], $0x2000, $0x38;
	[tilespmem:$0x1C800] =	vst v63  }
0x4c: {  	_ =	swait.ge [sflag:s31], $0x2000  }
0x4d: {  	[sflag:s31] =	ssyncset.done $0x0  }
0x4e: {  	[sflag:s31] =	ssyncadd.s32 $0xFFFFE000  }
0x4f: {  	[spmem:s23] =	stream.linear.scatter [tilespmem:s30], [sflag:$0x8], $0x2000, $0x38;
	[tilespmem:$0x1C800] =	vst v63  }
0x50: {  	_ =	swait.ge [sflag:s31], $0x2000  }
0x51: {  	[sflag:s31] =	ssyncset.done $0x0  }
0x52: {  	[sflag:s31] =	ssyncadd.s32 $0xFFFFE000  }
0x53: {  	[spmem:s24] =	stream.linear.scatter [tilespmem:s30], [sflag:$0x8], $0x2000, $0x38;
	[tilespmem:$0x1C800] =	vst v63  }
0x54: {  	_ =	swait.ge [sflag:s31], $0x2000  }
0x55: {  	[sflag:s31] =	ssyncset.done $0x0  }
0x56: {  	[sflag:s31] =	ssyncadd.s32 $0xFFFFE000  }
0x57: {  	[spmem:s25] =	stream.linear.scatter [tilespmem:s30], [sflag:$0x8], $0x2000, $0x38;
	[tilespmem:$0x1C800] =	vst v63  }
0x58: {  	_ =	swait.ge [sflag:s31], $0x2000  }
0x59: {  	[sflag:s31] =	ssyncset.done $0x0  }
0x5a: {  	[sflag:s31] =	ssyncadd.s32 $0xFFFFE000  }
0x5b: {  	[spmem:s26] =	stream.linear.scatter [tilespmem:s30], [sflag:$0x8], $0x2000, $0x38;
	[tilespmem:$0x1C800] =	vst v63  }
0x5c: {  	_ =	swait.ge [sflag:s31], $0x2000  }
0x5d: {  	[sflag:s31] =	ssyncset.done $0x0  }
0x5e: {  	[sflag:s31] =	ssyncadd.s32 $0xFFFFE000  }
0x5f: {  	_ =	swait.ge [sflag:s10], $0x1400  }
0x60: {  	[sflag:s10] =	ssyncset.done $0x0  }
0x61: {  	[sflag:s10] =	ssyncadd.s32 $0xFFFFEC00  }
0x62: {  	_ =	swait.ge [sflag:s10], $0x1400  }
0x63: {  	[sflag:s10] =	ssyncset.done $0x0  }
0x64: {  	[sflag:s10] =	ssyncadd.s32 $0xFFFFEC00  }
0x65: {  	s16 =	simm.s32 $0x0;
	[bflag:$0x0] =	sbarrier.arrive $0xFFFF  }
0x66: {  	[tilespmem:s30], [sflag:$0x1] =	stream.indirect.gather [hbm4b:s14+s0], $0x80, s16, s0, $0xb8;
	[tilespmem:$0x1C800] =	vst v63  }
0x67: {  	_ = 	snop  }
0x68: {  	[tilespmem:s3], [sflag:$0x2] =	stream.indirect.gather [hbm4b:s14+s0], $0x80, s0, s0, $0xb8;
	[tilespmem:$0x1C800] =	vst v63  }
0x69: {  	_ =	swait.ge [sflag:s4], $0x2000  }
0x6a: {  	[sflag:s4] =	ssyncset.done $0x0  }
0x6b: {  	[sflag:s4] =	ssyncadd.s32 $0xFFFFE000  }
0x6c: {  	[spmem:s1] =	stream.indirect.scatter.add.f32 [tilespmem:s30], [sflag:$0x4], $0x80, s29, s0, $0xb8;
	[tilespmem:$0x1C800] =	vst v63  }
0x6d: {  	s15 =	simm.s32 $0x80  }
0x6e: {  	[tilespmem:s5], [sflag:$0x3] =	stream.indirect.gather [hbm4b:s14+s0], $0x80, s15, s0, $0xb8;
	[tilespmem:$0x1C800] =	vst v63  }
0x6f: {  	_ =	swait.ge [sflag:s6], $0x2000  }
0x70: {  	[sflag:s6] =	ssyncset.done $0x0  }
0x71: {  	s16 =	simm.s32 $0x1440;
	[sflag:s6] =	ssyncadd.s32 $0xFFFFE000  }
0x72: {  	[spmem:s1] =	stream.indirect.scatter.add.f32 [tilespmem:s3], [sflag:$0x5], $0x80, s16, s0, $0xb8;
	[tilespmem:$0x1C800] =	vst v63  }
0x73: {  	_ =	swait.ge [sflag:s7], $0x2000  }
0x74: {  	[sflag:s7] =	ssyncset.done $0x0  }
0x75: {  	s15 =	simm.s32 $0xC0;
	[sflag:s7] =	ssyncadd.s32 $0xFFFFE000  }
0x76: {  	[tilespmem:s30], [sflag:$0x1] =	stream.indirect.gather [hbm4b:s14+s0], $0x80, s15, s0, $0xb8;
	[tilespmem:$0x1C800] =	vst v63  }
0x77: {  	_ =	swait.ge [sflag:s8], $0x2000  }
0x78: {  	[sflag:s8] =	ssyncset.done $0x0  }
0x79: {  	s16 =	simm.s32 $0x1480;
	[sflag:s8] =	ssyncadd.s32 $0xFFFFE000  }
0x7a: {  	[spmem:s1] =	stream.indirect.scatter.add.f32 [tilespmem:s5], [sflag:$0x6], $0x80, s16, s0, $0xb8;
	[tilespmem:$0x1C800] =	vst v63  }
0x7b: {  	_ =	swait.ge [sflag:s9], $0x2000  }
0x7c: {  	[sflag:s9] =	ssyncset.done $0x0  }
0x7d: {  	s15 =	simm.s32 $0x100;
	[sflag:s9] =	ssyncadd.s32 $0xFFFFE000  }
0x7e: {  	[tilespmem:s3], [sflag:$0x2] =	stream.indirect.gather [hbm4b:s14+s0], $0x80, s15, s0, $0xb8;
	[tilespmem:$0x1C800] =	vst v63  }
0x7f: {  	_ =	swait.ge [sflag:s4], $0x2000  }
0x80: {  	[sflag:s4] =	ssyncset.done $0x0  }
0x81: {  	s16 =	simm.s32 $0x14C0;
	[sflag:s4] =	ssyncadd.s32 $0xFFFFE000  }
0x82: {  	[spmem:s1] =	stream.indirect.scatter.add.f32 [tilespmem:s30], [sflag:$0x4], $0x80, s16, s0, $0xb8;
	[tilespmem:$0x1C800] =	vst v63  }
0x83: {  	_ =	swait.ge [sflag:s11], $0x2000  }
0x84: {  	[sflag:s11] =	ssyncset.done $0x0  }
0x85: {  	s15 =	simm.s32 $0x140;
	[sflag:s11] =	ssyncadd.s32 $0xFFFFE000  }
0x86: {  	[tilespmem:s5], [sflag:$0x3] =	stream.indirect.gather [hbm4b:s14+s0], $0x80, s15, s0, $0xb8;
	[tilespmem:$0x1C800] =	vst v63  }
0x87: {  	_ =	swait.ge [sflag:s6], $0x2000  }
0x88: {  	[sflag:s6] =	ssyncset.done $0x0  }
0x89: {  	s16 =	simm.s32 $0x1500;
	[sflag:s6] =	ssyncadd.s32 $0xFFFFE000  }
0x8a: {  	[spmem:s1] =	stream.indirect.scatter.add.f32 [tilespmem:s3], [sflag:$0x5], $0x80, s16, s0, $0xb8;
	[tilespmem:$0x1C800] =	vst v63  }
0x8b: {  	_ =	swait.ge [sflag:s7], $0x2000  }
0x8c: {  	[sflag:s7] =	ssyncset.done $0x0  }
0x8d: {  	s13 =	simm.s32 $0x300;
	s15 =	simm.s32 $0x180;
	[sflag:s7] =	ssyncadd.s32 $0xFFFFE000  }
.LBB2_4:
0x8e: {  	[tilespmem:s30], [sflag:$0x1] =	stream.indirect.gather [hbm4b:s14+s0], $0x80, s15, s0, $0xb8;
	[tilespmem:$0x1C800] =	vst v63  }
0x8f: {  	s15 =	smov.u32 s13  }
0x90: {  	p0 =	sne.s32 s13, $0x4800;
	s13 =	sadd.s32 $0x300, s13;
	_ =	swait.ge [sflag:s8], $0x2000  }
0x91: {  	s15 =	sshra.s32 s15, $0x2;
	[sflag:s8] =	ssyncset.done $0x0  }
0x92: {  	s16 =	sadd.s32 $0x1480, s15;
	[sflag:s8] =	ssyncadd.s32 $0xFFFFE000  }
0x93: {  	[spmem:s1] =	stream.indirect.scatter.add.f32 [tilespmem:s5], [sflag:$0x6], $0x80, s16, s0, $0xb8;
	[tilespmem:$0x1C800] =	vst v63  }
0x94: {  	_ =	swait.ge [sflag:s9], $0x2000  }
0x95: {  	[sflag:s9] =	ssyncset.done $0x0  }
0x96: {  	s16 =	sadd.s32 $0x100, s15;
	[sflag:s9] =	ssyncadd.s32 $0xFFFFE000  }
0x97: {  	[tilespmem:s3], [sflag:$0x2] =	stream.indirect.gather [hbm4b:s14+s0], $0x80, s16, s0, $0xb8;
	[tilespmem:$0x1C800] =	vst v63  }
0x98: {  	_ =	swait.ge [sflag:s4], $0x2000  }
0x99: {  	[sflag:s4] =	ssyncset.done $0x0  }
0x9a: {  	s16 =	sadd.s32 $0x14C0, s15;
	[sflag:s4] =	ssyncadd.s32 $0xFFFFE000  }
0x9b: {  	[spmem:s1] =	stream.indirect.scatter.add.f32 [tilespmem:s30], [sflag:$0x4], $0x80, s16, s0, $0xb8;
	[tilespmem:$0x1C800] =	vst v63  }
0x9c: {  	_ =	swait.ge [sflag:s11], $0x2000  }
0x9d: {  	[sflag:s11] =	ssyncset.done $0x0  }
0x9e: {  	s16 =	sadd.s32 $0x140, s15;
	[sflag:s11] =	ssyncadd.s32 $0xFFFFE000  }
0x9f: {  	[tilespmem:s5], [sflag:$0x3] =	stream.indirect.gather [hbm4b:s14+s0], $0x80, s16, s0, $0xb8;
	[tilespmem:$0x1C800] =	vst v63  }
0xa0: {  	_ =	swait.ge [sflag:s6], $0x2000  }
0xa1: {  	[sflag:s6] =	ssyncset.done $0x0  }
.Ltmp1:
0xa2: {  	s16 =	sadd.s32 $0x1500, s15;
	[sflag:s6] =	ssyncadd.s32 $0xFFFFE000;
	(pc) =	sbr.rel @p0 .LBB2_4-.Ltmp1, $4  }
0xa3: {  	[spmem:s1] =	stream.indirect.scatter.add.f32 [tilespmem:s3], [sflag:$0x5], $0x80, s16, s0, $0xb8;
	[tilespmem:$0x1C800] =	vst v63  }
0xa4: {  	_ =	swait.ge [sflag:s7], $0x2000  }
0xa5: {  	[sflag:s7] =	ssyncset.done $0x0  }
0xa6: {  	s15 =	sadd.s32 $0x180, s15;
	[sflag:s7] =	ssyncadd.s32 $0xFFFFE000  }
0xa7: {  	[tilespmem:s30], [sflag:$0x1] =	stream.indirect.gather [hbm4b:s14+s0], $0x80, s15, s0, $0xb8;
	[tilespmem:$0x1C800] =	vst v63  }
0xa8: {  	_ =	swait.ge [sflag:s8], $0x2000  }
0xa9: {  	[sflag:s8] =	ssyncset.done $0x0  }
0xaa: {  	s13 =	simm.s32 $0x2740;
	[sflag:s8] =	ssyncadd.s32 $0xFFFFE000  }
0xab: {  	[spmem:s1] =	stream.indirect.scatter.add.f32 [tilespmem:s5], [sflag:$0x6], $0x80, s13, s0, $0xb8;
	[tilespmem:$0x1C800] =	vst v63  }
0xac: {  	_ =	swait.ge [sflag:s9], $0x2000  }
0xad: {  	[sflag:s9] =	ssyncset.done $0x0  }
0xae: {  	s16 =	simm.s32 $0x13C0;
	[sflag:s9] =	ssyncadd.s32 $0xFFFFE000  }
0xaf: {  	[tilespmem:s3], [sflag:$0x2] =	stream.indirect.gather [hbm4b:s14+s0], $0x80, s16, s0, $0xb8;
	[tilespmem:$0x1C800] =	vst v63  }
0xb0: {  	_ =	swait.ge [sflag:s4], $0x2000  }
0xb1: {  	[sflag:s4] =	ssyncset.done $0x0  }
0xb2: {  	s15 =	simm.s32 $0x2780;
	[sflag:s4] =	ssyncadd.s32 $0xFFFFE000  }
0xb3: {  	[spmem:s1] =	stream.indirect.scatter.add.f32 [tilespmem:s30], [sflag:$0x4], $0x80, s15, s0, $0xb8;
	[tilespmem:$0x1C800] =	vst v63  }
0xb4: {  	_ =	swait.ge [sflag:s11], $0x2000  }
0xb5: {  	[sflag:s11] =	ssyncset.done $0x0  }
0xb6: {  	[sflag:s11] =	ssyncadd.s32 $0xFFFFE000  }
0xb7: {  	_ =	swait.ge [sflag:s6], $0x2000  }
0xb8: {  	[sflag:s6] =	ssyncset.done $0x0  }
0xb9: {  	s16 =	simm.s32 $0x27C0;
	[sflag:s6] =	ssyncadd.s32 $0xFFFFE000  }
0xba: {  	[spmem:s1] =	stream.indirect.scatter.add.f32 [tilespmem:s3], [sflag:$0x5], $0x80, s16, s0, $0xb8;
	[tilespmem:$0x1C800] =	vst v63  }
0xbb: {  	_ =	swait.ge [sflag:s7], $0x2000  }
0xbc: {  	[sflag:s7] =	ssyncset.done $0x0  }
0xbd: {  	[sflag:s7] =	ssyncadd.s32 $0xFFFFE000  }
0xbe: {  	_ =	swait.ge [sflag:s9], $0x2000  }
0xbf: {  	[sflag:s9] =	ssyncset.done $0x0  }
0xc0: {  	[sflag:s9] =	ssyncadd.s32 $0xFFFFE000  }
0xc1: {  	[bflag:$0x0] =	sbarrier.arrive $0xFFFF  }
0xc2: {  	[tilespmem:s30], [sflag:$0x8] =	stream.linear.gather [spmem:s17], $0x2000, $0x38;
	[tilespmem:$0x1C800] =	vst v63  }
0xc3: {  	_ =	swait.ge [sflag:s31], $0x2000  }
0xc4: {  	[sflag:s31] =	ssyncset.done $0x0  }
0xc5: {  	s15 =	rddreg [dreg:$0x4];
	[sflag:s31] =	ssyncadd.s32 $0xFFFFE000  }
0xc6: {  	[hbm4b:s15+s2] =	stream.linear.scatter [tilespmem:s30], [sflag:$0x8], $0x2000, $0x38;
	[tilespmem:$0x1C800] =	vst v63  }
0xc7: {  	_ =	swait.ge [sflag:s31], $0x2000  }
0xc8: {  	[sflag:s31] =	ssyncset.done $0x0  }
0xc9: {  	[sflag:s31] =	ssyncadd.s32 $0xFFFFE000  }
0xca: {  	[tilespmem:s30], [sflag:$0x8] =	stream.linear.gather [spmem:s18], $0x2000, $0x38;
	[tilespmem:$0x1C800] =	vst v63  }
0xcb: {  	_ =	swait.ge [sflag:s31], $0x2000  }
0xcc: {  	[sflag:s31] =	ssyncset.done $0x0  }
0xcd: {  	s16 =	rddreg [dreg:$0x5];
	[sflag:s31] =	ssyncadd.s32 $0xFFFFE000  }
0xce: {  	[hbm4b:s16+s2] =	stream.linear.scatter [tilespmem:s30], [sflag:$0x8], $0x2000, $0x38;
	[tilespmem:$0x1C800] =	vst v63  }
0xcf: {  	_ =	swait.ge [sflag:s31], $0x2000  }
0xd0: {  	[sflag:s31] =	ssyncset.done $0x0  }
0xd1: {  	[sflag:s31] =	ssyncadd.s32 $0xFFFFE000  }
0xd2: {  	[tilespmem:s30], [sflag:$0x8] =	stream.linear.gather [spmem:s19], $0x2000, $0x38;
	[tilespmem:$0x1C800] =	vst v63  }
0xd3: {  	_ =	swait.ge [sflag:s31], $0x2000  }
0xd4: {  	[sflag:s31] =	ssyncset.done $0x0  }
0xd5: {  	s15 =	rddreg [dreg:$0x6];
	[sflag:s31] =	ssyncadd.s32 $0xFFFFE000  }
0xd6: {  	[hbm4b:s15+s2] =	stream.linear.scatter [tilespmem:s30], [sflag:$0x8], $0x2000, $0x38;
	[tilespmem:$0x1C800] =	vst v63  }
0xd7: {  	_ =	swait.ge [sflag:s31], $0x2000  }
0xd8: {  	[sflag:s31] =	ssyncset.done $0x0  }
0xd9: {  	[sflag:s31] =	ssyncadd.s32 $0xFFFFE000  }
0xda: {  	[tilespmem:s30], [sflag:$0x8] =	stream.linear.gather [spmem:s20], $0x2000, $0x38;
	[tilespmem:$0x1C800] =	vst v63  }
0xdb: {  	_ =	swait.ge [sflag:s31], $0x2000  }
0xdc: {  	[sflag:s31] =	ssyncset.done $0x0  }
0xdd: {  	s16 =	rddreg [dreg:$0x7];
	[sflag:s31] =	ssyncadd.s32 $0xFFFFE000  }
0xde: {  	[hbm4b:s16+s2] =	stream.linear.scatter [tilespmem:s30], [sflag:$0x8], $0x2000, $0x38;
	[tilespmem:$0x1C800] =	vst v63  }
0xdf: {  	_ =	swait.ge [sflag:s31], $0x2000  }
0xe0: {  	[sflag:s31] =	ssyncset.done $0x0  }
0xe1: {  	[sflag:s31] =	ssyncadd.s32 $0xFFFFE000  }
0xe2: {  	[tilespmem:s30], [sflag:$0x8] =	stream.linear.gather [spmem:s21], $0x2000, $0x38;
	[tilespmem:$0x1C800] =	vst v63  }
0xe3: {  	_ =	swait.ge [sflag:s31], $0x2000  }
0xe4: {  	[sflag:s31] =	ssyncset.done $0x0  }
0xe5: {  	s15 =	rddreg [dreg:$0x8];
	[sflag:s31] =	ssyncadd.s32 $0xFFFFE000  }
0xe6: {  	[hbm4b:s15+s2] =	stream.linear.scatter [tilespmem:s30], [sflag:$0x8], $0x2000, $0x38;
	[tilespmem:$0x1C800] =	vst v63  }
0xe7: {  	_ =	swait.ge [sflag:s31], $0x2000  }
0xe8: {  	[sflag:s31] =	ssyncset.done $0x0  }
0xe9: {  	[sflag:s31] =	ssyncadd.s32 $0xFFFFE000  }
0xea: {  	[tilespmem:s30], [sflag:$0x8] =	stream.linear.gather [spmem:s22], $0x2000, $0x38;
	[tilespmem:$0x1C800] =	vst v63  }
0xeb: {  	_ =	swait.ge [sflag:s31], $0x2000  }
0xec: {  	[sflag:s31] =	ssyncset.done $0x0  }
0xed: {  	s16 =	rddreg [dreg:$0x9];
	[sflag:s31] =	ssyncadd.s32 $0xFFFFE000  }
0xee: {  	[hbm4b:s16+s2] =	stream.linear.scatter [tilespmem:s30], [sflag:$0x8], $0x2000, $0x38;
	[tilespmem:$0x1C800] =	vst v63  }
0xef: {  	_ =	swait.ge [sflag:s31], $0x2000  }
0xf0: {  	[sflag:s31] =	ssyncset.done $0x0  }
0xf1: {  	[sflag:s31] =	ssyncadd.s32 $0xFFFFE000  }
0xf2: {  	[tilespmem:s30], [sflag:$0x8] =	stream.linear.gather [spmem:s23], $0x2000, $0x38;
	[tilespmem:$0x1C800] =	vst v63  }
0xf3: {  	_ =	swait.ge [sflag:s31], $0x2000  }
0xf4: {  	[sflag:s31] =	ssyncset.done $0x0  }
0xf5: {  	s15 =	rddreg [dreg:$0xa];
	[sflag:s31] =	ssyncadd.s32 $0xFFFFE000  }
0xf6: {  	[hbm4b:s15+s2] =	stream.linear.scatter [tilespmem:s30], [sflag:$0x8], $0x2000, $0x38;
	[tilespmem:$0x1C800] =	vst v63  }
0xf7: {  	_ =	swait.ge [sflag:s31], $0x2000  }
0xf8: {  	[sflag:s31] =	ssyncset.done $0x0  }
0xf9: {  	[sflag:s31] =	ssyncadd.s32 $0xFFFFE000  }
0xfa: {  	[tilespmem:s30], [sflag:$0x8] =	stream.linear.gather [spmem:s24], $0x2000, $0x38;
	[tilespmem:$0x1C800] =	vst v63  }
0xfb: {  	_ =	swait.ge [sflag:s31], $0x2000  }
0xfc: {  	[sflag:s31] =	ssyncset.done $0x0  }
0xfd: {  	s16 =	rddreg [dreg:$0xb];
	[sflag:s31] =	ssyncadd.s32 $0xFFFFE000  }
0xfe: {  	[hbm4b:s16+s2] =	stream.linear.scatter [tilespmem:s30], [sflag:$0x8], $0x2000, $0x38;
	[tilespmem:$0x1C800] =	vst v63  }
0xff: {  	_ =	swait.ge [sflag:s31], $0x2000  }
0x100: {  	[sflag:s31] =	ssyncset.done $0x0  }
0x101: {  	[sflag:s31] =	ssyncadd.s32 $0xFFFFE000  }
0x102: {  	[tilespmem:s30], [sflag:$0x8] =	stream.linear.gather [spmem:s25], $0x2000, $0x38;
	[tilespmem:$0x1C800] =	vst v63  }
0x103: {  	_ =	swait.ge [sflag:s31], $0x2000  }
0x104: {  	[sflag:s31] =	ssyncset.done $0x0  }
0x105: {  	s15 =	rddreg [dreg:$0xc];
	[sflag:s31] =	ssyncadd.s32 $0xFFFFE000  }
0x106: {  	[hbm4b:s15+s2] =	stream.linear.scatter [tilespmem:s30], [sflag:$0x8], $0x2000, $0x38;
	[tilespmem:$0x1C800] =	vst v63  }
0x107: {  	_ =	swait.ge [sflag:s31], $0x2000  }
0x108: {  	[sflag:s31] =	ssyncset.done $0x0  }
0x109: {  	[sflag:s31] =	ssyncadd.s32 $0xFFFFE000  }
0x10a: {  	[tilespmem:s30], [sflag:$0x8] =	stream.linear.gather [spmem:s26], $0x2000, $0x38;
	[tilespmem:$0x1C800] =	vst v63  }
0x10b: {  	s12 =	sadd.s32 $0x1, s12;
	_ =	swait.ge [sflag:s31], $0x2000  }
0x10c: {  	p0 =	sne.s32 s12, s28;
	[sflag:s31] =	ssyncset.done $0x0  }
.Ltmp2:
0x10d: {  	s16 =	rddreg [dreg:$0xd];
	[sflag:s31] =	ssyncadd.s32 $0xFFFFE000;
	(pc) =	sbr.rel @p0 .LBB2_1-.Ltmp2, $4  }
0x10e: {  	[hbm4b:s16+s2] =	stream.linear.scatter [tilespmem:s30], [sflag:$0x8], $0x2000, $0x38;
	[tilespmem:$0x1C800] =	vst v63  }
0x10f: {  	_ =	swait.ge [sflag:s31], $0x2000  }
0x110: {  	[sflag:s31] =	ssyncset.done $0x0  }
0x111: {  	[sflag:s31] =	ssyncadd.s32 $0xFFFFE000  }
0x112: {  	_ =	sfence.sel $0x180000  }
0x113: {  	[bflag:$0x0] =	sbarrier.arrive $0xFFFF  }
0x114: {  	_ =	strace $0x9000004D  }
0x115: {  	s0 =	stileid.u32;
	[bflag:$0x2] =	sbarrier.arrive $0xFFFF  }
0x116: {  	p0 =	sne.s32 s0, $0x0;
	s0 =	rddreg [dreg:$0x3]  }
0x117: {  	s0 =	sadd.s32 @!p0 $0x100000, s0  }
0x118: {  	[sflag:s0] =	ssyncadd.tile.s32 @!p0 $0x1;
	_ =	shalt  }
.Lfunc_end2:
_tile_overlayer_lowered:
.L_overlay_start_2:
0x119: {  	(tag) =	ssettag $0x2  }
0x11a: {  	s0 =	rddreg [dreg:$0x0];
	s2 =	stileid.u32  }
0x11b: {  	s1 =	rddreg [dreg:$0x1];
	p0 =	sne.s32 s2, $0x0  }
0x11c: {  	s3 =	rddreg [dreg:$0x2];
	[bflag:$0x3] =	sbarrier.arrive $0xFFFF;
	s2 =	simm.s32 @!p0 $0x1C08  }
0x11d: {  	[timem:s3], [sflag:s2] =	dma.local @!p0 [hbm:s0], s1  }
0x11e: {  	s0 =	simm.s32 @!p0 $0x8  }
0x11f: {  	_ =	swait.ge @!p0 [sflag:s0], s1  }
0x120: {  	s1 =	ssub.s32 @!p0 $0x0, s1;
	[sflag:s0] =	ssyncset.done @!p0 $0x0  }
0x121: {  	[sflag:s0] =	ssyncadd.s32 @!p0 s1  }
0x122: {  	[bflag:$0x3] =	sbarrier.arrive $0xFFFF  }
0x123: {  	_ =	shalt  }

</sc_bundles>
